<compile_context>
chip_gen: v7x
topology: tpu7x:2x2x1
jax: 0.10.2.dev20260603
libtpu: 0.0.44.dev20260713+nightly
codegen_flags: <defaults>
</compile_context>

<pallas_src>
import jax
import jax.numpy as jnp
from jax import lax
from jax.experimental import pallas as pl
from jax.experimental.pallas import tpu as pltpu
from jax.experimental.pallas import tpu_sc as plsc

N = 10000
E = 320000
D = 128
O = 128
WW = 16

NC = 2
NS = 16
NW = NC * NS
CH = 80
NCHUNK = E // CH
CPT = NCHUNK // NW
G = 5
NP = 10240
ROWS_PER_TILE = NP // NS


def _proj_body(x_ref, qwt_ref, qb_ref, o_ref):
    z = jnp.dot(x_ref[...], qwt_ref[...], preferred_element_type=jnp.float32)
    o_ref[...] = jnp.maximum(z + qb_ref[...], 0.0)


def _project(h_src, qwt, qb):
    blk = 2000
    return pl.pallas_call(
        _proj_body,
        grid=(N // blk,),
        in_specs=[
            pl.BlockSpec((blk, D), lambda i: (i, 0)),
            pl.BlockSpec((D, O), lambda i: (0, 0)),
            pl.BlockSpec((1, O), lambda i: (0, 0)),
        ],
        out_specs=pl.BlockSpec((blk, O), lambda i: (i, 0)),
        out_shape=jax.ShapeDtypeStruct((N, O), jnp.float32),
    )(h_src, qwt, qb)


def _sc_body(nsrc_hbm, eidx_hbm, w_hbm, out_hbm, outw_hbm,
             sbuf, dbuf, wbuf, rows, wring, acc_sh, accw_sh,
             sem_i, sem_g, sem_s):
    core = lax.axis_index("c")
    sid = lax.axis_index("s")
    wid = core * NS + sid
    base_c = wid * CPT

    def _idx_group_copies(grp, slot):
        row0 = base_c + G * grp
        return (
            pltpu.make_async_copy(eidx_hbm.at[0, pl.ds(row0, G)],
                                  sbuf.at[pl.ds(slot * G, G)], sem_i),
            pltpu.make_async_copy(eidx_hbm.at[1, pl.ds(row0, G)],
                                  dbuf.at[pl.ds(slot * G, G)], sem_i),
            pltpu.make_async_copy(w_hbm.at[pl.ds(row0, G)],
                                  wbuf.at[pl.ds(slot * G, G)], sem_i),
        )

    def _gather(k):
        irow = k % G + G * ((k // G) % 2)
        rslot = k % 3
        return pltpu.make_async_copy(nsrc_hbm.at[sbuf.at[irow]],
                                     rows.at[pl.ds(rslot * CH, CH)], sem_g)

    def _scatter(k):
        irow = k % G + G * ((k // G) % 2)
        rslot = k % 3
        return pltpu.make_async_copy(rows.at[pl.ds(rslot * CH, CH)],
                                     acc_sh.at[dbuf.at[irow]], sem_s)

    def _scatter_w(k):
        irow = k % G + G * ((k // G) % 2)
        rslot = k % 3
        return pltpu.make_async_copy(wring.at[pl.ds(rslot * CH, CH)],
                                     accw_sh.at[dbuf.at[irow]], sem_s)

    for c in _idx_group_copies(0, 0):
        c.start()

    @pl.loop(0, CH)
    def _zero(r):
        for j in range(D // 16):
            rows[2 * CH + r, pl.ds(16 * j, 16)] = jnp.zeros((16,), jnp.float32)
        wring[2 * CH + r, pl.ds(0, WW)] = jnp.zeros((WW,), jnp.float32)

    for c in _idx_group_copies(0, 0):
        c.wait()
    _gather(0).start()

    for b in range(ROWS_PER_TILE // CH):
        start = sid * ROWS_PER_TILE + b * CH
        pltpu.sync_copy(rows.at[pl.ds(2 * CH, CH)], acc_sh.at[pl.ds(start, CH)])
        pltpu.sync_copy(wring.at[pl.ds(2 * CH, CH)],
                        accw_sh.at[pl.ds(start, CH)])
    plsc.subcore_barrier()

    lane0 = lax.iota(jnp.int32, 16) == 0

    @pl.loop(0, CPT)
    def _chunk(k):
        j = k % G
        grp = k // G

        @pl.when(jnp.logical_and(j == 2, k + 3 < CPT))
        def _():
            for c in _idx_group_copies(grp + 1, (grp + 1) % 2):
                c.start()

        @pl.when(jnp.logical_and(j == G - 1, k + 1 < CPT))
        def _():
            for c in _idx_group_copies(grp + 1, (grp + 1) % 2):
                c.wait()

        @pl.when(k >= 2)
        def _():
            _scatter(k - 2).wait()
            _scatter_w(k - 2).wait()

        @pl.when(k + 1 < CPT)
        def _():
            _gather(k + 1).start()

        _gather(k).wait()

        rbase = (k % 3) * CH
        wrow = k % G + G * ((k // G) % 2)

        @pl.loop(0, CH // 16)
        def _scale(g):
            wv = wbuf[wrow, pl.ds(16 * g, 16)]
            for i in range(16):
                w = wv[i]
                r = rbase + 16 * g + i
                for u in range(D // 16):
                    sl = pl.ds(16 * u, 16)
                    rows[r, sl] = rows[r, sl] * w
                wring[r, pl.ds(0, WW)] = jnp.where(lane0, w, 0.0)

        _scatter(k).start(add=True)
        _scatter_w(k).start(add=True)

    for k in (CPT - 2, CPT - 1):
        _scatter(k).wait()
        _scatter_w(k).wait()
    plsc.subcore_barrier()

    start = sid * ROWS_PER_TILE
    pltpu.sync_copy(acc_sh.at[pl.ds(start, ROWS_PER_TILE)],
                    out_hbm.at[core, pl.ds(start, ROWS_PER_TILE)])
    pltpu.sync_copy(accw_sh.at[pl.ds(start, ROWS_PER_TILE)],
                    outw_hbm.at[core, pl.ds(start, ROWS_PER_TILE)])


def _sc_scatter(nsrc, eidx3, w2):
    mesh = plsc.VectorSubcoreMesh(core_axis_name="c", subcore_axis_name="s")
    kern = pl.kernel(
        _sc_body,
        out_type=(jax.ShapeDtypeStruct((NC, NP, D), jnp.float32),
                  jax.ShapeDtypeStruct((NC, NP, WW), jnp.float32)),
        mesh=mesh,
        scratch_types=[
            pltpu.VMEM((2 * G, CH), jnp.int32),
            pltpu.VMEM((2 * G, CH), jnp.int32),
            pltpu.VMEM((2 * G, CH), jnp.float32),
            pltpu.VMEM((3 * CH, D), jnp.float32),
            pltpu.VMEM((3 * CH, WW), jnp.float32),
            pltpu.VMEM_SHARED((NP, D), jnp.float32),
            pltpu.VMEM_SHARED((NP, WW), jnp.float32),
            pltpu.SemaphoreType.DMA,
            pltpu.SemaphoreType.DMA,
            pltpu.SemaphoreType.DMA,
        ],
        compiler_params=pltpu.CompilerParams(use_tc_tiling_on_sc=False),
    )
    return kern(nsrc, eidx3, w2)


def _out_body(acc_ref, accw_ref, hdst_ref, wwt_ref, wb_ref, o_ref):
    a = acc_ref[0] + acc_ref[1]
    aw = accw_ref[0] + accw_ref[1]
    ws = jnp.maximum(aw[:, 0:1], 1.0)
    agg = a / ws
    cat = jnp.concatenate([agg, hdst_ref[...]], axis=1)
    z = jnp.dot(cat, wwt_ref[...], preferred_element_type=jnp.float32)
    z = jnp.maximum(z + wb_ref[...], 0.0)
    nrm = jnp.sqrt(jnp.sum(z * z, axis=1, keepdims=True))
    nrm = jnp.where(nrm == 0.0, 1.0, nrm)
    o_ref[...] = z / nrm


def _finish(acc, accw, h_dst, wwt, wb):
    blk = 1000
    return pl.pallas_call(
        _out_body,
        grid=(N // blk,),
        in_specs=[
            pl.BlockSpec((NC, blk, D), lambda i: (0, i, 0)),
            pl.BlockSpec((NC, blk, WW), lambda i: (0, i, 0)),
            pl.BlockSpec((blk, D), lambda i: (i, 0)),
            pl.BlockSpec((D + O, O), lambda i: (0, 0)),
            pl.BlockSpec((1, O), lambda i: (0, 0)),
        ],
        out_specs=pl.BlockSpec((blk, O), lambda i: (i, 0)),
        out_shape=jax.ShapeDtypeStruct((N, O), jnp.float32),
    )(acc, accw, h_dst, wwt, wb)


@jax.jit
def kernel(h_src, h_dst, edge_index, edge_weight, Qw, Qb, Ww, Wb):
    eidx3 = edge_index.reshape(2, NCHUNK, CH)
    w2 = edge_weight.reshape(NCHUNK, CH)
    nsrc = _project(h_src, Qw.T, Qb.reshape(1, O))
    acc, accw = _sc_scatter(nsrc, eidx3, w2)
    return _finish(acc, accw, h_dst, Ww.T, Wb.reshape(1, O))

# --- scband reference (transcript-rebuilt; emitter-appended) ---
"""Pipeline reference for scband-weighted-sageconv-59846074302804 (READ-ONLY COPY).

The authoritative reference and input builder live on the scoring server;
editing this copy changes nothing except your own understanding.
"""

import jax, jax.numpy as jnp
import numpy as np

N = 10000
E = 320000
D = 128
O = 128

def setup_inputs(seed: int = 0) -> dict:
    key = jax.random.key(seed)
    k1, k2, k3, k4, k5, k6 = jax.random.split(key, 6)
    h_src = jax.random.normal(k1, (N, D), dtype=jnp.float32)
    h_dst = jax.random.normal(k2, (N, D), dtype=jnp.float32)
    edge_index = jax.random.randint(k3, (2, E), 0, N, dtype=jnp.int32)
    edge_weight = jax.random.uniform(k4, (E,), dtype=jnp.float32)
    Qw = jax.random.normal(k5, (O, D), dtype=jnp.float32) * 0.05
    Qb = jnp.zeros((O,), dtype=jnp.float32)
    Ww = jax.random.normal(k6, (O, D + O), dtype=jnp.float32) * 0.05
    Wb = jnp.zeros((O,), dtype=jnp.float32)
    return {"h_src": h_src, "h_dst": h_dst, "edge_index": edge_index,
            "edge_weight": edge_weight, "Qw": Qw, "Qb": Qb, "Ww": Ww, "Wb": Wb}

def reference(h_src, h_dst, edge_index, edge_weight, Qw, Qb, Ww, Wb):
    # Weighted branch of WeightedSAGEConv.forward (dropout disabled / eval mode)
    src = edge_index[0]
    dst = edge_index[1]
    n_src = jax.nn.relu(h_src @ Qw.T + Qb)            # Q projection + act
    m = jnp.take(n_src, src, axis=0) * edge_weight[:, None]  # u_mul_e gather
    agg = jax.ops.segment_sum(m, dst, num_segments=N)  # sum('m','n') scatter-add
    ws = jax.ops.segment_sum(edge_weight, dst, num_segments=N)  # copy_e + sum
    ws = jnp.maximum(ws, 1.0)[:, None]                 # clamp(min=1)
    z = jax.nn.relu(jnp.concatenate([agg / ws, h_dst], axis=1) @ Ww.T + Wb)
    z_norm = jnp.linalg.norm(z, ord=2, axis=1, keepdims=True)
    z_norm = jnp.where(z_norm == 0, jnp.float32(1.0), z_norm)
    return z / z_norm

if __name__ == "__main__":
    import jax
    _d = setup_inputs()
    print(jax.jit(kernel)(*tuple(_d.values())))

</pallas_src>

<mosaic_0001>
#map = affine_map<(d0, d1) -> (0, 0)>
#map1 = affine_map<(d0, d1) -> (0, 0, 0)>
module attributes {stable_mosaic.version = 14 : i64} {
  func.func @_sc_body(%arg0: i32, %arg1: i32, %arg2: memref<10000x128xf32, #tpu.memory_space<hbm>>, %arg3: memref<2x4000x80xi32, #tpu.memory_space<hbm>>, %arg4: memref<4000x80xf32, #tpu.memory_space<hbm>>, %arg5: memref<2x10240x128xf32, #tpu.memory_space<hbm>>, %arg6: memref<2x10240x16xf32, #tpu.memory_space<hbm>>, %arg7: memref<10x80xi32, #tpu.memory_space<vmem>>, %arg8: memref<10x80xi32, #tpu.memory_space<vmem>>, %arg9: memref<10x80xf32, #tpu.memory_space<vmem>>, %arg10: memref<240x128xf32, #tpu.memory_space<vmem>>, %arg11: memref<240x16xf32, #tpu.memory_space<vmem>>, %arg12: memref<10240x128xf32, #tpu.memory_space<vmem_shared>>, %arg13: memref<10240x16xf32, #tpu.memory_space<vmem_shared>>, %arg14: memref<!tpu.dma_semaphore, #tpu.memory_space<semaphore_mem>>, %arg15: memref<!tpu.dma_semaphore, #tpu.memory_space<semaphore_mem>>, %arg16: memref<!tpu.dma_semaphore, #tpu.memory_space<semaphore_mem>>) attributes {dimension_semantics = [#tpu.dimension_semantics<core_parallel>, #tpu.dimension_semantics<subcore_parallel>], iteration_bounds = array<i64: 2, 16>, scalar_prefetch = 0 : i64, scratch_operands = 10 : i64, tpu.core_type = #tpu.core_type<sc_vector_subcore>, window_params = [{transform_indices = #map}, {transform_indices = #map1}, {transform_indices = #map}, {transform_indices = #map1}, {transform_indices = #map1}]} {
    %mul3A = arith.constant 16 : i32
    %mul3A_0 = arith.muli %arg0, %mul3A : i32
    %add3A = arith.addi %mul3A_0, %arg1 : i32
    %mul3A_1 = arith.constant 125 : i32
    %mul3A_2 = arith.muli %add3A, %mul3A_1 : i32
    %add3A_3 = arith.constant 0 : i32
    %add3A_4 = arith.addi %mul3A_2, %add3A_3 : i32
    %dma_start3A = arith.constant 0 : i32
    %dma_start3A_5 = arith.constant 0 : i32
    %dma_start3A_6 = arith.constant 0 : i32
    %dma_start3A_7 = tpu.memref_slice %arg7[%dma_start3A_5, %dma_start3A_6] : memref<10x80xi32, #tpu.memory_space<vmem>> -> memref<5x80xi32, #tpu.memory_space<vmem>>
    %dma_start3A_8 = arith.constant 0 : i32
    %dma_start3A_9 = tpu.memref_slice %arg3[%dma_start3A, %add3A_4, %dma_start3A_8] : memref<2x4000x80xi32, #tpu.memory_space<hbm>> -> memref<1x5x80xi32, #tpu.memory_space<hbm>>
    %dma_start3A_10 = tpu.memref_squeeze %dma_start3A_9 : memref<1x5x80xi32, #tpu.memory_space<hbm>> -> memref<5x80xi32, #tpu.memory_space<hbm>>
    %dma_start3A_11 = arith.constant 0 : i32
    %dma_start3A_12 = arith.constant 0 : i32
    %dma_start3A_13 = tpu.memref_slice %arg7[%dma_start3A_11, %dma_start3A_12] : memref<10x80xi32, #tpu.memory_space<vmem>> -> memref<5x80xi32, #tpu.memory_space<vmem>>
    %dma_start3A_14 = arith.constant 0 : i32
    %dma_start3A_15 = tpu.memref_slice %arg3[%dma_start3A, %add3A_4, %dma_start3A_14] : memref<2x4000x80xi32, #tpu.memory_space<hbm>> -> memref<1x5x80xi32, #tpu.memory_space<hbm>>
    %dma_start3A_16 = tpu.memref_squeeze %dma_start3A_15 : memref<1x5x80xi32, #tpu.memory_space<hbm>> -> memref<5x80xi32, #tpu.memory_space<hbm>>
    tpu.enqueue_dma source(%dma_start3A_16 : memref<5x80xi32, #tpu.memory_space<hbm>>) target(%dma_start3A_13 : memref<5x80xi32, #tpu.memory_space<vmem>>) target_semaphore(%arg14 : memref<!tpu.dma_semaphore, #tpu.memory_space<semaphore_mem>>)
    %dma_start3A_17 = arith.constant 1 : i32
    %dma_start3A_18 = arith.constant 0 : i32
    %dma_start3A_19 = arith.constant 0 : i32
    %dma_start3A_20 = tpu.memref_slice %arg8[%dma_start3A_18, %dma_start3A_19] : memref<10x80xi32, #tpu.memory_space<vmem>> -> memref<5x80xi32, #tpu.memory_space<vmem>>
    %dma_start3A_21 = arith.constant 0 : i32
    %dma_start3A_22 = tpu.memref_slice %arg3[%dma_start3A_17, %add3A_4, %dma_start3A_21] : memref<2x4000x80xi32, #tpu.memory_space<hbm>> -> memref<1x5x80xi32, #tpu.memory_space<hbm>>
    %dma_start3A_23 = tpu.memref_squeeze %dma_start3A_22 : memref<1x5x80xi32, #tpu.memory_space<hbm>> -> memref<5x80xi32, #tpu.memory_space<hbm>>
    %dma_start3A_24 = arith.constant 0 : i32
    %dma_start3A_25 = arith.constant 0 : i32
    %dma_start3A_26 = tpu.memref_slice %arg8[%dma_start3A_24, %dma_start3A_25] : memref<10x80xi32, #tpu.memory_space<vmem>> -> memref<5x80xi32, #tpu.memory_space<vmem>>
    %dma_start3A_27 = arith.constant 0 : i32
    %dma_start3A_28 = tpu.memref_slice %arg3[%dma_start3A_17, %add3A_4, %dma_start3A_27] : memref<2x4000x80xi32, #tpu.memory_space<hbm>> -> memref<1x5x80xi32, #tpu.memory_space<hbm>>
    %dma_start3A_29 = tpu.memref_squeeze %dma_start3A_28 : memref<1x5x80xi32, #tpu.memory_space<hbm>> -> memref<5x80xi32, #tpu.memory_space<hbm>>
    tpu.enqueue_dma source(%dma_start3A_29 : memref<5x80xi32, #tpu.memory_space<hbm>>) target(%dma_start3A_26 : memref<5x80xi32, #tpu.memory_space<vmem>>) target_semaphore(%arg14 : memref<!tpu.dma_semaphore, #tpu.memory_space<semaphore_mem>>)
    %dma_start3A_30 = arith.constant 0 : i32
    %dma_start3A_31 = arith.constant 0 : i32
    %dma_start3A_32 = tpu.memref_slice %arg9[%dma_start3A_30, %dma_start3A_31] : memref<10x80xf32, #tpu.memory_space<vmem>> -> memref<5x80xf32, #tpu.memory_space<vmem>>
    %dma_start3A_33 = arith.constant 0 : i32
    %dma_start3A_34 = tpu.memref_slice %arg4[%add3A_4, %dma_start3A_33] : memref<4000x80xf32, #tpu.memory_space<hbm>> -> memref<5x80xf32, #tpu.memory_space<hbm>>
    %dma_start3A_35 = arith.constant 0 : i32
    %dma_start3A_36 = arith.constant 0 : i32
    %dma_start3A_37 = tpu.memref_slice %arg9[%dma_start3A_35, %dma_start3A_36] : memref<10x80xf32, #tpu.memory_space<vmem>> -> memref<5x80xf32, #tpu.memory_space<vmem>>
    %dma_start3A_38 = arith.constant 0 : i32
    %dma_start3A_39 = tpu.memref_slice %arg4[%add3A_4, %dma_start3A_38] : memref<4000x80xf32, #tpu.memory_space<hbm>> -> memref<5x80xf32, #tpu.memory_space<hbm>>
    tpu.enqueue_dma source(%dma_start3A_39 : memref<5x80xf32, #tpu.memory_space<hbm>>) target(%dma_start3A_37 : memref<5x80xf32, #tpu.memory_space<vmem>>) target_semaphore(%arg14 : memref<!tpu.dma_semaphore, #tpu.memory_space<semaphore_mem>>)
    %scan3A = arith.constant 0 : i32
    %scan3A_40 = arith.constant 80 : i32
    %scan3A_41 = arith.addi %scan3A, %scan3A_40 : i32
    %scan3A_42 = arith.constant 1 : i32
    scf.for %scan3A_173 = %scan3A to %scan3A_41 step %scan3A_42  : i32 {
      %mul3A_174 = arith.constant 1 : i32
      %mul3A_175 = arith.muli %scan3A_173, %mul3A_174 : i32
      %add3A_176 = arith.constant 0 : i32
      %add3A_177 = arith.addi %add3A_176, %mul3A_175 : i32
      %broadcast_in_dim3A = arith.constant 0.000000e+00 : f32
      %broadcast_in_dim3A_178 = vector.broadcast %broadcast_in_dim3A : f32 to vector<16xf32>
      %add3A_179 = arith.constant 160 : i32
      %add3A_180 = arith.addi %add3A_179, %add3A_177 : i32
      %swap3A = arith.index_cast %add3A_180 : i32 to index
      %swap3A_181 = arith.constant 0 : index
      %swap3A_182 = tpu.vector_load %arg10[%swap3A, %swap3A_181] {strides = array<i32>} : memref<240x128xf32, #tpu.memory_space<vmem>>, vector<1x16xf32>,
      %swap3A_183 = vector.shape_cast %swap3A_182 : vector<1x16xf32> to vector<16xf32>
      %swap3A_184 = vector.shape_cast %broadcast_in_dim3A_178 : vector<16xf32> to vector<1x16xf32>
      tpu.vector_store %arg10[%swap3A, %swap3A_181], %swap3A_184 {strides = array<i32>} : memref<240x128xf32, #tpu.memory_space<vmem>>, vector<1x16xf32>,
      %broadcast_in_dim3A_185 = arith.constant 0.000000e+00 : f32
      %broadcast_in_dim3A_186 = vector.broadcast %broadcast_in_dim3A_185 : f32 to vector<16xf32>
      %add3A_187 = arith.constant 160 : i32
      %add3A_188 = arith.addi %add3A_187, %add3A_177 : i32
      %swap3A_189 = arith.index_cast %add3A_188 : i32 to index
      %swap3A_190 = arith.constant 16 : index
      %swap3A_191 = tpu.vector_load %arg10[%swap3A_189, %swap3A_190] {strides = array<i32>} : memref<240x128xf32, #tpu.memory_space<vmem>>, vector<1x16xf32>,
      %swap3A_192 = vector.shape_cast %swap3A_191 : vector<1x16xf32> to vector<16xf32>
      %swap3A_193 = vector.shape_cast %broadcast_in_dim3A_186 : vector<16xf32> to vector<1x16xf32>
      tpu.vector_store %arg10[%swap3A_189, %swap3A_190], %swap3A_193 {strides = array<i32>} : memref<240x128xf32, #tpu.memory_space<vmem>>, vector<1x16xf32>,
      %broadcast_in_dim3A_194 = arith.constant 0.000000e+00 : f32
      %broadcast_in_dim3A_195 = vector.broadcast %broadcast_in_dim3A_194 : f32 to vector<16xf32>
      %add3A_196 = arith.constant 160 : i32
      %add3A_197 = arith.addi %add3A_196, %add3A_177 : i32
      %swap3A_198 = arith.index_cast %add3A_197 : i32 to index
      %swap3A_199 = arith.constant 32 : index
      %swap3A_200 = tpu.vector_load %arg10[%swap3A_198, %swap3A_199] {strides = array<i32>} : memref<240x128xf32, #tpu.memory_space<vmem>>, vector<1x16xf32>,
      %swap3A_201 = vector.shape_cast %swap3A_200 : vector<1x16xf32> to vector<16xf32>
      %swap3A_202 = vector.shape_cast %broadcast_in_dim3A_195 : vector<16xf32> to vector<1x16xf32>
      tpu.vector_store %arg10[%swap3A_198, %swap3A_199], %swap3A_202 {strides = array<i32>} : memref<240x128xf32, #tpu.memory_space<vmem>>, vector<1x16xf32>,
      %broadcast_in_dim3A_203 = arith.constant 0.000000e+00 : f32
      %broadcast_in_dim3A_204 = vector.broadcast %broadcast_in_dim3A_203 : f32 to vector<16xf32>
      %add3A_205 = arith.constant 160 : i32
      %add3A_206 = arith.addi %add3A_205, %add3A_177 : i32
      %swap3A_207 = arith.index_cast %add3A_206 : i32 to index
      %swap3A_208 = arith.constant 48 : index
      %swap3A_209 = tpu.vector_load %arg10[%swap3A_207, %swap3A_208] {strides = array<i32>} : memref<240x128xf32, #tpu.memory_space<vmem>>, vector<1x16xf32>,
      %swap3A_210 = vector.shape_cast %swap3A_209 : vector<1x16xf32> to vector<16xf32>
      %swap3A_211 = vector.shape_cast %broadcast_in_dim3A_204 : vector<16xf32> to vector<1x16xf32>
      tpu.vector_store %arg10[%swap3A_207, %swap3A_208], %swap3A_211 {strides = array<i32>} : memref<240x128xf32, #tpu.memory_space<vmem>>, vector<1x16xf32>,
      %broadcast_in_dim3A_212 = arith.constant 0.000000e+00 : f32
      %broadcast_in_dim3A_213 = vector.broadcast %broadcast_in_dim3A_212 : f32 to vector<16xf32>
      %add3A_214 = arith.constant 160 : i32
      %add3A_215 = arith.addi %add3A_214, %add3A_177 : i32
      %swap3A_216 = arith.index_cast %add3A_215 : i32 to index
      %swap3A_217 = arith.constant 64 : index
      %swap3A_218 = tpu.vector_load %arg10[%swap3A_216, %swap3A_217] {strides = array<i32>} : memref<240x128xf32, #tpu.memory_space<vmem>>, vector<1x16xf32>,
      %swap3A_219 = vector.shape_cast %swap3A_218 : vector<1x16xf32> to vector<16xf32>
      %swap3A_220 = vector.shape_cast %broadcast_in_dim3A_213 : vector<16xf32> to vector<1x16xf32>
      tpu.vector_store %arg10[%swap3A_216, %swap3A_217], %swap3A_220 {strides = array<i32>} : memref<240x128xf32, #tpu.memory_space<vmem>>, vector<1x16xf32>,
      %broadcast_in_dim3A_221 = arith.constant 0.000000e+00 : f32
      %broadcast_in_dim3A_222 = vector.broadcast %broadcast_in_dim3A_221 : f32 to vector<16xf32>
      %add3A_223 = arith.constant 160 : i32
      %add3A_224 = arith.addi %add3A_223, %add3A_177 : i32
      %swap3A_225 = arith.index_cast %add3A_224 : i32 to index
      %swap3A_226 = arith.constant 80 : index
      %swap3A_227 = tpu.vector_load %arg10[%swap3A_225, %swap3A_226] {strides = array<i32>} : memref<240x128xf32, #tpu.memory_space<vmem>>, vector<1x16xf32>,
      %swap3A_228 = vector.shape_cast %swap3A_227 : vector<1x16xf32> to vector<16xf32>
      %swap3A_229 = vector.shape_cast %broadcast_in_dim3A_222 : vector<16xf32> to vector<1x16xf32>
      tpu.vector_store %arg10[%swap3A_225, %swap3A_226], %swap3A_229 {strides = array<i32>} : memref<240x128xf32, #tpu.memory_space<vmem>>, vector<1x16xf32>,
      %broadcast_in_dim3A_230 = arith.constant 0.000000e+00 : f32
      %broadcast_in_dim3A_231 = vector.broadcast %broadcast_in_dim3A_230 : f32 to vector<16xf32>
      %add3A_232 = arith.constant 160 : i32
      %add3A_233 = arith.addi %add3A_232, %add3A_177 : i32
      %swap3A_234 = arith.index_cast %add3A_233 : i32 to index
      %swap3A_235 = arith.constant 96 : index
      %swap3A_236 = tpu.vector_load %arg10[%swap3A_234, %swap3A_235] {strides = array<i32>} : memref<240x128xf32, #tpu.memory_space<vmem>>, vector<1x16xf32>,
      %swap3A_237 = vector.shape_cast %swap3A_236 : vector<1x16xf32> to vector<16xf32>
      %swap3A_238 = vector.shape_cast %broadcast_in_dim3A_231 : vector<16xf32> to vector<1x16xf32>
      tpu.vector_store %arg10[%swap3A_234, %swap3A_235], %swap3A_238 {strides = array<i32>} : memref<240x128xf32, #tpu.memory_space<vmem>>, vector<1x16xf32>,
      %broadcast_in_dim3A_239 = arith.constant 0.000000e+00 : f32
      %broadcast_in_dim3A_240 = vector.broadcast %broadcast_in_dim3A_239 : f32 to vector<16xf32>
      %add3A_241 = arith.constant 160 : i32
      %add3A_242 = arith.addi %add3A_241, %add3A_177 : i32
      %swap3A_243 = arith.index_cast %add3A_242 : i32 to index
      %swap3A_244 = arith.constant 112 : index
      %swap3A_245 = tpu.vector_load %arg10[%swap3A_243, %swap3A_244] {strides = array<i32>} : memref<240x128xf32, #tpu.memory_space<vmem>>, vector<1x16xf32>,
      %swap3A_246 = vector.shape_cast %swap3A_245 : vector<1x16xf32> to vector<16xf32>
      %swap3A_247 = vector.shape_cast %broadcast_in_dim3A_240 : vector<16xf32> to vector<1x16xf32>
      tpu.vector_store %arg10[%swap3A_243, %swap3A_244], %swap3A_247 {strides = array<i32>} : memref<240x128xf32, #tpu.memory_space<vmem>>, vector<1x16xf32>,
      %broadcast_in_dim3A_248 = arith.constant 0.000000e+00 : f32
      %broadcast_in_dim3A_249 = vector.broadcast %broadcast_in_dim3A_248 : f32 to vector<16xf32>
      %add3A_250 = arith.constant 160 : i32
      %add3A_251 = arith.addi %add3A_250, %add3A_177 : i32
      %swap3A_252 = arith.index_cast %add3A_251 : i32 to index
      %swap3A_253 = arith.constant 0 : index
      %swap3A_254 = tpu.vector_load %arg11[%swap3A_252, %swap3A_253] {strides = array<i32>} : memref<240x16xf32, #tpu.memory_space<vmem>>, vector<1x16xf32>,
      %swap3A_255 = vector.shape_cast %swap3A_254 : vector<1x16xf32> to vector<16xf32>
      %swap3A_256 = vector.shape_cast %broadcast_in_dim3A_249 : vector<16xf32> to vector<1x16xf32>
      tpu.vector_store %arg11[%swap3A_252, %swap3A_253], %swap3A_256 {strides = array<i32>} : memref<240x16xf32, #tpu.memory_space<vmem>>, vector<1x16xf32>,
    }
    %scan3A_43 = arith.constant 80 : i32
    %add3A_44 = arith.constant 0 : i32
    %add3A_45 = arith.addi %mul3A_2, %add3A_44 : i32
    %dma_wait3A = arith.constant 0 : i32
    %dma_wait3A_46 = arith.constant 0 : i32
    %dma_wait3A_47 = arith.constant 0 : i32
    %dma_wait3A_48 = tpu.memref_slice %arg7[%dma_wait3A_46, %dma_wait3A_47] : memref<10x80xi32, #tpu.memory_space<vmem>> -> memref<5x80xi32, #tpu.memory_space<vmem>>
    %dma_wait3A_49 = arith.constant 0 : i32
    %dma_wait3A_50 = tpu.memref_slice %arg3[%dma_wait3A, %add3A_45, %dma_wait3A_49] : memref<2x4000x80xi32, #tpu.memory_space<hbm>> -> memref<1x5x80xi32, #tpu.memory_space<hbm>>
    %dma_wait3A_51 = tpu.memref_squeeze %dma_wait3A_50 : memref<1x5x80xi32, #tpu.memory_space<hbm>> -> memref<5x80xi32, #tpu.memory_space<hbm>>
    %dma_wait3A_52 = arith.constant 0 : i32
    %dma_wait3A_53 = arith.constant 0 : i32
    %dma_wait3A_54 = tpu.memref_slice %arg7[%dma_wait3A_52, %dma_wait3A_53] : memref<10x80xi32, #tpu.memory_space<vmem>> -> memref<5x80xi32, #tpu.memory_space<vmem>>
    %dma_wait3A_55 = arith.constant 0 : i32
    %dma_wait3A_56 = tpu.memref_slice %arg3[%dma_wait3A, %add3A_45, %dma_wait3A_55] : memref<2x4000x80xi32, #tpu.memory_space<hbm>> -> memref<1x5x80xi32, #tpu.memory_space<hbm>>
    %dma_wait3A_57 = tpu.memref_squeeze %dma_wait3A_56 : memref<1x5x80xi32, #tpu.memory_space<hbm>> -> memref<5x80xi32, #tpu.memory_space<hbm>>
    tpu.wait_dma2 semaphore(%arg14 : memref<!tpu.dma_semaphore, #tpu.memory_space<semaphore_mem>>) src(%dma_wait3A_57 : memref<5x80xi32, #tpu.memory_space<hbm>>) dst(%dma_wait3A_54 : memref<5x80xi32, #tpu.memory_space<vmem>>)
    %dma_wait3A_58 = arith.constant 1 : i32
    %dma_wait3A_59 = arith.constant 0 : i32
    %dma_wait3A_60 = arith.constant 0 : i32
    %dma_wait3A_61 = tpu.memref_slice %arg8[%dma_wait3A_59, %dma_wait3A_60] : memref<10x80xi32, #tpu.memory_space<vmem>> -> memref<5x80xi32, #tpu.memory_space<vmem>>
    %dma_wait3A_62 = arith.constant 0 : i32
    %dma_wait3A_63 = tpu.memref_slice %arg3[%dma_wait3A_58, %add3A_45, %dma_wait3A_62] : memref<2x4000x80xi32, #tpu.memory_space<hbm>> -> memref<1x5x80xi32, #tpu.memory_space<hbm>>
    %dma_wait3A_64 = tpu.memref_squeeze %dma_wait3A_63 : memref<1x5x80xi32, #tpu.memory_space<hbm>> -> memref<5x80xi32, #tpu.memory_space<hbm>>
    %dma_wait3A_65 = arith.constant 0 : i32
    %dma_wait3A_66 = arith.constant 0 : i32
    %dma_wait3A_67 = tpu.memref_slice %arg8[%dma_wait3A_65, %dma_wait3A_66] : memref<10x80xi32, #tpu.memory_space<vmem>> -> memref<5x80xi32, #tpu.memory_space<vmem>>
    %dma_wait3A_68 = arith.constant 0 : i32
    %dma_wait3A_69 = tpu.memref_slice %arg3[%dma_wait3A_58, %add3A_45, %dma_wait3A_68] : memref<2x4000x80xi32, #tpu.memory_space<hbm>> -> memref<1x5x80xi32, #tpu.memory_space<hbm>>
    %dma_wait3A_70 = tpu.memref_squeeze %dma_wait3A_69 : memref<1x5x80xi32, #tpu.memory_space<hbm>> -> memref<5x80xi32, #tpu.memory_space<hbm>>
    tpu.wait_dma2 semaphore(%arg14 : memref<!tpu.dma_semaphore, #tpu.memory_space<semaphore_mem>>) src(%dma_wait3A_70 : memref<5x80xi32, #tpu.memory_space<hbm>>) dst(%dma_wait3A_67 : memref<5x80xi32, #tpu.memory_space<vmem>>)
    %dma_wait3A_71 = arith.constant 0 : i32
    %dma_wait3A_72 = arith.constant 0 : i32
    %dma_wait3A_73 = tpu.memref_slice %arg9[%dma_wait3A_71, %dma_wait3A_72] : memref<10x80xf32, #tpu.memory_space<vmem>> -> memref<5x80xf32, #tpu.memory_space<vmem>>
    %dma_wait3A_74 = arith.constant 0 : i32
    %dma_wait3A_75 = tpu.memref_slice %arg4[%add3A_45, %dma_wait3A_74] : memref<4000x80xf32, #tpu.memory_space<hbm>> -> memref<5x80xf32, #tpu.memory_space<hbm>>
    %dma_wait3A_76 = arith.constant 0 : i32
    %dma_wait3A_77 = arith.constant 0 : i32
    %dma_wait3A_78 = tpu.memref_slice %arg9[%dma_wait3A_76, %dma_wait3A_77] : memref<10x80xf32, #tpu.memory_space<vmem>> -> memref<5x80xf32, #tpu.memory_space<vmem>>
    %dma_wait3A_79 = arith.constant 0 : i32
    %dma_wait3A_80 = tpu.memref_slice %arg4[%add3A_45, %dma_wait3A_79] : memref<4000x80xf32, #tpu.memory_space<hbm>> -> memref<5x80xf32, #tpu.memory_space<hbm>>
    tpu.wait_dma2 semaphore(%arg14 : memref<!tpu.dma_semaphore, #tpu.memory_space<semaphore_mem>>) src(%dma_wait3A_80 : memref<5x80xf32, #tpu.memory_space<hbm>>) dst(%dma_wait3A_78 : memref<5x80xf32, #tpu.memory_space<vmem>>)
    %dma_start3A_81 = arith.constant 0 : i32
    %dma_start3A_82 = arith.constant 0 : i32
    %dma_start3A_83 = arith.constant 0 : i32
    %dma_start3A_84 = tpu.memref_slice %arg10[%dma_start3A_82, %dma_start3A_83] : memref<240x128xf32, #tpu.memory_space<vmem>> -> memref<80x128xf32, #tpu.memory_space<vmem>>
    %dma_start3A_85 = arith.constant 0 : i32
    %dma_start3A_86 = tpu.memref_slice %arg7[%dma_start3A_81, %dma_start3A_85] : memref<10x80xi32, #tpu.memory_space<vmem>> -> memref<1x80xi32, #tpu.memory_space<vmem>>
    %dma_start3A_87 = tpu.memref_squeeze %dma_start3A_86 : memref<1x80xi32, #tpu.memory_space<vmem>> -> memref<80xi32, #tpu.memory_space<vmem>>
    %dma_start3A_88 = arith.constant 0 : i32
    %dma_start3A_89 = arith.constant 0 : i32
    %dma_start3A_90 = tpu.memref_slice %arg2[%dma_start3A_88, %dma_start3A_89] : memref<10000x128xf32, #tpu.memory_space<hbm>> -> memref<10000x128xf32, #tpu.memory_space<hbm>>
    tpu.enqueue_indirect_dma source(%dma_start3A_90 : memref<10000x128xf32, #tpu.memory_space<hbm>>) target(%dma_start3A_84 : memref<80x128xf32, #tpu.memory_space<vmem>>) offsets(%dma_start3A_87 : memref<80xi32, #tpu.memory_space<vmem>>) semaphore(%arg15 : memref<!tpu.dma_semaphore, #tpu.memory_space<semaphore_mem>>)
    %mul3A_91 = arith.constant 640 : i32
    %mul3A_92 = arith.muli %arg1, %mul3A_91 : i32
    %add3A_93 = arith.constant 0 : i32
    %add3A_94 = arith.addi %mul3A_92, %add3A_93 : i32
    "tpu.region"() ({
      %run_scoped3A = tpu.sem_alloc : memref<!tpu.dma_semaphore, #tpu.memory_space<semaphore_mem>>
      %dma_start3A_173 = arith.constant 160 : i32
      %dma_start3A_174 = arith.constant 0 : i32
      %dma_start3A_175 = tpu.memref_slice %arg10[%dma_start3A_173, %dma_start3A_174] : memref<240x128xf32, #tpu.memory_space<vmem>> -> memref<80x128xf32, #tpu.memory_space<vmem>>
      %dma_start3A_176 = arith.constant 0 : i32
      %dma_start3A_177 = tpu.memref_slice %arg12[%add3A_94, %dma_start3A_176] : memref<10240x128xf32, #tpu.memory_space<vmem_shared>> -> memref<80x128xf32, #tpu.memory_space<vmem_shared>>
      %dma_start3A_178 = arith.constant 0 : i32
      %dma_start3A_179 = tpu.memref_slice %arg12[%add3A_94, %dma_start3A_178] : memref<10240x128xf32, #tpu.memory_space<vmem_shared>> -> memref<80x128xf32, #tpu.memory_space<vmem_shared>>
      %dma_start3A_180 = arith.constant 160 : i32
      %dma_start3A_181 = arith.constant 0 : i32
      %dma_start3A_182 = tpu.memref_slice %arg10[%dma_start3A_180, %dma_start3A_181] : memref<240x128xf32, #tpu.memory_space<vmem>> -> memref<80x128xf32, #tpu.memory_space<vmem>>
      tpu.enqueue_dma source(%dma_start3A_182 : memref<80x128xf32, #tpu.memory_space<vmem>>) target(%dma_start3A_179 : memref<80x128xf32, #tpu.memory_space<vmem_shared>>) target_semaphore(%run_scoped3A : memref<!tpu.dma_semaphore, #tpu.memory_space<semaphore_mem>>)
      %dma_wait3A_183 = arith.constant 160 : i32
      %dma_wait3A_184 = arith.constant 0 : i32
      %dma_wait3A_185 = tpu.memref_slice %arg10[%dma_wait3A_183, %dma_wait3A_184] : memref<240x128xf32, #tpu.memory_space<vmem>> -> memref<80x128xf32, #tpu.memory_space<vmem>>
      %dma_wait3A_186 = arith.constant 0 : i32
      %dma_wait3A_187 = tpu.memref_slice %arg12[%add3A_94, %dma_wait3A_186] : memref<10240x128xf32, #tpu.memory_space<vmem_shared>> -> memref<80x128xf32, #tpu.memory_space<vmem_shared>>
      %dma_wait3A_188 = arith.constant 0 : i32
      %dma_wait3A_189 = tpu.memref_slice %arg12[%add3A_94, %dma_wait3A_188] : memref<10240x128xf32, #tpu.memory_space<vmem_shared>> -> memref<80x128xf32, #tpu.memory_space<vmem_shared>>
      %dma_wait3A_190 = arith.constant 160 : i32
      %dma_wait3A_191 = arith.constant 0 : i32
      %dma_wait3A_192 = tpu.memref_slice %arg10[%dma_wait3A_190, %dma_wait3A_191] : memref<240x128xf32, #tpu.memory_space<vmem>> -> memref<80x128xf32, #tpu.memory_space<vmem>>
      tpu.wait_dma2 semaphore(%run_scoped3A : memref<!tpu.dma_semaphore, #tpu.memory_space<semaphore_mem>>) src(%dma_wait3A_192 : memref<80x128xf32, #tpu.memory_space<vmem>>) dst(%dma_wait3A_189 : memref<80x128xf32, #tpu.memory_space<vmem_shared>>)
      tpu.yield
    }) : () -> ()
    "tpu.region"() ({
      %run_scoped3A = tpu.sem_alloc : memref<!tpu.dma_semaphore, #tpu.memory_space<semaphore_mem>>
      %dma_start3A_173 = arith.constant 160 : i32
      %dma_start3A_174 = arith.constant 0 : i32
      %dma_start3A_175 = tpu.memref_slice %arg11[%dma_start3A_173, %dma_start3A_174] : memref<240x16xf32, #tpu.memory_space<vmem>> -> memref<80x16xf32, #tpu.memory_space<vmem>>
      %dma_start3A_176 = arith.constant 0 : i32
      %dma_start3A_177 = tpu.memref_slice %arg13[%add3A_94, %dma_start3A_176] : memref<10240x16xf32, #tpu.memory_space<vmem_shared>> -> memref<80x16xf32, #tpu.memory_space<vmem_shared>>
      %dma_start3A_178 = arith.constant 0 : i32
      %dma_start3A_179 = tpu.memref_slice %arg13[%add3A_94, %dma_start3A_178] : memref<10240x16xf32, #tpu.memory_space<vmem_shared>> -> memref<80x16xf32, #tpu.memory_space<vmem_shared>>
      %dma_start3A_180 = arith.constant 160 : i32
      %dma_start3A_181 = arith.constant 0 : i32
      %dma_start3A_182 = tpu.memref_slice %arg11[%dma_start3A_180, %dma_start3A_181] : memref<240x16xf32, #tpu.memory_space<vmem>> -> memref<80x16xf32, #tpu.memory_space<vmem>>
      tpu.enqueue_dma source(%dma_start3A_182 : memref<80x16xf32, #tpu.memory_space<vmem>>) target(%dma_start3A_179 : memref<80x16xf32, #tpu.memory_space<vmem_shared>>) target_semaphore(%run_scoped3A : memref<!tpu.dma_semaphore, #tpu.memory_space<semaphore_mem>>)
      %dma_wait3A_183 = arith.constant 160 : i32
      %dma_wait3A_184 = arith.constant 0 : i32
      %dma_wait3A_185 = tpu.memref_slice %arg11[%dma_wait3A_183, %dma_wait3A_184] : memref<240x16xf32, #tpu.memory_space<vmem>> -> memref<80x16xf32, #tpu.memory_space<vmem>>
      %dma_wait3A_186 = arith.constant 0 : i32
      %dma_wait3A_187 = tpu.memref_slice %arg13[%add3A_94, %dma_wait3A_186] : memref<10240x16xf32, #tpu.memory_space<vmem_shared>> -> memref<80x16xf32, #tpu.memory_space<vmem_shared>>
      %dma_wait3A_188 = arith.constant 0 : i32
      %dma_wait3A_189 = tpu.memref_slice %arg13[%add3A_94, %dma_wait3A_188] : memref<10240x16xf32, #tpu.memory_space<vmem_shared>> -> memref<80x16xf32, #tpu.memory_space<vmem_shared>>
      %dma_wait3A_190 = arith.constant 160 : i32
      %dma_wait3A_191 = arith.constant 0 : i32
      %dma_wait3A_192 = tpu.memref_slice %arg11[%dma_wait3A_190, %dma_wait3A_191] : memref<240x16xf32, #tpu.memory_space<vmem>> -> memref<80x16xf32, #tpu.memory_space<vmem>>
      tpu.wait_dma2 semaphore(%run_scoped3A : memref<!tpu.dma_semaphore, #tpu.memory_space<semaphore_mem>>) src(%dma_wait3A_192 : memref<80x16xf32, #tpu.memory_space<vmem>>) dst(%dma_wait3A_189 : memref<80x16xf32, #tpu.memory_space<vmem_shared>>)
      tpu.yield
    }) : () -> ()
    %mul3A_95 = arith.constant 640 : i32
    %mul3A_96 = arith.muli %arg1, %mul3A_95 : i32
    %add3A_97 = arith.constant 80 : i32
    %add3A_98 = arith.addi %mul3A_96, %add3A_97 : i32
    "tpu.region"() ({
      %run_scoped3A = tpu.sem_alloc : memref<!tpu.dma_semaphore, #tpu.memory_space<semaphore_mem>>
      %dma_start3A_173 = arith.constant 160 : i32
      %dma_start3A_174 = arith.constant 0 : i32
      %dma_start3A_175 = tpu.memref_slice %arg10[%dma_start3A_173, %dma_start3A_174] : memref<240x128xf32, #tpu.memory_space<vmem>> -> memref<80x128xf32, #tpu.memory_space<vmem>>
      %dma_start3A_176 = arith.constant 0 : i32
      %dma_start3A_177 = tpu.memref_slice %arg12[%add3A_98, %dma_start3A_176] : memref<10240x128xf32, #tpu.memory_space<vmem_shared>> -> memref<80x128xf32, #tpu.memory_space<vmem_shared>>
      %dma_start3A_178 = arith.constant 0 : i32
      %dma_start3A_179 = tpu.memref_slice %arg12[%add3A_98, %dma_start3A_178] : memref<10240x128xf32, #tpu.memory_space<vmem_shared>> -> memref<80x128xf32, #tpu.memory_space<vmem_shared>>
      %dma_start3A_180 = arith.constant 160 : i32
      %dma_start3A_181 = arith.constant 0 : i32
      %dma_start3A_182 = tpu.memref_slice %arg10[%dma_start3A_180, %dma_start3A_181] : memref<240x128xf32, #tpu.memory_space<vmem>> -> memref<80x128xf32, #tpu.memory_space<vmem>>
      tpu.enqueue_dma source(%dma_start3A_182 : memref<80x128xf32, #tpu.memory_space<vmem>>) target(%dma_start3A_179 : memref<80x128xf32, #tpu.memory_space<vmem_shared>>) target_semaphore(%run_scoped3A : memref<!tpu.dma_semaphore, #tpu.memory_space<semaphore_mem>>)
      %dma_wait3A_183 = arith.constant 160 : i32
      %dma_wait3A_184 = arith.constant 0 : i32
      %dma_wait3A_185 = tpu.memref_slice %arg10[%dma_wait3A_183, %dma_wait3A_184] : memref<240x128xf32, #tpu.memory_space<vmem>> -> memref<80x128xf32, #tpu.memory_space<vmem>>
      %dma_wait3A_186 = arith.constant 0 : i32
      %dma_wait3A_187 = tpu.memref_slice %arg12[%add3A_98, %dma_wait3A_186] : memref<10240x128xf32, #tpu.memory_space<vmem_shared>> -> memref<80x128xf32, #tpu.memory_space<vmem_shared>>
      %dma_wait3A_188 = arith.constant 0 : i32
      %dma_wait3A_189 = tpu.memref_slice %arg12[%add3A_98, %dma_wait3A_188] : memref<10240x128xf32, #tpu.memory_space<vmem_shared>> -> memref<80x128xf32, #tpu.memory_space<vmem_shared>>
      %dma_wait3A_190 = arith.constant 160 : i32
      %dma_wait3A_191 = arith.constant 0 : i32
      %dma_wait3A_192 = tpu.memref_slice %arg10[%dma_wait3A_190, %dma_wait3A_191] : memref<240x128xf32, #tpu.memory_space<vmem>> -> memref<80x128xf32, #tpu.memory_space<vmem>>
      tpu.wait_dma2 semaphore(%run_scoped3A : memref<!tpu.dma_semaphore, #tpu.memory_space<semaphore_mem>>) src(%dma_wait3A_192 : memref<80x128xf32, #tpu.memory_space<vmem>>) dst(%dma_wait3A_189 : memref<80x128xf32, #tpu.memory_space<vmem_shared>>)
      tpu.yield
    }) : () -> ()
    "tpu.region"() ({
      %run_scoped3A = tpu.sem_alloc : memref<!tpu.dma_semaphore, #tpu.memory_space<semaphore_mem>>
      %dma_start3A_173 = arith.constant 160 : i32
      %dma_start3A_174 = arith.constant 0 : i32
      %dma_start3A_175 = tpu.memref_slice %arg11[%dma_start3A_173, %dma_start3A_174] : memref<240x16xf32, #tpu.memory_space<vmem>> -> memref<80x16xf32, #tpu.memory_space<vmem>>
      %dma_start3A_176 = arith.constant 0 : i32
      %dma_start3A_177 = tpu.memref_slice %arg13[%add3A_98, %dma_start3A_176] : memref<10240x16xf32, #tpu.memory_space<vmem_shared>> -> memref<80x16xf32, #tpu.memory_space<vmem_shared>>
      %dma_start3A_178 = arith.constant 0 : i32
      %dma_start3A_179 = tpu.memref_slice %arg13[%add3A_98, %dma_start3A_178] : memref<10240x16xf32, #tpu.memory_space<vmem_shared>> -> memref<80x16xf32, #tpu.memory_space<vmem_shared>>
      %dma_start3A_180 = arith.constant 160 : i32
      %dma_start3A_181 = arith.constant 0 : i32
      %dma_start3A_182 = tpu.memref_slice %arg11[%dma_start3A_180, %dma_start3A_181] : memref<240x16xf32, #tpu.memory_space<vmem>> -> memref<80x16xf32, #tpu.memory_space<vmem>>
      tpu.enqueue_dma source(%dma_start3A_182 : memref<80x16xf32, #tpu.memory_space<vmem>>) target(%dma_start3A_179 : memref<80x16xf32, #tpu.memory_space<vmem_shared>>) target_semaphore(%run_scoped3A : memref<!tpu.dma_semaphore, #tpu.memory_space<semaphore_mem>>)
      %dma_wait3A_183 = arith.constant 160 : i32
      %dma_wait3A_184 = arith.constant 0 : i32
      %dma_wait3A_185 = tpu.memref_slice %arg11[%dma_wait3A_183, %dma_wait3A_184] : memref<240x16xf32, #tpu.memory_space<vmem>> -> memref<80x16xf32, #tpu.memory_space<vmem>>
      %dma_wait3A_186 = arith.constant 0 : i32
      %dma_wait3A_187 = tpu.memref_slice %arg13[%add3A_98, %dma_wait3A_186] : memref<10240x16xf32, #tpu.memory_space<vmem_shared>> -> memref<80x16xf32, #tpu.memory_space<vmem_shared>>
      %dma_wait3A_188 = arith.constant 0 : i32
      %dma_wait3A_189 = tpu.memref_slice %arg13[%add3A_98, %dma_wait3A_188] : memref<10240x16xf32, #tpu.memory_space<vmem_shared>> -> memref<80x16xf32, #tpu.memory_space<vmem_shared>>
      %dma_wait3A_190 = arith.constant 160 : i32
      %dma_wait3A_191 = arith.constant 0 : i32
      %dma_wait3A_192 = tpu.memref_slice %arg11[%dma_wait3A_190, %dma_wait3A_191] : memref<240x16xf32, #tpu.memory_space<vmem>> -> memref<80x16xf32, #tpu.memory_space<vmem>>
      tpu.wait_dma2 semaphore(%run_scoped3A : memref<!tpu.dma_semaphore, #tpu.memory_space<semaphore_mem>>) src(%dma_wait3A_192 : memref<80x16xf32, #tpu.memory_space<vmem>>) dst(%dma_wait3A_189 : memref<80x16xf32, #tpu.memory_space<vmem_shared>>)
      tpu.yield
    }) : () -> ()
    %mul3A_99 = arith.constant 640 : i32
    %mul3A_100 = arith.muli %arg1, %mul3A_99 : i32
    %add3A_101 = arith.constant 160 : i32
    %add3A_102 = arith.addi %mul3A_100, %add3A_101 : i32
    "tpu.region"() ({
      %run_scoped3A = tpu.sem_alloc : memref<!tpu.dma_semaphore, #tpu.memory_space<semaphore_mem>>
      %dma_start3A_173 = arith.constant 160 : i32
      %dma_start3A_174 = arith.constant 0 : i32
      %dma_start3A_175 = tpu.memref_slice %arg10[%dma_start3A_173, %dma_start3A_174] : memref<240x128xf32, #tpu.memory_space<vmem>> -> memref<80x128xf32, #tpu.memory_space<vmem>>
      %dma_start3A_176 = arith.constant 0 : i32
      %dma_start3A_177 = tpu.memref_slice %arg12[%add3A_102, %dma_start3A_176] : memref<10240x128xf32, #tpu.memory_space<vmem_shared>> -> memref<80x128xf32, #tpu.memory_space<vmem_shared>>
      %dma_start3A_178 = arith.constant 0 : i32
      %dma_start3A_179 = tpu.memref_slice %arg12[%add3A_102, %dma_start3A_178] : memref<10240x128xf32, #tpu.memory_space<vmem_shared>> -> memref<80x128xf32, #tpu.memory_space<vmem_shared>>
      %dma_start3A_180 = arith.constant 160 : i32
      %dma_start3A_181 = arith.constant 0 : i32
      %dma_start3A_182 = tpu.memref_slice %arg10[%dma_start3A_180, %dma_start3A_181] : memref<240x128xf32, #tpu.memory_space<vmem>> -> memref<80x128xf32, #tpu.memory_space<vmem>>
      tpu.enqueue_dma source(%dma_start3A_182 : memref<80x128xf32, #tpu.memory_space<vmem>>) target(%dma_start3A_179 : memref<80x128xf32, #tpu.memory_space<vmem_shared>>) target_semaphore(%run_scoped3A : memref<!tpu.dma_semaphore, #tpu.memory_space<semaphore_mem>>)
      %dma_wait3A_183 = arith.constant 160 : i32
      %dma_wait3A_184 = arith.constant 0 : i32
      %dma_wait3A_185 = tpu.memref_slice %arg10[%dma_wait3A_183, %dma_wait3A_184] : memref<240x128xf32, #tpu.memory_space<vmem>> -> memref<80x128xf32, #tpu.memory_space<vmem>>
      %dma_wait3A_186 = arith.constant 0 : i32
      %dma_wait3A_187 = tpu.memref_slice %arg12[%add3A_102, %dma_wait3A_186] : memref<10240x128xf32, #tpu.memory_space<vmem_shared>> -> memref<80x128xf32, #tpu.memory_space<vmem_shared>>
      %dma_wait3A_188 = arith.constant 0 : i32
      %dma_wait3A_189 = tpu.memref_slice %arg12[%add3A_102, %dma_wait3A_188] : memref<10240x128xf32, #tpu.memory_space<vmem_shared>> -> memref<80x128xf32, #tpu.memory_space<vmem_shared>>
      %dma_wait3A_190 = arith.constant 160 : i32
      %dma_wait3A_191 = arith.constant 0 : i32
      %dma_wait3A_192 = tpu.memref_slice %arg10[%dma_wait3A_190, %dma_wait3A_191] : memref<240x128xf32, #tpu.memory_space<vmem>> -> memref<80x128xf32, #tpu.memory_space<vmem>>
      tpu.wait_dma2 semaphore(%run_scoped3A : memref<!tpu.dma_semaphore, #tpu.memory_space<semaphore_mem>>) src(%dma_wait3A_192 : memref<80x128xf32, #tpu.memory_space<vmem>>) dst(%dma_wait3A_189 : memref<80x128xf32, #tpu.memory_space<vmem_shared>>)
      tpu.yield
    }) : () -> ()
    "tpu.region"() ({
      %run_scoped3A = tpu.sem_alloc : memref<!tpu.dma_semaphore, #tpu.memory_space<semaphore_mem>>
      %dma_start3A_173 = arith.constant 160 : i32
      %dma_start3A_174 = arith.constant 0 : i32
      %dma_start3A_175 = tpu.memref_slice %arg11[%dma_start3A_173, %dma_start3A_174] : memref<240x16xf32, #tpu.memory_space<vmem>> -> memref<80x16xf32, #tpu.memory_space<vmem>>
      %dma_start3A_176 = arith.constant 0 : i32
      %dma_start3A_177 = tpu.memref_slice %arg13[%add3A_102, %dma_start3A_176] : memref<10240x16xf32, #tpu.memory_space<vmem_shared>> -> memref<80x16xf32, #tpu.memory_space<vmem_shared>>
      %dma_start3A_178 = arith.constant 0 : i32
      %dma_start3A_179 = tpu.memref_slice %arg13[%add3A_102, %dma_start3A_178] : memref<10240x16xf32, #tpu.memory_space<vmem_shared>> -> memref<80x16xf32, #tpu.memory_space<vmem_shared>>
      %dma_start3A_180 = arith.constant 160 : i32
      %dma_start3A_181 = arith.constant 0 : i32
      %dma_start3A_182 = tpu.memref_slice %arg11[%dma_start3A_180, %dma_start3A_181] : memref<240x16xf32, #tpu.memory_space<vmem>> -> memref<80x16xf32, #tpu.memory_space<vmem>>
      tpu.enqueue_dma source(%dma_start3A_182 : memref<80x16xf32, #tpu.memory_space<vmem>>) target(%dma_start3A_179 : memref<80x16xf32, #tpu.memory_space<vmem_shared>>) target_semaphore(%run_scoped3A : memref<!tpu.dma_semaphore, #tpu.memory_space<semaphore_mem>>)
      %dma_wait3A_183 = arith.constant 160 : i32
      %dma_wait3A_184 = arith.constant 0 : i32
      %dma_wait3A_185 = tpu.memref_slice %arg11[%dma_wait3A_183, %dma_wait3A_184] : memref<240x16xf32, #tpu.memory_space<vmem>> -> memref<80x16xf32, #tpu.memory_space<vmem>>
      %dma_wait3A_186 = arith.constant 0 : i32
      %dma_wait3A_187 = tpu.memref_slice %arg13[%add3A_102, %dma_wait3A_186] : memref<10240x16xf32, #tpu.memory_space<vmem_shared>> -> memref<80x16xf32, #tpu.memory_space<vmem_shared>>
      %dma_wait3A_188 = arith.constant 0 : i32
      %dma_wait3A_189 = tpu.memref_slice %arg13[%add3A_102, %dma_wait3A_188] : memref<10240x16xf32, #tpu.memory_space<vmem_shared>> -> memref<80x16xf32, #tpu.memory_space<vmem_shared>>
      %dma_wait3A_190 = arith.constant 160 : i32
      %dma_wait3A_191 = arith.constant 0 : i32
      %dma_wait3A_192 = tpu.memref_slice %arg11[%dma_wait3A_190, %dma_wait3A_191] : memref<240x16xf32, #tpu.memory_space<vmem>> -> memref<80x16xf32, #tpu.memory_space<vmem>>
      tpu.wait_dma2 semaphore(%run_scoped3A : memref<!tpu.dma_semaphore, #tpu.memory_space<semaphore_mem>>) src(%dma_wait3A_192 : memref<80x16xf32, #tpu.memory_space<vmem>>) dst(%dma_wait3A_189 : memref<80x16xf32, #tpu.memory_space<vmem_shared>>)
      tpu.yield
    }) : () -> ()
    %mul3A_103 = arith.constant 640 : i32
    %mul3A_104 = arith.muli %arg1, %mul3A_103 : i32
    %add3A_105 = arith.constant 240 : i32
    %add3A_106 = arith.addi %mul3A_104, %add3A_105 : i32
    "tpu.region"() ({
      %run_scoped3A = tpu.sem_alloc : memref<!tpu.dma_semaphore, #tpu.memory_space<semaphore_mem>>
      %dma_start3A_173 = arith.constant 160 : i32
      %dma_start3A_174 = arith.constant 0 : i32
      %dma_start3A_175 = tpu.memref_slice %arg10[%dma_start3A_173, %dma_start3A_174] : memref<240x128xf32, #tpu.memory_space<vmem>> -> memref<80x128xf32, #tpu.memory_space<vmem>>
      %dma_start3A_176 = arith.constant 0 : i32
      %dma_start3A_177 = tpu.memref_slice %arg12[%add3A_106, %dma_start3A_176] : memref<10240x128xf32, #tpu.memory_space<vmem_shared>> -> memref<80x128xf32, #tpu.memory_space<vmem_shared>>
      %dma_start3A_178 = arith.constant 0 : i32
      %dma_start3A_179 = tpu.memref_slice %arg12[%add3A_106, %dma_start3A_178] : memref<10240x128xf32, #tpu.memory_space<vmem_shared>> -> memref<80x128xf32, #tpu.memory_space<vmem_shared>>
      %dma_start3A_180 = arith.constant 160 : i32
      %dma_start3A_181 = arith.constant 0 : i32
      %dma_start3A_182 = tpu.memref_slice %arg10[%dma_start3A_180, %dma_start3A_181] : memref<240x128xf32, #tpu.memory_space<vmem>> -> memref<80x128xf32, #tpu.memory_space<vmem>>
      tpu.enqueue_dma source(%dma_start3A_182 : memref<80x128xf32, #tpu.memory_space<vmem>>) target(%dma_start3A_179 : memref<80x128xf32, #tpu.memory_space<vmem_shared>>) target_semaphore(%run_scoped3A : memref<!tpu.dma_semaphore, #tpu.memory_space<semaphore_mem>>)
      %dma_wait3A_183 = arith.constant 160 : i32
      %dma_wait3A_184 = arith.constant 0 : i32
      %dma_wait3A_185 = tpu.memref_slice %arg10[%dma_wait3A_183, %dma_wait3A_184] : memref<240x128xf32, #tpu.memory_space<vmem>> -> memref<80x128xf32, #tpu.memory_space<vmem>>
      %dma_wait3A_186 = arith.constant 0 : i32
      %dma_wait3A_187 = tpu.memref_slice %arg12[%add3A_106, %dma_wait3A_186] : memref<10240x128xf32, #tpu.memory_space<vmem_shared>> -> memref<80x128xf32, #tpu.memory_space<vmem_shared>>
      %dma_wait3A_188 = arith.constant 0 : i32
      %dma_wait3A_189 = tpu.memref_slice %arg12[%add3A_106, %dma_wait3A_188] : memref<10240x128xf32, #tpu.memory_space<vmem_shared>> -> memref<80x128xf32, #tpu.memory_space<vmem_shared>>
      %dma_wait3A_190 = arith.constant 160 : i32
      %dma_wait3A_191 = arith.constant 0 : i32
      %dma_wait3A_192 = tpu.memref_slice %arg10[%dma_wait3A_190, %dma_wait3A_191] : memref<240x128xf32, #tpu.memory_space<vmem>> -> memref<80x128xf32, #tpu.memory_space<vmem>>
      tpu.wait_dma2 semaphore(%run_scoped3A : memref<!tpu.dma_semaphore, #tpu.memory_space<semaphore_mem>>) src(%dma_wait3A_192 : memref<80x128xf32, #tpu.memory_space<vmem>>) dst(%dma_wait3A_189 : memref<80x128xf32, #tpu.memory_space<vmem_shared>>)
      tpu.yield
    }) : () -> ()
    "tpu.region"() ({
      %run_scoped3A = tpu.sem_alloc : memref<!tpu.dma_semaphore, #tpu.memory_space<semaphore_mem>>
      %dma_start3A_173 = arith.constant 160 : i32
      %dma_start3A_174 = arith.constant 0 : i32
      %dma_start3A_175 = tpu.memref_slice %arg11[%dma_start3A_173, %dma_start3A_174] : memref<240x16xf32, #tpu.memory_space<vmem>> -> memref<80x16xf32, #tpu.memory_space<vmem>>
      %dma_start3A_176 = arith.constant 0 : i32
      %dma_start3A_177 = tpu.memref_slice %arg13[%add3A_106, %dma_start3A_176] : memref<10240x16xf32, #tpu.memory_space<vmem_shared>> -> memref<80x16xf32, #tpu.memory_space<vmem_shared>>
      %dma_start3A_178 = arith.constant 0 : i32
      %dma_start3A_179 = tpu.memref_slice %arg13[%add3A_106, %dma_start3A_178] : memref<10240x16xf32, #tpu.memory_space<vmem_shared>> -> memref<80x16xf32, #tpu.memory_space<vmem_shared>>
      %dma_start3A_180 = arith.constant 160 : i32
      %dma_start3A_181 = arith.constant 0 : i32
      %dma_start3A_182 = tpu.memref_slice %arg11[%dma_start3A_180, %dma_start3A_181] : memref<240x16xf32, #tpu.memory_space<vmem>> -> memref<80x16xf32, #tpu.memory_space<vmem>>
      tpu.enqueue_dma source(%dma_start3A_182 : memref<80x16xf32, #tpu.memory_space<vmem>>) target(%dma_start3A_179 : memref<80x16xf32, #tpu.memory_space<vmem_shared>>) target_semaphore(%run_scoped3A : memref<!tpu.dma_semaphore, #tpu.memory_space<semaphore_mem>>)
      %dma_wait3A_183 = arith.constant 160 : i32
      %dma_wait3A_184 = arith.constant 0 : i32
      %dma_wait3A_185 = tpu.memref_slice %arg11[%dma_wait3A_183, %dma_wait3A_184] : memref<240x16xf32, #tpu.memory_space<vmem>> -> memref<80x16xf32, #tpu.memory_space<vmem>>
      %dma_wait3A_186 = arith.constant 0 : i32
      %dma_wait3A_187 = tpu.memref_slice %arg13[%add3A_106, %dma_wait3A_186] : memref<10240x16xf32, #tpu.memory_space<vmem_shared>> -> memref<80x16xf32, #tpu.memory_space<vmem_shared>>
      %dma_wait3A_188 = arith.constant 0 : i32
      %dma_wait3A_189 = tpu.memref_slice %arg13[%add3A_106, %dma_wait3A_188] : memref<10240x16xf32, #tpu.memory_space<vmem_shared>> -> memref<80x16xf32, #tpu.memory_space<vmem_shared>>
      %dma_wait3A_190 = arith.constant 160 : i32
      %dma_wait3A_191 = arith.constant 0 : i32
      %dma_wait3A_192 = tpu.memref_slice %arg11[%dma_wait3A_190, %dma_wait3A_191] : memref<240x16xf32, #tpu.memory_space<vmem>> -> memref<80x16xf32, #tpu.memory_space<vmem>>
      tpu.wait_dma2 semaphore(%run_scoped3A : memref<!tpu.dma_semaphore, #tpu.memory_space<semaphore_mem>>) src(%dma_wait3A_192 : memref<80x16xf32, #tpu.memory_space<vmem>>) dst(%dma_wait3A_189 : memref<80x16xf32, #tpu.memory_space<vmem_shared>>)
      tpu.yield
    }) : () -> ()
    %mul3A_107 = arith.constant 640 : i32
    %mul3A_108 = arith.muli %arg1, %mul3A_107 : i32
    %add3A_109 = arith.constant 320 : i32
    %add3A_110 = arith.addi %mul3A_108, %add3A_109 : i32
    "tpu.region"() ({
      %run_scoped3A = tpu.sem_alloc : memref<!tpu.dma_semaphore, #tpu.memory_space<semaphore_mem>>
      %dma_start3A_173 = arith.constant 160 : i32
      %dma_start3A_174 = arith.constant 0 : i32
      %dma_start3A_175 = tpu.memref_slice %arg10[%dma_start3A_173, %dma_start3A_174] : memref<240x128xf32, #tpu.memory_space<vmem>> -> memref<80x128xf32, #tpu.memory_space<vmem>>
      %dma_start3A_176 = arith.constant 0 : i32
      %dma_start3A_177 = tpu.memref_slice %arg12[%add3A_110, %dma_start3A_176] : memref<10240x128xf32, #tpu.memory_space<vmem_shared>> -> memref<80x128xf32, #tpu.memory_space<vmem_shared>>
      %dma_start3A_178 = arith.constant 0 : i32
      %dma_start3A_179 = tpu.memref_slice %arg12[%add3A_110, %dma_start3A_178] : memref<10240x128xf32, #tpu.memory_space<vmem_shared>> -> memref<80x128xf32, #tpu.memory_space<vmem_shared>>
      %dma_start3A_180 = arith.constant 160 : i32
      %dma_start3A_181 = arith.constant 0 : i32
      %dma_start3A_182 = tpu.memref_slice %arg10[%dma_start3A_180, %dma_start3A_181] : memref<240x128xf32, #tpu.memory_space<vmem>> -> memref<80x128xf32, #tpu.memory_space<vmem>>
      tpu.enqueue_dma source(%dma_start3A_182 : memref<80x128xf32, #tpu.memory_space<vmem>>) target(%dma_start3A_179 : memref<80x128xf32, #tpu.memory_space<vmem_shared>>) target_semaphore(%run_scoped3A : memref<!tpu.dma_semaphore, #tpu.memory_space<semaphore_mem>>)
      %dma_wait3A_183 = arith.constant 160 : i32
      %dma_wait3A_184 = arith.constant 0 : i32
      %dma_wait3A_185 = tpu.memref_slice %arg10[%dma_wait3A_183, %dma_wait3A_184] : memref<240x128xf32, #tpu.memory_space<vmem>> -> memref<80x128xf32, #tpu.memory_space<vmem>>
      %dma_wait3A_186 = arith.constant 0 : i32
      %dma_wait3A_187 = tpu.memref_slice %arg12[%add3A_110, %dma_wait3A_186] : memref<10240x128xf32, #tpu.memory_space<vmem_shared>> -> memref<80x128xf32, #tpu.memory_space<vmem_shared>>
      %dma_wait3A_188 = arith.constant 0 : i32
      %dma_wait3A_189 = tpu.memref_slice %arg12[%add3A_110, %dma_wait3A_188] : memref<10240x128xf32, #tpu.memory_space<vmem_shared>> -> memref<80x128xf32, #tpu.memory_space<vmem_shared>>
      %dma_wait3A_190 = arith.constant 160 : i32
      %dma_wait3A_191 = arith.constant 0 : i32
      %dma_wait3A_192 = tpu.memref_slice %arg10[%dma_wait3A_190, %dma_wait3A_191] : memref<240x128xf32, #tpu.memory_space<vmem>> -> memref<80x128xf32, #tpu.memory_space<vmem>>
      tpu.wait_dma2 semaphore(%run_scoped3A : memref<!tpu.dma_semaphore, #tpu.memory_space<semaphore_mem>>) src(%dma_wait3A_192 : memref<80x128xf32, #tpu.memory_space<vmem>>) dst(%dma_wait3A_189 : memref<80x128xf32, #tpu.memory_space<vmem_shared>>)
      tpu.yield
    }) : () -> ()
    "tpu.region"() ({
      %run_scoped3A = tpu.sem_alloc : memref<!tpu.dma_semaphore, #tpu.memory_space<semaphore_mem>>
      %dma_start3A_173 = arith.constant 160 : i32
      %dma_start3A_174 = arith.constant 0 : i32
      %dma_start3A_175 = tpu.memref_slice %arg11[%dma_start3A_173, %dma_start3A_174] : memref<240x16xf32, #tpu.memory_space<vmem>> -> memref<80x16xf32, #tpu.memory_space<vmem>>
      %dma_start3A_176 = arith.constant 0 : i32
      %dma_start3A_177 = tpu.memref_slice %arg13[%add3A_110, %dma_start3A_176] : memref<10240x16xf32, #tpu.memory_space<vmem_shared>> -> memref<80x16xf32, #tpu.memory_space<vmem_shared>>
      %dma_start3A_178 = arith.constant 0 : i32
      %dma_start3A_179 = tpu.memref_slice %arg13[%add3A_110, %dma_start3A_178] : memref<10240x16xf32, #tpu.memory_space<vmem_shared>> -> memref<80x16xf32, #tpu.memory_space<vmem_shared>>
      %dma_start3A_180 = arith.constant 160 : i32
      %dma_start3A_181 = arith.constant 0 : i32
      %dma_start3A_182 = tpu.memref_slice %arg11[%dma_start3A_180, %dma_start3A_181] : memref<240x16xf32, #tpu.memory_space<vmem>> -> memref<80x16xf32, #tpu.memory_space<vmem>>
      tpu.enqueue_dma source(%dma_start3A_182 : memref<80x16xf32, #tpu.memory_space<vmem>>) target(%dma_start3A_179 : memref<80x16xf32, #tpu.memory_space<vmem_shared>>) target_semaphore(%run_scoped3A : memref<!tpu.dma_semaphore, #tpu.memory_space<semaphore_mem>>)
      %dma_wait3A_183 = arith.constant 160 : i32
      %dma_wait3A_184 = arith.constant 0 : i32
      %dma_wait3A_185 = tpu.memref_slice %arg11[%dma_wait3A_183, %dma_wait3A_184] : memref<240x16xf32, #tpu.memory_space<vmem>> -> memref<80x16xf32, #tpu.memory_space<vmem>>
      %dma_wait3A_186 = arith.constant 0 : i32
      %dma_wait3A_187 = tpu.memref_slice %arg13[%add3A_110, %dma_wait3A_186] : memref<10240x16xf32, #tpu.memory_space<vmem_shared>> -> memref<80x16xf32, #tpu.memory_space<vmem_shared>>
      %dma_wait3A_188 = arith.constant 0 : i32
      %dma_wait3A_189 = tpu.memref_slice %arg13[%add3A_110, %dma_wait3A_188] : memref<10240x16xf32, #tpu.memory_space<vmem_shared>> -> memref<80x16xf32, #tpu.memory_space<vmem_shared>>
      %dma_wait3A_190 = arith.constant 160 : i32
      %dma_wait3A_191 = arith.constant 0 : i32
      %dma_wait3A_192 = tpu.memref_slice %arg11[%dma_wait3A_190, %dma_wait3A_191] : memref<240x16xf32, #tpu.memory_space<vmem>> -> memref<80x16xf32, #tpu.memory_space<vmem>>
      tpu.wait_dma2 semaphore(%run_scoped3A : memref<!tpu.dma_semaphore, #tpu.memory_space<semaphore_mem>>) src(%dma_wait3A_192 : memref<80x16xf32, #tpu.memory_space<vmem>>) dst(%dma_wait3A_189 : memref<80x16xf32, #tpu.memory_space<vmem_shared>>)
      tpu.yield
    }) : () -> ()
    %mul3A_111 = arith.constant 640 : i32
    %mul3A_112 = arith.muli %arg1, %mul3A_111 : i32
    %add3A_113 = arith.constant 400 : i32
    %add3A_114 = arith.addi %mul3A_112, %add3A_113 : i32
    "tpu.region"() ({
      %run_scoped3A = tpu.sem_alloc : memref<!tpu.dma_semaphore, #tpu.memory_space<semaphore_mem>>
      %dma_start3A_173 = arith.constant 160 : i32
      %dma_start3A_174 = arith.constant 0 : i32
      %dma_start3A_175 = tpu.memref_slice %arg10[%dma_start3A_173, %dma_start3A_174] : memref<240x128xf32, #tpu.memory_space<vmem>> -> memref<80x128xf32, #tpu.memory_space<vmem>>
      %dma_start3A_176 = arith.constant 0 : i32
      %dma_start3A_177 = tpu.memref_slice %arg12[%add3A_114, %dma_start3A_176] : memref<10240x128xf32, #tpu.memory_space<vmem_shared>> -> memref<80x128xf32, #tpu.memory_space<vmem_shared>>
      %dma_start3A_178 = arith.constant 0 : i32
      %dma_start3A_179 = tpu.memref_slice %arg12[%add3A_114, %dma_start3A_178] : memref<10240x128xf32, #tpu.memory_space<vmem_shared>> -> memref<80x128xf32, #tpu.memory_space<vmem_shared>>
      %dma_start3A_180 = arith.constant 160 : i32
      %dma_start3A_181 = arith.constant 0 : i32
      %dma_start3A_182 = tpu.memref_slice %arg10[%dma_start3A_180, %dma_start3A_181] : memref<240x128xf32, #tpu.memory_space<vmem>> -> memref<80x128xf32, #tpu.memory_space<vmem>>
      tpu.enqueue_dma source(%dma_start3A_182 : memref<80x128xf32, #tpu.memory_space<vmem>>) target(%dma_start3A_179 : memref<80x128xf32, #tpu.memory_space<vmem_shared>>) target_semaphore(%run_scoped3A : memref<!tpu.dma_semaphore, #tpu.memory_space<semaphore_mem>>)
      %dma_wait3A_183 = arith.constant 160 : i32
      %dma_wait3A_184 = arith.constant 0 : i32
      %dma_wait3A_185 = tpu.memref_slice %arg10[%dma_wait3A_183, %dma_wait3A_184] : memref<240x128xf32, #tpu.memory_space<vmem>> -> memref<80x128xf32, #tpu.memory_space<vmem>>
      %dma_wait3A_186 = arith.constant 0 : i32
      %dma_wait3A_187 = tpu.memref_slice %arg12[%add3A_114, %dma_wait3A_186] : memref<10240x128xf32, #tpu.memory_space<vmem_shared>> -> memref<80x128xf32, #tpu.memory_space<vmem_shared>>
      %dma_wait3A_188 = arith.constant 0 : i32
      %dma_wait3A_189 = tpu.memref_slice %arg12[%add3A_114, %dma_wait3A_188] : memref<10240x128xf32, #tpu.memory_space<vmem_shared>> -> memref<80x128xf32, #tpu.memory_space<vmem_shared>>
      %dma_wait3A_190 = arith.constant 160 : i32
      %dma_wait3A_191 = arith.constant 0 : i32
      %dma_wait3A_192 = tpu.memref_slice %arg10[%dma_wait3A_190, %dma_wait3A_191] : memref<240x128xf32, #tpu.memory_space<vmem>> -> memref<80x128xf32, #tpu.memory_space<vmem>>
      tpu.wait_dma2 semaphore(%run_scoped3A : memref<!tpu.dma_semaphore, #tpu.memory_space<semaphore_mem>>) src(%dma_wait3A_192 : memref<80x128xf32, #tpu.memory_space<vmem>>) dst(%dma_wait3A_189 : memref<80x128xf32, #tpu.memory_space<vmem_shared>>)
      tpu.yield
    }) : () -> ()
    "tpu.region"() ({
      %run_scoped3A = tpu.sem_alloc : memref<!tpu.dma_semaphore, #tpu.memory_space<semaphore_mem>>
      %dma_start3A_173 = arith.constant 160 : i32
      %dma_start3A_174 = arith.constant 0 : i32
      %dma_start3A_175 = tpu.memref_slice %arg11[%dma_start3A_173, %dma_start3A_174] : memref<240x16xf32, #tpu.memory_space<vmem>> -> memref<80x16xf32, #tpu.memory_space<vmem>>
      %dma_start3A_176 = arith.constant 0 : i32
      %dma_start3A_177 = tpu.memref_slice %arg13[%add3A_114, %dma_start3A_176] : memref<10240x16xf32, #tpu.memory_space<vmem_shared>> -> memref<80x16xf32, #tpu.memory_space<vmem_shared>>
      %dma_start3A_178 = arith.constant 0 : i32
      %dma_start3A_179 = tpu.memref_slice %arg13[%add3A_114, %dma_start3A_178] : memref<10240x16xf32, #tpu.memory_space<vmem_shared>> -> memref<80x16xf32, #tpu.memory_space<vmem_shared>>
      %dma_start3A_180 = arith.constant 160 : i32
      %dma_start3A_181 = arith.constant 0 : i32
      %dma_start3A_182 = tpu.memref_slice %arg11[%dma_start3A_180, %dma_start3A_181] : memref<240x16xf32, #tpu.memory_space<vmem>> -> memref<80x16xf32, #tpu.memory_space<vmem>>
      tpu.enqueue_dma source(%dma_start3A_182 : memref<80x16xf32, #tpu.memory_space<vmem>>) target(%dma_start3A_179 : memref<80x16xf32, #tpu.memory_space<vmem_shared>>) target_semaphore(%run_scoped3A : memref<!tpu.dma_semaphore, #tpu.memory_space<semaphore_mem>>)
      %dma_wait3A_183 = arith.constant 160 : i32
      %dma_wait3A_184 = arith.constant 0 : i32
      %dma_wait3A_185 = tpu.memref_slice %arg11[%dma_wait3A_183, %dma_wait3A_184] : memref<240x16xf32, #tpu.memory_space<vmem>> -> memref<80x16xf32, #tpu.memory_space<vmem>>
      %dma_wait3A_186 = arith.constant 0 : i32
      %dma_wait3A_187 = tpu.memref_slice %arg13[%add3A_114, %dma_wait3A_186] : memref<10240x16xf32, #tpu.memory_space<vmem_shared>> -> memref<80x16xf32, #tpu.memory_space<vmem_shared>>
      %dma_wait3A_188 = arith.constant 0 : i32
      %dma_wait3A_189 = tpu.memref_slice %arg13[%add3A_114, %dma_wait3A_188] : memref<10240x16xf32, #tpu.memory_space<vmem_shared>> -> memref<80x16xf32, #tpu.memory_space<vmem_shared>>
      %dma_wait3A_190 = arith.constant 160 : i32
      %dma_wait3A_191 = arith.constant 0 : i32
      %dma_wait3A_192 = tpu.memref_slice %arg11[%dma_wait3A_190, %dma_wait3A_191] : memref<240x16xf32, #tpu.memory_space<vmem>> -> memref<80x16xf32, #tpu.memory_space<vmem>>
      tpu.wait_dma2 semaphore(%run_scoped3A : memref<!tpu.dma_semaphore, #tpu.memory_space<semaphore_mem>>) src(%dma_wait3A_192 : memref<80x16xf32, #tpu.memory_space<vmem>>) dst(%dma_wait3A_189 : memref<80x16xf32, #tpu.memory_space<vmem_shared>>)
      tpu.yield
    }) : () -> ()
    %mul3A_115 = arith.constant 640 : i32
    %mul3A_116 = arith.muli %arg1, %mul3A_115 : i32
    %add3A_117 = arith.constant 480 : i32
    %add3A_118 = arith.addi %mul3A_116, %add3A_117 : i32
    "tpu.region"() ({
      %run_scoped3A = tpu.sem_alloc : memref<!tpu.dma_semaphore, #tpu.memory_space<semaphore_mem>>
      %dma_start3A_173 = arith.constant 160 : i32
      %dma_start3A_174 = arith.constant 0 : i32
      %dma_start3A_175 = tpu.memref_slice %arg10[%dma_start3A_173, %dma_start3A_174] : memref<240x128xf32, #tpu.memory_space<vmem>> -> memref<80x128xf32, #tpu.memory_space<vmem>>
      %dma_start3A_176 = arith.constant 0 : i32
      %dma_start3A_177 = tpu.memref_slice %arg12[%add3A_118, %dma_start3A_176] : memref<10240x128xf32, #tpu.memory_space<vmem_shared>> -> memref<80x128xf32, #tpu.memory_space<vmem_shared>>
      %dma_start3A_178 = arith.constant 0 : i32
      %dma_start3A_179 = tpu.memref_slice %arg12[%add3A_118, %dma_start3A_178] : memref<10240x128xf32, #tpu.memory_space<vmem_shared>> -> memref<80x128xf32, #tpu.memory_space<vmem_shared>>
      %dma_start3A_180 = arith.constant 160 : i32
      %dma_start3A_181 = arith.constant 0 : i32
      %dma_start3A_182 = tpu.memref_slice %arg10[%dma_start3A_180, %dma_start3A_181] : memref<240x128xf32, #tpu.memory_space<vmem>> -> memref<80x128xf32, #tpu.memory_space<vmem>>
      tpu.enqueue_dma source(%dma_start3A_182 : memref<80x128xf32, #tpu.memory_space<vmem>>) target(%dma_start3A_179 : memref<80x128xf32, #tpu.memory_space<vmem_shared>>) target_semaphore(%run_scoped3A : memref<!tpu.dma_semaphore, #tpu.memory_space<semaphore_mem>>)
      %dma_wait3A_183 = arith.constant 160 : i32
      %dma_wait3A_184 = arith.constant 0 : i32
      %dma_wait3A_185 = tpu.memref_slice %arg10[%dma_wait3A_183, %dma_wait3A_184] : memref<240x128xf32, #tpu.memory_space<vmem>> -> memref<80x128xf32, #tpu.memory_space<vmem>>
      %dma_wait3A_186 = arith.constant 0 : i32
      %dma_wait3A_187 = tpu.memref_slice %arg12[%add3A_118, %dma_wait3A_186] : memref<10240x128xf32, #tpu.memory_space<vmem_shared>> -> memref<80x128xf32, #tpu.memory_space<vmem_shared>>
      %dma_wait3A_188 = arith.constant 0 : i32
      %dma_wait3A_189 = tpu.memref_slice %arg12[%add3A_118, %dma_wait3A_188] : memref<10240x128xf32, #tpu.memory_space<vmem_shared>> -> memref<80x128xf32, #tpu.memory_space<vmem_shared>>
      %dma_wait3A_190 = arith.constant 160 : i32
      %dma_wait3A_191 = arith.constant 0 : i32
      %dma_wait3A_192 = tpu.memref_slice %arg10[%dma_wait3A_190, %dma_wait3A_191] : memref<240x128xf32, #tpu.memory_space<vmem>> -> memref<80x128xf32, #tpu.memory_space<vmem>>
      tpu.wait_dma2 semaphore(%run_scoped3A : memref<!tpu.dma_semaphore, #tpu.memory_space<semaphore_mem>>) src(%dma_wait3A_192 : memref<80x128xf32, #tpu.memory_space<vmem>>) dst(%dma_wait3A_189 : memref<80x128xf32, #tpu.memory_space<vmem_shared>>)
      tpu.yield
    }) : () -> ()
    "tpu.region"() ({
      %run_scoped3A = tpu.sem_alloc : memref<!tpu.dma_semaphore, #tpu.memory_space<semaphore_mem>>
      %dma_start3A_173 = arith.constant 160 : i32
      %dma_start3A_174 = arith.constant 0 : i32
      %dma_start3A_175 = tpu.memref_slice %arg11[%dma_start3A_173, %dma_start3A_174] : memref<240x16xf32, #tpu.memory_space<vmem>> -> memref<80x16xf32, #tpu.memory_space<vmem>>
      %dma_start3A_176 = arith.constant 0 : i32
      %dma_start3A_177 = tpu.memref_slice %arg13[%add3A_118, %dma_start3A_176] : memref<10240x16xf32, #tpu.memory_space<vmem_shared>> -> memref<80x16xf32, #tpu.memory_space<vmem_shared>>
      %dma_start3A_178 = arith.constant 0 : i32
      %dma_start3A_179 = tpu.memref_slice %arg13[%add3A_118, %dma_start3A_178] : memref<10240x16xf32, #tpu.memory_space<vmem_shared>> -> memref<80x16xf32, #tpu.memory_space<vmem_shared>>
      %dma_start3A_180 = arith.constant 160 : i32
      %dma_start3A_181 = arith.constant 0 : i32
      %dma_start3A_182 = tpu.memref_slice %arg11[%dma_start3A_180, %dma_start3A_181] : memref<240x16xf32, #tpu.memory_space<vmem>> -> memref<80x16xf32, #tpu.memory_space<vmem>>
      tpu.enqueue_dma source(%dma_start3A_182 : memref<80x16xf32, #tpu.memory_space<vmem>>) target(%dma_start3A_179 : memref<80x16xf32, #tpu.memory_space<vmem_shared>>) target_semaphore(%run_scoped3A : memref<!tpu.dma_semaphore, #tpu.memory_space<semaphore_mem>>)
      %dma_wait3A_183 = arith.constant 160 : i32
      %dma_wait3A_184 = arith.constant 0 : i32
      %dma_wait3A_185 = tpu.memref_slice %arg11[%dma_wait3A_183, %dma_wait3A_184] : memref<240x16xf32, #tpu.memory_space<vmem>> -> memref<80x16xf32, #tpu.memory_space<vmem>>
      %dma_wait3A_186 = arith.constant 0 : i32
      %dma_wait3A_187 = tpu.memref_slice %arg13[%add3A_118, %dma_wait3A_186] : memref<10240x16xf32, #tpu.memory_space<vmem_shared>> -> memref<80x16xf32, #tpu.memory_space<vmem_shared>>
      %dma_wait3A_188 = arith.constant 0 : i32
      %dma_wait3A_189 = tpu.memref_slice %arg13[%add3A_118, %dma_wait3A_188] : memref<10240x16xf32, #tpu.memory_space<vmem_shared>> -> memref<80x16xf32, #tpu.memory_space<vmem_shared>>
      %dma_wait3A_190 = arith.constant 160 : i32
      %dma_wait3A_191 = arith.constant 0 : i32
      %dma_wait3A_192 = tpu.memref_slice %arg11[%dma_wait3A_190, %dma_wait3A_191] : memref<240x16xf32, #tpu.memory_space<vmem>> -> memref<80x16xf32, #tpu.memory_space<vmem>>
      tpu.wait_dma2 semaphore(%run_scoped3A : memref<!tpu.dma_semaphore, #tpu.memory_space<semaphore_mem>>) src(%dma_wait3A_192 : memref<80x16xf32, #tpu.memory_space<vmem>>) dst(%dma_wait3A_189 : memref<80x16xf32, #tpu.memory_space<vmem_shared>>)
      tpu.yield
    }) : () -> ()
    %mul3A_119 = arith.constant 640 : i32
    %mul3A_120 = arith.muli %arg1, %mul3A_119 : i32
    %add3A_121 = arith.constant 560 : i32
    %add3A_122 = arith.addi %mul3A_120, %add3A_121 : i32
    "tpu.region"() ({
      %run_scoped3A = tpu.sem_alloc : memref<!tpu.dma_semaphore, #tpu.memory_space<semaphore_mem>>
      %dma_start3A_173 = arith.constant 160 : i32
      %dma_start3A_174 = arith.constant 0 : i32
      %dma_start3A_175 = tpu.memref_slice %arg10[%dma_start3A_173, %dma_start3A_174] : memref<240x128xf32, #tpu.memory_space<vmem>> -> memref<80x128xf32, #tpu.memory_space<vmem>>
      %dma_start3A_176 = arith.constant 0 : i32
      %dma_start3A_177 = tpu.memref_slice %arg12[%add3A_122, %dma_start3A_176] : memref<10240x128xf32, #tpu.memory_space<vmem_shared>> -> memref<80x128xf32, #tpu.memory_space<vmem_shared>>
      %dma_start3A_178 = arith.constant 0 : i32
      %dma_start3A_179 = tpu.memref_slice %arg12[%add3A_122, %dma_start3A_178] : memref<10240x128xf32, #tpu.memory_space<vmem_shared>> -> memref<80x128xf32, #tpu.memory_space<vmem_shared>>
      %dma_start3A_180 = arith.constant 160 : i32
      %dma_start3A_181 = arith.constant 0 : i32
      %dma_start3A_182 = tpu.memref_slice %arg10[%dma_start3A_180, %dma_start3A_181] : memref<240x128xf32, #tpu.memory_space<vmem>> -> memref<80x128xf32, #tpu.memory_space<vmem>>
      tpu.enqueue_dma source(%dma_start3A_182 : memref<80x128xf32, #tpu.memory_space<vmem>>) target(%dma_start3A_179 : memref<80x128xf32, #tpu.memory_space<vmem_shared>>) target_semaphore(%run_scoped3A : memref<!tpu.dma_semaphore, #tpu.memory_space<semaphore_mem>>)
      %dma_wait3A_183 = arith.constant 160 : i32
      %dma_wait3A_184 = arith.constant 0 : i32
      %dma_wait3A_185 = tpu.memref_slice %arg10[%dma_wait3A_183, %dma_wait3A_184] : memref<240x128xf32, #tpu.memory_space<vmem>> -> memref<80x128xf32, #tpu.memory_space<vmem>>
      %dma_wait3A_186 = arith.constant 0 : i32
      %dma_wait3A_187 = tpu.memref_slice %arg12[%add3A_122, %dma_wait3A_186] : memref<10240x128xf32, #tpu.memory_space<vmem_shared>> -> memref<80x128xf32, #tpu.memory_space<vmem_shared>>
      %dma_wait3A_188 = arith.constant 0 : i32
      %dma_wait3A_189 = tpu.memref_slice %arg12[%add3A_122, %dma_wait3A_188] : memref<10240x128xf32, #tpu.memory_space<vmem_shared>> -> memref<80x128xf32, #tpu.memory_space<vmem_shared>>
      %dma_wait3A_190 = arith.constant 160 : i32
      %dma_wait3A_191 = arith.constant 0 : i32
      %dma_wait3A_192 = tpu.memref_slice %arg10[%dma_wait3A_190, %dma_wait3A_191] : memref<240x128xf32, #tpu.memory_space<vmem>> -> memref<80x128xf32, #tpu.memory_space<vmem>>
      tpu.wait_dma2 semaphore(%run_scoped3A : memref<!tpu.dma_semaphore, #tpu.memory_space<semaphore_mem>>) src(%dma_wait3A_192 : memref<80x128xf32, #tpu.memory_space<vmem>>) dst(%dma_wait3A_189 : memref<80x128xf32, #tpu.memory_space<vmem_shared>>)
      tpu.yield
    }) : () -> ()
    "tpu.region"() ({
      %run_scoped3A = tpu.sem_alloc : memref<!tpu.dma_semaphore, #tpu.memory_space<semaphore_mem>>
      %dma_start3A_173 = arith.constant 160 : i32
      %dma_start3A_174 = arith.constant 0 : i32
      %dma_start3A_175 = tpu.memref_slice %arg11[%dma_start3A_173, %dma_start3A_174] : memref<240x16xf32, #tpu.memory_space<vmem>> -> memref<80x16xf32, #tpu.memory_space<vmem>>
      %dma_start3A_176 = arith.constant 0 : i32
      %dma_start3A_177 = tpu.memref_slice %arg13[%add3A_122, %dma_start3A_176] : memref<10240x16xf32, #tpu.memory_space<vmem_shared>> -> memref<80x16xf32, #tpu.memory_space<vmem_shared>>
      %dma_start3A_178 = arith.constant 0 : i32
      %dma_start3A_179 = tpu.memref_slice %arg13[%add3A_122, %dma_start3A_178] : memref<10240x16xf32, #tpu.memory_space<vmem_shared>> -> memref<80x16xf32, #tpu.memory_space<vmem_shared>>
      %dma_start3A_180 = arith.constant 160 : i32
      %dma_start3A_181 = arith.constant 0 : i32
      %dma_start3A_182 = tpu.memref_slice %arg11[%dma_start3A_180, %dma_start3A_181] : memref<240x16xf32, #tpu.memory_space<vmem>> -> memref<80x16xf32, #tpu.memory_space<vmem>>
      tpu.enqueue_dma source(%dma_start3A_182 : memref<80x16xf32, #tpu.memory_space<vmem>>) target(%dma_start3A_179 : memref<80x16xf32, #tpu.memory_space<vmem_shared>>) target_semaphore(%run_scoped3A : memref<!tpu.dma_semaphore, #tpu.memory_space<semaphore_mem>>)
      %dma_wait3A_183 = arith.constant 160 : i32
      %dma_wait3A_184 = arith.constant 0 : i32
      %dma_wait3A_185 = tpu.memref_slice %arg11[%dma_wait3A_183, %dma_wait3A_184] : memref<240x16xf32, #tpu.memory_space<vmem>> -> memref<80x16xf32, #tpu.memory_space<vmem>>
      %dma_wait3A_186 = arith.constant 0 : i32
      %dma_wait3A_187 = tpu.memref_slice %arg13[%add3A_122, %dma_wait3A_186] : memref<10240x16xf32, #tpu.memory_space<vmem_shared>> -> memref<80x16xf32, #tpu.memory_space<vmem_shared>>
      %dma_wait3A_188 = arith.constant 0 : i32
      %dma_wait3A_189 = tpu.memref_slice %arg13[%add3A_122, %dma_wait3A_188] : memref<10240x16xf32, #tpu.memory_space<vmem_shared>> -> memref<80x16xf32, #tpu.memory_space<vmem_shared>>
      %dma_wait3A_190 = arith.constant 160 : i32
      %dma_wait3A_191 = arith.constant 0 : i32
      %dma_wait3A_192 = tpu.memref_slice %arg11[%dma_wait3A_190, %dma_wait3A_191] : memref<240x16xf32, #tpu.memory_space<vmem>> -> memref<80x16xf32, #tpu.memory_space<vmem>>
      tpu.wait_dma2 semaphore(%run_scoped3A : memref<!tpu.dma_semaphore, #tpu.memory_space<semaphore_mem>>) src(%dma_wait3A_192 : memref<80x16xf32, #tpu.memory_space<vmem>>) dst(%dma_wait3A_189 : memref<80x16xf32, #tpu.memory_space<vmem_shared>>)
      tpu.yield
    }) : () -> ()
    %barrier3A = arith.constant 0 : index
    tpu.barrier barrier_id(%barrier3A)
    %iota3A = tpu.iota {dimensions = array<i32: 0>} : vector<16xi32>
    %eq3A = arith.constant 0 : i32
    %eq3A_123 = vector.broadcast %eq3A : i32 to vector<16xi32>
    %eq3A_124 = arith.cmpi eq, %iota3A, %eq3A_123 : vector<16xi32>
    %scan3A_125 = arith.constant 0 : i32
    %scan3A_126 = arith.constant 125 : i32
    %scan3A_127 = arith.addi %scan3A_125, %scan3A_126 : i32
    %scan3A_128 = arith.constant 1 : i32
    scf.for %scan3A_173 = %scan3A_125 to %scan3A_127 step %scan3A_128  : i32 {
      %mul3A_174 = arith.constant 1 : i32
      %mul3A_175 = arith.muli %scan3A_173, %mul3A_174 : i32
      %add3A_176 = arith.constant 0 : i32
      %add3A_177 = arith.addi %add3A_176, %mul3A_175 : i32
      %jit3A = arith.constant 5 : i32
      %eq3A_178 = arith.constant 0 : i32
      %eq3A_179 = arith.cmpi eq, %jit3A, %eq3A_178 : i32
      %jit3A_180 = arith.constant 1 : i32
      %select_n3A = arith.select %eq3A_179, %jit3A_180, %jit3A : i32
      %rem3A = arith.remsi %add3A_177, %select_n3A : i32
      %ne3A = arith.constant 0 : i32
      %ne3A_181 = arith.cmpi ne, %rem3A, %ne3A : i32
      %lt3A = arith.constant 0 : i32
      %lt3A_182 = arith.cmpi slt, %rem3A, %lt3A : i32
      %lt3A_183 = arith.constant 0 : i32
      %lt3A_184 = arith.cmpi slt, %select_n3A, %lt3A_183 : i32
      %ne3A_185 = arith.xori %lt3A_182, %lt3A_184 : i1
      %and3A = arith.andi %ne3A_185, %ne3A_181 : i1
      %add3A_186 = arith.addi %rem3A, %select_n3A : i32
      %select_n3A_187 = arith.select %and3A, %add3A_186, %rem3A : i32
      %jit3A_188 = arith.constant 5 : i32
      %div3A = arith.divsi %add3A_177, %jit3A_188 : i32
      %sign3A = arith.constant 0 : i32
      %sign3A_189 = arith.cmpi sgt, %add3A_177, %sign3A : i32
      %sign3A_190 = arith.extui %sign3A_189 : i1 to i32
      %sign3A_191 = arith.constant 0 : i32
      %sign3A_192 = arith.cmpi slt, %add3A_177, %sign3A_191 : i32
      %sign3A_193 = arith.extui %sign3A_192 : i1 to i32
      %sign3A_194 = arith.subi %sign3A_190, %sign3A_193 : i32
      %sign3A_195 = arith.constant 0 : i32
      %sign3A_196 = arith.cmpi sgt, %jit3A_188, %sign3A_195 : i32
      %sign3A_197 = arith.extui %sign3A_196 : i1 to i32
      %sign3A_198 = arith.constant 0 : i32
      %sign3A_199 = arith.cmpi slt, %jit3A_188, %sign3A_198 : i32
      %sign3A_200 = arith.extui %sign3A_199 : i1 to i32
      %sign3A_201 = arith.subi %sign3A_197, %sign3A_200 : i32
      %ne3A_202 = arith.cmpi ne, %sign3A_194, %sign3A_201 : i32
      %rem3A_203 = arith.remsi %add3A_177, %jit3A_188 : i32
      %ne3A_204 = arith.constant 0 : i32
      %ne3A_205 = arith.cmpi ne, %rem3A_203, %ne3A_204 : i32
      %and3A_206 = arith.andi %ne3A_202, %ne3A_205 : i1
      %sub3A = arith.constant 1 : i32
      %sub3A_207 = arith.subi %div3A, %sub3A : i32
      %select_n3A_208 = arith.select %and3A_206, %sub3A_207, %div3A : i32
      %eq3A_209 = arith.constant 2 : i32
      %eq3A_210 = arith.cmpi eq, %select_n3A_187, %eq3A_209 : i32
      %add3A_211 = arith.constant 3 : i32
      %add3A_212 = arith.addi %add3A_177, %add3A_211 : i32
      %lt3A_213 = arith.constant 125 : i32
      %lt3A_214 = arith.cmpi slt, %add3A_212, %lt3A_213 : i32
      %and3A_215 = arith.andi %eq3A_210, %lt3A_214 : i1
      %convert_element_type3A = arith.extui %and3A_215 : i1 to i32
      %cond3A = arith.constant 0 : i32
      %cond3A_216 = arith.cmpi ne, %convert_element_type3A, %cond3A : i32
      scf.if %cond3A_216 {
        %add3A_575 = arith.constant 1 : i32
        %add3A_576 = arith.addi %select_n3A_208, %add3A_575 : i32
        %add3A_577 = arith.constant 1 : i32
        %add3A_578 = arith.addi %select_n3A_208, %add3A_577 : i32
        %jit3A_579 = arith.constant 2 : i32
        %eq3A_580 = arith.constant 0 : i32
        %eq3A_581 = arith.cmpi eq, %jit3A_579, %eq3A_580 : i32
        %jit3A_582 = arith.constant 1 : i32
        %select_n3A_583 = arith.select %eq3A_581, %jit3A_582, %jit3A_579 : i32
        %rem3A_584 = arith.remsi %add3A_578, %select_n3A_583 : i32
        %ne3A_585 = arith.constant 0 : i32
        %ne3A_586 = arith.cmpi ne, %rem3A_584, %ne3A_585 : i32
        %lt3A_587 = arith.constant 0 : i32
        %lt3A_588 = arith.cmpi slt, %rem3A_584, %lt3A_587 : i32
        %lt3A_589 = arith.constant 0 : i32
        %lt3A_590 = arith.cmpi slt, %select_n3A_583, %lt3A_589 : i32
        %ne3A_591 = arith.xori %lt3A_588, %lt3A_590 : i1
        %and3A_592 = arith.andi %ne3A_591, %ne3A_586 : i1
        %add3A_593 = arith.addi %rem3A_584, %select_n3A_583 : i32
        %select_n3A_594 = arith.select %and3A_592, %add3A_593, %rem3A_584 : i32
        %mul3A_595 = arith.constant 5 : i32
        %mul3A_596 = arith.muli %mul3A_595, %add3A_576 : i32
        %add3A_597 = arith.addi %mul3A_2, %mul3A_596 : i32
        %mul3A_598 = arith.constant 5 : i32
        %mul3A_599 = arith.muli %select_n3A_594, %mul3A_598 : i32
        %mul3A_600 = arith.constant 5 : i32
        %mul3A_601 = arith.muli %select_n3A_594, %mul3A_600 : i32
        %mul3A_602 = arith.constant 5 : i32
        %mul3A_603 = arith.muli %select_n3A_594, %mul3A_602 : i32
        %dma_start3A_604 = arith.constant 0 : i32
        %dma_start3A_605 = arith.constant 0 : i32
        %dma_start3A_606 = tpu.memref_slice %arg7[%mul3A_599, %dma_start3A_605] : memref<10x80xi32, #tpu.memory_space<vmem>> -> memref<5x80xi32, #tpu.memory_space<vmem>>
        %dma_start3A_607 = arith.constant 0 : i32
        %dma_start3A_608 = tpu.memref_slice %arg3[%dma_start3A_604, %add3A_597, %dma_start3A_607] : memref<2x4000x80xi32, #tpu.memory_space<hbm>> -> memref<1x5x80xi32, #tpu.memory_space<hbm>>
        %dma_start3A_609 = tpu.memref_squeeze %dma_start3A_608 : memref<1x5x80xi32, #tpu.memory_space<hbm>> -> memref<5x80xi32, #tpu.memory_space<hbm>>
        %dma_start3A_610 = arith.constant 0 : i32
        %dma_start3A_611 = tpu.memref_slice %arg7[%mul3A_599, %dma_start3A_610] : memref<10x80xi32, #tpu.memory_space<vmem>> -> memref<5x80xi32, #tpu.memory_space<vmem>>
        %dma_start3A_612 = arith.constant 0 : i32
        %dma_start3A_613 = tpu.memref_slice %arg3[%dma_start3A_604, %add3A_597, %dma_start3A_612] : memref<2x4000x80xi32, #tpu.memory_space<hbm>> -> memref<1x5x80xi32, #tpu.memory_space<hbm>>
        %dma_start3A_614 = tpu.memref_squeeze %dma_start3A_613 : memref<1x5x80xi32, #tpu.memory_space<hbm>> -> memref<5x80xi32, #tpu.memory_space<hbm>>
        tpu.enqueue_dma source(%dma_start3A_614 : memref<5x80xi32, #tpu.memory_space<hbm>>) target(%dma_start3A_611 : memref<5x80xi32, #tpu.memory_space<vmem>>) target_semaphore(%arg14 : memref<!tpu.dma_semaphore, #tpu.memory_space<semaphore_mem>>)
        %dma_start3A_615 = arith.constant 1 : i32
        %dma_start3A_616 = arith.constant 0 : i32
        %dma_start3A_617 = tpu.memref_slice %arg8[%mul3A_601, %dma_start3A_616] : memref<10x80xi32, #tpu.memory_space<vmem>> -> memref<5x80xi32, #tpu.memory_space<vmem>>
        %dma_start3A_618 = arith.constant 0 : i32
        %dma_start3A_619 = tpu.memref_slice %arg3[%dma_start3A_615, %add3A_597, %dma_start3A_618] : memref<2x4000x80xi32, #tpu.memory_space<hbm>> -> memref<1x5x80xi32, #tpu.memory_space<hbm>>
        %dma_start3A_620 = tpu.memref_squeeze %dma_start3A_619 : memref<1x5x80xi32, #tpu.memory_space<hbm>> -> memref<5x80xi32, #tpu.memory_space<hbm>>
        %dma_start3A_621 = arith.constant 0 : i32
        %dma_start3A_622 = tpu.memref_slice %arg8[%mul3A_601, %dma_start3A_621] : memref<10x80xi32, #tpu.memory_space<vmem>> -> memref<5x80xi32, #tpu.memory_space<vmem>>
        %dma_start3A_623 = arith.constant 0 : i32
        %dma_start3A_624 = tpu.memref_slice %arg3[%dma_start3A_615, %add3A_597, %dma_start3A_623] : memref<2x4000x80xi32, #tpu.memory_space<hbm>> -> memref<1x5x80xi32, #tpu.memory_space<hbm>>
        %dma_start3A_625 = tpu.memref_squeeze %dma_start3A_624 : memref<1x5x80xi32, #tpu.memory_space<hbm>> -> memref<5x80xi32, #tpu.memory_space<hbm>>
        tpu.enqueue_dma source(%dma_start3A_625 : memref<5x80xi32, #tpu.memory_space<hbm>>) target(%dma_start3A_622 : memref<5x80xi32, #tpu.memory_space<vmem>>) target_semaphore(%arg14 : memref<!tpu.dma_semaphore, #tpu.memory_space<semaphore_mem>>)
        %dma_start3A_626 = arith.constant 0 : i32
        %dma_start3A_627 = tpu.memref_slice %arg9[%mul3A_603, %dma_start3A_626] : memref<10x80xf32, #tpu.memory_space<vmem>> -> memref<5x80xf32, #tpu.memory_space<vmem>>
        %dma_start3A_628 = arith.constant 0 : i32
        %dma_start3A_629 = tpu.memref_slice %arg4[%add3A_597, %dma_start3A_628] : memref<4000x80xf32, #tpu.memory_space<hbm>> -> memref<5x80xf32, #tpu.memory_space<hbm>>
        %dma_start3A_630 = arith.constant 0 : i32
        %dma_start3A_631 = tpu.memref_slice %arg9[%mul3A_603, %dma_start3A_630] : memref<10x80xf32, #tpu.memory_space<vmem>> -> memref<5x80xf32, #tpu.memory_space<vmem>>
        %dma_start3A_632 = arith.constant 0 : i32
        %dma_start3A_633 = tpu.memref_slice %arg4[%add3A_597, %dma_start3A_632] : memref<4000x80xf32, #tpu.memory_space<hbm>> -> memref<5x80xf32, #tpu.memory_space<hbm>>
        tpu.enqueue_dma source(%dma_start3A_633 : memref<5x80xf32, #tpu.memory_space<hbm>>) target(%dma_start3A_631 : memref<5x80xf32, #tpu.memory_space<vmem>>) target_semaphore(%arg14 : memref<!tpu.dma_semaphore, #tpu.memory_space<semaphore_mem>>)
      } else {
      }
      %eq3A_217 = arith.constant 4 : i32
      %eq3A_218 = arith.cmpi eq, %select_n3A_187, %eq3A_217 : i32
      %add3A_219 = arith.constant 1 : i32
      %add3A_220 = arith.addi %add3A_177, %add3A_219 : i32
      %lt3A_221 = arith.constant 125 : i32
      %lt3A_222 = arith.cmpi slt, %add3A_220, %lt3A_221 : i32
      %and3A_223 = arith.andi %eq3A_218, %lt3A_222 : i1
      %convert_element_type3A_224 = arith.extui %and3A_223 : i1 to i32
      %cond3A_225 = arith.constant 0 : i32
      %cond3A_226 = arith.cmpi ne, %convert_element_type3A_224, %cond3A_225 : i32
      scf.if %cond3A_226 {
        %add3A_575 = arith.constant 1 : i32
        %add3A_576 = arith.addi %select_n3A_208, %add3A_575 : i32
        %add3A_577 = arith.constant 1 : i32
        %add3A_578 = arith.addi %select_n3A_208, %add3A_577 : i32
        %jit3A_579 = arith.constant 2 : i32
        %eq3A_580 = arith.constant 0 : i32
        %eq3A_581 = arith.cmpi eq, %jit3A_579, %eq3A_580 : i32
        %jit3A_582 = arith.constant 1 : i32
        %select_n3A_583 = arith.select %eq3A_581, %jit3A_582, %jit3A_579 : i32
        %rem3A_584 = arith.remsi %add3A_578, %select_n3A_583 : i32
        %ne3A_585 = arith.constant 0 : i32
        %ne3A_586 = arith.cmpi ne, %rem3A_584, %ne3A_585 : i32
        %lt3A_587 = arith.constant 0 : i32
        %lt3A_588 = arith.cmpi slt, %rem3A_584, %lt3A_587 : i32
        %lt3A_589 = arith.constant 0 : i32
        %lt3A_590 = arith.cmpi slt, %select_n3A_583, %lt3A_589 : i32
        %ne3A_591 = arith.xori %lt3A_588, %lt3A_590 : i1
        %and3A_592 = arith.andi %ne3A_591, %ne3A_586 : i1
        %add3A_593 = arith.addi %rem3A_584, %select_n3A_583 : i32
        %select_n3A_594 = arith.select %and3A_592, %add3A_593, %rem3A_584 : i32
        %mul3A_595 = arith.constant 5 : i32
        %mul3A_596 = arith.muli %mul3A_595, %add3A_576 : i32
        %add3A_597 = arith.addi %mul3A_2, %mul3A_596 : i32
        %mul3A_598 = arith.constant 5 : i32
        %mul3A_599 = arith.muli %select_n3A_594, %mul3A_598 : i32
        %mul3A_600 = arith.constant 5 : i32
        %mul3A_601 = arith.muli %select_n3A_594, %mul3A_600 : i32
        %mul3A_602 = arith.constant 5 : i32
        %mul3A_603 = arith.muli %select_n3A_594, %mul3A_602 : i32
        %dma_wait3A_604 = arith.constant 0 : i32
        %dma_wait3A_605 = arith.constant 0 : i32
        %dma_wait3A_606 = tpu.memref_slice %arg7[%mul3A_599, %dma_wait3A_605] : memref<10x80xi32, #tpu.memory_space<vmem>> -> memref<5x80xi32, #tpu.memory_space<vmem>>
        %dma_wait3A_607 = arith.constant 0 : i32
        %dma_wait3A_608 = tpu.memref_slice %arg3[%dma_wait3A_604, %add3A_597, %dma_wait3A_607] : memref<2x4000x80xi32, #tpu.memory_space<hbm>> -> memref<1x5x80xi32, #tpu.memory_space<hbm>>
        %dma_wait3A_609 = tpu.memref_squeeze %dma_wait3A_608 : memref<1x5x80xi32, #tpu.memory_space<hbm>> -> memref<5x80xi32, #tpu.memory_space<hbm>>
        %dma_wait3A_610 = arith.constant 0 : i32
        %dma_wait3A_611 = tpu.memref_slice %arg7[%mul3A_599, %dma_wait3A_610] : memref<10x80xi32, #tpu.memory_space<vmem>> -> memref<5x80xi32, #tpu.memory_space<vmem>>
        %dma_wait3A_612 = arith.constant 0 : i32
        %dma_wait3A_613 = tpu.memref_slice %arg3[%dma_wait3A_604, %add3A_597, %dma_wait3A_612] : memref<2x4000x80xi32, #tpu.memory_space<hbm>> -> memref<1x5x80xi32, #tpu.memory_space<hbm>>
        %dma_wait3A_614 = tpu.memref_squeeze %dma_wait3A_613 : memref<1x5x80xi32, #tpu.memory_space<hbm>> -> memref<5x80xi32, #tpu.memory_space<hbm>>
        tpu.wait_dma2 semaphore(%arg14 : memref<!tpu.dma_semaphore, #tpu.memory_space<semaphore_mem>>) src(%dma_wait3A_614 : memref<5x80xi32, #tpu.memory_space<hbm>>) dst(%dma_wait3A_611 : memref<5x80xi32, #tpu.memory_space<vmem>>)
        %dma_wait3A_615 = arith.constant 1 : i32
        %dma_wait3A_616 = arith.constant 0 : i32
        %dma_wait3A_617 = tpu.memref_slice %arg8[%mul3A_601, %dma_wait3A_616] : memref<10x80xi32, #tpu.memory_space<vmem>> -> memref<5x80xi32, #tpu.memory_space<vmem>>
        %dma_wait3A_618 = arith.constant 0 : i32
        %dma_wait3A_619 = tpu.memref_slice %arg3[%dma_wait3A_615, %add3A_597, %dma_wait3A_618] : memref<2x4000x80xi32, #tpu.memory_space<hbm>> -> memref<1x5x80xi32, #tpu.memory_space<hbm>>
        %dma_wait3A_620 = tpu.memref_squeeze %dma_wait3A_619 : memref<1x5x80xi32, #tpu.memory_space<hbm>> -> memref<5x80xi32, #tpu.memory_space<hbm>>
        %dma_wait3A_621 = arith.constant 0 : i32
        %dma_wait3A_622 = tpu.memref_slice %arg8[%mul3A_601, %dma_wait3A_621] : memref<10x80xi32, #tpu.memory_space<vmem>> -> memref<5x80xi32, #tpu.memory_space<vmem>>
        %dma_wait3A_623 = arith.constant 0 : i32
        %dma_wait3A_624 = tpu.memref_slice %arg3[%dma_wait3A_615, %add3A_597, %dma_wait3A_623] : memref<2x4000x80xi32, #tpu.memory_space<hbm>> -> memref<1x5x80xi32, #tpu.memory_space<hbm>>
        %dma_wait3A_625 = tpu.memref_squeeze %dma_wait3A_624 : memref<1x5x80xi32, #tpu.memory_space<hbm>> -> memref<5x80xi32, #tpu.memory_space<hbm>>
        tpu.wait_dma2 semaphore(%arg14 : memref<!tpu.dma_semaphore, #tpu.memory_space<semaphore_mem>>) src(%dma_wait3A_625 : memref<5x80xi32, #tpu.memory_space<hbm>>) dst(%dma_wait3A_622 : memref<5x80xi32, #tpu.memory_space<vmem>>)
        %dma_wait3A_626 = arith.constant 0 : i32
        %dma_wait3A_627 = tpu.memref_slice %arg9[%mul3A_603, %dma_wait3A_626] : memref<10x80xf32, #tpu.memory_space<vmem>> -> memref<5x80xf32, #tpu.memory_space<vmem>>
        %dma_wait3A_628 = arith.constant 0 : i32
        %dma_wait3A_629 = tpu.memref_slice %arg4[%add3A_597, %dma_wait3A_628] : memref<4000x80xf32, #tpu.memory_space<hbm>> -> memref<5x80xf32, #tpu.memory_space<hbm>>
        %dma_wait3A_630 = arith.constant 0 : i32
        %dma_wait3A_631 = tpu.memref_slice %arg9[%mul3A_603, %dma_wait3A_630] : memref<10x80xf32, #tpu.memory_space<vmem>> -> memref<5x80xf32, #tpu.memory_space<vmem>>
        %dma_wait3A_632 = arith.constant 0 : i32
        %dma_wait3A_633 = tpu.memref_slice %arg4[%add3A_597, %dma_wait3A_632] : memref<4000x80xf32, #tpu.memory_space<hbm>> -> memref<5x80xf32, #tpu.memory_space<hbm>>
        tpu.wait_dma2 semaphore(%arg14 : memref<!tpu.dma_semaphore, #tpu.memory_space<semaphore_mem>>) src(%dma_wait3A_633 : memref<5x80xf32, #tpu.memory_space<hbm>>) dst(%dma_wait3A_631 : memref<5x80xf32, #tpu.memory_space<vmem>>)
      } else {
      }
      %ge3A = arith.constant 2 : i32
      %ge3A_227 = arith.cmpi sge, %add3A_177, %ge3A : i32
      %convert_element_type3A_228 = arith.extui %ge3A_227 : i1 to i32
      %cond3A_229 = arith.constant 0 : i32
      %cond3A_230 = arith.cmpi ne, %convert_element_type3A_228, %cond3A_229 : i32
      scf.if %cond3A_230 {
        %sub3A_575 = arith.constant 2 : i32
        %sub3A_576 = arith.subi %add3A_177, %sub3A_575 : i32
        %jit3A_577 = arith.constant 5 : i32
        %eq3A_578 = arith.constant 0 : i32
        %eq3A_579 = arith.cmpi eq, %jit3A_577, %eq3A_578 : i32
        %jit3A_580 = arith.constant 1 : i32
        %select_n3A_581 = arith.select %eq3A_579, %jit3A_580, %jit3A_577 : i32
        %rem3A_582 = arith.remsi %sub3A_576, %select_n3A_581 : i32
        %ne3A_583 = arith.constant 0 : i32
        %ne3A_584 = arith.cmpi ne, %rem3A_582, %ne3A_583 : i32
        %lt3A_585 = arith.constant 0 : i32
        %lt3A_586 = arith.cmpi slt, %rem3A_582, %lt3A_585 : i32
        %lt3A_587 = arith.constant 0 : i32
        %lt3A_588 = arith.cmpi slt, %select_n3A_581, %lt3A_587 : i32
        %ne3A_589 = arith.xori %lt3A_586, %lt3A_588 : i1
        %and3A_590 = arith.andi %ne3A_589, %ne3A_584 : i1
        %add3A_591 = arith.addi %rem3A_582, %select_n3A_581 : i32
        %select_n3A_592 = arith.select %and3A_590, %add3A_591, %rem3A_582 : i32
        %jit3A_593 = arith.constant 5 : i32
        %div3A_594 = arith.divsi %sub3A_576, %jit3A_593 : i32
        %sign3A_595 = arith.constant 0 : i32
        %sign3A_596 = arith.cmpi sgt, %sub3A_576, %sign3A_595 : i32
        %sign3A_597 = arith.extui %sign3A_596 : i1 to i32
        %sign3A_598 = arith.constant 0 : i32
        %sign3A_599 = arith.cmpi slt, %sub3A_576, %sign3A_598 : i32
        %sign3A_600 = arith.extui %sign3A_599 : i1 to i32
        %sign3A_601 = arith.subi %sign3A_597, %sign3A_600 : i32
        %sign3A_602 = arith.constant 0 : i32
        %sign3A_603 = arith.cmpi sgt, %jit3A_593, %sign3A_602 : i32
        %sign3A_604 = arith.extui %sign3A_603 : i1 to i32
        %sign3A_605 = arith.constant 0 : i32
        %sign3A_606 = arith.cmpi slt, %jit3A_593, %sign3A_605 : i32
        %sign3A_607 = arith.extui %sign3A_606 : i1 to i32
        %sign3A_608 = arith.subi %sign3A_604, %sign3A_607 : i32
        %ne3A_609 = arith.cmpi ne, %sign3A_601, %sign3A_608 : i32
        %rem3A_610 = arith.remsi %sub3A_576, %jit3A_593 : i32
        %ne3A_611 = arith.constant 0 : i32
        %ne3A_612 = arith.cmpi ne, %rem3A_610, %ne3A_611 : i32
        %and3A_613 = arith.andi %ne3A_609, %ne3A_612 : i1
        %sub3A_614 = arith.constant 1 : i32
        %sub3A_615 = arith.subi %div3A_594, %sub3A_614 : i32
        %select_n3A_616 = arith.select %and3A_613, %sub3A_615, %div3A_594 : i32
        %jit3A_617 = arith.constant 2 : i32
        %eq3A_618 = arith.constant 0 : i32
        %eq3A_619 = arith.cmpi eq, %jit3A_617, %eq3A_618 : i32
        %jit3A_620 = arith.constant 1 : i32
        %select_n3A_621 = arith.select %eq3A_619, %jit3A_620, %jit3A_617 : i32
        %rem3A_622 = arith.remsi %select_n3A_616, %select_n3A_621 : i32
        %ne3A_623 = arith.constant 0 : i32
        %ne3A_624 = arith.cmpi ne, %rem3A_622, %ne3A_623 : i32
        %lt3A_625 = arith.constant 0 : i32
        %lt3A_626 = arith.cmpi slt, %rem3A_622, %lt3A_625 : i32
        %lt3A_627 = arith.constant 0 : i32
        %lt3A_628 = arith.cmpi slt, %select_n3A_621, %lt3A_627 : i32
        %ne3A_629 = arith.xori %lt3A_626, %lt3A_628 : i1
        %and3A_630 = arith.andi %ne3A_629, %ne3A_624 : i1
        %add3A_631 = arith.addi %rem3A_622, %select_n3A_621 : i32
        %select_n3A_632 = arith.select %and3A_630, %add3A_631, %rem3A_622 : i32
        %mul3A_633 = arith.constant 5 : i32
        %mul3A_634 = arith.muli %mul3A_633, %select_n3A_632 : i32
        %add3A_635 = arith.addi %select_n3A_592, %mul3A_634 : i32
        %jit3A_636 = arith.constant 3 : i32
        %eq3A_637 = arith.constant 0 : i32
        %eq3A_638 = arith.cmpi eq, %jit3A_636, %eq3A_637 : i32
        %jit3A_639 = arith.constant 1 : i32
        %select_n3A_640 = arith.select %eq3A_638, %jit3A_639, %jit3A_636 : i32
        %rem3A_641 = arith.remsi %sub3A_576, %select_n3A_640 : i32
        %ne3A_642 = arith.constant 0 : i32
        %ne3A_643 = arith.cmpi ne, %rem3A_641, %ne3A_642 : i32
        %lt3A_644 = arith.constant 0 : i32
        %lt3A_645 = arith.cmpi slt, %rem3A_641, %lt3A_644 : i32
        %lt3A_646 = arith.constant 0 : i32
        %lt3A_647 = arith.cmpi slt, %select_n3A_640, %lt3A_646 : i32
        %ne3A_648 = arith.xori %lt3A_645, %lt3A_647 : i1
        %and3A_649 = arith.andi %ne3A_648, %ne3A_643 : i1
        %add3A_650 = arith.addi %rem3A_641, %select_n3A_640 : i32
        %select_n3A_651 = arith.select %and3A_649, %add3A_650, %rem3A_641 : i32
        %mul3A_652 = arith.constant 80 : i32
        %mul3A_653 = arith.muli %select_n3A_651, %mul3A_652 : i32
        %dma_wait3A_654 = arith.constant 0 : i32
        %dma_wait3A_655 = tpu.memref_slice %arg10[%mul3A_653, %dma_wait3A_654] : memref<240x128xf32, #tpu.memory_space<vmem>> -> memref<80x128xf32, #tpu.memory_space<vmem>>
        %dma_wait3A_656 = arith.constant 0 : i32
        %dma_wait3A_657 = tpu.memref_slice %arg8[%add3A_635, %dma_wait3A_656] : memref<10x80xi32, #tpu.memory_space<vmem>> -> memref<1x80xi32, #tpu.memory_space<vmem>>
        %dma_wait3A_658 = tpu.memref_squeeze %dma_wait3A_657 : memref<1x80xi32, #tpu.memory_space<vmem>> -> memref<80xi32, #tpu.memory_space<vmem>>
        %dma_wait3A_659 = arith.constant 0 : i32
        %dma_wait3A_660 = arith.constant 0 : i32
        %dma_wait3A_661 = tpu.memref_slice %arg12[%dma_wait3A_659, %dma_wait3A_660] : memref<10240x128xf32, #tpu.memory_space<vmem_shared>> -> memref<10240x128xf32, #tpu.memory_space<vmem_shared>>
        tpu.wait_indirect_dma semaphore(%arg16 : memref<!tpu.dma_semaphore, #tpu.memory_space<semaphore_mem>>) src(%dma_wait3A_655 : memref<80x128xf32, #tpu.memory_space<vmem>>) dst(%dma_wait3A_661 : memref<10240x128xf32, #tpu.memory_space<vmem_shared>>)
        %sub3A_662 = arith.constant 2 : i32
        %sub3A_663 = arith.subi %add3A_177, %sub3A_662 : i32
        %jit3A_664 = arith.constant 5 : i32
        %eq3A_665 = arith.constant 0 : i32
        %eq3A_666 = arith.cmpi eq, %jit3A_664, %eq3A_665 : i32
        %jit3A_667 = arith.constant 1 : i32
        %select_n3A_668 = arith.select %eq3A_666, %jit3A_667, %jit3A_664 : i32
        %rem3A_669 = arith.remsi %sub3A_663, %select_n3A_668 : i32
        %ne3A_670 = arith.constant 0 : i32
        %ne3A_671 = arith.cmpi ne, %rem3A_669, %ne3A_670 : i32
        %lt3A_672 = arith.constant 0 : i32
        %lt3A_673 = arith.cmpi slt, %rem3A_669, %lt3A_672 : i32
        %lt3A_674 = arith.constant 0 : i32
        %lt3A_675 = arith.cmpi slt, %select_n3A_668, %lt3A_674 : i32
        %ne3A_676 = arith.xori %lt3A_673, %lt3A_675 : i1
        %and3A_677 = arith.andi %ne3A_676, %ne3A_671 : i1
        %add3A_678 = arith.addi %rem3A_669, %select_n3A_668 : i32
        %select_n3A_679 = arith.select %and3A_677, %add3A_678, %rem3A_669 : i32
        %jit3A_680 = arith.constant 5 : i32
        %div3A_681 = arith.divsi %sub3A_663, %jit3A_680 : i32
        %sign3A_682 = arith.constant 0 : i32
        %sign3A_683 = arith.cmpi sgt, %sub3A_663, %sign3A_682 : i32
        %sign3A_684 = arith.extui %sign3A_683 : i1 to i32
        %sign3A_685 = arith.constant 0 : i32
        %sign3A_686 = arith.cmpi slt, %sub3A_663, %sign3A_685 : i32
        %sign3A_687 = arith.extui %sign3A_686 : i1 to i32
        %sign3A_688 = arith.subi %sign3A_684, %sign3A_687 : i32
        %sign3A_689 = arith.constant 0 : i32
        %sign3A_690 = arith.cmpi sgt, %jit3A_680, %sign3A_689 : i32
        %sign3A_691 = arith.extui %sign3A_690 : i1 to i32
        %sign3A_692 = arith.constant 0 : i32
        %sign3A_693 = arith.cmpi slt, %jit3A_680, %sign3A_692 : i32
        %sign3A_694 = arith.extui %sign3A_693 : i1 to i32
        %sign3A_695 = arith.subi %sign3A_691, %sign3A_694 : i32
        %ne3A_696 = arith.cmpi ne, %sign3A_688, %sign3A_695 : i32
        %rem3A_697 = arith.remsi %sub3A_663, %jit3A_680 : i32
        %ne3A_698 = arith.constant 0 : i32
        %ne3A_699 = arith.cmpi ne, %rem3A_697, %ne3A_698 : i32
        %and3A_700 = arith.andi %ne3A_696, %ne3A_699 : i1
        %sub3A_701 = arith.constant 1 : i32
        %sub3A_702 = arith.subi %div3A_681, %sub3A_701 : i32
        %select_n3A_703 = arith.select %and3A_700, %sub3A_702, %div3A_681 : i32
        %jit3A_704 = arith.constant 2 : i32
        %eq3A_705 = arith.constant 0 : i32
        %eq3A_706 = arith.cmpi eq, %jit3A_704, %eq3A_705 : i32
        %jit3A_707 = arith.constant 1 : i32
        %select_n3A_708 = arith.select %eq3A_706, %jit3A_707, %jit3A_704 : i32
        %rem3A_709 = arith.remsi %select_n3A_703, %select_n3A_708 : i32
        %ne3A_710 = arith.constant 0 : i32
        %ne3A_711 = arith.cmpi ne, %rem3A_709, %ne3A_710 : i32
        %lt3A_712 = arith.constant 0 : i32
        %lt3A_713 = arith.cmpi slt, %rem3A_709, %lt3A_712 : i32
        %lt3A_714 = arith.constant 0 : i32
        %lt3A_715 = arith.cmpi slt, %select_n3A_708, %lt3A_714 : i32
        %ne3A_716 = arith.xori %lt3A_713, %lt3A_715 : i1
        %and3A_717 = arith.andi %ne3A_716, %ne3A_711 : i1
        %add3A_718 = arith.addi %rem3A_709, %select_n3A_708 : i32
        %select_n3A_719 = arith.select %and3A_717, %add3A_718, %rem3A_709 : i32
        %mul3A_720 = arith.constant 5 : i32
        %mul3A_721 = arith.muli %mul3A_720, %select_n3A_719 : i32
        %add3A_722 = arith.addi %select_n3A_679, %mul3A_721 : i32
        %jit3A_723 = arith.constant 3 : i32
        %eq3A_724 = arith.constant 0 : i32
        %eq3A_725 = arith.cmpi eq, %jit3A_723, %eq3A_724 : i32
        %jit3A_726 = arith.constant 1 : i32
        %select_n3A_727 = arith.select %eq3A_725, %jit3A_726, %jit3A_723 : i32
        %rem3A_728 = arith.remsi %sub3A_663, %select_n3A_727 : i32
        %ne3A_729 = arith.constant 0 : i32
        %ne3A_730 = arith.cmpi ne, %rem3A_728, %ne3A_729 : i32
        %lt3A_731 = arith.constant 0 : i32
        %lt3A_732 = arith.cmpi slt, %rem3A_728, %lt3A_731 : i32
        %lt3A_733 = arith.constant 0 : i32
        %lt3A_734 = arith.cmpi slt, %select_n3A_727, %lt3A_733 : i32
        %ne3A_735 = arith.xori %lt3A_732, %lt3A_734 : i1
        %and3A_736 = arith.andi %ne3A_735, %ne3A_730 : i1
        %add3A_737 = arith.addi %rem3A_728, %select_n3A_727 : i32
        %select_n3A_738 = arith.select %and3A_736, %add3A_737, %rem3A_728 : i32
        %mul3A_739 = arith.constant 80 : i32
        %mul3A_740 = arith.muli %select_n3A_738, %mul3A_739 : i32
        %dma_wait3A_741 = arith.constant 0 : i32
        %dma_wait3A_742 = tpu.memref_slice %arg11[%mul3A_740, %dma_wait3A_741] : memref<240x16xf32, #tpu.memory_space<vmem>> -> memref<80x16xf32, #tpu.memory_space<vmem>>
        %dma_wait3A_743 = arith.constant 0 : i32
        %dma_wait3A_744 = tpu.memref_slice %arg8[%add3A_722, %dma_wait3A_743] : memref<10x80xi32, #tpu.memory_space<vmem>> -> memref<1x80xi32, #tpu.memory_space<vmem>>
        %dma_wait3A_745 = tpu.memref_squeeze %dma_wait3A_744 : memref<1x80xi32, #tpu.memory_space<vmem>> -> memref<80xi32, #tpu.memory_space<vmem>>
        %dma_wait3A_746 = arith.constant 0 : i32
        %dma_wait3A_747 = arith.constant 0 : i32
        %dma_wait3A_748 = tpu.memref_slice %arg13[%dma_wait3A_746, %dma_wait3A_747] : memref<10240x16xf32, #tpu.memory_space<vmem_shared>> -> memref<10240x16xf32, #tpu.memory_space<vmem_shared>>
        tpu.wait_indirect_dma semaphore(%arg16 : memref<!tpu.dma_semaphore, #tpu.memory_space<semaphore_mem>>) src(%dma_wait3A_742 : memref<80x16xf32, #tpu.memory_space<vmem>>) dst(%dma_wait3A_748 : memref<10240x16xf32, #tpu.memory_space<vmem_shared>>)
      } else {
      }
      %add3A_231 = arith.constant 1 : i32
      %add3A_232 = arith.addi %add3A_177, %add3A_231 : i32
      %lt3A_233 = arith.constant 125 : i32
      %lt3A_234 = arith.cmpi slt, %add3A_232, %lt3A_233 : i32
      %convert_element_type3A_235 = arith.extui %lt3A_234 : i1 to i32
      %cond3A_236 = arith.constant 0 : i32
      %cond3A_237 = arith.cmpi ne, %convert_element_type3A_235, %cond3A_236 : i32
      scf.if %cond3A_237 {
        %add3A_575 = arith.constant 1 : i32
        %add3A_576 = arith.addi %add3A_177, %add3A_575 : i32
        %jit3A_577 = arith.constant 5 : i32
        %eq3A_578 = arith.constant 0 : i32
        %eq3A_579 = arith.cmpi eq, %jit3A_577, %eq3A_578 : i32
        %jit3A_580 = arith.constant 1 : i32
        %select_n3A_581 = arith.select %eq3A_579, %jit3A_580, %jit3A_577 : i32
        %rem3A_582 = arith.remsi %add3A_576, %select_n3A_581 : i32
        %ne3A_583 = arith.constant 0 : i32
        %ne3A_584 = arith.cmpi ne, %rem3A_582, %ne3A_583 : i32
        %lt3A_585 = arith.constant 0 : i32
        %lt3A_586 = arith.cmpi slt, %rem3A_582, %lt3A_585 : i32
        %lt3A_587 = arith.constant 0 : i32
        %lt3A_588 = arith.cmpi slt, %select_n3A_581, %lt3A_587 : i32
        %ne3A_589 = arith.xori %lt3A_586, %lt3A_588 : i1
        %and3A_590 = arith.andi %ne3A_589, %ne3A_584 : i1
        %add3A_591 = arith.addi %rem3A_582, %select_n3A_581 : i32
        %select_n3A_592 = arith.select %and3A_590, %add3A_591, %rem3A_582 : i32
        %jit3A_593 = arith.constant 5 : i32
        %div3A_594 = arith.divsi %add3A_576, %jit3A_593 : i32
        %sign3A_595 = arith.constant 0 : i32
        %sign3A_596 = arith.cmpi sgt, %add3A_576, %sign3A_595 : i32
        %sign3A_597 = arith.extui %sign3A_596 : i1 to i32
        %sign3A_598 = arith.constant 0 : i32
        %sign3A_599 = arith.cmpi slt, %add3A_576, %sign3A_598 : i32
        %sign3A_600 = arith.extui %sign3A_599 : i1 to i32
        %sign3A_601 = arith.subi %sign3A_597, %sign3A_600 : i32
        %sign3A_602 = arith.constant 0 : i32
        %sign3A_603 = arith.cmpi sgt, %jit3A_593, %sign3A_602 : i32
        %sign3A_604 = arith.extui %sign3A_603 : i1 to i32
        %sign3A_605 = arith.constant 0 : i32
        %sign3A_606 = arith.cmpi slt, %jit3A_593, %sign3A_605 : i32
        %sign3A_607 = arith.extui %sign3A_606 : i1 to i32
        %sign3A_608 = arith.subi %sign3A_604, %sign3A_607 : i32
        %ne3A_609 = arith.cmpi ne, %sign3A_601, %sign3A_608 : i32
        %rem3A_610 = arith.remsi %add3A_576, %jit3A_593 : i32
        %ne3A_611 = arith.constant 0 : i32
        %ne3A_612 = arith.cmpi ne, %rem3A_610, %ne3A_611 : i32
        %and3A_613 = arith.andi %ne3A_609, %ne3A_612 : i1
        %sub3A_614 = arith.constant 1 : i32
        %sub3A_615 = arith.subi %div3A_594, %sub3A_614 : i32
        %select_n3A_616 = arith.select %and3A_613, %sub3A_615, %div3A_594 : i32
        %jit3A_617 = arith.constant 2 : i32
        %eq3A_618 = arith.constant 0 : i32
        %eq3A_619 = arith.cmpi eq, %jit3A_617, %eq3A_618 : i32
        %jit3A_620 = arith.constant 1 : i32
        %select_n3A_621 = arith.select %eq3A_619, %jit3A_620, %jit3A_617 : i32
        %rem3A_622 = arith.remsi %select_n3A_616, %select_n3A_621 : i32
        %ne3A_623 = arith.constant 0 : i32
        %ne3A_624 = arith.cmpi ne, %rem3A_622, %ne3A_623 : i32
        %lt3A_625 = arith.constant 0 : i32
        %lt3A_626 = arith.cmpi slt, %rem3A_622, %lt3A_625 : i32
        %lt3A_627 = arith.constant 0 : i32
        %lt3A_628 = arith.cmpi slt, %select_n3A_621, %lt3A_627 : i32
        %ne3A_629 = arith.xori %lt3A_626, %lt3A_628 : i1
        %and3A_630 = arith.andi %ne3A_629, %ne3A_624 : i1
        %add3A_631 = arith.addi %rem3A_622, %select_n3A_621 : i32
        %select_n3A_632 = arith.select %and3A_630, %add3A_631, %rem3A_622 : i32
        %mul3A_633 = arith.constant 5 : i32
        %mul3A_634 = arith.muli %mul3A_633, %select_n3A_632 : i32
        %add3A_635 = arith.addi %select_n3A_592, %mul3A_634 : i32
        %jit3A_636 = arith.constant 3 : i32
        %eq3A_637 = arith.constant 0 : i32
        %eq3A_638 = arith.cmpi eq, %jit3A_636, %eq3A_637 : i32
        %jit3A_639 = arith.constant 1 : i32
        %select_n3A_640 = arith.select %eq3A_638, %jit3A_639, %jit3A_636 : i32
        %rem3A_641 = arith.remsi %add3A_576, %select_n3A_640 : i32
        %ne3A_642 = arith.constant 0 : i32
        %ne3A_643 = arith.cmpi ne, %rem3A_641, %ne3A_642 : i32
        %lt3A_644 = arith.constant 0 : i32
        %lt3A_645 = arith.cmpi slt, %rem3A_641, %lt3A_644 : i32
        %lt3A_646 = arith.constant 0 : i32
        %lt3A_647 = arith.cmpi slt, %select_n3A_640, %lt3A_646 : i32
        %ne3A_648 = arith.xori %lt3A_645, %lt3A_647 : i1
        %and3A_649 = arith.andi %ne3A_648, %ne3A_643 : i1
        %add3A_650 = arith.addi %rem3A_641, %select_n3A_640 : i32
        %select_n3A_651 = arith.select %and3A_649, %add3A_650, %rem3A_641 : i32
        %mul3A_652 = arith.constant 80 : i32
        %mul3A_653 = arith.muli %select_n3A_651, %mul3A_652 : i32
        %dma_start3A_654 = arith.constant 0 : i32
        %dma_start3A_655 = tpu.memref_slice %arg10[%mul3A_653, %dma_start3A_654] : memref<240x128xf32, #tpu.memory_space<vmem>> -> memref<80x128xf32, #tpu.memory_space<vmem>>
        %dma_start3A_656 = arith.constant 0 : i32
        %dma_start3A_657 = tpu.memref_slice %arg7[%add3A_635, %dma_start3A_656] : memref<10x80xi32, #tpu.memory_space<vmem>> -> memref<1x80xi32, #tpu.memory_space<vmem>>
        %dma_start3A_658 = tpu.memref_squeeze %dma_start3A_657 : memref<1x80xi32, #tpu.memory_space<vmem>> -> memref<80xi32, #tpu.memory_space<vmem>>
        %dma_start3A_659 = arith.constant 0 : i32
        %dma_start3A_660 = arith.constant 0 : i32
        %dma_start3A_661 = tpu.memref_slice %arg2[%dma_start3A_659, %dma_start3A_660] : memref<10000x128xf32, #tpu.memory_space<hbm>> -> memref<10000x128xf32, #tpu.memory_space<hbm>>
        tpu.enqueue_indirect_dma source(%dma_start3A_661 : memref<10000x128xf32, #tpu.memory_space<hbm>>) target(%dma_start3A_655 : memref<80x128xf32, #tpu.memory_space<vmem>>) offsets(%dma_start3A_658 : memref<80xi32, #tpu.memory_space<vmem>>) semaphore(%arg15 : memref<!tpu.dma_semaphore, #tpu.memory_space<semaphore_mem>>)
      } else {
      }
      %jit3A_238 = arith.constant 5 : i32
      %eq3A_239 = arith.constant 0 : i32
      %eq3A_240 = arith.cmpi eq, %jit3A_238, %eq3A_239 : i32
      %jit3A_241 = arith.constant 1 : i32
      %select_n3A_242 = arith.select %eq3A_240, %jit3A_241, %jit3A_238 : i32
      %rem3A_243 = arith.remsi %add3A_177, %select_n3A_242 : i32
      %ne3A_244 = arith.constant 0 : i32
      %ne3A_245 = arith.cmpi ne, %rem3A_243, %ne3A_244 : i32
      %lt3A_246 = arith.constant 0 : i32
      %lt3A_247 = arith.cmpi slt, %rem3A_243, %lt3A_246 : i32
      %lt3A_248 = arith.constant 0 : i32
      %lt3A_249 = arith.cmpi slt, %select_n3A_242, %lt3A_248 : i32
      %ne3A_250 = arith.xori %lt3A_247, %lt3A_249 : i1
      %and3A_251 = arith.andi %ne3A_250, %ne3A_245 : i1
      %add3A_252 = arith.addi %rem3A_243, %select_n3A_242 : i32
      %select_n3A_253 = arith.select %and3A_251, %add3A_252, %rem3A_243 : i32
      %jit3A_254 = arith.constant 5 : i32
      %div3A_255 = arith.divsi %add3A_177, %jit3A_254 : i32
      %sign3A_256 = arith.constant 0 : i32
      %sign3A_257 = arith.cmpi sgt, %add3A_177, %sign3A_256 : i32
      %sign3A_258 = arith.extui %sign3A_257 : i1 to i32
      %sign3A_259 = arith.constant 0 : i32
      %sign3A_260 = arith.cmpi slt, %add3A_177, %sign3A_259 : i32
      %sign3A_261 = arith.extui %sign3A_260 : i1 to i32
      %sign3A_262 = arith.subi %sign3A_258, %sign3A_261 : i32
      %sign3A_263 = arith.constant 0 : i32
      %sign3A_264 = arith.cmpi sgt, %jit3A_254, %sign3A_263 : i32
      %sign3A_265 = arith.extui %sign3A_264 : i1 to i32
      %sign3A_266 = arith.constant 0 : i32
      %sign3A_267 = arith.cmpi slt, %jit3A_254, %sign3A_266 : i32
      %sign3A_268 = arith.extui %sign3A_267 : i1 to i32
      %sign3A_269 = arith.subi %sign3A_265, %sign3A_268 : i32
      %ne3A_270 = arith.cmpi ne, %sign3A_262, %sign3A_269 : i32
      %rem3A_271 = arith.remsi %add3A_177, %jit3A_254 : i32
      %ne3A_272 = arith.constant 0 : i32
      %ne3A_273 = arith.cmpi ne, %rem3A_271, %ne3A_272 : i32
      %and3A_274 = arith.andi %ne3A_270, %ne3A_273 : i1
      %sub3A_275 = arith.constant 1 : i32
      %sub3A_276 = arith.subi %div3A_255, %sub3A_275 : i32
      %select_n3A_277 = arith.select %and3A_274, %sub3A_276, %div3A_255 : i32
      %jit3A_278 = arith.constant 2 : i32
      %eq3A_279 = arith.constant 0 : i32
      %eq3A_280 = arith.cmpi eq, %jit3A_278, %eq3A_279 : i32
      %jit3A_281 = arith.constant 1 : i32
      %select_n3A_282 = arith.select %eq3A_280, %jit3A_281, %jit3A_278 : i32
      %rem3A_283 = arith.remsi %select_n3A_277, %select_n3A_282 : i32
      %ne3A_284 = arith.constant 0 : i32
      %ne3A_285 = arith.cmpi ne, %rem3A_283, %ne3A_284 : i32
      %lt3A_286 = arith.constant 0 : i32
      %lt3A_287 = arith.cmpi slt, %rem3A_283, %lt3A_286 : i32
      %lt3A_288 = arith.constant 0 : i32
      %lt3A_289 = arith.cmpi slt, %select_n3A_282, %lt3A_288 : i32
      %ne3A_290 = arith.xori %lt3A_287, %lt3A_289 : i1
      %and3A_291 = arith.andi %ne3A_290, %ne3A_285 : i1
      %add3A_292 = arith.addi %rem3A_283, %select_n3A_282 : i32
      %select_n3A_293 = arith.select %and3A_291, %add3A_292, %rem3A_283 : i32
      %mul3A_294 = arith.constant 5 : i32
      %mul3A_295 = arith.muli %mul3A_294, %select_n3A_293 : i32
      %add3A_296 = arith.addi %select_n3A_253, %mul3A_295 : i32
      %jit3A_297 = arith.constant 3 : i32
      %eq3A_298 = arith.constant 0 : i32
      %eq3A_299 = arith.cmpi eq, %jit3A_297, %eq3A_298 : i32
      %jit3A_300 = arith.constant 1 : i32
      %select_n3A_301 = arith.select %eq3A_299, %jit3A_300, %jit3A_297 : i32
      %rem3A_302 = arith.remsi %add3A_177, %select_n3A_301 : i32
      %ne3A_303 = arith.constant 0 : i32
      %ne3A_304 = arith.cmpi ne, %rem3A_302, %ne3A_303 : i32
      %lt3A_305 = arith.constant 0 : i32
      %lt3A_306 = arith.cmpi slt, %rem3A_302, %lt3A_305 : i32
      %lt3A_307 = arith.constant 0 : i32
      %lt3A_308 = arith.cmpi slt, %select_n3A_301, %lt3A_307 : i32
      %ne3A_309 = arith.xori %lt3A_306, %lt3A_308 : i1
      %and3A_310 = arith.andi %ne3A_309, %ne3A_304 : i1
      %add3A_311 = arith.addi %rem3A_302, %select_n3A_301 : i32
      %select_n3A_312 = arith.select %and3A_310, %add3A_311, %rem3A_302 : i32
      %mul3A_313 = arith.constant 80 : i32
      %mul3A_314 = arith.muli %select_n3A_312, %mul3A_313 : i32
      %dma_wait3A_315 = arith.constant 0 : i32
      %dma_wait3A_316 = tpu.memref_slice %arg10[%mul3A_314, %dma_wait3A_315] : memref<240x128xf32, #tpu.memory_space<vmem>> -> memref<80x128xf32, #tpu.memory_space<vmem>>
      %dma_wait3A_317 = arith.constant 0 : i32
      %dma_wait3A_318 = tpu.memref_slice %arg7[%add3A_296, %dma_wait3A_317] : memref<10x80xi32, #tpu.memory_space<vmem>> -> memref<1x80xi32, #tpu.memory_space<vmem>>
      %dma_wait3A_319 = tpu.memref_squeeze %dma_wait3A_318 : memref<1x80xi32, #tpu.memory_space<vmem>> -> memref<80xi32, #tpu.memory_space<vmem>>
      %dma_wait3A_320 = arith.constant 0 : i32
      %dma_wait3A_321 = arith.constant 0 : i32
      %dma_wait3A_322 = tpu.memref_slice %arg2[%dma_wait3A_320, %dma_wait3A_321] : memref<10000x128xf32, #tpu.memory_space<hbm>> -> memref<10000x128xf32, #tpu.memory_space<hbm>>
      tpu.wait_indirect_dma semaphore(%arg15 : memref<!tpu.dma_semaphore, #tpu.memory_space<semaphore_mem>>) src(%dma_wait3A_322 : memref<10000x128xf32, #tpu.memory_space<hbm>>) dst(%dma_wait3A_316 : memref<80x128xf32, #tpu.memory_space<vmem>>)
      %jit3A_323 = arith.constant 3 : i32
      %eq3A_324 = arith.constant 0 : i32
      %eq3A_325 = arith.cmpi eq, %jit3A_323, %eq3A_324 : i32
      %jit3A_326 = arith.constant 1 : i32
      %select_n3A_327 = arith.select %eq3A_325, %jit3A_326, %jit3A_323 : i32
      %rem3A_328 = arith.remsi %add3A_177, %select_n3A_327 : i32
      %ne3A_329 = arith.constant 0 : i32
      %ne3A_330 = arith.cmpi ne, %rem3A_328, %ne3A_329 : i32
      %lt3A_331 = arith.constant 0 : i32
      %lt3A_332 = arith.cmpi slt, %rem3A_328, %lt3A_331 : i32
      %lt3A_333 = arith.constant 0 : i32
      %lt3A_334 = arith.cmpi slt, %select_n3A_327, %lt3A_333 : i32
      %ne3A_335 = arith.xori %lt3A_332, %lt3A_334 : i1
      %and3A_336 = arith.andi %ne3A_335, %ne3A_330 : i1
      %add3A_337 = arith.addi %rem3A_328, %select_n3A_327 : i32
      %select_n3A_338 = arith.select %and3A_336, %add3A_337, %rem3A_328 : i32
      %mul3A_339 = arith.constant 80 : i32
      %mul3A_340 = arith.muli %select_n3A_338, %mul3A_339 : i32
      %jit3A_341 = arith.constant 5 : i32
      %eq3A_342 = arith.constant 0 : i32
      %eq3A_343 = arith.cmpi eq, %jit3A_341, %eq3A_342 : i32
      %jit3A_344 = arith.constant 1 : i32
      %select_n3A_345 = arith.select %eq3A_343, %jit3A_344, %jit3A_341 : i32
      %rem3A_346 = arith.remsi %add3A_177, %select_n3A_345 : i32
      %ne3A_347 = arith.constant 0 : i32
      %ne3A_348 = arith.cmpi ne, %rem3A_346, %ne3A_347 : i32
      %lt3A_349 = arith.constant 0 : i32
      %lt3A_350 = arith.cmpi slt, %rem3A_346, %lt3A_349 : i32
      %lt3A_351 = arith.constant 0 : i32
      %lt3A_352 = arith.cmpi slt, %select_n3A_345, %lt3A_351 : i32
      %ne3A_353 = arith.xori %lt3A_350, %lt3A_352 : i1
      %and3A_354 = arith.andi %ne3A_353, %ne3A_348 : i1
      %add3A_355 = arith.addi %rem3A_346, %select_n3A_345 : i32
      %select_n3A_356 = arith.select %and3A_354, %add3A_355, %rem3A_346 : i32
      %jit3A_357 = arith.constant 5 : i32
      %div3A_358 = arith.divsi %add3A_177, %jit3A_357 : i32
      %sign3A_359 = arith.constant 0 : i32
      %sign3A_360 = arith.cmpi sgt, %add3A_177, %sign3A_359 : i32
      %sign3A_361 = arith.extui %sign3A_360 : i1 to i32
      %sign3A_362 = arith.constant 0 : i32
      %sign3A_363 = arith.cmpi slt, %add3A_177, %sign3A_362 : i32
      %sign3A_364 = arith.extui %sign3A_363 : i1 to i32
      %sign3A_365 = arith.subi %sign3A_361, %sign3A_364 : i32
      %sign3A_366 = arith.constant 0 : i32
      %sign3A_367 = arith.cmpi sgt, %jit3A_357, %sign3A_366 : i32
      %sign3A_368 = arith.extui %sign3A_367 : i1 to i32
      %sign3A_369 = arith.constant 0 : i32
      %sign3A_370 = arith.cmpi slt, %jit3A_357, %sign3A_369 : i32
      %sign3A_371 = arith.extui %sign3A_370 : i1 to i32
      %sign3A_372 = arith.subi %sign3A_368, %sign3A_371 : i32
      %ne3A_373 = arith.cmpi ne, %sign3A_365, %sign3A_372 : i32
      %rem3A_374 = arith.remsi %add3A_177, %jit3A_357 : i32
      %ne3A_375 = arith.constant 0 : i32
      %ne3A_376 = arith.cmpi ne, %rem3A_374, %ne3A_375 : i32
      %and3A_377 = arith.andi %ne3A_373, %ne3A_376 : i1
      %sub3A_378 = arith.constant 1 : i32
      %sub3A_379 = arith.subi %div3A_358, %sub3A_378 : i32
      %select_n3A_380 = arith.select %and3A_377, %sub3A_379, %div3A_358 : i32
      %jit3A_381 = arith.constant 2 : i32
      %eq3A_382 = arith.constant 0 : i32
      %eq3A_383 = arith.cmpi eq, %jit3A_381, %eq3A_382 : i32
      %jit3A_384 = arith.constant 1 : i32
      %select_n3A_385 = arith.select %eq3A_383, %jit3A_384, %jit3A_381 : i32
      %rem3A_386 = arith.remsi %select_n3A_380, %select_n3A_385 : i32
      %ne3A_387 = arith.constant 0 : i32
      %ne3A_388 = arith.cmpi ne, %rem3A_386, %ne3A_387 : i32
      %lt3A_389 = arith.constant 0 : i32
      %lt3A_390 = arith.cmpi slt, %rem3A_386, %lt3A_389 : i32
      %lt3A_391 = arith.constant 0 : i32
      %lt3A_392 = arith.cmpi slt, %select_n3A_385, %lt3A_391 : i32
      %ne3A_393 = arith.xori %lt3A_390, %lt3A_392 : i1
      %and3A_394 = arith.andi %ne3A_393, %ne3A_388 : i1
      %add3A_395 = arith.addi %rem3A_386, %select_n3A_385 : i32
      %select_n3A_396 = arith.select %and3A_394, %add3A_395, %rem3A_386 : i32
      %mul3A_397 = arith.constant 5 : i32
      %mul3A_398 = arith.muli %mul3A_397, %select_n3A_396 : i32
      %add3A_399 = arith.addi %select_n3A_356, %mul3A_398 : i32
      %scan3A_400 = arith.constant 0 : i32
      %scan3A_401 = arith.constant 5 : i32
      %scan3A_402 = arith.addi %scan3A_400, %scan3A_401 : i32
      %scan3A_403 = arith.constant 1 : i32
      scf.for %scan3A_575 = %scan3A_400 to %scan3A_402 step %scan3A_403  : i32 {
        %mul3A_576 = arith.constant 1 : i32
        %mul3A_577 = arith.muli %scan3A_575, %mul3A_576 : i32
        %add3A_578 = arith.constant 0 : i32
        %add3A_579 = arith.addi %add3A_578, %mul3A_577 : i32
        %mul3A_580 = arith.constant 16 : i32
        %mul3A_581 = arith.muli %mul3A_580, %add3A_579 : i32
        %get3A = arith.index_cast %add3A_399 : i32 to index
        %get3A_582 = arith.index_cast %mul3A_581 : i32 to index
        %get3A_583 = tpu.vector_load %arg9[%get3A, %get3A_582] {strides = array<i32>} : memref<10x80xf32, #tpu.memory_space<vmem>>, vector<1x16xf32>,
        %get3A_584 = vector.shape_cast %get3A_583 : vector<1x16xf32> to vector<16xf32>
        %slice3A = vector.extract_strided_slice %get3A_584 {offsets = [0], sizes = [1], strides = [1]} : vector<16xf32> to vector<1xf32>
        %squeeze3A = vector.extract %slice3A[0] : f32 from vector<1xf32>
        %mul3A_585 = arith.constant 16 : i32
        %mul3A_586 = arith.muli %mul3A_585, %add3A_579 : i32
        %add3A_587 = arith.addi %mul3A_340, %mul3A_586 : i32
        %add3A_588 = arith.constant 0 : i32
        %add3A_589 = arith.addi %add3A_587, %add3A_588 : i32
        %get3A_590 = arith.index_cast %add3A_589 : i32 to index
        %get3A_591 = arith.constant 0 : index
        %get3A_592 = tpu.vector_load %arg10[%get3A_590, %get3A_591] {strides = array<i32>} : memref<240x128xf32, #tpu.memory_space<vmem>>, vector<1x16xf32>,
        %get3A_593 = vector.shape_cast %get3A_592 : vector<1x16xf32> to vector<16xf32>
        %mul3A_594 = vector.broadcast %squeeze3A : f32 to vector<16xf32>
        %mul3A_595 = arith.mulf %get3A_593, %mul3A_594 : vector<16xf32>
        %swap3A = arith.index_cast %add3A_589 : i32 to index
        %swap3A_596 = arith.constant 0 : index
        %swap3A_597 = tpu.vector_load %arg10[%swap3A, %swap3A_596] {strides = array<i32>} : memref<240x128xf32, #tpu.memory_space<vmem>>, vector<1x16xf32>,
        %swap3A_598 = vector.shape_cast %swap3A_597 : vector<1x16xf32> to vector<16xf32>
        %swap3A_599 = vector.shape_cast %mul3A_595 : vector<16xf32> to vector<1x16xf32>
        tpu.vector_store %arg10[%swap3A, %swap3A_596], %swap3A_599 {strides = array<i32>} : memref<240x128xf32, #tpu.memory_space<vmem>>, vector<1x16xf32>,
        %get3A_600 = arith.index_cast %add3A_589 : i32 to index
        %get3A_601 = arith.constant 16 : index
        %get3A_602 = tpu.vector_load %arg10[%get3A_600, %get3A_601] {strides = array<i32>} : memref<240x128xf32, #tpu.memory_space<vmem>>, vector<1x16xf32>,
        %get3A_603 = vector.shape_cast %get3A_602 : vector<1x16xf32> to vector<16xf32>
        %mul3A_604 = vector.broadcast %squeeze3A : f32 to vector<16xf32>
        %mul3A_605 = arith.mulf %get3A_603, %mul3A_604 : vector<16xf32>
        %swap3A_606 = arith.index_cast %add3A_589 : i32 to index
        %swap3A_607 = arith.constant 16 : index
        %swap3A_608 = tpu.vector_load %arg10[%swap3A_606, %swap3A_607] {strides = array<i32>} : memref<240x128xf32, #tpu.memory_space<vmem>>, vector<1x16xf32>,
        %swap3A_609 = vector.shape_cast %swap3A_608 : vector<1x16xf32> to vector<16xf32>
        %swap3A_610 = vector.shape_cast %mul3A_605 : vector<16xf32> to vector<1x16xf32>
        tpu.vector_store %arg10[%swap3A_606, %swap3A_607], %swap3A_610 {strides = array<i32>} : memref<240x128xf32, #tpu.memory_space<vmem>>, vector<1x16xf32>,
        %get3A_611 = arith.index_cast %add3A_589 : i32 to index
        %get3A_612 = arith.constant 32 : index
        %get3A_613 = tpu.vector_load %arg10[%get3A_611, %get3A_612] {strides = array<i32>} : memref<240x128xf32, #tpu.memory_space<vmem>>, vector<1x16xf32>,
        %get3A_614 = vector.shape_cast %get3A_613 : vector<1x16xf32> to vector<16xf32>
        %mul3A_615 = vector.broadcast %squeeze3A : f32 to vector<16xf32>
        %mul3A_616 = arith.mulf %get3A_614, %mul3A_615 : vector<16xf32>
        %swap3A_617 = arith.index_cast %add3A_589 : i32 to index
        %swap3A_618 = arith.constant 32 : index
        %swap3A_619 = tpu.vector_load %arg10[%swap3A_617, %swap3A_618] {strides = array<i32>} : memref<240x128xf32, #tpu.memory_space<vmem>>, vector<1x16xf32>,
        %swap3A_620 = vector.shape_cast %swap3A_619 : vector<1x16xf32> to vector<16xf32>
        %swap3A_621 = vector.shape_cast %mul3A_616 : vector<16xf32> to vector<1x16xf32>
        tpu.vector_store %arg10[%swap3A_617, %swap3A_618], %swap3A_621 {strides = array<i32>} : memref<240x128xf32, #tpu.memory_space<vmem>>, vector<1x16xf32>,
        %get3A_622 = arith.index_cast %add3A_589 : i32 to index
        %get3A_623 = arith.constant 48 : index
        %get3A_624 = tpu.vector_load %arg10[%get3A_622, %get3A_623] {strides = array<i32>} : memref<240x128xf32, #tpu.memory_space<vmem>>, vector<1x16xf32>,
        %get3A_625 = vector.shape_cast %get3A_624 : vector<1x16xf32> to vector<16xf32>
        %mul3A_626 = vector.broadcast %squeeze3A : f32 to vector<16xf32>
        %mul3A_627 = arith.mulf %get3A_625, %mul3A_626 : vector<16xf32>
        %swap3A_628 = arith.index_cast %add3A_589 : i32 to index
        %swap3A_629 = arith.constant 48 : index
        %swap3A_630 = tpu.vector_load %arg10[%swap3A_628, %swap3A_629] {strides = array<i32>} : memref<240x128xf32, #tpu.memory_space<vmem>>, vector<1x16xf32>,
        %swap3A_631 = vector.shape_cast %swap3A_630 : vector<1x16xf32> to vector<16xf32>
        %swap3A_632 = vector.shape_cast %mul3A_627 : vector<16xf32> to vector<1x16xf32>
        tpu.vector_store %arg10[%swap3A_628, %swap3A_629], %swap3A_632 {strides = array<i32>} : memref<240x128xf32, #tpu.memory_space<vmem>>, vector<1x16xf32>,
        %get3A_633 = arith.index_cast %add3A_589 : i32 to index
        %get3A_634 = arith.constant 64 : index
        %get3A_635 = tpu.vector_load %arg10[%get3A_633, %get3A_634] {strides = array<i32>} : memref<240x128xf32, #tpu.memory_space<vmem>>, vector<1x16xf32>,
        %get3A_636 = vector.shape_cast %get3A_635 : vector<1x16xf32> to vector<16xf32>
        %mul3A_637 = vector.broadcast %squeeze3A : f32 to vector<16xf32>
        %mul3A_638 = arith.mulf %get3A_636, %mul3A_637 : vector<16xf32>
        %swap3A_639 = arith.index_cast %add3A_589 : i32 to index
        %swap3A_640 = arith.constant 64 : index
        %swap3A_641 = tpu.vector_load %arg10[%swap3A_639, %swap3A_640] {strides = array<i32>} : memref<240x128xf32, #tpu.memory_space<vmem>>, vector<1x16xf32>,
        %swap3A_642 = vector.shape_cast %swap3A_641 : vector<1x16xf32> to vector<16xf32>
        %swap3A_643 = vector.shape_cast %mul3A_638 : vector<16xf32> to vector<1x16xf32>
        tpu.vector_store %arg10[%swap3A_639, %swap3A_640], %swap3A_643 {strides = array<i32>} : memref<240x128xf32, #tpu.memory_space<vmem>>, vector<1x16xf32>,
        %get3A_644 = arith.index_cast %add3A_589 : i32 to index
        %get3A_645 = arith.constant 80 : index
        %get3A_646 = tpu.vector_load %arg10[%get3A_644, %get3A_645] {strides = array<i32>} : memref<240x128xf32, #tpu.memory_space<vmem>>, vector<1x16xf32>,
        %get3A_647 = vector.shape_cast %get3A_646 : vector<1x16xf32> to vector<16xf32>
        %mul3A_648 = vector.broadcast %squeeze3A : f32 to vector<16xf32>
        %mul3A_649 = arith.mulf %get3A_647, %mul3A_648 : vector<16xf32>
        %swap3A_650 = arith.index_cast %add3A_589 : i32 to index
        %swap3A_651 = arith.constant 80 : index
        %swap3A_652 = tpu.vector_load %arg10[%swap3A_650, %swap3A_651] {strides = array<i32>} : memref<240x128xf32, #tpu.memory_space<vmem>>, vector<1x16xf32>,
        %swap3A_653 = vector.shape_cast %swap3A_652 : vector<1x16xf32> to vector<16xf32>
        %swap3A_654 = vector.shape_cast %mul3A_649 : vector<16xf32> to vector<1x16xf32>
        tpu.vector_store %arg10[%swap3A_650, %swap3A_651], %swap3A_654 {strides = array<i32>} : memref<240x128xf32, #tpu.memory_space<vmem>>, vector<1x16xf32>,
        %get3A_655 = arith.index_cast %add3A_589 : i32 to index
        %get3A_656 = arith.constant 96 : index
        %get3A_657 = tpu.vector_load %arg10[%get3A_655, %get3A_656] {strides = array<i32>} : memref<240x128xf32, #tpu.memory_space<vmem>>, vector<1x16xf32>,
        %get3A_658 = vector.shape_cast %get3A_657 : vector<1x16xf32> to vector<16xf32>
        %mul3A_659 = vector.broadcast %squeeze3A : f32 to vector<16xf32>
        %mul3A_660 = arith.mulf %get3A_658, %mul3A_659 : vector<16xf32>
        %swap3A_661 = arith.index_cast %add3A_589 : i32 to index
        %swap3A_662 = arith.constant 96 : index
        %swap3A_663 = tpu.vector_load %arg10[%swap3A_661, %swap3A_662] {strides = array<i32>} : memref<240x128xf32, #tpu.memory_space<vmem>>, vector<1x16xf32>,
        %swap3A_664 = vector.shape_cast %swap3A_663 : vector<1x16xf32> to vector<16xf32>
        %swap3A_665 = vector.shape_cast %mul3A_660 : vector<16xf32> to vector<1x16xf32>
        tpu.vector_store %arg10[%swap3A_661, %swap3A_662], %swap3A_665 {strides = array<i32>} : memref<240x128xf32, #tpu.memory_space<vmem>>, vector<1x16xf32>,
        %get3A_666 = arith.index_cast %add3A_589 : i32 to index
        %get3A_667 = arith.constant 112 : index
        %get3A_668 = tpu.vector_load %arg10[%get3A_666, %get3A_667] {strides = array<i32>} : memref<240x128xf32, #tpu.memory_space<vmem>>, vector<1x16xf32>,
        %get3A_669 = vector.shape_cast %get3A_668 : vector<1x16xf32> to vector<16xf32>
        %mul3A_670 = vector.broadcast %squeeze3A : f32 to vector<16xf32>
        %mul3A_671 = arith.mulf %get3A_669, %mul3A_670 : vector<16xf32>
        %swap3A_672 = arith.index_cast %add3A_589 : i32 to index
        %swap3A_673 = arith.constant 112 : index
        %swap3A_674 = tpu.vector_load %arg10[%swap3A_672, %swap3A_673] {strides = array<i32>} : memref<240x128xf32, #tpu.memory_space<vmem>>, vector<1x16xf32>,
        %swap3A_675 = vector.shape_cast %swap3A_674 : vector<1x16xf32> to vector<16xf32>
        %swap3A_676 = vector.shape_cast %mul3A_671 : vector<16xf32> to vector<1x16xf32>
        tpu.vector_store %arg10[%swap3A_672, %swap3A_673], %swap3A_676 {strides = array<i32>} : memref<240x128xf32, #tpu.memory_space<vmem>>, vector<1x16xf32>,
        %jit3A_677 = arith.constant 0.000000e+00 : f32
        %broadcast_in_dim3A = vector.broadcast %squeeze3A : f32 to vector<16xf32>
        %broadcast_in_dim3A_678 = vector.broadcast %jit3A_677 : f32 to vector<16xf32>
        %select_n3A_679 = arith.select %eq3A_124, %broadcast_in_dim3A, %broadcast_in_dim3A_678 : vector<16xi1>, vector<16xf32>
        %swap3A_680 = arith.index_cast %add3A_589 : i32 to index
        %swap3A_681 = arith.constant 0 : index
        %swap3A_682 = tpu.vector_load %arg11[%swap3A_680, %swap3A_681] {strides = array<i32>} : memref<240x16xf32, #tpu.memory_space<vmem>>, vector<1x16xf32>,
        %swap3A_683 = vector.shape_cast %swap3A_682 : vector<1x16xf32> to vector<16xf32>
        %swap3A_684 = vector.shape_cast %select_n3A_679 : vector<16xf32> to vector<1x16xf32>
        tpu.vector_store %arg11[%swap3A_680, %swap3A_681], %swap3A_684 {strides = array<i32>} : memref<240x16xf32, #tpu.memory_space<vmem>>, vector<1x16xf32>,
        %slice3A_685 = vector.extract_strided_slice %get3A_584 {offsets = [1], sizes = [1], strides = [1]} : vector<16xf32> to vector<1xf32>
        %squeeze3A_686 = vector.extract %slice3A_685[0] : f32 from vector<1xf32>
        %mul3A_687 = arith.constant 16 : i32
        %mul3A_688 = arith.muli %mul3A_687, %add3A_579 : i32
        %add3A_689 = arith.addi %mul3A_340, %mul3A_688 : i32
        %add3A_690 = arith.constant 1 : i32
        %add3A_691 = arith.addi %add3A_689, %add3A_690 : i32
        %get3A_692 = arith.index_cast %add3A_691 : i32 to index
        %get3A_693 = arith.constant 0 : index
        %get3A_694 = tpu.vector_load %arg10[%get3A_692, %get3A_693] {strides = array<i32>} : memref<240x128xf32, #tpu.memory_space<vmem>>, vector<1x16xf32>,
        %get3A_695 = vector.shape_cast %get3A_694 : vector<1x16xf32> to vector<16xf32>
        %mul3A_696 = vector.broadcast %squeeze3A_686 : f32 to vector<16xf32>
        %mul3A_697 = arith.mulf %get3A_695, %mul3A_696 : vector<16xf32>
        %swap3A_698 = arith.index_cast %add3A_691 : i32 to index
        %swap3A_699 = arith.constant 0 : index
        %swap3A_700 = tpu.vector_load %arg10[%swap3A_698, %swap3A_699] {strides = array<i32>} : memref<240x128xf32, #tpu.memory_space<vmem>>, vector<1x16xf32>,
        %swap3A_701 = vector.shape_cast %swap3A_700 : vector<1x16xf32> to vector<16xf32>
        %swap3A_702 = vector.shape_cast %mul3A_697 : vector<16xf32> to vector<1x16xf32>
        tpu.vector_store %arg10[%swap3A_698, %swap3A_699], %swap3A_702 {strides = array<i32>} : memref<240x128xf32, #tpu.memory_space<vmem>>, vector<1x16xf32>,
        %get3A_703 = arith.index_cast %add3A_691 : i32 to index
        %get3A_704 = arith.constant 16 : index
        %get3A_705 = tpu.vector_load %arg10[%get3A_703, %get3A_704] {strides = array<i32>} : memref<240x128xf32, #tpu.memory_space<vmem>>, vector<1x16xf32>,
        %get3A_706 = vector.shape_cast %get3A_705 : vector<1x16xf32> to vector<16xf32>
        %mul3A_707 = vector.broadcast %squeeze3A_686 : f32 to vector<16xf32>
        %mul3A_708 = arith.mulf %get3A_706, %mul3A_707 : vector<16xf32>
        %swap3A_709 = arith.index_cast %add3A_691 : i32 to index
        %swap3A_710 = arith.constant 16 : index
        %swap3A_711 = tpu.vector_load %arg10[%swap3A_709, %swap3A_710] {strides = array<i32>} : memref<240x128xf32, #tpu.memory_space<vmem>>, vector<1x16xf32>,
        %swap3A_712 = vector.shape_cast %swap3A_711 : vector<1x16xf32> to vector<16xf32>
        %swap3A_713 = vector.shape_cast %mul3A_708 : vector<16xf32> to vector<1x16xf32>
        tpu.vector_store %arg10[%swap3A_709, %swap3A_710], %swap3A_713 {strides = array<i32>} : memref<240x128xf32, #tpu.memory_space<vmem>>, vector<1x16xf32>,
        %get3A_714 = arith.index_cast %add3A_691 : i32 to index
        %get3A_715 = arith.constant 32 : index
        %get3A_716 = tpu.vector_load %arg10[%get3A_714, %get3A_715] {strides = array<i32>} : memref<240x128xf32, #tpu.memory_space<vmem>>, vector<1x16xf32>,
        %get3A_717 = vector.shape_cast %get3A_716 : vector<1x16xf32> to vector<16xf32>
        %mul3A_718 = vector.broadcast %squeeze3A_686 : f32 to vector<16xf32>
        %mul3A_719 = arith.mulf %get3A_717, %mul3A_718 : vector<16xf32>
        %swap3A_720 = arith.index_cast %add3A_691 : i32 to index
        %swap3A_721 = arith.constant 32 : index
        %swap3A_722 = tpu.vector_load %arg10[%swap3A_720, %swap3A_721] {strides = array<i32>} : memref<240x128xf32, #tpu.memory_space<vmem>>, vector<1x16xf32>,
        %swap3A_723 = vector.shape_cast %swap3A_722 : vector<1x16xf32> to vector<16xf32>
        %swap3A_724 = vector.shape_cast %mul3A_719 : vector<16xf32> to vector<1x16xf32>
        tpu.vector_store %arg10[%swap3A_720, %swap3A_721], %swap3A_724 {strides = array<i32>} : memref<240x128xf32, #tpu.memory_space<vmem>>, vector<1x16xf32>,
        %get3A_725 = arith.index_cast %add3A_691 : i32 to index
        %get3A_726 = arith.constant 48 : index
        %get3A_727 = tpu.vector_load %arg10[%get3A_725, %get3A_726] {strides = array<i32>} : memref<240x128xf32, #tpu.memory_space<vmem>>, vector<1x16xf32>,
        %get3A_728 = vector.shape_cast %get3A_727 : vector<1x16xf32> to vector<16xf32>
        %mul3A_729 = vector.broadcast %squeeze3A_686 : f32 to vector<16xf32>
        %mul3A_730 = arith.mulf %get3A_728, %mul3A_729 : vector<16xf32>
        %swap3A_731 = arith.index_cast %add3A_691 : i32 to index
        %swap3A_732 = arith.constant 48 : index
        %swap3A_733 = tpu.vector_load %arg10[%swap3A_731, %swap3A_732] {strides = array<i32>} : memref<240x128xf32, #tpu.memory_space<vmem>>, vector<1x16xf32>,
        %swap3A_734 = vector.shape_cast %swap3A_733 : vector<1x16xf32> to vector<16xf32>
        %swap3A_735 = vector.shape_cast %mul3A_730 : vector<16xf32> to vector<1x16xf32>
        tpu.vector_store %arg10[%swap3A_731, %swap3A_732], %swap3A_735 {strides = array<i32>} : memref<240x128xf32, #tpu.memory_space<vmem>>, vector<1x16xf32>,
        %get3A_736 = arith.index_cast %add3A_691 : i32 to index
        %get3A_737 = arith.constant 64 : index
        %get3A_738 = tpu.vector_load %arg10[%get3A_736, %get3A_737] {strides = array<i32>} : memref<240x128xf32, #tpu.memory_space<vmem>>, vector<1x16xf32>,
        %get3A_739 = vector.shape_cast %get3A_738 : vector<1x16xf32> to vector<16xf32>
        %mul3A_740 = vector.broadcast %squeeze3A_686 : f32 to vector<16xf32>
        %mul3A_741 = arith.mulf %get3A_739, %mul3A_740 : vector<16xf32>
        %swap3A_742 = arith.index_cast %add3A_691 : i32 to index
        %swap3A_743 = arith.constant 64 : index
        %swap3A_744 = tpu.vector_load %arg10[%swap3A_742, %swap3A_743] {strides = array<i32>} : memref<240x128xf32, #tpu.memory_space<vmem>>, vector<1x16xf32>,
        %swap3A_745 = vector.shape_cast %swap3A_744 : vector<1x16xf32> to vector<16xf32>
        %swap3A_746 = vector.shape_cast %mul3A_741 : vector<16xf32> to vector<1x16xf32>
        tpu.vector_store %arg10[%swap3A_742, %swap3A_743], %swap3A_746 {strides = array<i32>} : memref<240x128xf32, #tpu.memory_space<vmem>>, vector<1x16xf32>,
        %get3A_747 = arith.index_cast %add3A_691 : i32 to index
        %get3A_748 = arith.constant 80 : index
        %get3A_749 = tpu.vector_load %arg10[%get3A_747, %get3A_748] {strides = array<i32>} : memref<240x128xf32, #tpu.memory_space<vmem>>, vector<1x16xf32>,
        %get3A_750 = vector.shape_cast %get3A_749 : vector<1x16xf32> to vector<16xf32>
        %mul3A_751 = vector.broadcast %squeeze3A_686 : f32 to vector<16xf32>
        %mul3A_752 = arith.mulf %get3A_750, %mul3A_751 : vector<16xf32>
        %swap3A_753 = arith.index_cast %add3A_691 : i32 to index
        %swap3A_754 = arith.constant 80 : index
        %swap3A_755 = tpu.vector_load %arg10[%swap3A_753, %swap3A_754] {strides = array<i32>} : memref<240x128xf32, #tpu.memory_space<vmem>>, vector<1x16xf32>,
        %swap3A_756 = vector.shape_cast %swap3A_755 : vector<1x16xf32> to vector<16xf32>
        %swap3A_757 = vector.shape_cast %mul3A_752 : vector<16xf32> to vector<1x16xf32>
        tpu.vector_store %arg10[%swap3A_753, %swap3A_754], %swap3A_757 {strides = array<i32>} : memref<240x128xf32, #tpu.memory_space<vmem>>, vector<1x16xf32>,
        %get3A_758 = arith.index_cast %add3A_691 : i32 to index
        %get3A_759 = arith.constant 96 : index
        %get3A_760 = tpu.vector_load %arg10[%get3A_758, %get3A_759] {strides = array<i32>} : memref<240x128xf32, #tpu.memory_space<vmem>>, vector<1x16xf32>,
        %get3A_761 = vector.shape_cast %get3A_760 : vector<1x16xf32> to vector<16xf32>
        %mul3A_762 = vector.broadcast %squeeze3A_686 : f32 to vector<16xf32>
        %mul3A_763 = arith.mulf %get3A_761, %mul3A_762 : vector<16xf32>
        %swap3A_764 = arith.index_cast %add3A_691 : i32 to index
        %swap3A_765 = arith.constant 96 : index
        %swap3A_766 = tpu.vector_load %arg10[%swap3A_764, %swap3A_765] {strides = array<i32>} : memref<240x128xf32, #tpu.memory_space<vmem>>, vector<1x16xf32>,
        %swap3A_767 = vector.shape_cast %swap3A_766 : vector<1x16xf32> to vector<16xf32>
        %swap3A_768 = vector.shape_cast %mul3A_763 : vector<16xf32> to vector<1x16xf32>
        tpu.vector_store %arg10[%swap3A_764, %swap3A_765], %swap3A_768 {strides = array<i32>} : memref<240x128xf32, #tpu.memory_space<vmem>>, vector<1x16xf32>,
        %get3A_769 = arith.index_cast %add3A_691 : i32 to index
        %get3A_770 = arith.constant 112 : index
        %get3A_771 = tpu.vector_load %arg10[%get3A_769, %get3A_770] {strides = array<i32>} : memref<240x128xf32, #tpu.memory_space<vmem>>, vector<1x16xf32>,
        %get3A_772 = vector.shape_cast %get3A_771 : vector<1x16xf32> to vector<16xf32>
        %mul3A_773 = vector.broadcast %squeeze3A_686 : f32 to vector<16xf32>
        %mul3A_774 = arith.mulf %get3A_772, %mul3A_773 : vector<16xf32>
        %swap3A_775 = arith.index_cast %add3A_691 : i32 to index
        %swap3A_776 = arith.constant 112 : index
        %swap3A_777 = tpu.vector_load %arg10[%swap3A_775, %swap3A_776] {strides = array<i32>} : memref<240x128xf32, #tpu.memory_space<vmem>>, vector<1x16xf32>,
        %swap3A_778 = vector.shape_cast %swap3A_777 : vector<1x16xf32> to vector<16xf32>
        %swap3A_779 = vector.shape_cast %mul3A_774 : vector<16xf32> to vector<1x16xf32>
        tpu.vector_store %arg10[%swap3A_775, %swap3A_776], %swap3A_779 {strides = array<i32>} : memref<240x128xf32, #tpu.memory_space<vmem>>, vector<1x16xf32>,
        %jit3A_780 = arith.constant 0.000000e+00 : f32
        %broadcast_in_dim3A_781 = vector.broadcast %squeeze3A_686 : f32 to vector<16xf32>
        %broadcast_in_dim3A_782 = vector.broadcast %jit3A_780 : f32 to vector<16xf32>
        %select_n3A_783 = arith.select %eq3A_124, %broadcast_in_dim3A_781, %broadcast_in_dim3A_782 : vector<16xi1>, vector<16xf32>
        %swap3A_784 = arith.index_cast %add3A_691 : i32 to index
        %swap3A_785 = arith.constant 0 : index
        %swap3A_786 = tpu.vector_load %arg11[%swap3A_784, %swap3A_785] {strides = array<i32>} : memref<240x16xf32, #tpu.memory_space<vmem>>, vector<1x16xf32>,
        %swap3A_787 = vector.shape_cast %swap3A_786 : vector<1x16xf32> to vector<16xf32>
        %swap3A_788 = vector.shape_cast %select_n3A_783 : vector<16xf32> to vector<1x16xf32>
        tpu.vector_store %arg11[%swap3A_784, %swap3A_785], %swap3A_788 {strides = array<i32>} : memref<240x16xf32, #tpu.memory_space<vmem>>, vector<1x16xf32>,
        %slice3A_789 = vector.extract_strided_slice %get3A_584 {offsets = [2], sizes = [1], strides = [1]} : vector<16xf32> to vector<1xf32>
        %squeeze3A_790 = vector.extract %slice3A_789[0] : f32 from vector<1xf32>
        %mul3A_791 = arith.constant 16 : i32
        %mul3A_792 = arith.muli %mul3A_791, %add3A_579 : i32
        %add3A_793 = arith.addi %mul3A_340, %mul3A_792 : i32
        %add3A_794 = arith.constant 2 : i32
        %add3A_795 = arith.addi %add3A_793, %add3A_794 : i32
        %get3A_796 = arith.index_cast %add3A_795 : i32 to index
        %get3A_797 = arith.constant 0 : index
        %get3A_798 = tpu.vector_load %arg10[%get3A_796, %get3A_797] {strides = array<i32>} : memref<240x128xf32, #tpu.memory_space<vmem>>, vector<1x16xf32>,
        %get3A_799 = vector.shape_cast %get3A_798 : vector<1x16xf32> to vector<16xf32>
        %mul3A_800 = vector.broadcast %squeeze3A_790 : f32 to vector<16xf32>
        %mul3A_801 = arith.mulf %get3A_799, %mul3A_800 : vector<16xf32>
        %swap3A_802 = arith.index_cast %add3A_795 : i32 to index
        %swap3A_803 = arith.constant 0 : index
        %swap3A_804 = tpu.vector_load %arg10[%swap3A_802, %swap3A_803] {strides = array<i32>} : memref<240x128xf32, #tpu.memory_space<vmem>>, vector<1x16xf32>,
        %swap3A_805 = vector.shape_cast %swap3A_804 : vector<1x16xf32> to vector<16xf32>
        %swap3A_806 = vector.shape_cast %mul3A_801 : vector<16xf32> to vector<1x16xf32>
        tpu.vector_store %arg10[%swap3A_802, %swap3A_803], %swap3A_806 {strides = array<i32>} : memref<240x128xf32, #tpu.memory_space<vmem>>, vector<1x16xf32>,
        %get3A_807 = arith.index_cast %add3A_795 : i32 to index
        %get3A_808 = arith.constant 16 : index
        %get3A_809 = tpu.vector_load %arg10[%get3A_807, %get3A_808] {strides = array<i32>} : memref<240x128xf32, #tpu.memory_space<vmem>>, vector<1x16xf32>,
        %get3A_810 = vector.shape_cast %get3A_809 : vector<1x16xf32> to vector<16xf32>
        %mul3A_811 = vector.broadcast %squeeze3A_790 : f32 to vector<16xf32>
        %mul3A_812 = arith.mulf %get3A_810, %mul3A_811 : vector<16xf32>
        %swap3A_813 = arith.index_cast %add3A_795 : i32 to index
        %swap3A_814 = arith.constant 16 : index
        %swap3A_815 = tpu.vector_load %arg10[%swap3A_813, %swap3A_814] {strides = array<i32>} : memref<240x128xf32, #tpu.memory_space<vmem>>, vector<1x16xf32>,
        %swap3A_816 = vector.shape_cast %swap3A_815 : vector<1x16xf32> to vector<16xf32>
        %swap3A_817 = vector.shape_cast %mul3A_812 : vector<16xf32> to vector<1x16xf32>
        tpu.vector_store %arg10[%swap3A_813, %swap3A_814], %swap3A_817 {strides = array<i32>} : memref<240x128xf32, #tpu.memory_space<vmem>>, vector<1x16xf32>,
        %get3A_818 = arith.index_cast %add3A_795 : i32 to index
        %get3A_819 = arith.constant 32 : index
        %get3A_820 = tpu.vector_load %arg10[%get3A_818, %get3A_819] {strides = array<i32>} : memref<240x128xf32, #tpu.memory_space<vmem>>, vector<1x16xf32>,
        %get3A_821 = vector.shape_cast %get3A_820 : vector<1x16xf32> to vector<16xf32>
        %mul3A_822 = vector.broadcast %squeeze3A_790 : f32 to vector<16xf32>
        %mul3A_823 = arith.mulf %get3A_821, %mul3A_822 : vector<16xf32>
        %swap3A_824 = arith.index_cast %add3A_795 : i32 to index
        %swap3A_825 = arith.constant 32 : index
        %swap3A_826 = tpu.vector_load %arg10[%swap3A_824, %swap3A_825] {strides = array<i32>} : memref<240x128xf32, #tpu.memory_space<vmem>>, vector<1x16xf32>,
        %swap3A_827 = vector.shape_cast %swap3A_826 : vector<1x16xf32> to vector<16xf32>
        %swap3A_828 = vector.shape_cast %mul3A_823 : vector<16xf32> to vector<1x16xf32>
        tpu.vector_store %arg10[%swap3A_824, %swap3A_825], %swap3A_828 {strides = array<i32>} : memref<240x128xf32, #tpu.memory_space<vmem>>, vector<1x16xf32>,
        %get3A_829 = arith.index_cast %add3A_795 : i32 to index
        %get3A_830 = arith.constant 48 : index
        %get3A_831 = tpu.vector_load %arg10[%get3A_829, %get3A_830] {strides = array<i32>} : memref<240x128xf32, #tpu.memory_space<vmem>>, vector<1x16xf32>,
        %get3A_832 = vector.shape_cast %get3A_831 : vector<1x16xf32> to vector<16xf32>
        %mul3A_833 = vector.broadcast %squeeze3A_790 : f32 to vector<16xf32>
        %mul3A_834 = arith.mulf %get3A_832, %mul3A_833 : vector<16xf32>
        %swap3A_835 = arith.index_cast %add3A_795 : i32 to index
        %swap3A_836 = arith.constant 48 : index
        %swap3A_837 = tpu.vector_load %arg10[%swap3A_835, %swap3A_836] {strides = array<i32>} : memref<240x128xf32, #tpu.memory_space<vmem>>, vector<1x16xf32>,
        %swap3A_838 = vector.shape_cast %swap3A_837 : vector<1x16xf32> to vector<16xf32>
        %swap3A_839 = vector.shape_cast %mul3A_834 : vector<16xf32> to vector<1x16xf32>
        tpu.vector_store %arg10[%swap3A_835, %swap3A_836], %swap3A_839 {strides = array<i32>} : memref<240x128xf32, #tpu.memory_space<vmem>>, vector<1x16xf32>,
        %get3A_840 = arith.index_cast %add3A_795 : i32 to index
        %get3A_841 = arith.constant 64 : index
        %get3A_842 = tpu.vector_load %arg10[%get3A_840, %get3A_841] {strides = array<i32>} : memref<240x128xf32, #tpu.memory_space<vmem>>, vector<1x16xf32>,
        %get3A_843 = vector.shape_cast %get3A_842 : vector<1x16xf32> to vector<16xf32>
        %mul3A_844 = vector.broadcast %squeeze3A_790 : f32 to vector<16xf32>
        %mul3A_845 = arith.mulf %get3A_843, %mul3A_844 : vector<16xf32>
        %swap3A_846 = arith.index_cast %add3A_795 : i32 to index
        %swap3A_847 = arith.constant 64 : index
        %swap3A_848 = tpu.vector_load %arg10[%swap3A_846, %swap3A_847] {strides = array<i32>} : memref<240x128xf32, #tpu.memory_space<vmem>>, vector<1x16xf32>,
        %swap3A_849 = vector.shape_cast %swap3A_848 : vector<1x16xf32> to vector<16xf32>
        %swap3A_850 = vector.shape_cast %mul3A_845 : vector<16xf32> to vector<1x16xf32>
        tpu.vector_store %arg10[%swap3A_846, %swap3A_847], %swap3A_850 {strides = array<i32>} : memref<240x128xf32, #tpu.memory_space<vmem>>, vector<1x16xf32>,
        %get3A_851 = arith.index_cast %add3A_795 : i32 to index
        %get3A_852 = arith.constant 80 : index
        %get3A_853 = tpu.vector_load %arg10[%get3A_851, %get3A_852] {strides = array<i32>} : memref<240x128xf32, #tpu.memory_space<vmem>>, vector<1x16xf32>,
        %get3A_854 = vector.shape_cast %get3A_853 : vector<1x16xf32> to vector<16xf32>
        %mul3A_855 = vector.broadcast %squeeze3A_790 : f32 to vector<16xf32>
        %mul3A_856 = arith.mulf %get3A_854, %mul3A_855 : vector<16xf32>
        %swap3A_857 = arith.index_cast %add3A_795 : i32 to index
        %swap3A_858 = arith.constant 80 : index
        %swap3A_859 = tpu.vector_load %arg10[%swap3A_857, %swap3A_858] {strides = array<i32>} : memref<240x128xf32, #tpu.memory_space<vmem>>, vector<1x16xf32>,
        %swap3A_860 = vector.shape_cast %swap3A_859 : vector<1x16xf32> to vector<16xf32>
        %swap3A_861 = vector.shape_cast %mul3A_856 : vector<16xf32> to vector<1x16xf32>
        tpu.vector_store %arg10[%swap3A_857, %swap3A_858], %swap3A_861 {strides = array<i32>} : memref<240x128xf32, #tpu.memory_space<vmem>>, vector<1x16xf32>,
        %get3A_862 = arith.index_cast %add3A_795 : i32 to index
        %get3A_863 = arith.constant 96 : index
        %get3A_864 = tpu.vector_load %arg10[%get3A_862, %get3A_863] {strides = array<i32>} : memref<240x128xf32, #tpu.memory_space<vmem>>, vector<1x16xf32>,
        %get3A_865 = vector.shape_cast %get3A_864 : vector<1x16xf32> to vector<16xf32>
        %mul3A_866 = vector.broadcast %squeeze3A_790 : f32 to vector<16xf32>
        %mul3A_867 = arith.mulf %get3A_865, %mul3A_866 : vector<16xf32>
        %swap3A_868 = arith.index_cast %add3A_795 : i32 to index
        %swap3A_869 = arith.constant 96 : index
        %swap3A_870 = tpu.vector_load %arg10[%swap3A_868, %swap3A_869] {strides = array<i32>} : memref<240x128xf32, #tpu.memory_space<vmem>>, vector<1x16xf32>,
        %swap3A_871 = vector.shape_cast %swap3A_870 : vector<1x16xf32> to vector<16xf32>
        %swap3A_872 = vector.shape_cast %mul3A_867 : vector<16xf32> to vector<1x16xf32>
        tpu.vector_store %arg10[%swap3A_868, %swap3A_869], %swap3A_872 {strides = array<i32>} : memref<240x128xf32, #tpu.memory_space<vmem>>, vector<1x16xf32>,
        %get3A_873 = arith.index_cast %add3A_795 : i32 to index
        %get3A_874 = arith.constant 112 : index
        %get3A_875 = tpu.vector_load %arg10[%get3A_873, %get3A_874] {strides = array<i32>} : memref<240x128xf32, #tpu.memory_space<vmem>>, vector<1x16xf32>,
        %get3A_876 = vector.shape_cast %get3A_875 : vector<1x16xf32> to vector<16xf32>
        %mul3A_877 = vector.broadcast %squeeze3A_790 : f32 to vector<16xf32>
        %mul3A_878 = arith.mulf %get3A_876, %mul3A_877 : vector<16xf32>
        %swap3A_879 = arith.index_cast %add3A_795 : i32 to index
        %swap3A_880 = arith.constant 112 : index
        %swap3A_881 = tpu.vector_load %arg10[%swap3A_879, %swap3A_880] {strides = array<i32>} : memref<240x128xf32, #tpu.memory_space<vmem>>, vector<1x16xf32>,
        %swap3A_882 = vector.shape_cast %swap3A_881 : vector<1x16xf32> to vector<16xf32>
        %swap3A_883 = vector.shape_cast %mul3A_878 : vector<16xf32> to vector<1x16xf32>
        tpu.vector_store %arg10[%swap3A_879, %swap3A_880], %swap3A_883 {strides = array<i32>} : memref<240x128xf32, #tpu.memory_space<vmem>>, vector<1x16xf32>,
        %jit3A_884 = arith.constant 0.000000e+00 : f32
        %broadcast_in_dim3A_885 = vector.broadcast %squeeze3A_790 : f32 to vector<16xf32>
        %broadcast_in_dim3A_886 = vector.broadcast %jit3A_884 : f32 to vector<16xf32>
        %select_n3A_887 = arith.select %eq3A_124, %broadcast_in_dim3A_885, %broadcast_in_dim3A_886 : vector<16xi1>, vector<16xf32>
        %swap3A_888 = arith.index_cast %add3A_795 : i32 to index
        %swap3A_889 = arith.constant 0 : index
        %swap3A_890 = tpu.vector_load %arg11[%swap3A_888, %swap3A_889] {strides = array<i32>} : memref<240x16xf32, #tpu.memory_space<vmem>>, vector<1x16xf32>,
        %swap3A_891 = vector.shape_cast %swap3A_890 : vector<1x16xf32> to vector<16xf32>
        %swap3A_892 = vector.shape_cast %select_n3A_887 : vector<16xf32> to vector<1x16xf32>
        tpu.vector_store %arg11[%swap3A_888, %swap3A_889], %swap3A_892 {strides = array<i32>} : memref<240x16xf32, #tpu.memory_space<vmem>>, vector<1x16xf32>,
        %slice3A_893 = vector.extract_strided_slice %get3A_584 {offsets = [3], sizes = [1], strides = [1]} : vector<16xf32> to vector<1xf32>
        %squeeze3A_894 = vector.extract %slice3A_893[0] : f32 from vector<1xf32>
        %mul3A_895 = arith.constant 16 : i32
        %mul3A_896 = arith.muli %mul3A_895, %add3A_579 : i32
        %add3A_897 = arith.addi %mul3A_340, %mul3A_896 : i32
        %add3A_898 = arith.constant 3 : i32
        %add3A_899 = arith.addi %add3A_897, %add3A_898 : i32
        %get3A_900 = arith.index_cast %add3A_899 : i32 to index
        %get3A_901 = arith.constant 0 : index
        %get3A_902 = tpu.vector_load %arg10[%get3A_900, %get3A_901] {strides = array<i32>} : memref<240x128xf32, #tpu.memory_space<vmem>>, vector<1x16xf32>,
        %get3A_903 = vector.shape_cast %get3A_902 : vector<1x16xf32> to vector<16xf32>
        %mul3A_904 = vector.broadcast %squeeze3A_894 : f32 to vector<16xf32>
        %mul3A_905 = arith.mulf %get3A_903, %mul3A_904 : vector<16xf32>
        %swap3A_906 = arith.index_cast %add3A_899 : i32 to index
        %swap3A_907 = arith.constant 0 : index
        %swap3A_908 = tpu.vector_load %arg10[%swap3A_906, %swap3A_907] {strides = array<i32>} : memref<240x128xf32, #tpu.memory_space<vmem>>, vector<1x16xf32>,
        %swap3A_909 = vector.shape_cast %swap3A_908 : vector<1x16xf32> to vector<16xf32>
        %swap3A_910 = vector.shape_cast %mul3A_905 : vector<16xf32> to vector<1x16xf32>
        tpu.vector_store %arg10[%swap3A_906, %swap3A_907], %swap3A_910 {strides = array<i32>} : memref<240x128xf32, #tpu.memory_space<vmem>>, vector<1x16xf32>,
        %get3A_911 = arith.index_cast %add3A_899 : i32 to index
        %get3A_912 = arith.constant 16 : index
        %get3A_913 = tpu.vector_load %arg10[%get3A_911, %get3A_912] {strides = array<i32>} : memref<240x128xf32, #tpu.memory_space<vmem>>, vector<1x16xf32>,
        %get3A_914 = vector.shape_cast %get3A_913 : vector<1x16xf32> to vector<16xf32>
        %mul3A_915 = vector.broadcast %squeeze3A_894 : f32 to vector<16xf32>
        %mul3A_916 = arith.mulf %get3A_914, %mul3A_915 : vector<16xf32>
        %swap3A_917 = arith.index_cast %add3A_899 : i32 to index
        %swap3A_918 = arith.constant 16 : index
        %swap3A_919 = tpu.vector_load %arg10[%swap3A_917, %swap3A_918] {strides = array<i32>} : memref<240x128xf32, #tpu.memory_space<vmem>>, vector<1x16xf32>,
        %swap3A_920 = vector.shape_cast %swap3A_919 : vector<1x16xf32> to vector<16xf32>
        %swap3A_921 = vector.shape_cast %mul3A_916 : vector<16xf32> to vector<1x16xf32>
        tpu.vector_store %arg10[%swap3A_917, %swap3A_918], %swap3A_921 {strides = array<i32>} : memref<240x128xf32, #tpu.memory_space<vmem>>, vector<1x16xf32>,
        %get3A_922 = arith.index_cast %add3A_899 : i32 to index
        %get3A_923 = arith.constant 32 : index
        %get3A_924 = tpu.vector_load %arg10[%get3A_922, %get3A_923] {strides = array<i32>} : memref<240x128xf32, #tpu.memory_space<vmem>>, vector<1x16xf32>,
        %get3A_925 = vector.shape_cast %get3A_924 : vector<1x16xf32> to vector<16xf32>
        %mul3A_926 = vector.broadcast %squeeze3A_894 : f32 to vector<16xf32>
        %mul3A_927 = arith.mulf %get3A_925, %mul3A_926 : vector<16xf32>
        %swap3A_928 = arith.index_cast %add3A_899 : i32 to index
        %swap3A_929 = arith.constant 32 : index
        %swap3A_930 = tpu.vector_load %arg10[%swap3A_928, %swap3A_929] {strides = array<i32>} : memref<240x128xf32, #tpu.memory_space<vmem>>, vector<1x16xf32>,
        %swap3A_931 = vector.shape_cast %swap3A_930 : vector<1x16xf32> to vector<16xf32>
        %swap3A_932 = vector.shape_cast %mul3A_927 : vector<16xf32> to vector<1x16xf32>
        tpu.vector_store %arg10[%swap3A_928, %swap3A_929], %swap3A_932 {strides = array<i32>} : memref<240x128xf32, #tpu.memory_space<vmem>>, vector<1x16xf32>,
        %get3A_933 = arith.index_cast %add3A_899 : i32 to index
        %get3A_934 = arith.constant 48 : index
        %get3A_935 = tpu.vector_load %arg10[%get3A_933, %get3A_934] {strides = array<i32>} : memref<240x128xf32, #tpu.memory_space<vmem>>, vector<1x16xf32>,
        %get3A_936 = vector.shape_cast %get3A_935 : vector<1x16xf32> to vector<16xf32>
        %mul3A_937 = vector.broadcast %squeeze3A_894 : f32 to vector<16xf32>
        %mul3A_938 = arith.mulf %get3A_936, %mul3A_937 : vector<16xf32>
        %swap3A_939 = arith.index_cast %add3A_899 : i32 to index
        %swap3A_940 = arith.constant 48 : index
        %swap3A_941 = tpu.vector_load %arg10[%swap3A_939, %swap3A_940] {strides = array<i32>} : memref<240x128xf32, #tpu.memory_space<vmem>>, vector<1x16xf32>,
        %swap3A_942 = vector.shape_cast %swap3A_941 : vector<1x16xf32> to vector<16xf32>
        %swap3A_943 = vector.shape_cast %mul3A_938 : vector<16xf32> to vector<1x16xf32>
        tpu.vector_store %arg10[%swap3A_939, %swap3A_940], %swap3A_943 {strides = array<i32>} : memref<240x128xf32, #tpu.memory_space<vmem>>, vector<1x16xf32>,
        %get3A_944 = arith.index_cast %add3A_899 : i32 to index
        %get3A_945 = arith.constant 64 : index
        %get3A_946 = tpu.vector_load %arg10[%get3A_944, %get3A_945] {strides = array<i32>} : memref<240x128xf32, #tpu.memory_space<vmem>>, vector<1x16xf32>,
        %get3A_947 = vector.shape_cast %get3A_946 : vector<1x16xf32> to vector<16xf32>
        %mul3A_948 = vector.broadcast %squeeze3A_894 : f32 to vector<16xf32>
        %mul3A_949 = arith.mulf %get3A_947, %mul3A_948 : vector<16xf32>
        %swap3A_950 = arith.index_cast %add3A_899 : i32 to index
        %swap3A_951 = arith.constant 64 : index
        %swap3A_952 = tpu.vector_load %arg10[%swap3A_950, %swap3A_951] {strides = array<i32>} : memref<240x128xf32, #tpu.memory_space<vmem>>, vector<1x16xf32>,
        %swap3A_953 = vector.shape_cast %swap3A_952 : vector<1x16xf32> to vector<16xf32>
        %swap3A_954 = vector.shape_cast %mul3A_949 : vector<16xf32> to vector<1x16xf32>
        tpu.vector_store %arg10[%swap3A_950, %swap3A_951], %swap3A_954 {strides = array<i32>} : memref<240x128xf32, #tpu.memory_space<vmem>>, vector<1x16xf32>,
        %get3A_955 = arith.index_cast %add3A_899 : i32 to index
        %get3A_956 = arith.constant 80 : index
        %get3A_957 = tpu.vector_load %arg10[%get3A_955, %get3A_956] {strides = array<i32>} : memref<240x128xf32, #tpu.memory_space<vmem>>, vector<1x16xf32>,
        %get3A_958 = vector.shape_cast %get3A_957 : vector<1x16xf32> to vector<16xf32>
        %mul3A_959 = vector.broadcast %squeeze3A_894 : f32 to vector<16xf32>
        %mul3A_960 = arith.mulf %get3A_958, %mul3A_959 : vector<16xf32>
        %swap3A_961 = arith.index_cast %add3A_899 : i32 to index
        %swap3A_962 = arith.constant 80 : index
        %swap3A_963 = tpu.vector_load %arg10[%swap3A_961, %swap3A_962] {strides = array<i32>} : memref<240x128xf32, #tpu.memory_space<vmem>>, vector<1x16xf32>,
        %swap3A_964 = vector.shape_cast %swap3A_963 : vector<1x16xf32> to vector<16xf32>
        %swap3A_965 = vector.shape_cast %mul3A_960 : vector<16xf32> to vector<1x16xf32>
        tpu.vector_store %arg10[%swap3A_961, %swap3A_962], %swap3A_965 {strides = array<i32>} : memref<240x128xf32, #tpu.memory_space<vmem>>, vector<1x16xf32>,
        %get3A_966 = arith.index_cast %add3A_899 : i32 to index
        %get3A_967 = arith.constant 96 : index
        %get3A_968 = tpu.vector_load %arg10[%get3A_966, %get3A_967] {strides = array<i32>} : memref<240x128xf32, #tpu.memory_space<vmem>>, vector<1x16xf32>,
        %get3A_969 = vector.shape_cast %get3A_968 : vector<1x16xf32> to vector<16xf32>
        %mul3A_970 = vector.broadcast %squeeze3A_894 : f32 to vector<16xf32>
        %mul3A_971 = arith.mulf %get3A_969, %mul3A_970 : vector<16xf32>
        %swap3A_972 = arith.index_cast %add3A_899 : i32 to index
        %swap3A_973 = arith.constant 96 : index
        %swap3A_974 = tpu.vector_load %arg10[%swap3A_972, %swap3A_973] {strides = array<i32>} : memref<240x128xf32, #tpu.memory_space<vmem>>, vector<1x16xf32>,
        %swap3A_975 = vector.shape_cast %swap3A_974 : vector<1x16xf32> to vector<16xf32>
        %swap3A_976 = vector.shape_cast %mul3A_971 : vector<16xf32> to vector<1x16xf32>
        tpu.vector_store %arg10[%swap3A_972, %swap3A_973], %swap3A_976 {strides = array<i32>} : memref<240x128xf32, #tpu.memory_space<vmem>>, vector<1x16xf32>,
        %get3A_977 = arith.index_cast %add3A_899 : i32 to index
        %get3A_978 = arith.constant 112 : index
        %get3A_979 = tpu.vector_load %arg10[%get3A_977, %get3A_978] {strides = array<i32>} : memref<240x128xf32, #tpu.memory_space<vmem>>, vector<1x16xf32>,
        %get3A_980 = vector.shape_cast %get3A_979 : vector<1x16xf32> to vector<16xf32>
        %mul3A_981 = vector.broadcast %squeeze3A_894 : f32 to vector<16xf32>
        %mul3A_982 = arith.mulf %get3A_980, %mul3A_981 : vector<16xf32>
        %swap3A_983 = arith.index_cast %add3A_899 : i32 to index
        %swap3A_984 = arith.constant 112 : index
        %swap3A_985 = tpu.vector_load %arg10[%swap3A_983, %swap3A_984] {strides = array<i32>} : memref<240x128xf32, #tpu.memory_space<vmem>>, vector<1x16xf32>,
        %swap3A_986 = vector.shape_cast %swap3A_985 : vector<1x16xf32> to vector<16xf32>
        %swap3A_987 = vector.shape_cast %mul3A_982 : vector<16xf32> to vector<1x16xf32>
        tpu.vector_store %arg10[%swap3A_983, %swap3A_984], %swap3A_987 {strides = array<i32>} : memref<240x128xf32, #tpu.memory_space<vmem>>, vector<1x16xf32>,
        %jit3A_988 = arith.constant 0.000000e+00 : f32
        %broadcast_in_dim3A_989 = vector.broadcast %squeeze3A_894 : f32 to vector<16xf32>
        %broadcast_in_dim3A_990 = vector.broadcast %jit3A_988 : f32 to vector<16xf32>
        %select_n3A_991 = arith.select %eq3A_124, %broadcast_in_dim3A_989, %broadcast_in_dim3A_990 : vector<16xi1>, vector<16xf32>
        %swap3A_992 = arith.index_cast %add3A_899 : i32 to index
        %swap3A_993 = arith.constant 0 : index
        %swap3A_994 = tpu.vector_load %arg11[%swap3A_992, %swap3A_993] {strides = array<i32>} : memref<240x16xf32, #tpu.memory_space<vmem>>, vector<1x16xf32>,
        %swap3A_995 = vector.shape_cast %swap3A_994 : vector<1x16xf32> to vector<16xf32>
        %swap3A_996 = vector.shape_cast %select_n3A_991 : vector<16xf32> to vector<1x16xf32>
        tpu.vector_store %arg11[%swap3A_992, %swap3A_993], %swap3A_996 {strides = array<i32>} : memref<240x16xf32, #tpu.memory_space<vmem>>, vector<1x16xf32>,
        %slice3A_997 = vector.extract_strided_slice %get3A_584 {offsets = [4], sizes = [1], strides = [1]} : vector<16xf32> to vector<1xf32>
        %squeeze3A_998 = vector.extract %slice3A_997[0] : f32 from vector<1xf32>
        %mul3A_999 = arith.constant 16 : i32
        %mul3A_1000 = arith.muli %mul3A_999, %add3A_579 : i32
        %add3A_1001 = arith.addi %mul3A_340, %mul3A_1000 : i32
        %add3A_1002 = arith.constant 4 : i32
        %add3A_1003 = arith.addi %add3A_1001, %add3A_1002 : i32
        %get3A_1004 = arith.index_cast %add3A_1003 : i32 to index
        %get3A_1005 = arith.constant 0 : index
        %get3A_1006 = tpu.vector_load %arg10[%get3A_1004, %get3A_1005] {strides = array<i32>} : memref<240x128xf32, #tpu.memory_space<vmem>>, vector<1x16xf32>,
        %get3A_1007 = vector.shape_cast %get3A_1006 : vector<1x16xf32> to vector<16xf32>
        %mul3A_1008 = vector.broadcast %squeeze3A_998 : f32 to vector<16xf32>
        %mul3A_1009 = arith.mulf %get3A_1007, %mul3A_1008 : vector<16xf32>
        %swap3A_1010 = arith.index_cast %add3A_1003 : i32 to index
        %swap3A_1011 = arith.constant 0 : index
        %swap3A_1012 = tpu.vector_load %arg10[%swap3A_1010, %swap3A_1011] {strides = array<i32>} : memref<240x128xf32, #tpu.memory_space<vmem>>, vector<1x16xf32>,
        %swap3A_1013 = vector.shape_cast %swap3A_1012 : vector<1x16xf32> to vector<16xf32>
        %swap3A_1014 = vector.shape_cast %mul3A_1009 : vector<16xf32> to vector<1x16xf32>
        tpu.vector_store %arg10[%swap3A_1010, %swap3A_1011], %swap3A_1014 {strides = array<i32>} : memref<240x128xf32, #tpu.memory_space<vmem>>, vector<1x16xf32>,
        %get3A_1015 = arith.index_cast %add3A_1003 : i32 to index
        %get3A_1016 = arith.constant 16 : index
        %get3A_1017 = tpu.vector_load %arg10[%get3A_1015, %get3A_1016] {strides = array<i32>} : memref<240x128xf32, #tpu.memory_space<vmem>>, vector<1x16xf32>,
        %get3A_1018 = vector.shape_cast %get3A_1017 : vector<1x16xf32> to vector<16xf32>
        %mul3A_1019 = vector.broadcast %squeeze3A_998 : f32 to vector<16xf32>
        %mul3A_1020 = arith.mulf %get3A_1018, %mul3A_1019 : vector<16xf32>
        %swap3A_1021 = arith.index_cast %add3A_1003 : i32 to index
        %swap3A_1022 = arith.constant 16 : index
        %swap3A_1023 = tpu.vector_load %arg10[%swap3A_1021, %swap3A_1022] {strides = array<i32>} : memref<240x128xf32, #tpu.memory_space<vmem>>, vector<1x16xf32>,
        %swap3A_1024 = vector.shape_cast %swap3A_1023 : vector<1x16xf32> to vector<16xf32>
        %swap3A_1025 = vector.shape_cast %mul3A_1020 : vector<16xf32> to vector<1x16xf32>
        tpu.vector_store %arg10[%swap3A_1021, %swap3A_1022], %swap3A_1025 {strides = array<i32>} : memref<240x128xf32, #tpu.memory_space<vmem>>, vector<1x16xf32>,
        %get3A_1026 = arith.index_cast %add3A_1003 : i32 to index
        %get3A_1027 = arith.constant 32 : index
        %get3A_1028 = tpu.vector_load %arg10[%get3A_1026, %get3A_1027] {strides = array<i32>} : memref<240x128xf32, #tpu.memory_space<vmem>>, vector<1x16xf32>,
        %get3A_1029 = vector.shape_cast %get3A_1028 : vector<1x16xf32> to vector<16xf32>
        %mul3A_1030 = vector.broadcast %squeeze3A_998 : f32 to vector<16xf32>
        %mul3A_1031 = arith.mulf %get3A_1029, %mul3A_1030 : vector<16xf32>
        %swap3A_1032 = arith.index_cast %add3A_1003 : i32 to index
        %swap3A_1033 = arith.constant 32 : index
        %swap3A_1034 = tpu.vector_load %arg10[%swap3A_1032, %swap3A_1033] {strides = array<i32>} : memref<240x128xf32, #tpu.memory_space<vmem>>, vector<1x16xf32>,
        %swap3A_1035 = vector.shape_cast %swap3A_1034 : vector<1x16xf32> to vector<16xf32>
        %swap3A_1036 = vector.shape_cast %mul3A_1031 : vector<16xf32> to vector<1x16xf32>
        tpu.vector_store %arg10[%swap3A_1032, %swap3A_1033], %swap3A_1036 {strides = array<i32>} : memref<240x128xf32, #tpu.memory_space<vmem>>, vector<1x16xf32>,
        %get3A_1037 = arith.index_cast %add3A_1003 : i32 to index
        %get3A_1038 = arith.constant 48 : index
        %get3A_1039 = tpu.vector_load %arg10[%get3A_1037, %get3A_1038] {strides = array<i32>} : memref<240x128xf32, #tpu.memory_space<vmem>>, vector<1x16xf32>,
        %get3A_1040 = vector.shape_cast %get3A_1039 : vector<1x16xf32> to vector<16xf32>
        %mul3A_1041 = vector.broadcast %squeeze3A_998 : f32 to vector<16xf32>
        %mul3A_1042 = arith.mulf %get3A_1040, %mul3A_1041 : vector<16xf32>
        %swap3A_1043 = arith.index_cast %add3A_1003 : i32 to index
        %swap3A_1044 = arith.constant 48 : index
        %swap3A_1045 = tpu.vector_load %arg10[%swap3A_1043, %swap3A_1044] {strides = array<i32>} : memref<240x128xf32, #tpu.memory_space<vmem>>, vector<1x16xf32>,
        %swap3A_1046 = vector.shape_cast %swap3A_1045 : vector<1x16xf32> to vector<16xf32>
        %swap3A_1047 = vector.shape_cast %mul3A_1042 : vector<16xf32> to vector<1x16xf32>
        tpu.vector_store %arg10[%swap3A_1043, %swap3A_1044], %swap3A_1047 {strides = array<i32>} : memref<240x128xf32, #tpu.memory_space<vmem>>, vector<1x16xf32>,
        %get3A_1048 = arith.index_cast %add3A_1003 : i32 to index
        %get3A_1049 = arith.constant 64 : index
        %get3A_1050 = tpu.vector_load %arg10[%get3A_1048, %get3A_1049] {strides = array<i32>} : memref<240x128xf32, #tpu.memory_space<vmem>>, vector<1x16xf32>,
        %get3A_1051 = vector.shape_cast %get3A_1050 : vector<1x16xf32> to vector<16xf32>
        %mul3A_1052 = vector.broadcast %squeeze3A_998 : f32 to vector<16xf32>
        %mul3A_1053 = arith.mulf %get3A_1051, %mul3A_1052 : vector<16xf32>
        %swap3A_1054 = arith.index_cast %add3A_1003 : i32 to index
        %swap3A_1055 = arith.constant 64 : index
        %swap3A_1056 = tpu.vector_load %arg10[%swap3A_1054, %swap3A_1055] {strides = array<i32>} : memref<240x128xf32, #tpu.memory_space<vmem>>, vector<1x16xf32>,
        %swap3A_1057 = vector.shape_cast %swap3A_1056 : vector<1x16xf32> to vector<16xf32>
        %swap3A_1058 = vector.shape_cast %mul3A_1053 : vector<16xf32> to vector<1x16xf32>
        tpu.vector_store %arg10[%swap3A_1054, %swap3A_1055], %swap3A_1058 {strides = array<i32>} : memref<240x128xf32, #tpu.memory_space<vmem>>, vector<1x16xf32>,
        %get3A_1059 = arith.index_cast %add3A_1003 : i32 to index
        %get3A_1060 = arith.constant 80 : index
        %get3A_1061 = tpu.vector_load %arg10[%get3A_1059, %get3A_1060] {strides = array<i32>} : memref<240x128xf32, #tpu.memory_space<vmem>>, vector<1x16xf32>,
        %get3A_1062 = vector.shape_cast %get3A_1061 : vector<1x16xf32> to vector<16xf32>
        %mul3A_1063 = vector.broadcast %squeeze3A_998 : f32 to vector<16xf32>
        %mul3A_1064 = arith.mulf %get3A_1062, %mul3A_1063 : vector<16xf32>
        %swap3A_1065 = arith.index_cast %add3A_1003 : i32 to index
        %swap3A_1066 = arith.constant 80 : index
        %swap3A_1067 = tpu.vector_load %arg10[%swap3A_1065, %swap3A_1066] {strides = array<i32>} : memref<240x128xf32, #tpu.memory_space<vmem>>, vector<1x16xf32>,
        %swap3A_1068 = vector.shape_cast %swap3A_1067 : vector<1x16xf32> to vector<16xf32>
        %swap3A_1069 = vector.shape_cast %mul3A_1064 : vector<16xf32> to vector<1x16xf32>
        tpu.vector_store %arg10[%swap3A_1065, %swap3A_1066], %swap3A_1069 {strides = array<i32>} : memref<240x128xf32, #tpu.memory_space<vmem>>, vector<1x16xf32>,
        %get3A_1070 = arith.index_cast %add3A_1003 : i32 to index
        %get3A_1071 = arith.constant 96 : index
        %get3A_1072 = tpu.vector_load %arg10[%get3A_1070, %get3A_1071] {strides = array<i32>} : memref<240x128xf32, #tpu.memory_space<vmem>>, vector<1x16xf32>,
        %get3A_1073 = vector.shape_cast %get3A_1072 : vector<1x16xf32> to vector<16xf32>
        %mul3A_1074 = vector.broadcast %squeeze3A_998 : f32 to vector<16xf32>
        %mul3A_1075 = arith.mulf %get3A_1073, %mul3A_1074 : vector<16xf32>
        %swap3A_1076 = arith.index_cast %add3A_1003 : i32 to index
        %swap3A_1077 = arith.constant 96 : index
        %swap3A_1078 = tpu.vector_load %arg10[%swap3A_1076, %swap3A_1077] {strides = array<i32>} : memref<240x128xf32, #tpu.memory_space<vmem>>, vector<1x16xf32>,
        %swap3A_1079 = vector.shape_cast %swap3A_1078 : vector<1x16xf32> to vector<16xf32>
        %swap3A_1080 = vector.shape_cast %mul3A_1075 : vector<16xf32> to vector<1x16xf32>
        tpu.vector_store %arg10[%swap3A_1076, %swap3A_1077], %swap3A_1080 {strides = array<i32>} : memref<240x128xf32, #tpu.memory_space<vmem>>, vector<1x16xf32>,
        %get3A_1081 = arith.index_cast %add3A_1003 : i32 to index
        %get3A_1082 = arith.constant 112 : index
        %get3A_1083 = tpu.vector_load %arg10[%get3A_1081, %get3A_1082] {strides = array<i32>} : memref<240x128xf32, #tpu.memory_space<vmem>>, vector<1x16xf32>,
        %get3A_1084 = vector.shape_cast %get3A_1083 : vector<1x16xf32> to vector<16xf32>
        %mul3A_1085 = vector.broadcast %squeeze3A_998 : f32 to vector<16xf32>
        %mul3A_1086 = arith.mulf %get3A_1084, %mul3A_1085 : vector<16xf32>
        %swap3A_1087 = arith.index_cast %add3A_1003 : i32 to index
        %swap3A_1088 = arith.constant 112 : index
        %swap3A_1089 = tpu.vector_load %arg10[%swap3A_1087, %swap3A_1088] {strides = array<i32>} : memref<240x128xf32, #tpu.memory_space<vmem>>, vector<1x16xf32>,
        %swap3A_1090 = vector.shape_cast %swap3A_1089 : vector<1x16xf32> to vector<16xf32>
        %swap3A_1091 = vector.shape_cast %mul3A_1086 : vector<16xf32> to vector<1x16xf32>
        tpu.vector_store %arg10[%swap3A_1087, %swap3A_1088], %swap3A_1091 {strides = array<i32>} : memref<240x128xf32, #tpu.memory_space<vmem>>, vector<1x16xf32>,
        %jit3A_1092 = arith.constant 0.000000e+00 : f32
        %broadcast_in_dim3A_1093 = vector.broadcast %squeeze3A_998 : f32 to vector<16xf32>
        %broadcast_in_dim3A_1094 = vector.broadcast %jit3A_1092 : f32 to vector<16xf32>
        %select_n3A_1095 = arith.select %eq3A_124, %broadcast_in_dim3A_1093, %broadcast_in_dim3A_1094 : vector<16xi1>, vector<16xf32>
        %swap3A_1096 = arith.index_cast %add3A_1003 : i32 to index
        %swap3A_1097 = arith.constant 0 : index
        %swap3A_1098 = tpu.vector_load %arg11[%swap3A_1096, %swap3A_1097] {strides = array<i32>} : memref<240x16xf32, #tpu.memory_space<vmem>>, vector<1x16xf32>,
        %swap3A_1099 = vector.shape_cast %swap3A_1098 : vector<1x16xf32> to vector<16xf32>
        %swap3A_1100 = vector.shape_cast %select_n3A_1095 : vector<16xf32> to vector<1x16xf32>
        tpu.vector_store %arg11[%swap3A_1096, %swap3A_1097], %swap3A_1100 {strides = array<i32>} : memref<240x16xf32, #tpu.memory_space<vmem>>, vector<1x16xf32>,
        %slice3A_1101 = vector.extract_strided_slice %get3A_584 {offsets = [5], sizes = [1], strides = [1]} : vector<16xf32> to vector<1xf32>
        %squeeze3A_1102 = vector.extract %slice3A_1101[0] : f32 from vector<1xf32>
        %mul3A_1103 = arith.constant 16 : i32
        %mul3A_1104 = arith.muli %mul3A_1103, %add3A_579 : i32
        %add3A_1105 = arith.addi %mul3A_340, %mul3A_1104 : i32
        %add3A_1106 = arith.constant 5 : i32
        %add3A_1107 = arith.addi %add3A_1105, %add3A_1106 : i32
        %get3A_1108 = arith.index_cast %add3A_1107 : i32 to index
        %get3A_1109 = arith.constant 0 : index
        %get3A_1110 = tpu.vector_load %arg10[%get3A_1108, %get3A_1109] {strides = array<i32>} : memref<240x128xf32, #tpu.memory_space<vmem>>, vector<1x16xf32>,
        %get3A_1111 = vector.shape_cast %get3A_1110 : vector<1x16xf32> to vector<16xf32>
        %mul3A_1112 = vector.broadcast %squeeze3A_1102 : f32 to vector<16xf32>
        %mul3A_1113 = arith.mulf %get3A_1111, %mul3A_1112 : vector<16xf32>
        %swap3A_1114 = arith.index_cast %add3A_1107 : i32 to index
        %swap3A_1115 = arith.constant 0 : index
        %swap3A_1116 = tpu.vector_load %arg10[%swap3A_1114, %swap3A_1115] {strides = array<i32>} : memref<240x128xf32, #tpu.memory_space<vmem>>, vector<1x16xf32>,
        %swap3A_1117 = vector.shape_cast %swap3A_1116 : vector<1x16xf32> to vector<16xf32>
        %swap3A_1118 = vector.shape_cast %mul3A_1113 : vector<16xf32> to vector<1x16xf32>
        tpu.vector_store %arg10[%swap3A_1114, %swap3A_1115], %swap3A_1118 {strides = array<i32>} : memref<240x128xf32, #tpu.memory_space<vmem>>, vector<1x16xf32>,
        %get3A_1119 = arith.index_cast %add3A_1107 : i32 to index
        %get3A_1120 = arith.constant 16 : index
        %get3A_1121 = tpu.vector_load %arg10[%get3A_1119, %get3A_1120] {strides = array<i32>} : memref<240x128xf32, #tpu.memory_space<vmem>>, vector<1x16xf32>,
        %get3A_1122 = vector.shape_cast %get3A_1121 : vector<1x16xf32> to vector<16xf32>
        %mul3A_1123 = vector.broadcast %squeeze3A_1102 : f32 to vector<16xf32>
        %mul3A_1124 = arith.mulf %get3A_1122, %mul3A_1123 : vector<16xf32>
        %swap3A_1125 = arith.index_cast %add3A_1107 : i32 to index
        %swap3A_1126 = arith.constant 16 : index
        %swap3A_1127 = tpu.vector_load %arg10[%swap3A_1125, %swap3A_1126] {strides = array<i32>} : memref<240x128xf32, #tpu.memory_space<vmem>>, vector<1x16xf32>,
        %swap3A_1128 = vector.shape_cast %swap3A_1127 : vector<1x16xf32> to vector<16xf32>
        %swap3A_1129 = vector.shape_cast %mul3A_1124 : vector<16xf32> to vector<1x16xf32>
        tpu.vector_store %arg10[%swap3A_1125, %swap3A_1126], %swap3A_1129 {strides = array<i32>} : memref<240x128xf32, #tpu.memory_space<vmem>>, vector<1x16xf32>,
        %get3A_1130 = arith.index_cast %add3A_1107 : i32 to index
        %get3A_1131 = arith.constant 32 : index
        %get3A_1132 = tpu.vector_load %arg10[%get3A_1130, %get3A_1131] {strides = array<i32>} : memref<240x128xf32, #tpu.memory_space<vmem>>, vector<1x16xf32>,
        %get3A_1133 = vector.shape_cast %get3A_1132 : vector<1x16xf32> to vector<16xf32>
        %mul3A_1134 = vector.broadcast %squeeze3A_1102 : f32 to vector<16xf32>
        %mul3A_1135 = arith.mulf %get3A_1133, %mul3A_1134 : vector<16xf32>
        %swap3A_1136 = arith.index_cast %add3A_1107 : i32 to index
        %swap3A_1137 = arith.constant 32 : index
        %swap3A_1138 = tpu.vector_load %arg10[%swap3A_1136, %swap3A_1137] {strides = array<i32>} : memref<240x128xf32, #tpu.memory_space<vmem>>, vector<1x16xf32>,
        %swap3A_1139 = vector.shape_cast %swap3A_1138 : vector<1x16xf32> to vector<16xf32>
        %swap3A_1140 = vector.shape_cast %mul3A_1135 : vector<16xf32> to vector<1x16xf32>
        tpu.vector_store %arg10[%swap3A_1136, %swap3A_1137], %swap3A_1140 {strides = array<i32>} : memref<240x128xf32, #tpu.memory_space<vmem>>, vector<1x16xf32>,
        %get3A_1141 = arith.index_cast %add3A_1107 : i32 to index
        %get3A_1142 = arith.constant 48 : index
        %get3A_1143 = tpu.vector_load %arg10[%get3A_1141, %get3A_1142] {strides = array<i32>} : memref<240x128xf32, #tpu.memory_space<vmem>>, vector<1x16xf32>,
        %get3A_1144 = vector.shape_cast %get3A_1143 : vector<1x16xf32> to vector<16xf32>
        %mul3A_1145 = vector.broadcast %squeeze3A_1102 : f32 to vector<16xf32>
        %mul3A_1146 = arith.mulf %get3A_1144, %mul3A_1145 : vector<16xf32>
        %swap3A_1147 = arith.index_cast %add3A_1107 : i32 to index
        %swap3A_1148 = arith.constant 48 : index
        %swap3A_1149 = tpu.vector_load %arg10[%swap3A_1147, %swap3A_1148] {strides = array<i32>} : memref<240x128xf32, #tpu.memory_space<vmem>>, vector<1x16xf32>,
        %swap3A_1150 = vector.shape_cast %swap3A_1149 : vector<1x16xf32> to vector<16xf32>
        %swap3A_1151 = vector.shape_cast %mul3A_1146 : vector<16xf32> to vector<1x16xf32>
        tpu.vector_store %arg10[%swap3A_1147, %swap3A_1148], %swap3A_1151 {strides = array<i32>} : memref<240x128xf32, #tpu.memory_space<vmem>>, vector<1x16xf32>,
        %get3A_1152 = arith.index_cast %add3A_1107 : i32 to index
        %get3A_1153 = arith.constant 64 : index
        %get3A_1154 = tpu.vector_load %arg10[%get3A_1152, %get3A_1153] {strides = array<i32>} : memref<240x128xf32, #tpu.memory_space<vmem>>, vector<1x16xf32>,
        %get3A_1155 = vector.shape_cast %get3A_1154 : vector<1x16xf32> to vector<16xf32>
        %mul3A_1156 = vector.broadcast %squeeze3A_1102 : f32 to vector<16xf32>
        %mul3A_1157 = arith.mulf %get3A_1155, %mul3A_1156 : vector<16xf32>
        %swap3A_1158 = arith.index_cast %add3A_1107 : i32 to index
        %swap3A_1159 = arith.constant 64 : index
        %swap3A_1160 = tpu.vector_load %arg10[%swap3A_1158, %swap3A_1159] {strides = array<i32>} : memref<240x128xf32, #tpu.memory_space<vmem>>, vector<1x16xf32>,
        %swap3A_1161 = vector.shape_cast %swap3A_1160 : vector<1x16xf32> to vector<16xf32>
        %swap3A_1162 = vector.shape_cast %mul3A_1157 : vector<16xf32> to vector<1x16xf32>
        tpu.vector_store %arg10[%swap3A_1158, %swap3A_1159], %swap3A_1162 {strides = array<i32>} : memref<240x128xf32, #tpu.memory_space<vmem>>, vector<1x16xf32>,
        %get3A_1163 = arith.index_cast %add3A_1107 : i32 to index
        %get3A_1164 = arith.constant 80 : index
        %get3A_1165 = tpu.vector_load %arg10[%get3A_1163, %get3A_1164] {strides = array<i32>} : memref<240x128xf32, #tpu.memory_space<vmem>>, vector<1x16xf32>,
        %get3A_1166 = vector.shape_cast %get3A_1165 : vector<1x16xf32> to vector<16xf32>
        %mul3A_1167 = vector.broadcast %squeeze3A_1102 : f32 to vector<16xf32>
        %mul3A_1168 = arith.mulf %get3A_1166, %mul3A_1167 : vector<16xf32>
        %swap3A_1169 = arith.index_cast %add3A_1107 : i32 to index
        %swap3A_1170 = arith.constant 80 : index
        %swap3A_1171 = tpu.vector_load %arg10[%swap3A_1169, %swap3A_1170] {strides = array<i32>} : memref<240x128xf32, #tpu.memory_space<vmem>>, vector<1x16xf32>,
        %swap3A_1172 = vector.shape_cast %swap3A_1171 : vector<1x16xf32> to vector<16xf32>
        %swap3A_1173 = vector.shape_cast %mul3A_1168 : vector<16xf32> to vector<1x16xf32>
        tpu.vector_store %arg10[%swap3A_1169, %swap3A_1170], %swap3A_1173 {strides = array<i32>} : memref<240x128xf32, #tpu.memory_space<vmem>>, vector<1x16xf32>,
        %get3A_1174 = arith.index_cast %add3A_1107 : i32 to index
        %get3A_1175 = arith.constant 96 : index
        %get3A_1176 = tpu.vector_load %arg10[%get3A_1174, %get3A_1175] {strides = array<i32>} : memref<240x128xf32, #tpu.memory_space<vmem>>, vector<1x16xf32>,
        %get3A_1177 = vector.shape_cast %get3A_1176 : vector<1x16xf32> to vector<16xf32>
        %mul3A_1178 = vector.broadcast %squeeze3A_1102 : f32 to vector<16xf32>
        %mul3A_1179 = arith.mulf %get3A_1177, %mul3A_1178 : vector<16xf32>
        %swap3A_1180 = arith.index_cast %add3A_1107 : i32 to index
        %swap3A_1181 = arith.constant 96 : index
        %swap3A_1182 = tpu.vector_load %arg10[%swap3A_1180, %swap3A_1181] {strides = array<i32>} : memref<240x128xf32, #tpu.memory_space<vmem>>, vector<1x16xf32>,
        %swap3A_1183 = vector.shape_cast %swap3A_1182 : vector<1x16xf32> to vector<16xf32>
        %swap3A_1184 = vector.shape_cast %mul3A_1179 : vector<16xf32> to vector<1x16xf32>
        tpu.vector_store %arg10[%swap3A_1180, %swap3A_1181], %swap3A_1184 {strides = array<i32>} : memref<240x128xf32, #tpu.memory_space<vmem>>, vector<1x16xf32>,
        %get3A_1185 = arith.index_cast %add3A_1107 : i32 to index
        %get3A_1186 = arith.constant 112 : index
        %get3A_1187 = tpu.vector_load %arg10[%get3A_1185, %get3A_1186] {strides = array<i32>} : memref<240x128xf32, #tpu.memory_space<vmem>>, vector<1x16xf32>,
        %get3A_1188 = vector.shape_cast %get3A_1187 : vector<1x16xf32> to vector<16xf32>
        %mul3A_1189 = vector.broadcast %squeeze3A_1102 : f32 to vector<16xf32>
        %mul3A_1190 = arith.mulf %get3A_1188, %mul3A_1189 : vector<16xf32>
        %swap3A_1191 = arith.index_cast %add3A_1107 : i32 to index
        %swap3A_1192 = arith.constant 112 : index
        %swap3A_1193 = tpu.vector_load %arg10[%swap3A_1191, %swap3A_1192] {strides = array<i32>} : memref<240x128xf32, #tpu.memory_space<vmem>>, vector<1x16xf32>,
        %swap3A_1194 = vector.shape_cast %swap3A_1193 : vector<1x16xf32> to vector<16xf32>
        %swap3A_1195 = vector.shape_cast %mul3A_1190 : vector<16xf32> to vector<1x16xf32>
        tpu.vector_store %arg10[%swap3A_1191, %swap3A_1192], %swap3A_1195 {strides = array<i32>} : memref<240x128xf32, #tpu.memory_space<vmem>>, vector<1x16xf32>,
        %jit3A_1196 = arith.constant 0.000000e+00 : f32
        %broadcast_in_dim3A_1197 = vector.broadcast %squeeze3A_1102 : f32 to vector<16xf32>
        %broadcast_in_dim3A_1198 = vector.broadcast %jit3A_1196 : f32 to vector<16xf32>
        %select_n3A_1199 = arith.select %eq3A_124, %broadcast_in_dim3A_1197, %broadcast_in_dim3A_1198 : vector<16xi1>, vector<16xf32>
        %swap3A_1200 = arith.index_cast %add3A_1107 : i32 to index
        %swap3A_1201 = arith.constant 0 : index
        %swap3A_1202 = tpu.vector_load %arg11[%swap3A_1200, %swap3A_1201] {strides = array<i32>} : memref<240x16xf32, #tpu.memory_space<vmem>>, vector<1x16xf32>,
        %swap3A_1203 = vector.shape_cast %swap3A_1202 : vector<1x16xf32> to vector<16xf32>
        %swap3A_1204 = vector.shape_cast %select_n3A_1199 : vector<16xf32> to vector<1x16xf32>
        tpu.vector_store %arg11[%swap3A_1200, %swap3A_1201], %swap3A_1204 {strides = array<i32>} : memref<240x16xf32, #tpu.memory_space<vmem>>, vector<1x16xf32>,
        %slice3A_1205 = vector.extract_strided_slice %get3A_584 {offsets = [6], sizes = [1], strides = [1]} : vector<16xf32> to vector<1xf32>
        %squeeze3A_1206 = vector.extract %slice3A_1205[0] : f32 from vector<1xf32>
        %mul3A_1207 = arith.constant 16 : i32
        %mul3A_1208 = arith.muli %mul3A_1207, %add3A_579 : i32
        %add3A_1209 = arith.addi %mul3A_340, %mul3A_1208 : i32
        %add3A_1210 = arith.constant 6 : i32
        %add3A_1211 = arith.addi %add3A_1209, %add3A_1210 : i32
        %get3A_1212 = arith.index_cast %add3A_1211 : i32 to index
        %get3A_1213 = arith.constant 0 : index
        %get3A_1214 = tpu.vector_load %arg10[%get3A_1212, %get3A_1213] {strides = array<i32>} : memref<240x128xf32, #tpu.memory_space<vmem>>, vector<1x16xf32>,
        %get3A_1215 = vector.shape_cast %get3A_1214 : vector<1x16xf32> to vector<16xf32>
        %mul3A_1216 = vector.broadcast %squeeze3A_1206 : f32 to vector<16xf32>
        %mul3A_1217 = arith.mulf %get3A_1215, %mul3A_1216 : vector<16xf32>
        %swap3A_1218 = arith.index_cast %add3A_1211 : i32 to index
        %swap3A_1219 = arith.constant 0 : index
        %swap3A_1220 = tpu.vector_load %arg10[%swap3A_1218, %swap3A_1219] {strides = array<i32>} : memref<240x128xf32, #tpu.memory_space<vmem>>, vector<1x16xf32>,
        %swap3A_1221 = vector.shape_cast %swap3A_1220 : vector<1x16xf32> to vector<16xf32>
        %swap3A_1222 = vector.shape_cast %mul3A_1217 : vector<16xf32> to vector<1x16xf32>
        tpu.vector_store %arg10[%swap3A_1218, %swap3A_1219], %swap3A_1222 {strides = array<i32>} : memref<240x128xf32, #tpu.memory_space<vmem>>, vector<1x16xf32>,
        %get3A_1223 = arith.index_cast %add3A_1211 : i32 to index
        %get3A_1224 = arith.constant 16 : index
        %get3A_1225 = tpu.vector_load %arg10[%get3A_1223, %get3A_1224] {strides = array<i32>} : memref<240x128xf32, #tpu.memory_space<vmem>>, vector<1x16xf32>,
        %get3A_1226 = vector.shape_cast %get3A_1225 : vector<1x16xf32> to vector<16xf32>
        %mul3A_1227 = vector.broadcast %squeeze3A_1206 : f32 to vector<16xf32>
        %mul3A_1228 = arith.mulf %get3A_1226, %mul3A_1227 : vector<16xf32>
        %swap3A_1229 = arith.index_cast %add3A_1211 : i32 to index
        %swap3A_1230 = arith.constant 16 : index
        %swap3A_1231 = tpu.vector_load %arg10[%swap3A_1229, %swap3A_1230] {strides = array<i32>} : memref<240x128xf32, #tpu.memory_space<vmem>>, vector<1x16xf32>,
        %swap3A_1232 = vector.shape_cast %swap3A_1231 : vector<1x16xf32> to vector<16xf32>
        %swap3A_1233 = vector.shape_cast %mul3A_1228 : vector<16xf32> to vector<1x16xf32>
        tpu.vector_store %arg10[%swap3A_1229, %swap3A_1230], %swap3A_1233 {strides = array<i32>} : memref<240x128xf32, #tpu.memory_space<vmem>>, vector<1x16xf32>,
        %get3A_1234 = arith.index_cast %add3A_1211 : i32 to index
        %get3A_1235 = arith.constant 32 : index
        %get3A_1236 = tpu.vector_load %arg10[%get3A_1234, %get3A_1235] {strides = array<i32>} : memref<240x128xf32, #tpu.memory_space<vmem>>, vector<1x16xf32>,
        %get3A_1237 = vector.shape_cast %get3A_1236 : vector<1x16xf32> to vector<16xf32>
        %mul3A_1238 = vector.broadcast %squeeze3A_1206 : f32 to vector<16xf32>
        %mul3A_1239 = arith.mulf %get3A_1237, %mul3A_1238 : vector<16xf32>
        %swap3A_1240 = arith.index_cast %add3A_1211 : i32 to index
        %swap3A_1241 = arith.constant 32 : index
        %swap3A_1242 = tpu.vector_load %arg10[%swap3A_1240, %swap3A_1241] {strides = array<i32>} : memref<240x128xf32, #tpu.memory_space<vmem>>, vector<1x16xf32>,
        %swap3A_1243 = vector.shape_cast %swap3A_1242 : vector<1x16xf32> to vector<16xf32>
        %swap3A_1244 = vector.shape_cast %mul3A_1239 : vector<16xf32> to vector<1x16xf32>
        tpu.vector_store %arg10[%swap3A_1240, %swap3A_1241], %swap3A_1244 {strides = array<i32>} : memref<240x128xf32, #tpu.memory_space<vmem>>, vector<1x16xf32>,
        %get3A_1245 = arith.index_cast %add3A_1211 : i32 to index
        %get3A_1246 = arith.constant 48 : index
        %get3A_1247 = tpu.vector_load %arg10[%get3A_1245, %get3A_1246] {strides = array<i32>} : memref<240x128xf32, #tpu.memory_space<vmem>>, vector<1x16xf32>,
        %get3A_1248 = vector.shape_cast %get3A_1247 : vector<1x16xf32> to vector<16xf32>
        %mul3A_1249 = vector.broadcast %squeeze3A_1206 : f32 to vector<16xf32>
        %mul3A_1250 = arith.mulf %get3A_1248, %mul3A_1249 : vector<16xf32>
        %swap3A_1251 = arith.index_cast %add3A_1211 : i32 to index
        %swap3A_1252 = arith.constant 48 : index
        %swap3A_1253 = tpu.vector_load %arg10[%swap3A_1251, %swap3A_1252] {strides = array<i32>} : memref<240x128xf32, #tpu.memory_space<vmem>>, vector<1x16xf32>,
        %swap3A_1254 = vector.shape_cast %swap3A_1253 : vector<1x16xf32> to vector<16xf32>
        %swap3A_1255 = vector.shape_cast %mul3A_1250 : vector<16xf32> to vector<1x16xf32>
        tpu.vector_store %arg10[%swap3A_1251, %swap3A_1252], %swap3A_1255 {strides = array<i32>} : memref<240x128xf32, #tpu.memory_space<vmem>>, vector<1x16xf32>,
        %get3A_1256 = arith.index_cast %add3A_1211 : i32 to index
        %get3A_1257 = arith.constant 64 : index
        %get3A_1258 = tpu.vector_load %arg10[%get3A_1256, %get3A_1257] {strides = array<i32>} : memref<240x128xf32, #tpu.memory_space<vmem>>, vector<1x16xf32>,
        %get3A_1259 = vector.shape_cast %get3A_1258 : vector<1x16xf32> to vector<16xf32>
        %mul3A_1260 = vector.broadcast %squeeze3A_1206 : f32 to vector<16xf32>
        %mul3A_1261 = arith.mulf %get3A_1259, %mul3A_1260 : vector<16xf32>
        %swap3A_1262 = arith.index_cast %add3A_1211 : i32 to index
        %swap3A_1263 = arith.constant 64 : index
        %swap3A_1264 = tpu.vector_load %arg10[%swap3A_1262, %swap3A_1263] {strides = array<i32>} : memref<240x128xf32, #tpu.memory_space<vmem>>, vector<1x16xf32>,
        %swap3A_1265 = vector.shape_cast %swap3A_1264 : vector<1x16xf32> to vector<16xf32>
        %swap3A_1266 = vector.shape_cast %mul3A_1261 : vector<16xf32> to vector<1x16xf32>
        tpu.vector_store %arg10[%swap3A_1262, %swap3A_1263], %swap3A_1266 {strides = array<i32>} : memref<240x128xf32, #tpu.memory_space<vmem>>, vector<1x16xf32>,
        %get3A_1267 = arith.index_cast %add3A_1211 : i32 to index
        %get3A_1268 = arith.constant 80 : index
        %get3A_1269 = tpu.vector_load %arg10[%get3A_1267, %get3A_1268] {strides = array<i32>} : memref<240x128xf32, #tpu.memory_space<vmem>>, vector<1x16xf32>,
        %get3A_1270 = vector.shape_cast %get3A_1269 : vector<1x16xf32> to vector<16xf32>
        %mul3A_1271 = vector.broadcast %squeeze3A_1206 : f32 to vector<16xf32>
        %mul3A_1272 = arith.mulf %get3A_1270, %mul3A_1271 : vector<16xf32>
        %swap3A_1273 = arith.index_cast %add3A_1211 : i32 to index
        %swap3A_1274 = arith.constant 80 : index
        %swap3A_1275 = tpu.vector_load %arg10[%swap3A_1273, %swap3A_1274] {strides = array<i32>} : memref<240x128xf32, #tpu.memory_space<vmem>>, vector<1x16xf32>,
        %swap3A_1276 = vector.shape_cast %swap3A_1275 : vector<1x16xf32> to vector<16xf32>
        %swap3A_1277 = vector.shape_cast %mul3A_1272 : vector<16xf32> to vector<1x16xf32>
        tpu.vector_store %arg10[%swap3A_1273, %swap3A_1274], %swap3A_1277 {strides = array<i32>} : memref<240x128xf32, #tpu.memory_space<vmem>>, vector<1x16xf32>,
        %get3A_1278 = arith.index_cast %add3A_1211 : i32 to index
        %get3A_1279 = arith.constant 96 : index
        %get3A_1280 = tpu.vector_load %arg10[%get3A_1278, %get3A_1279] {strides = array<i32>} : memref<240x128xf32, #tpu.memory_space<vmem>>, vector<1x16xf32>,
        %get3A_1281 = vector.shape_cast %get3A_1280 : vector<1x16xf32> to vector<16xf32>
        %mul3A_1282 = vector.broadcast %squeeze3A_1206 : f32 to vector<16xf32>
        %mul3A_1283 = arith.mulf %get3A_1281, %mul3A_1282 : vector<16xf32>
        %swap3A_1284 = arith.index_cast %add3A_1211 : i32 to index
        %swap3A_1285 = arith.constant 96 : index
        %swap3A_1286 = tpu.vector_load %arg10[%swap3A_1284, %swap3A_1285] {strides = array<i32>} : memref<240x128xf32, #tpu.memory_space<vmem>>, vector<1x16xf32>,
        %swap3A_1287 = vector.shape_cast %swap3A_1286 : vector<1x16xf32> to vector<16xf32>
        %swap3A_1288 = vector.shape_cast %mul3A_1283 : vector<16xf32> to vector<1x16xf32>
        tpu.vector_store %arg10[%swap3A_1284, %swap3A_1285], %swap3A_1288 {strides = array<i32>} : memref<240x128xf32, #tpu.memory_space<vmem>>, vector<1x16xf32>,
        %get3A_1289 = arith.index_cast %add3A_1211 : i32 to index
        %get3A_1290 = arith.constant 112 : index
        %get3A_1291 = tpu.vector_load %arg10[%get3A_1289, %get3A_1290] {strides = array<i32>} : memref<240x128xf32, #tpu.memory_space<vmem>>, vector<1x16xf32>,
        %get3A_1292 = vector.shape_cast %get3A_1291 : vector<1x16xf32> to vector<16xf32>
        %mul3A_1293 = vector.broadcast %squeeze3A_1206 : f32 to vector<16xf32>
        %mul3A_1294 = arith.mulf %get3A_1292, %mul3A_1293 : vector<16xf32>
        %swap3A_1295 = arith.index_cast %add3A_1211 : i32 to index
        %swap3A_1296 = arith.constant 112 : index
        %swap3A_1297 = tpu.vector_load %arg10[%swap3A_1295, %swap3A_1296] {strides = array<i32>} : memref<240x128xf32, #tpu.memory_space<vmem>>, vector<1x16xf32>,
        %swap3A_1298 = vector.shape_cast %swap3A_1297 : vector<1x16xf32> to vector<16xf32>
        %swap3A_1299 = vector.shape_cast %mul3A_1294 : vector<16xf32> to vector<1x16xf32>
        tpu.vector_store %arg10[%swap3A_1295, %swap3A_1296], %swap3A_1299 {strides = array<i32>} : memref<240x128xf32, #tpu.memory_space<vmem>>, vector<1x16xf32>,
        %jit3A_1300 = arith.constant 0.000000e+00 : f32
        %broadcast_in_dim3A_1301 = vector.broadcast %squeeze3A_1206 : f32 to vector<16xf32>
        %broadcast_in_dim3A_1302 = vector.broadcast %jit3A_1300 : f32 to vector<16xf32>
        %select_n3A_1303 = arith.select %eq3A_124, %broadcast_in_dim3A_1301, %broadcast_in_dim3A_1302 : vector<16xi1>, vector<16xf32>
        %swap3A_1304 = arith.index_cast %add3A_1211 : i32 to index
        %swap3A_1305 = arith.constant 0 : index
        %swap3A_1306 = tpu.vector_load %arg11[%swap3A_1304, %swap3A_1305] {strides = array<i32>} : memref<240x16xf32, #tpu.memory_space<vmem>>, vector<1x16xf32>,
        %swap3A_1307 = vector.shape_cast %swap3A_1306 : vector<1x16xf32> to vector<16xf32>
        %swap3A_1308 = vector.shape_cast %select_n3A_1303 : vector<16xf32> to vector<1x16xf32>
        tpu.vector_store %arg11[%swap3A_1304, %swap3A_1305], %swap3A_1308 {strides = array<i32>} : memref<240x16xf32, #tpu.memory_space<vmem>>, vector<1x16xf32>,
        %slice3A_1309 = vector.extract_strided_slice %get3A_584 {offsets = [7], sizes = [1], strides = [1]} : vector<16xf32> to vector<1xf32>
        %squeeze3A_1310 = vector.extract %slice3A_1309[0] : f32 from vector<1xf32>
        %mul3A_1311 = arith.constant 16 : i32
        %mul3A_1312 = arith.muli %mul3A_1311, %add3A_579 : i32
        %add3A_1313 = arith.addi %mul3A_340, %mul3A_1312 : i32
        %add3A_1314 = arith.constant 7 : i32
        %add3A_1315 = arith.addi %add3A_1313, %add3A_1314 : i32
        %get3A_1316 = arith.index_cast %add3A_1315 : i32 to index
        %get3A_1317 = arith.constant 0 : index
        %get3A_1318 = tpu.vector_load %arg10[%get3A_1316, %get3A_1317] {strides = array<i32>} : memref<240x128xf32, #tpu.memory_space<vmem>>, vector<1x16xf32>,
        %get3A_1319 = vector.shape_cast %get3A_1318 : vector<1x16xf32> to vector<16xf32>
        %mul3A_1320 = vector.broadcast %squeeze3A_1310 : f32 to vector<16xf32>
        %mul3A_1321 = arith.mulf %get3A_1319, %mul3A_1320 : vector<16xf32>
        %swap3A_1322 = arith.index_cast %add3A_1315 : i32 to index
        %swap3A_1323 = arith.constant 0 : index
        %swap3A_1324 = tpu.vector_load %arg10[%swap3A_1322, %swap3A_1323] {strides = array<i32>} : memref<240x128xf32, #tpu.memory_space<vmem>>, vector<1x16xf32>,
        %swap3A_1325 = vector.shape_cast %swap3A_1324 : vector<1x16xf32> to vector<16xf32>
        %swap3A_1326 = vector.shape_cast %mul3A_1321 : vector<16xf32> to vector<1x16xf32>
        tpu.vector_store %arg10[%swap3A_1322, %swap3A_1323], %swap3A_1326 {strides = array<i32>} : memref<240x128xf32, #tpu.memory_space<vmem>>, vector<1x16xf32>,
        %get3A_1327 = arith.index_cast %add3A_1315 : i32 to index
        %get3A_1328 = arith.constant 16 : index
        %get3A_1329 = tpu.vector_load %arg10[%get3A_1327, %get3A_1328] {strides = array<i32>} : memref<240x128xf32, #tpu.memory_space<vmem>>, vector<1x16xf32>,
        %get3A_1330 = vector.shape_cast %get3A_1329 : vector<1x16xf32> to vector<16xf32>
        %mul3A_1331 = vector.broadcast %squeeze3A_1310 : f32 to vector<16xf32>
        %mul3A_1332 = arith.mulf %get3A_1330, %mul3A_1331 : vector<16xf32>
        %swap3A_1333 = arith.index_cast %add3A_1315 : i32 to index
        %swap3A_1334 = arith.constant 16 : index
        %swap3A_1335 = tpu.vector_load %arg10[%swap3A_1333, %swap3A_1334] {strides = array<i32>} : memref<240x128xf32, #tpu.memory_space<vmem>>, vector<1x16xf32>,
        %swap3A_1336 = vector.shape_cast %swap3A_1335 : vector<1x16xf32> to vector<16xf32>
        %swap3A_1337 = vector.shape_cast %mul3A_1332 : vector<16xf32> to vector<1x16xf32>
        tpu.vector_store %arg10[%swap3A_1333, %swap3A_1334], %swap3A_1337 {strides = array<i32>} : memref<240x128xf32, #tpu.memory_space<vmem>>, vector<1x16xf32>,
        %get3A_1338 = arith.index_cast %add3A_1315 : i32 to index
        %get3A_1339 = arith.constant 32 : index
        %get3A_1340 = tpu.vector_load %arg10[%get3A_1338, %get3A_1339] {strides = array<i32>} : memref<240x128xf32, #tpu.memory_space<vmem>>, vector<1x16xf32>,
        %get3A_1341 = vector.shape_cast %get3A_1340 : vector<1x16xf32> to vector<16xf32>
        %mul3A_1342 = vector.broadcast %squeeze3A_1310 : f32 to vector<16xf32>
        %mul3A_1343 = arith.mulf %get3A_1341, %mul3A_1342 : vector<16xf32>
        %swap3A_1344 = arith.index_cast %add3A_1315 : i32 to index
        %swap3A_1345 = arith.constant 32 : index
        %swap3A_1346 = tpu.vector_load %arg10[%swap3A_1344, %swap3A_1345] {strides = array<i32>} : memref<240x128xf32, #tpu.memory_space<vmem>>, vector<1x16xf32>,
        %swap3A_1347 = vector.shape_cast %swap3A_1346 : vector<1x16xf32> to vector<16xf32>
        %swap3A_1348 = vector.shape_cast %mul3A_1343 : vector<16xf32> to vector<1x16xf32>
        tpu.vector_store %arg10[%swap3A_1344, %swap3A_1345], %swap3A_1348 {strides = array<i32>} : memref<240x128xf32, #tpu.memory_space<vmem>>, vector<1x16xf32>,
        %get3A_1349 = arith.index_cast %add3A_1315 : i32 to index
        %get3A_1350 = arith.constant 48 : index
        %get3A_1351 = tpu.vector_load %arg10[%get3A_1349, %get3A_1350] {strides = array<i32>} : memref<240x128xf32, #tpu.memory_space<vmem>>, vector<1x16xf32>,
        %get3A_1352 = vector.shape_cast %get3A_1351 : vector<1x16xf32> to vector<16xf32>
        %mul3A_1353 = vector.broadcast %squeeze3A_1310 : f32 to vector<16xf32>
        %mul3A_1354 = arith.mulf %get3A_1352, %mul3A_1353 : vector<16xf32>
        %swap3A_1355 = arith.index_cast %add3A_1315 : i32 to index
        %swap3A_1356 = arith.constant 48 : index
        %swap3A_1357 = tpu.vector_load %arg10[%swap3A_1355, %swap3A_1356] {strides = array<i32>} : memref<240x128xf32, #tpu.memory_space<vmem>>, vector<1x16xf32>,
        %swap3A_1358 = vector.shape_cast %swap3A_1357 : vector<1x16xf32> to vector<16xf32>
        %swap3A_1359 = vector.shape_cast %mul3A_1354 : vector<16xf32> to vector<1x16xf32>
        tpu.vector_store %arg10[%swap3A_1355, %swap3A_1356], %swap3A_1359 {strides = array<i32>} : memref<240x128xf32, #tpu.memory_space<vmem>>, vector<1x16xf32>,
        %get3A_1360 = arith.index_cast %add3A_1315 : i32 to index
        %get3A_1361 = arith.constant 64 : index
        %get3A_1362 = tpu.vector_load %arg10[%get3A_1360, %get3A_1361] {strides = array<i32>} : memref<240x128xf32, #tpu.memory_space<vmem>>, vector<1x16xf32>,
        %get3A_1363 = vector.shape_cast %get3A_1362 : vector<1x16xf32> to vector<16xf32>
        %mul3A_1364 = vector.broadcast %squeeze3A_1310 : f32 to vector<16xf32>
        %mul3A_1365 = arith.mulf %get3A_1363, %mul3A_1364 : vector<16xf32>
        %swap3A_1366 = arith.index_cast %add3A_1315 : i32 to index
        %swap3A_1367 = arith.constant 64 : index
        %swap3A_1368 = tpu.vector_load %arg10[%swap3A_1366, %swap3A_1367] {strides = array<i32>} : memref<240x128xf32, #tpu.memory_space<vmem>>, vector<1x16xf32>,
        %swap3A_1369 = vector.shape_cast %swap3A_1368 : vector<1x16xf32> to vector<16xf32>
        %swap3A_1370 = vector.shape_cast %mul3A_1365 : vector<16xf32> to vector<1x16xf32>
        tpu.vector_store %arg10[%swap3A_1366, %swap3A_1367], %swap3A_1370 {strides = array<i32>} : memref<240x128xf32, #tpu.memory_space<vmem>>, vector<1x16xf32>,
        %get3A_1371 = arith.index_cast %add3A_1315 : i32 to index
        %get3A_1372 = arith.constant 80 : index
        %get3A_1373 = tpu.vector_load %arg10[%get3A_1371, %get3A_1372] {strides = array<i32>} : memref<240x128xf32, #tpu.memory_space<vmem>>, vector<1x16xf32>,
        %get3A_1374 = vector.shape_cast %get3A_1373 : vector<1x16xf32> to vector<16xf32>
        %mul3A_1375 = vector.broadcast %squeeze3A_1310 : f32 to vector<16xf32>
        %mul3A_1376 = arith.mulf %get3A_1374, %mul3A_1375 : vector<16xf32>
        %swap3A_1377 = arith.index_cast %add3A_1315 : i32 to index
        %swap3A_1378 = arith.constant 80 : index
        %swap3A_1379 = tpu.vector_load %arg10[%swap3A_1377, %swap3A_1378] {strides = array<i32>} : memref<240x128xf32, #tpu.memory_space<vmem>>, vector<1x16xf32>,
        %swap3A_1380 = vector.shape_cast %swap3A_1379 : vector<1x16xf32> to vector<16xf32>
        %swap3A_1381 = vector.shape_cast %mul3A_1376 : vector<16xf32> to vector<1x16xf32>
        tpu.vector_store %arg10[%swap3A_1377, %swap3A_1378], %swap3A_1381 {strides = array<i32>} : memref<240x128xf32, #tpu.memory_space<vmem>>, vector<1x16xf32>,
        %get3A_1382 = arith.index_cast %add3A_1315 : i32 to index
        %get3A_1383 = arith.constant 96 : index
        %get3A_1384 = tpu.vector_load %arg10[%get3A_1382, %get3A_1383] {strides = array<i32>} : memref<240x128xf32, #tpu.memory_space<vmem>>, vector<1x16xf32>,
        %get3A_1385 = vector.shape_cast %get3A_1384 : vector<1x16xf32> to vector<16xf32>
        %mul3A_1386 = vector.broadcast %squeeze3A_1310 : f32 to vector<16xf32>
        %mul3A_1387 = arith.mulf %get3A_1385, %mul3A_1386 : vector<16xf32>
        %swap3A_1388 = arith.index_cast %add3A_1315 : i32 to index
        %swap3A_1389 = arith.constant 96 : index
        %swap3A_1390 = tpu.vector_load %arg10[%swap3A_1388, %swap3A_1389] {strides = array<i32>} : memref<240x128xf32, #tpu.memory_space<vmem>>, vector<1x16xf32>,
        %swap3A_1391 = vector.shape_cast %swap3A_1390 : vector<1x16xf32> to vector<16xf32>
        %swap3A_1392 = vector.shape_cast %mul3A_1387 : vector<16xf32> to vector<1x16xf32>
        tpu.vector_store %arg10[%swap3A_1388, %swap3A_1389], %swap3A_1392 {strides = array<i32>} : memref<240x128xf32, #tpu.memory_space<vmem>>, vector<1x16xf32>,
        %get3A_1393 = arith.index_cast %add3A_1315 : i32 to index
        %get3A_1394 = arith.constant 112 : index
        %get3A_1395 = tpu.vector_load %arg10[%get3A_1393, %get3A_1394] {strides = array<i32>} : memref<240x128xf32, #tpu.memory_space<vmem>>, vector<1x16xf32>,
        %get3A_1396 = vector.shape_cast %get3A_1395 : vector<1x16xf32> to vector<16xf32>
        %mul3A_1397 = vector.broadcast %squeeze3A_1310 : f32 to vector<16xf32>
        %mul3A_1398 = arith.mulf %get3A_1396, %mul3A_1397 : vector<16xf32>
        %swap3A_1399 = arith.index_cast %add3A_1315 : i32 to index
        %swap3A_1400 = arith.constant 112 : index
        %swap3A_1401 = tpu.vector_load %arg10[%swap3A_1399, %swap3A_1400] {strides = array<i32>} : memref<240x128xf32, #tpu.memory_space<vmem>>, vector<1x16xf32>,
        %swap3A_1402 = vector.shape_cast %swap3A_1401 : vector<1x16xf32> to vector<16xf32>
        %swap3A_1403 = vector.shape_cast %mul3A_1398 : vector<16xf32> to vector<1x16xf32>
        tpu.vector_store %arg10[%swap3A_1399, %swap3A_1400], %swap3A_1403 {strides = array<i32>} : memref<240x128xf32, #tpu.memory_space<vmem>>, vector<1x16xf32>,
        %jit3A_1404 = arith.constant 0.000000e+00 : f32
        %broadcast_in_dim3A_1405 = vector.broadcast %squeeze3A_1310 : f32 to vector<16xf32>
        %broadcast_in_dim3A_1406 = vector.broadcast %jit3A_1404 : f32 to vector<16xf32>
        %select_n3A_1407 = arith.select %eq3A_124, %broadcast_in_dim3A_1405, %broadcast_in_dim3A_1406 : vector<16xi1>, vector<16xf32>
        %swap3A_1408 = arith.index_cast %add3A_1315 : i32 to index
        %swap3A_1409 = arith.constant 0 : index
        %swap3A_1410 = tpu.vector_load %arg11[%swap3A_1408, %swap3A_1409] {strides = array<i32>} : memref<240x16xf32, #tpu.memory_space<vmem>>, vector<1x16xf32>,
        %swap3A_1411 = vector.shape_cast %swap3A_1410 : vector<1x16xf32> to vector<16xf32>
        %swap3A_1412 = vector.shape_cast %select_n3A_1407 : vector<16xf32> to vector<1x16xf32>
        tpu.vector_store %arg11[%swap3A_1408, %swap3A_1409], %swap3A_1412 {strides = array<i32>} : memref<240x16xf32, #tpu.memory_space<vmem>>, vector<1x16xf32>,
        %slice3A_1413 = vector.extract_strided_slice %get3A_584 {offsets = [8], sizes = [1], strides = [1]} : vector<16xf32> to vector<1xf32>
        %squeeze3A_1414 = vector.extract %slice3A_1413[0] : f32 from vector<1xf32>
        %mul3A_1415 = arith.constant 16 : i32
        %mul3A_1416 = arith.muli %mul3A_1415, %add3A_579 : i32
        %add3A_1417 = arith.addi %mul3A_340, %mul3A_1416 : i32
        %add3A_1418 = arith.constant 8 : i32
        %add3A_1419 = arith.addi %add3A_1417, %add3A_1418 : i32
        %get3A_1420 = arith.index_cast %add3A_1419 : i32 to index
        %get3A_1421 = arith.constant 0 : index
        %get3A_1422 = tpu.vector_load %arg10[%get3A_1420, %get3A_1421] {strides = array<i32>} : memref<240x128xf32, #tpu.memory_space<vmem>>, vector<1x16xf32>,
        %get3A_1423 = vector.shape_cast %get3A_1422 : vector<1x16xf32> to vector<16xf32>
        %mul3A_1424 = vector.broadcast %squeeze3A_1414 : f32 to vector<16xf32>
        %mul3A_1425 = arith.mulf %get3A_1423, %mul3A_1424 : vector<16xf32>
        %swap3A_1426 = arith.index_cast %add3A_1419 : i32 to index
        %swap3A_1427 = arith.constant 0 : index
        %swap3A_1428 = tpu.vector_load %arg10[%swap3A_1426, %swap3A_1427] {strides = array<i32>} : memref<240x128xf32, #tpu.memory_space<vmem>>, vector<1x16xf32>,
        %swap3A_1429 = vector.shape_cast %swap3A_1428 : vector<1x16xf32> to vector<16xf32>
        %swap3A_1430 = vector.shape_cast %mul3A_1425 : vector<16xf32> to vector<1x16xf32>
        tpu.vector_store %arg10[%swap3A_1426, %swap3A_1427], %swap3A_1430 {strides = array<i32>} : memref<240x128xf32, #tpu.memory_space<vmem>>, vector<1x16xf32>,
        %get3A_1431 = arith.index_cast %add3A_1419 : i32 to index
        %get3A_1432 = arith.constant 16 : index
        %get3A_1433 = tpu.vector_load %arg10[%get3A_1431, %get3A_1432] {strides = array<i32>} : memref<240x128xf32, #tpu.memory_space<vmem>>, vector<1x16xf32>,
        %get3A_1434 = vector.shape_cast %get3A_1433 : vector<1x16xf32> to vector<16xf32>
        %mul3A_1435 = vector.broadcast %squeeze3A_1414 : f32 to vector<16xf32>
        %mul3A_1436 = arith.mulf %get3A_1434, %mul3A_1435 : vector<16xf32>
        %swap3A_1437 = arith.index_cast %add3A_1419 : i32 to index
        %swap3A_1438 = arith.constant 16 : index
        %swap3A_1439 = tpu.vector_load %arg10[%swap3A_1437, %swap3A_1438] {strides = array<i32>} : memref<240x128xf32, #tpu.memory_space<vmem>>, vector<1x16xf32>,
        %swap3A_1440 = vector.shape_cast %swap3A_1439 : vector<1x16xf32> to vector<16xf32>
        %swap3A_1441 = vector.shape_cast %mul3A_1436 : vector<16xf32> to vector<1x16xf32>
        tpu.vector_store %arg10[%swap3A_1437, %swap3A_1438], %swap3A_1441 {strides = array<i32>} : memref<240x128xf32, #tpu.memory_space<vmem>>, vector<1x16xf32>,
        %get3A_1442 = arith.index_cast %add3A_1419 : i32 to index
        %get3A_1443 = arith.constant 32 : index
        %get3A_1444 = tpu.vector_load %arg10[%get3A_1442, %get3A_1443] {strides = array<i32>} : memref<240x128xf32, #tpu.memory_space<vmem>>, vector<1x16xf32>,
        %get3A_1445 = vector.shape_cast %get3A_1444 : vector<1x16xf32> to vector<16xf32>
        %mul3A_1446 = vector.broadcast %squeeze3A_1414 : f32 to vector<16xf32>
        %mul3A_1447 = arith.mulf %get3A_1445, %mul3A_1446 : vector<16xf32>
        %swap3A_1448 = arith.index_cast %add3A_1419 : i32 to index
        %swap3A_1449 = arith.constant 32 : index
        %swap3A_1450 = tpu.vector_load %arg10[%swap3A_1448, %swap3A_1449] {strides = array<i32>} : memref<240x128xf32, #tpu.memory_space<vmem>>, vector<1x16xf32>,
        %swap3A_1451 = vector.shape_cast %swap3A_1450 : vector<1x16xf32> to vector<16xf32>
        %swap3A_1452 = vector.shape_cast %mul3A_1447 : vector<16xf32> to vector<1x16xf32>
        tpu.vector_store %arg10[%swap3A_1448, %swap3A_1449], %swap3A_1452 {strides = array<i32>} : memref<240x128xf32, #tpu.memory_space<vmem>>, vector<1x16xf32>,
        %get3A_1453 = arith.index_cast %add3A_1419 : i32 to index
        %get3A_1454 = arith.constant 48 : index
        %get3A_1455 = tpu.vector_load %arg10[%get3A_1453, %get3A_1454] {strides = array<i32>} : memref<240x128xf32, #tpu.memory_space<vmem>>, vector<1x16xf32>,
        %get3A_1456 = vector.shape_cast %get3A_1455 : vector<1x16xf32> to vector<16xf32>
        %mul3A_1457 = vector.broadcast %squeeze3A_1414 : f32 to vector<16xf32>
        %mul3A_1458 = arith.mulf %get3A_1456, %mul3A_1457 : vector<16xf32>
        %swap3A_1459 = arith.index_cast %add3A_1419 : i32 to index
        %swap3A_1460 = arith.constant 48 : index
        %swap3A_1461 = tpu.vector_load %arg10[%swap3A_1459, %swap3A_1460] {strides = array<i32>} : memref<240x128xf32, #tpu.memory_space<vmem>>, vector<1x16xf32>,
        %swap3A_1462 = vector.shape_cast %swap3A_1461 : vector<1x16xf32> to vector<16xf32>
        %swap3A_1463 = vector.shape_cast %mul3A_1458 : vector<16xf32> to vector<1x16xf32>
        tpu.vector_store %arg10[%swap3A_1459, %swap3A_1460], %swap3A_1463 {strides = array<i32>} : memref<240x128xf32, #tpu.memory_space<vmem>>, vector<1x16xf32>,
        %get3A_1464 = arith.index_cast %add3A_1419 : i32 to index
        %get3A_1465 = arith.constant 64 : index
        %get3A_1466 = tpu.vector_load %arg10[%get3A_1464, %get3A_1465] {strides = array<i32>} : memref<240x128xf32, #tpu.memory_space<vmem>>, vector<1x16xf32>,
        %get3A_1467 = vector.shape_cast %get3A_1466 : vector<1x16xf32> to vector<16xf32>
        %mul3A_1468 = vector.broadcast %squeeze3A_1414 : f32 to vector<16xf32>
        %mul3A_1469 = arith.mulf %get3A_1467, %mul3A_1468 : vector<16xf32>
        %swap3A_1470 = arith.index_cast %add3A_1419 : i32 to index
        %swap3A_1471 = arith.constant 64 : index
        %swap3A_1472 = tpu.vector_load %arg10[%swap3A_1470, %swap3A_1471] {strides = array<i32>} : memref<240x128xf32, #tpu.memory_space<vmem>>, vector<1x16xf32>,
        %swap3A_1473 = vector.shape_cast %swap3A_1472 : vector<1x16xf32> to vector<16xf32>
        %swap3A_1474 = vector.shape_cast %mul3A_1469 : vector<16xf32> to vector<1x16xf32>
        tpu.vector_store %arg10[%swap3A_1470, %swap3A_1471], %swap3A_1474 {strides = array<i32>} : memref<240x128xf32, #tpu.memory_space<vmem>>, vector<1x16xf32>,
        %get3A_1475 = arith.index_cast %add3A_1419 : i32 to index
        %get3A_1476 = arith.constant 80 : index
        %get3A_1477 = tpu.vector_load %arg10[%get3A_1475, %get3A_1476] {strides = array<i32>} : memref<240x128xf32, #tpu.memory_space<vmem>>, vector<1x16xf32>,
        %get3A_1478 = vector.shape_cast %get3A_1477 : vector<1x16xf32> to vector<16xf32>
        %mul3A_1479 = vector.broadcast %squeeze3A_1414 : f32 to vector<16xf32>
        %mul3A_1480 = arith.mulf %get3A_1478, %mul3A_1479 : vector<16xf32>
        %swap3A_1481 = arith.index_cast %add3A_1419 : i32 to index
        %swap3A_1482 = arith.constant 80 : index
        %swap3A_1483 = tpu.vector_load %arg10[%swap3A_1481, %swap3A_1482] {strides = array<i32>} : memref<240x128xf32, #tpu.memory_space<vmem>>, vector<1x16xf32>,
        %swap3A_1484 = vector.shape_cast %swap3A_1483 : vector<1x16xf32> to vector<16xf32>
        %swap3A_1485 = vector.shape_cast %mul3A_1480 : vector<16xf32> to vector<1x16xf32>
        tpu.vector_store %arg10[%swap3A_1481, %swap3A_1482], %swap3A_1485 {strides = array<i32>} : memref<240x128xf32, #tpu.memory_space<vmem>>, vector<1x16xf32>,
        %get3A_1486 = arith.index_cast %add3A_1419 : i32 to index
        %get3A_1487 = arith.constant 96 : index
        %get3A_1488 = tpu.vector_load %arg10[%get3A_1486, %get3A_1487] {strides = array<i32>} : memref<240x128xf32, #tpu.memory_space<vmem>>, vector<1x16xf32>,
        %get3A_1489 = vector.shape_cast %get3A_1488 : vector<1x16xf32> to vector<16xf32>
        %mul3A_1490 = vector.broadcast %squeeze3A_1414 : f32 to vector<16xf32>
        %mul3A_1491 = arith.mulf %get3A_1489, %mul3A_1490 : vector<16xf32>
        %swap3A_1492 = arith.index_cast %add3A_1419 : i32 to index
        %swap3A_1493 = arith.constant 96 : index
        %swap3A_1494 = tpu.vector_load %arg10[%swap3A_1492, %swap3A_1493] {strides = array<i32>} : memref<240x128xf32, #tpu.memory_space<vmem>>, vector<1x16xf32>,
        %swap3A_1495 = vector.shape_cast %swap3A_1494 : vector<1x16xf32> to vector<16xf32>
        %swap3A_1496 = vector.shape_cast %mul3A_1491 : vector<16xf32> to vector<1x16xf32>
        tpu.vector_store %arg10[%swap3A_1492, %swap3A_1493], %swap3A_1496 {strides = array<i32>} : memref<240x128xf32, #tpu.memory_space<vmem>>, vector<1x16xf32>,
        %get3A_1497 = arith.index_cast %add3A_1419 : i32 to index
        %get3A_1498 = arith.constant 112 : index
        %get3A_1499 = tpu.vector_load %arg10[%get3A_1497, %get3A_1498] {strides = array<i32>} : memref<240x128xf32, #tpu.memory_space<vmem>>, vector<1x16xf32>,
        %get3A_1500 = vector.shape_cast %get3A_1499 : vector<1x16xf32> to vector<16xf32>
        %mul3A_1501 = vector.broadcast %squeeze3A_1414 : f32 to vector<16xf32>
        %mul3A_1502 = arith.mulf %get3A_1500, %mul3A_1501 : vector<16xf32>
        %swap3A_1503 = arith.index_cast %add3A_1419 : i32 to index
        %swap3A_1504 = arith.constant 112 : index
        %swap3A_1505 = tpu.vector_load %arg10[%swap3A_1503, %swap3A_1504] {strides = array<i32>} : memref<240x128xf32, #tpu.memory_space<vmem>>, vector<1x16xf32>,
        %swap3A_1506 = vector.shape_cast %swap3A_1505 : vector<1x16xf32> to vector<16xf32>
        %swap3A_1507 = vector.shape_cast %mul3A_1502 : vector<16xf32> to vector<1x16xf32>
        tpu.vector_store %arg10[%swap3A_1503, %swap3A_1504], %swap3A_1507 {strides = array<i32>} : memref<240x128xf32, #tpu.memory_space<vmem>>, vector<1x16xf32>,
        %jit3A_1508 = arith.constant 0.000000e+00 : f32
        %broadcast_in_dim3A_1509 = vector.broadcast %squeeze3A_1414 : f32 to vector<16xf32>
        %broadcast_in_dim3A_1510 = vector.broadcast %jit3A_1508 : f32 to vector<16xf32>
        %select_n3A_1511 = arith.select %eq3A_124, %broadcast_in_dim3A_1509, %broadcast_in_dim3A_1510 : vector<16xi1>, vector<16xf32>
        %swap3A_1512 = arith.index_cast %add3A_1419 : i32 to index
        %swap3A_1513 = arith.constant 0 : index
        %swap3A_1514 = tpu.vector_load %arg11[%swap3A_1512, %swap3A_1513] {strides = array<i32>} : memref<240x16xf32, #tpu.memory_space<vmem>>, vector<1x16xf32>,
        %swap3A_1515 = vector.shape_cast %swap3A_1514 : vector<1x16xf32> to vector<16xf32>
        %swap3A_1516 = vector.shape_cast %select_n3A_1511 : vector<16xf32> to vector<1x16xf32>
        tpu.vector_store %arg11[%swap3A_1512, %swap3A_1513], %swap3A_1516 {strides = array<i32>} : memref<240x16xf32, #tpu.memory_space<vmem>>, vector<1x16xf32>,
        %slice3A_1517 = vector.extract_strided_slice %get3A_584 {offsets = [9], sizes = [1], strides = [1]} : vector<16xf32> to vector<1xf32>
        %squeeze3A_1518 = vector.extract %slice3A_1517[0] : f32 from vector<1xf32>
        %mul3A_1519 = arith.constant 16 : i32
        %mul3A_1520 = arith.muli %mul3A_1519, %add3A_579 : i32
        %add3A_1521 = arith.addi %mul3A_340, %mul3A_1520 : i32
        %add3A_1522 = arith.constant 9 : i32
        %add3A_1523 = arith.addi %add3A_1521, %add3A_1522 : i32
        %get3A_1524 = arith.index_cast %add3A_1523 : i32 to index
        %get3A_1525 = arith.constant 0 : index
        %get3A_1526 = tpu.vector_load %arg10[%get3A_1524, %get3A_1525] {strides = array<i32>} : memref<240x128xf32, #tpu.memory_space<vmem>>, vector<1x16xf32>,
        %get3A_1527 = vector.shape_cast %get3A_1526 : vector<1x16xf32> to vector<16xf32>
        %mul3A_1528 = vector.broadcast %squeeze3A_1518 : f32 to vector<16xf32>
        %mul3A_1529 = arith.mulf %get3A_1527, %mul3A_1528 : vector<16xf32>
        %swap3A_1530 = arith.index_cast %add3A_1523 : i32 to index
        %swap3A_1531 = arith.constant 0 : index
        %swap3A_1532 = tpu.vector_load %arg10[%swap3A_1530, %swap3A_1531] {strides = array<i32>} : memref<240x128xf32, #tpu.memory_space<vmem>>, vector<1x16xf32>,
        %swap3A_1533 = vector.shape_cast %swap3A_1532 : vector<1x16xf32> to vector<16xf32>
        %swap3A_1534 = vector.shape_cast %mul3A_1529 : vector<16xf32> to vector<1x16xf32>
        tpu.vector_store %arg10[%swap3A_1530, %swap3A_1531], %swap3A_1534 {strides = array<i32>} : memref<240x128xf32, #tpu.memory_space<vmem>>, vector<1x16xf32>,
        %get3A_1535 = arith.index_cast %add3A_1523 : i32 to index
        %get3A_1536 = arith.constant 16 : index
        %get3A_1537 = tpu.vector_load %arg10[%get3A_1535, %get3A_1536] {strides = array<i32>} : memref<240x128xf32, #tpu.memory_space<vmem>>, vector<1x16xf32>,
        %get3A_1538 = vector.shape_cast %get3A_1537 : vector<1x16xf32> to vector<16xf32>
        %mul3A_1539 = vector.broadcast %squeeze3A_1518 : f32 to vector<16xf32>
        %mul3A_1540 = arith.mulf %get3A_1538, %mul3A_1539 : vector<16xf32>
        %swap3A_1541 = arith.index_cast %add3A_1523 : i32 to index
        %swap3A_1542 = arith.constant 16 : index
        %swap3A_1543 = tpu.vector_load %arg10[%swap3A_1541, %swap3A_1542] {strides = array<i32>} : memref<240x128xf32, #tpu.memory_space<vmem>>, vector<1x16xf32>,
        %swap3A_1544 = vector.shape_cast %swap3A_1543 : vector<1x16xf32> to vector<16xf32>
        %swap3A_1545 = vector.shape_cast %mul3A_1540 : vector<16xf32> to vector<1x16xf32>
        tpu.vector_store %arg10[%swap3A_1541, %swap3A_1542], %swap3A_1545 {strides = array<i32>} : memref<240x128xf32, #tpu.memory_space<vmem>>, vector<1x16xf32>,
        %get3A_1546 = arith.index_cast %add3A_1523 : i32 to index
        %get3A_1547 = arith.constant 32 : index
        %get3A_1548 = tpu.vector_load %arg10[%get3A_1546, %get3A_1547] {strides = array<i32>} : memref<240x128xf32, #tpu.memory_space<vmem>>, vector<1x16xf32>,
        %get3A_1549 = vector.shape_cast %get3A_1548 : vector<1x16xf32> to vector<16xf32>
        %mul3A_1550 = vector.broadcast %squeeze3A_1518 : f32 to vector<16xf32>
        %mul3A_1551 = arith.mulf %get3A_1549, %mul3A_1550 : vector<16xf32>
        %swap3A_1552 = arith.index_cast %add3A_1523 : i32 to index
        %swap3A_1553 = arith.constant 32 : index
        %swap3A_1554 = tpu.vector_load %arg10[%swap3A_1552, %swap3A_1553] {strides = array<i32>} : memref<240x128xf32, #tpu.memory_space<vmem>>, vector<1x16xf32>,
        %swap3A_1555 = vector.shape_cast %swap3A_1554 : vector<1x16xf32> to vector<16xf32>
        %swap3A_1556 = vector.shape_cast %mul3A_1551 : vector<16xf32> to vector<1x16xf32>
        tpu.vector_store %arg10[%swap3A_1552, %swap3A_1553], %swap3A_1556 {strides = array<i32>} : memref<240x128xf32, #tpu.memory_space<vmem>>, vector<1x16xf32>,
        %get3A_1557 = arith.index_cast %add3A_1523 : i32 to index
        %get3A_1558 = arith.constant 48 : index
        %get3A_1559 = tpu.vector_load %arg10[%get3A_1557, %get3A_1558] {strides = array<i32>} : memref<240x128xf32, #tpu.memory_space<vmem>>, vector<1x16xf32>,
        %get3A_1560 = vector.shape_cast %get3A_1559 : vector<1x16xf32> to vector<16xf32>
        %mul3A_1561 = vector.broadcast %squeeze3A_1518 : f32 to vector<16xf32>
        %mul3A_1562 = arith.mulf %get3A_1560, %mul3A_1561 : vector<16xf32>
        %swap3A_1563 = arith.index_cast %add3A_1523 : i32 to index
        %swap3A_1564 = arith.constant 48 : index
        %swap3A_1565 = tpu.vector_load %arg10[%swap3A_1563, %swap3A_1564] {strides = array<i32>} : memref<240x128xf32, #tpu.memory_space<vmem>>, vector<1x16xf32>,
        %swap3A_1566 = vector.shape_cast %swap3A_1565 : vector<1x16xf32> to vector<16xf32>
        %swap3A_1567 = vector.shape_cast %mul3A_1562 : vector<16xf32> to vector<1x16xf32>
        tpu.vector_store %arg10[%swap3A_1563, %swap3A_1564], %swap3A_1567 {strides = array<i32>} : memref<240x128xf32, #tpu.memory_space<vmem>>, vector<1x16xf32>,
        %get3A_1568 = arith.index_cast %add3A_1523 : i32 to index
        %get3A_1569 = arith.constant 64 : index
        %get3A_1570 = tpu.vector_load %arg10[%get3A_1568, %get3A_1569] {strides = array<i32>} : memref<240x128xf32, #tpu.memory_space<vmem>>, vector<1x16xf32>,
        %get3A_1571 = vector.shape_cast %get3A_1570 : vector<1x16xf32> to vector<16xf32>
        %mul3A_1572 = vector.broadcast %squeeze3A_1518 : f32 to vector<16xf32>
        %mul3A_1573 = arith.mulf %get3A_1571, %mul3A_1572 : vector<16xf32>
        %swap3A_1574 = arith.index_cast %add3A_1523 : i32 to index
        %swap3A_1575 = arith.constant 64 : index
        %swap3A_1576 = tpu.vector_load %arg10[%swap3A_1574, %swap3A_1575] {strides = array<i32>} : memref<240x128xf32, #tpu.memory_space<vmem>>, vector<1x16xf32>,
        %swap3A_1577 = vector.shape_cast %swap3A_1576 : vector<1x16xf32> to vector<16xf32>
        %swap3A_1578 = vector.shape_cast %mul3A_1573 : vector<16xf32> to vector<1x16xf32>
        tpu.vector_store %arg10[%swap3A_1574, %swap3A_1575], %swap3A_1578 {strides = array<i32>} : memref<240x128xf32, #tpu.memory_space<vmem>>, vector<1x16xf32>,
        %get3A_1579 = arith.index_cast %add3A_1523 : i32 to index
        %get3A_1580 = arith.constant 80 : index
        %get3A_1581 = tpu.vector_load %arg10[%get3A_1579, %get3A_1580] {strides = array<i32>} : memref<240x128xf32, #tpu.memory_space<vmem>>, vector<1x16xf32>,
        %get3A_1582 = vector.shape_cast %get3A_1581 : vector<1x16xf32> to vector<16xf32>
        %mul3A_1583 = vector.broadcast %squeeze3A_1518 : f32 to vector<16xf32>
        %mul3A_1584 = arith.mulf %get3A_1582, %mul3A_1583 : vector<16xf32>
        %swap3A_1585 = arith.index_cast %add3A_1523 : i32 to index
        %swap3A_1586 = arith.constant 80 : index
        %swap3A_1587 = tpu.vector_load %arg10[%swap3A_1585, %swap3A_1586] {strides = array<i32>} : memref<240x128xf32, #tpu.memory_space<vmem>>, vector<1x16xf32>,
        %swap3A_1588 = vector.shape_cast %swap3A_1587 : vector<1x16xf32> to vector<16xf32>
        %swap3A_1589 = vector.shape_cast %mul3A_1584 : vector<16xf32> to vector<1x16xf32>
        tpu.vector_store %arg10[%swap3A_1585, %swap3A_1586], %swap3A_1589 {strides = array<i32>} : memref<240x128xf32, #tpu.memory_space<vmem>>, vector<1x16xf32>,
        %get3A_1590 = arith.index_cast %add3A_1523 : i32 to index
        %get3A_1591 = arith.constant 96 : index
        %get3A_1592 = tpu.vector_load %arg10[%get3A_1590, %get3A_1591] {strides = array<i32>} : memref<240x128xf32, #tpu.memory_space<vmem>>, vector<1x16xf32>,
        %get3A_1593 = vector.shape_cast %get3A_1592 : vector<1x16xf32> to vector<16xf32>
        %mul3A_1594 = vector.broadcast %squeeze3A_1518 : f32 to vector<16xf32>
        %mul3A_1595 = arith.mulf %get3A_1593, %mul3A_1594 : vector<16xf32>
        %swap3A_1596 = arith.index_cast %add3A_1523 : i32 to index
        %swap3A_1597 = arith.constant 96 : index
        %swap3A_1598 = tpu.vector_load %arg10[%swap3A_1596, %swap3A_1597] {strides = array<i32>} : memref<240x128xf32, #tpu.memory_space<vmem>>, vector<1x16xf32>,
        %swap3A_1599 = vector.shape_cast %swap3A_1598 : vector<1x16xf32> to vector<16xf32>
        %swap3A_1600 = vector.shape_cast %mul3A_1595 : vector<16xf32> to vector<1x16xf32>
        tpu.vector_store %arg10[%swap3A_1596, %swap3A_1597], %swap3A_1600 {strides = array<i32>} : memref<240x128xf32, #tpu.memory_space<vmem>>, vector<1x16xf32>,
        %get3A_1601 = arith.index_cast %add3A_1523 : i32 to index
        %get3A_1602 = arith.constant 112 : index
        %get3A_1603 = tpu.vector_load %arg10[%get3A_1601, %get3A_1602] {strides = array<i32>} : memref<240x128xf32, #tpu.memory_space<vmem>>, vector<1x16xf32>,
        %get3A_1604 = vector.shape_cast %get3A_1603 : vector<1x16xf32> to vector<16xf32>
        %mul3A_1605 = vector.broadcast %squeeze3A_1518 : f32 to vector<16xf32>
        %mul3A_1606 = arith.mulf %get3A_1604, %mul3A_1605 : vector<16xf32>
        %swap3A_1607 = arith.index_cast %add3A_1523 : i32 to index
        %swap3A_1608 = arith.constant 112 : index
        %swap3A_1609 = tpu.vector_load %arg10[%swap3A_1607, %swap3A_1608] {strides = array<i32>} : memref<240x128xf32, #tpu.memory_space<vmem>>, vector<1x16xf32>,
        %swap3A_1610 = vector.shape_cast %swap3A_1609 : vector<1x16xf32> to vector<16xf32>
        %swap3A_1611 = vector.shape_cast %mul3A_1606 : vector<16xf32> to vector<1x16xf32>
        tpu.vector_store %arg10[%swap3A_1607, %swap3A_1608], %swap3A_1611 {strides = array<i32>} : memref<240x128xf32, #tpu.memory_space<vmem>>, vector<1x16xf32>,
        %jit3A_1612 = arith.constant 0.000000e+00 : f32
        %broadcast_in_dim3A_1613 = vector.broadcast %squeeze3A_1518 : f32 to vector<16xf32>
        %broadcast_in_dim3A_1614 = vector.broadcast %jit3A_1612 : f32 to vector<16xf32>
        %select_n3A_1615 = arith.select %eq3A_124, %broadcast_in_dim3A_1613, %broadcast_in_dim3A_1614 : vector<16xi1>, vector<16xf32>
        %swap3A_1616 = arith.index_cast %add3A_1523 : i32 to index
        %swap3A_1617 = arith.constant 0 : index
        %swap3A_1618 = tpu.vector_load %arg11[%swap3A_1616, %swap3A_1617] {strides = array<i32>} : memref<240x16xf32, #tpu.memory_space<vmem>>, vector<1x16xf32>,
        %swap3A_1619 = vector.shape_cast %swap3A_1618 : vector<1x16xf32> to vector<16xf32>
        %swap3A_1620 = vector.shape_cast %select_n3A_1615 : vector<16xf32> to vector<1x16xf32>
        tpu.vector_store %arg11[%swap3A_1616, %swap3A_1617], %swap3A_1620 {strides = array<i32>} : memref<240x16xf32, #tpu.memory_space<vmem>>, vector<1x16xf32>,
        %slice3A_1621 = vector.extract_strided_slice %get3A_584 {offsets = [10], sizes = [1], strides = [1]} : vector<16xf32> to vector<1xf32>
        %squeeze3A_1622 = vector.extract %slice3A_1621[0] : f32 from vector<1xf32>
        %mul3A_1623 = arith.constant 16 : i32
        %mul3A_1624 = arith.muli %mul3A_1623, %add3A_579 : i32
        %add3A_1625 = arith.addi %mul3A_340, %mul3A_1624 : i32
        %add3A_1626 = arith.constant 10 : i32
        %add3A_1627 = arith.addi %add3A_1625, %add3A_1626 : i32
        %get3A_1628 = arith.index_cast %add3A_1627 : i32 to index
        %get3A_1629 = arith.constant 0 : index
        %get3A_1630 = tpu.vector_load %arg10[%get3A_1628, %get3A_1629] {strides = array<i32>} : memref<240x128xf32, #tpu.memory_space<vmem>>, vector<1x16xf32>,
        %get3A_1631 = vector.shape_cast %get3A_1630 : vector<1x16xf32> to vector<16xf32>
        %mul3A_1632 = vector.broadcast %squeeze3A_1622 : f32 to vector<16xf32>
        %mul3A_1633 = arith.mulf %get3A_1631, %mul3A_1632 : vector<16xf32>
        %swap3A_1634 = arith.index_cast %add3A_1627 : i32 to index
        %swap3A_1635 = arith.constant 0 : index
        %swap3A_1636 = tpu.vector_load %arg10[%swap3A_1634, %swap3A_1635] {strides = array<i32>} : memref<240x128xf32, #tpu.memory_space<vmem>>, vector<1x16xf32>,
        %swap3A_1637 = vector.shape_cast %swap3A_1636 : vector<1x16xf32> to vector<16xf32>
        %swap3A_1638 = vector.shape_cast %mul3A_1633 : vector<16xf32> to vector<1x16xf32>
        tpu.vector_store %arg10[%swap3A_1634, %swap3A_1635], %swap3A_1638 {strides = array<i32>} : memref<240x128xf32, #tpu.memory_space<vmem>>, vector<1x16xf32>,
        %get3A_1639 = arith.index_cast %add3A_1627 : i32 to index
        %get3A_1640 = arith.constant 16 : index
        %get3A_1641 = tpu.vector_load %arg10[%get3A_1639, %get3A_1640] {strides = array<i32>} : memref<240x128xf32, #tpu.memory_space<vmem>>, vector<1x16xf32>,
        %get3A_1642 = vector.shape_cast %get3A_1641 : vector<1x16xf32> to vector<16xf32>
        %mul3A_1643 = vector.broadcast %squeeze3A_1622 : f32 to vector<16xf32>
        %mul3A_1644 = arith.mulf %get3A_1642, %mul3A_1643 : vector<16xf32>
        %swap3A_1645 = arith.index_cast %add3A_1627 : i32 to index
        %swap3A_1646 = arith.constant 16 : index
        %swap3A_1647 = tpu.vector_load %arg10[%swap3A_1645, %swap3A_1646] {strides = array<i32>} : memref<240x128xf32, #tpu.memory_space<vmem>>, vector<1x16xf32>,
        %swap3A_1648 = vector.shape_cast %swap3A_1647 : vector<1x16xf32> to vector<16xf32>
        %swap3A_1649 = vector.shape_cast %mul3A_1644 : vector<16xf32> to vector<1x16xf32>
        tpu.vector_store %arg10[%swap3A_1645, %swap3A_1646], %swap3A_1649 {strides = array<i32>} : memref<240x128xf32, #tpu.memory_space<vmem>>, vector<1x16xf32>,
        %get3A_1650 = arith.index_cast %add3A_1627 : i32 to index
        %get3A_1651 = arith.constant 32 : index
        %get3A_1652 = tpu.vector_load %arg10[%get3A_1650, %get3A_1651] {strides = array<i32>} : memref<240x128xf32, #tpu.memory_space<vmem>>, vector<1x16xf32>,
        %get3A_1653 = vector.shape_cast %get3A_1652 : vector<1x16xf32> to vector<16xf32>
        %mul3A_1654 = vector.broadcast %squeeze3A_1622 : f32 to vector<16xf32>
        %mul3A_1655 = arith.mulf %get3A_1653, %mul3A_1654 : vector<16xf32>
        %swap3A_1656 = arith.index_cast %add3A_1627 : i32 to index
        %swap3A_1657 = arith.constant 32 : index
        %swap3A_1658 = tpu.vector_load %arg10[%swap3A_1656, %swap3A_1657] {strides = array<i32>} : memref<240x128xf32, #tpu.memory_space<vmem>>, vector<1x16xf32>,
        %swap3A_1659 = vector.shape_cast %swap3A_1658 : vector<1x16xf32> to vector<16xf32>
        %swap3A_1660 = vector.shape_cast %mul3A_1655 : vector<16xf32> to vector<1x16xf32>
        tpu.vector_store %arg10[%swap3A_1656, %swap3A_1657], %swap3A_1660 {strides = array<i32>} : memref<240x128xf32, #tpu.memory_space<vmem>>, vector<1x16xf32>,
        %get3A_1661 = arith.index_cast %add3A_1627 : i32 to index
        %get3A_1662 = arith.constant 48 : index
        %get3A_1663 = tpu.vector_load %arg10[%get3A_1661, %get3A_1662] {strides = array<i32>} : memref<240x128xf32, #tpu.memory_space<vmem>>, vector<1x16xf32>,
        %get3A_1664 = vector.shape_cast %get3A_1663 : vector<1x16xf32> to vector<16xf32>
        %mul3A_1665 = vector.broadcast %squeeze3A_1622 : f32 to vector<16xf32>
        %mul3A_1666 = arith.mulf %get3A_1664, %mul3A_1665 : vector<16xf32>
        %swap3A_1667 = arith.index_cast %add3A_1627 : i32 to index
        %swap3A_1668 = arith.constant 48 : index
        %swap3A_1669 = tpu.vector_load %arg10[%swap3A_1667, %swap3A_1668] {strides = array<i32>} : memref<240x128xf32, #tpu.memory_space<vmem>>, vector<1x16xf32>,
        %swap3A_1670 = vector.shape_cast %swap3A_1669 : vector<1x16xf32> to vector<16xf32>
        %swap3A_1671 = vector.shape_cast %mul3A_1666 : vector<16xf32> to vector<1x16xf32>
        tpu.vector_store %arg10[%swap3A_1667, %swap3A_1668], %swap3A_1671 {strides = array<i32>} : memref<240x128xf32, #tpu.memory_space<vmem>>, vector<1x16xf32>,
        %get3A_1672 = arith.index_cast %add3A_1627 : i32 to index
        %get3A_1673 = arith.constant 64 : index
        %get3A_1674 = tpu.vector_load %arg10[%get3A_1672, %get3A_1673] {strides = array<i32>} : memref<240x128xf32, #tpu.memory_space<vmem>>, vector<1x16xf32>,
        %get3A_1675 = vector.shape_cast %get3A_1674 : vector<1x16xf32> to vector<16xf32>
        %mul3A_1676 = vector.broadcast %squeeze3A_1622 : f32 to vector<16xf32>
        %mul3A_1677 = arith.mulf %get3A_1675, %mul3A_1676 : vector<16xf32>
        %swap3A_1678 = arith.index_cast %add3A_1627 : i32 to index
        %swap3A_1679 = arith.constant 64 : index
        %swap3A_1680 = tpu.vector_load %arg10[%swap3A_1678, %swap3A_1679] {strides = array<i32>} : memref<240x128xf32, #tpu.memory_space<vmem>>, vector<1x16xf32>,
        %swap3A_1681 = vector.shape_cast %swap3A_1680 : vector<1x16xf32> to vector<16xf32>
        %swap3A_1682 = vector.shape_cast %mul3A_1677 : vector<16xf32> to vector<1x16xf32>
        tpu.vector_store %arg10[%swap3A_1678, %swap3A_1679], %swap3A_1682 {strides = array<i32>} : memref<240x128xf32, #tpu.memory_space<vmem>>, vector<1x16xf32>,
        %get3A_1683 = arith.index_cast %add3A_1627 : i32 to index
        %get3A_1684 = arith.constant 80 : index
        %get3A_1685 = tpu.vector_load %arg10[%get3A_1683, %get3A_1684] {strides = array<i32>} : memref<240x128xf32, #tpu.memory_space<vmem>>, vector<1x16xf32>,
        %get3A_1686 = vector.shape_cast %get3A_1685 : vector<1x16xf32> to vector<16xf32>
        %mul3A_1687 = vector.broadcast %squeeze3A_1622 : f32 to vector<16xf32>
        %mul3A_1688 = arith.mulf %get3A_1686, %mul3A_1687 : vector<16xf32>
        %swap3A_1689 = arith.index_cast %add3A_1627 : i32 to index
        %swap3A_1690 = arith.constant 80 : index
        %swap3A_1691 = tpu.vector_load %arg10[%swap3A_1689, %swap3A_1690] {strides = array<i32>} : memref<240x128xf32, #tpu.memory_space<vmem>>, vector<1x16xf32>,
        %swap3A_1692 = vector.shape_cast %swap3A_1691 : vector<1x16xf32> to vector<16xf32>
        %swap3A_1693 = vector.shape_cast %mul3A_1688 : vector<16xf32> to vector<1x16xf32>
        tpu.vector_store %arg10[%swap3A_1689, %swap3A_1690], %swap3A_1693 {strides = array<i32>} : memref<240x128xf32, #tpu.memory_space<vmem>>, vector<1x16xf32>,
        %get3A_1694 = arith.index_cast %add3A_1627 : i32 to index
        %get3A_1695 = arith.constant 96 : index
        %get3A_1696 = tpu.vector_load %arg10[%get3A_1694, %get3A_1695] {strides = array<i32>} : memref<240x128xf32, #tpu.memory_space<vmem>>, vector<1x16xf32>,
        %get3A_1697 = vector.shape_cast %get3A_1696 : vector<1x16xf32> to vector<16xf32>
        %mul3A_1698 = vector.broadcast %squeeze3A_1622 : f32 to vector<16xf32>
        %mul3A_1699 = arith.mulf %get3A_1697, %mul3A_1698 : vector<16xf32>
        %swap3A_1700 = arith.index_cast %add3A_1627 : i32 to index
        %swap3A_1701 = arith.constant 96 : index
        %swap3A_1702 = tpu.vector_load %arg10[%swap3A_1700, %swap3A_1701] {strides = array<i32>} : memref<240x128xf32, #tpu.memory_space<vmem>>, vector<1x16xf32>,
        %swap3A_1703 = vector.shape_cast %swap3A_1702 : vector<1x16xf32> to vector<16xf32>
        %swap3A_1704 = vector.shape_cast %mul3A_1699 : vector<16xf32> to vector<1x16xf32>
        tpu.vector_store %arg10[%swap3A_1700, %swap3A_1701], %swap3A_1704 {strides = array<i32>} : memref<240x128xf32, #tpu.memory_space<vmem>>, vector<1x16xf32>,
        %get3A_1705 = arith.index_cast %add3A_1627 : i32 to index
        %get3A_1706 = arith.constant 112 : index
        %get3A_1707 = tpu.vector_load %arg10[%get3A_1705, %get3A_1706] {strides = array<i32>} : memref<240x128xf32, #tpu.memory_space<vmem>>, vector<1x16xf32>,
        %get3A_1708 = vector.shape_cast %get3A_1707 : vector<1x16xf32> to vector<16xf32>
        %mul3A_1709 = vector.broadcast %squeeze3A_1622 : f32 to vector<16xf32>
        %mul3A_1710 = arith.mulf %get3A_1708, %mul3A_1709 : vector<16xf32>
        %swap3A_1711 = arith.index_cast %add3A_1627 : i32 to index
        %swap3A_1712 = arith.constant 112 : index
        %swap3A_1713 = tpu.vector_load %arg10[%swap3A_1711, %swap3A_1712] {strides = array<i32>} : memref<240x128xf32, #tpu.memory_space<vmem>>, vector<1x16xf32>,
        %swap3A_1714 = vector.shape_cast %swap3A_1713 : vector<1x16xf32> to vector<16xf32>
        %swap3A_1715 = vector.shape_cast %mul3A_1710 : vector<16xf32> to vector<1x16xf32>
        tpu.vector_store %arg10[%swap3A_1711, %swap3A_1712], %swap3A_1715 {strides = array<i32>} : memref<240x128xf32, #tpu.memory_space<vmem>>, vector<1x16xf32>,
        %jit3A_1716 = arith.constant 0.000000e+00 : f32
        %broadcast_in_dim3A_1717 = vector.broadcast %squeeze3A_1622 : f32 to vector<16xf32>
        %broadcast_in_dim3A_1718 = vector.broadcast %jit3A_1716 : f32 to vector<16xf32>
        %select_n3A_1719 = arith.select %eq3A_124, %broadcast_in_dim3A_1717, %broadcast_in_dim3A_1718 : vector<16xi1>, vector<16xf32>
        %swap3A_1720 = arith.index_cast %add3A_1627 : i32 to index
        %swap3A_1721 = arith.constant 0 : index
        %swap3A_1722 = tpu.vector_load %arg11[%swap3A_1720, %swap3A_1721] {strides = array<i32>} : memref<240x16xf32, #tpu.memory_space<vmem>>, vector<1x16xf32>,
        %swap3A_1723 = vector.shape_cast %swap3A_1722 : vector<1x16xf32> to vector<16xf32>
        %swap3A_1724 = vector.shape_cast %select_n3A_1719 : vector<16xf32> to vector<1x16xf32>
        tpu.vector_store %arg11[%swap3A_1720, %swap3A_1721], %swap3A_1724 {strides = array<i32>} : memref<240x16xf32, #tpu.memory_space<vmem>>, vector<1x16xf32>,
        %slice3A_1725 = vector.extract_strided_slice %get3A_584 {offsets = [11], sizes = [1], strides = [1]} : vector<16xf32> to vector<1xf32>
        %squeeze3A_1726 = vector.extract %slice3A_1725[0] : f32 from vector<1xf32>
        %mul3A_1727 = arith.constant 16 : i32
        %mul3A_1728 = arith.muli %mul3A_1727, %add3A_579 : i32
        %add3A_1729 = arith.addi %mul3A_340, %mul3A_1728 : i32
        %add3A_1730 = arith.constant 11 : i32
        %add3A_1731 = arith.addi %add3A_1729, %add3A_1730 : i32
        %get3A_1732 = arith.index_cast %add3A_1731 : i32 to index
        %get3A_1733 = arith.constant 0 : index
        %get3A_1734 = tpu.vector_load %arg10[%get3A_1732, %get3A_1733] {strides = array<i32>} : memref<240x128xf32, #tpu.memory_space<vmem>>, vector<1x16xf32>,
        %get3A_1735 = vector.shape_cast %get3A_1734 : vector<1x16xf32> to vector<16xf32>
        %mul3A_1736 = vector.broadcast %squeeze3A_1726 : f32 to vector<16xf32>
        %mul3A_1737 = arith.mulf %get3A_1735, %mul3A_1736 : vector<16xf32>
        %swap3A_1738 = arith.index_cast %add3A_1731 : i32 to index
        %swap3A_1739 = arith.constant 0 : index
        %swap3A_1740 = tpu.vector_load %arg10[%swap3A_1738, %swap3A_1739] {strides = array<i32>} : memref<240x128xf32, #tpu.memory_space<vmem>>, vector<1x16xf32>,
        %swap3A_1741 = vector.shape_cast %swap3A_1740 : vector<1x16xf32> to vector<16xf32>
        %swap3A_1742 = vector.shape_cast %mul3A_1737 : vector<16xf32> to vector<1x16xf32>
        tpu.vector_store %arg10[%swap3A_1738, %swap3A_1739], %swap3A_1742 {strides = array<i32>} : memref<240x128xf32, #tpu.memory_space<vmem>>, vector<1x16xf32>,
        %get3A_1743 = arith.index_cast %add3A_1731 : i32 to index
        %get3A_1744 = arith.constant 16 : index
        %get3A_1745 = tpu.vector_load %arg10[%get3A_1743, %get3A_1744] {strides = array<i32>} : memref<240x128xf32, #tpu.memory_space<vmem>>, vector<1x16xf32>,
        %get3A_1746 = vector.shape_cast %get3A_1745 : vector<1x16xf32> to vector<16xf32>
        %mul3A_1747 = vector.broadcast %squeeze3A_1726 : f32 to vector<16xf32>
        %mul3A_1748 = arith.mulf %get3A_1746, %mul3A_1747 : vector<16xf32>
        %swap3A_1749 = arith.index_cast %add3A_1731 : i32 to index
        %swap3A_1750 = arith.constant 16 : index
        %swap3A_1751 = tpu.vector_load %arg10[%swap3A_1749, %swap3A_1750] {strides = array<i32>} : memref<240x128xf32, #tpu.memory_space<vmem>>, vector<1x16xf32>,
        %swap3A_1752 = vector.shape_cast %swap3A_1751 : vector<1x16xf32> to vector<16xf32>
        %swap3A_1753 = vector.shape_cast %mul3A_1748 : vector<16xf32> to vector<1x16xf32>
        tpu.vector_store %arg10[%swap3A_1749, %swap3A_1750], %swap3A_1753 {strides = array<i32>} : memref<240x128xf32, #tpu.memory_space<vmem>>, vector<1x16xf32>,
        %get3A_1754 = arith.index_cast %add3A_1731 : i32 to index
        %get3A_1755 = arith.constant 32 : index
        %get3A_1756 = tpu.vector_load %arg10[%get3A_1754, %get3A_1755] {strides = array<i32>} : memref<240x128xf32, #tpu.memory_space<vmem>>, vector<1x16xf32>,
        %get3A_1757 = vector.shape_cast %get3A_1756 : vector<1x16xf32> to vector<16xf32>
        %mul3A_1758 = vector.broadcast %squeeze3A_1726 : f32 to vector<16xf32>
        %mul3A_1759 = arith.mulf %get3A_1757, %mul3A_1758 : vector<16xf32>
        %swap3A_1760 = arith.index_cast %add3A_1731 : i32 to index
        %swap3A_1761 = arith.constant 32 : index
        %swap3A_1762 = tpu.vector_load %arg10[%swap3A_1760, %swap3A_1761] {strides = array<i32>} : memref<240x128xf32, #tpu.memory_space<vmem>>, vector<1x16xf32>,
        %swap3A_1763 = vector.shape_cast %swap3A_1762 : vector<1x16xf32> to vector<16xf32>
        %swap3A_1764 = vector.shape_cast %mul3A_1759 : vector<16xf32> to vector<1x16xf32>
        tpu.vector_store %arg10[%swap3A_1760, %swap3A_1761], %swap3A_1764 {strides = array<i32>} : memref<240x128xf32, #tpu.memory_space<vmem>>, vector<1x16xf32>,
        %get3A_1765 = arith.index_cast %add3A_1731 : i32 to index
        %get3A_1766 = arith.constant 48 : index
        %get3A_1767 = tpu.vector_load %arg10[%get3A_1765, %get3A_1766] {strides = array<i32>} : memref<240x128xf32, #tpu.memory_space<vmem>>, vector<1x16xf32>,
        %get3A_1768 = vector.shape_cast %get3A_1767 : vector<1x16xf32> to vector<16xf32>
        %mul3A_1769 = vector.broadcast %squeeze3A_1726 : f32 to vector<16xf32>
        %mul3A_1770 = arith.mulf %get3A_1768, %mul3A_1769 : vector<16xf32>
        %swap3A_1771 = arith.index_cast %add3A_1731 : i32 to index
        %swap3A_1772 = arith.constant 48 : index
        %swap3A_1773 = tpu.vector_load %arg10[%swap3A_1771, %swap3A_1772] {strides = array<i32>} : memref<240x128xf32, #tpu.memory_space<vmem>>, vector<1x16xf32>,
        %swap3A_1774 = vector.shape_cast %swap3A_1773 : vector<1x16xf32> to vector<16xf32>
        %swap3A_1775 = vector.shape_cast %mul3A_1770 : vector<16xf32> to vector<1x16xf32>
        tpu.vector_store %arg10[%swap3A_1771, %swap3A_1772], %swap3A_1775 {strides = array<i32>} : memref<240x128xf32, #tpu.memory_space<vmem>>, vector<1x16xf32>,
        %get3A_1776 = arith.index_cast %add3A_1731 : i32 to index
        %get3A_1777 = arith.constant 64 : index
        %get3A_1778 = tpu.vector_load %arg10[%get3A_1776, %get3A_1777] {strides = array<i32>} : memref<240x128xf32, #tpu.memory_space<vmem>>, vector<1x16xf32>,
        %get3A_1779 = vector.shape_cast %get3A_1778 : vector<1x16xf32> to vector<16xf32>
        %mul3A_1780 = vector.broadcast %squeeze3A_1726 : f32 to vector<16xf32>
        %mul3A_1781 = arith.mulf %get3A_1779, %mul3A_1780 : vector<16xf32>
        %swap3A_1782 = arith.index_cast %add3A_1731 : i32 to index
        %swap3A_1783 = arith.constant 64 : index
        %swap3A_1784 = tpu.vector_load %arg10[%swap3A_1782, %swap3A_1783] {strides = array<i32>} : memref<240x128xf32, #tpu.memory_space<vmem>>, vector<1x16xf32>,
        %swap3A_1785 = vector.shape_cast %swap3A_1784 : vector<1x16xf32> to vector<16xf32>
        %swap3A_1786 = vector.shape_cast %mul3A_1781 : vector<16xf32> to vector<1x16xf32>
        tpu.vector_store %arg10[%swap3A_1782, %swap3A_1783], %swap3A_1786 {strides = array<i32>} : memref<240x128xf32, #tpu.memory_space<vmem>>, vector<1x16xf32>,
        %get3A_1787 = arith.index_cast %add3A_1731 : i32 to index
        %get3A_1788 = arith.constant 80 : index
        %get3A_1789 = tpu.vector_load %arg10[%get3A_1787, %get3A_1788] {strides = array<i32>} : memref<240x128xf32, #tpu.memory_space<vmem>>, vector<1x16xf32>,
        %get3A_1790 = vector.shape_cast %get3A_1789 : vector<1x16xf32> to vector<16xf32>
        %mul3A_1791 = vector.broadcast %squeeze3A_1726 : f32 to vector<16xf32>
        %mul3A_1792 = arith.mulf %get3A_1790, %mul3A_1791 : vector<16xf32>
        %swap3A_1793 = arith.index_cast %add3A_1731 : i32 to index
        %swap3A_1794 = arith.constant 80 : index
        %swap3A_1795 = tpu.vector_load %arg10[%swap3A_1793, %swap3A_1794] {strides = array<i32>} : memref<240x128xf32, #tpu.memory_space<vmem>>, vector<1x16xf32>,
        %swap3A_1796 = vector.shape_cast %swap3A_1795 : vector<1x16xf32> to vector<16xf32>
        %swap3A_1797 = vector.shape_cast %mul3A_1792 : vector<16xf32> to vector<1x16xf32>
        tpu.vector_store %arg10[%swap3A_1793, %swap3A_1794], %swap3A_1797 {strides = array<i32>} : memref<240x128xf32, #tpu.memory_space<vmem>>, vector<1x16xf32>,
        %get3A_1798 = arith.index_cast %add3A_1731 : i32 to index
        %get3A_1799 = arith.constant 96 : index
        %get3A_1800 = tpu.vector_load %arg10[%get3A_1798, %get3A_1799] {strides = array<i32>} : memref<240x128xf32, #tpu.memory_space<vmem>>, vector<1x16xf32>,
        %get3A_1801 = vector.shape_cast %get3A_1800 : vector<1x16xf32> to vector<16xf32>
        %mul3A_1802 = vector.broadcast %squeeze3A_1726 : f32 to vector<16xf32>
        %mul3A_1803 = arith.mulf %get3A_1801, %mul3A_1802 : vector<16xf32>
        %swap3A_1804 = arith.index_cast %add3A_1731 : i32 to index
        %swap3A_1805 = arith.constant 96 : index
        %swap3A_1806 = tpu.vector_load %arg10[%swap3A_1804, %swap3A_1805] {strides = array<i32>} : memref<240x128xf32, #tpu.memory_space<vmem>>, vector<1x16xf32>,
        %swap3A_1807 = vector.shape_cast %swap3A_1806 : vector<1x16xf32> to vector<16xf32>
        %swap3A_1808 = vector.shape_cast %mul3A_1803 : vector<16xf32> to vector<1x16xf32>
        tpu.vector_store %arg10[%swap3A_1804, %swap3A_1805], %swap3A_1808 {strides = array<i32>} : memref<240x128xf32, #tpu.memory_space<vmem>>, vector<1x16xf32>,
        %get3A_1809 = arith.index_cast %add3A_1731 : i32 to index
        %get3A_1810 = arith.constant 112 : index
        %get3A_1811 = tpu.vector_load %arg10[%get3A_1809, %get3A_1810] {strides = array<i32>} : memref<240x128xf32, #tpu.memory_space<vmem>>, vector<1x16xf32>,
        %get3A_1812 = vector.shape_cast %get3A_1811 : vector<1x16xf32> to vector<16xf32>
        %mul3A_1813 = vector.broadcast %squeeze3A_1726 : f32 to vector<16xf32>
        %mul3A_1814 = arith.mulf %get3A_1812, %mul3A_1813 : vector<16xf32>
        %swap3A_1815 = arith.index_cast %add3A_1731 : i32 to index
        %swap3A_1816 = arith.constant 112 : index
        %swap3A_1817 = tpu.vector_load %arg10[%swap3A_1815, %swap3A_1816] {strides = array<i32>} : memref<240x128xf32, #tpu.memory_space<vmem>>, vector<1x16xf32>,
        %swap3A_1818 = vector.shape_cast %swap3A_1817 : vector<1x16xf32> to vector<16xf32>
        %swap3A_1819 = vector.shape_cast %mul3A_1814 : vector<16xf32> to vector<1x16xf32>
        tpu.vector_store %arg10[%swap3A_1815, %swap3A_1816], %swap3A_1819 {strides = array<i32>} : memref<240x128xf32, #tpu.memory_space<vmem>>, vector<1x16xf32>,
        %jit3A_1820 = arith.constant 0.000000e+00 : f32
        %broadcast_in_dim3A_1821 = vector.broadcast %squeeze3A_1726 : f32 to vector<16xf32>
        %broadcast_in_dim3A_1822 = vector.broadcast %jit3A_1820 : f32 to vector<16xf32>
        %select_n3A_1823 = arith.select %eq3A_124, %broadcast_in_dim3A_1821, %broadcast_in_dim3A_1822 : vector<16xi1>, vector<16xf32>
        %swap3A_1824 = arith.index_cast %add3A_1731 : i32 to index
        %swap3A_1825 = arith.constant 0 : index
        %swap3A_1826 = tpu.vector_load %arg11[%swap3A_1824, %swap3A_1825] {strides = array<i32>} : memref<240x16xf32, #tpu.memory_space<vmem>>, vector<1x16xf32>,
        %swap3A_1827 = vector.shape_cast %swap3A_1826 : vector<1x16xf32> to vector<16xf32>
        %swap3A_1828 = vector.shape_cast %select_n3A_1823 : vector<16xf32> to vector<1x16xf32>
        tpu.vector_store %arg11[%swap3A_1824, %swap3A_1825], %swap3A_1828 {strides = array<i32>} : memref<240x16xf32, #tpu.memory_space<vmem>>, vector<1x16xf32>,
        %slice3A_1829 = vector.extract_strided_slice %get3A_584 {offsets = [12], sizes = [1], strides = [1]} : vector<16xf32> to vector<1xf32>
        %squeeze3A_1830 = vector.extract %slice3A_1829[0] : f32 from vector<1xf32>
        %mul3A_1831 = arith.constant 16 : i32
        %mul3A_1832 = arith.muli %mul3A_1831, %add3A_579 : i32
        %add3A_1833 = arith.addi %mul3A_340, %mul3A_1832 : i32
        %add3A_1834 = arith.constant 12 : i32
        %add3A_1835 = arith.addi %add3A_1833, %add3A_1834 : i32
        %get3A_1836 = arith.index_cast %add3A_1835 : i32 to index
        %get3A_1837 = arith.constant 0 : index
        %get3A_1838 = tpu.vector_load %arg10[%get3A_1836, %get3A_1837] {strides = array<i32>} : memref<240x128xf32, #tpu.memory_space<vmem>>, vector<1x16xf32>,
        %get3A_1839 = vector.shape_cast %get3A_1838 : vector<1x16xf32> to vector<16xf32>
        %mul3A_1840 = vector.broadcast %squeeze3A_1830 : f32 to vector<16xf32>
        %mul3A_1841 = arith.mulf %get3A_1839, %mul3A_1840 : vector<16xf32>
        %swap3A_1842 = arith.index_cast %add3A_1835 : i32 to index
        %swap3A_1843 = arith.constant 0 : index
        %swap3A_1844 = tpu.vector_load %arg10[%swap3A_1842, %swap3A_1843] {strides = array<i32>} : memref<240x128xf32, #tpu.memory_space<vmem>>, vector<1x16xf32>,
        %swap3A_1845 = vector.shape_cast %swap3A_1844 : vector<1x16xf32> to vector<16xf32>
        %swap3A_1846 = vector.shape_cast %mul3A_1841 : vector<16xf32> to vector<1x16xf32>
        tpu.vector_store %arg10[%swap3A_1842, %swap3A_1843], %swap3A_1846 {strides = array<i32>} : memref<240x128xf32, #tpu.memory_space<vmem>>, vector<1x16xf32>,
        %get3A_1847 = arith.index_cast %add3A_1835 : i32 to index
        %get3A_1848 = arith.constant 16 : index
        %get3A_1849 = tpu.vector_load %arg10[%get3A_1847, %get3A_1848] {strides = array<i32>} : memref<240x128xf32, #tpu.memory_space<vmem>>, vector<1x16xf32>,
        %get3A_1850 = vector.shape_cast %get3A_1849 : vector<1x16xf32> to vector<16xf32>
        %mul3A_1851 = vector.broadcast %squeeze3A_1830 : f32 to vector<16xf32>
        %mul3A_1852 = arith.mulf %get3A_1850, %mul3A_1851 : vector<16xf32>
        %swap3A_1853 = arith.index_cast %add3A_1835 : i32 to index
        %swap3A_1854 = arith.constant 16 : index
        %swap3A_1855 = tpu.vector_load %arg10[%swap3A_1853, %swap3A_1854] {strides = array<i32>} : memref<240x128xf32, #tpu.memory_space<vmem>>, vector<1x16xf32>,
        %swap3A_1856 = vector.shape_cast %swap3A_1855 : vector<1x16xf32> to vector<16xf32>
        %swap3A_1857 = vector.shape_cast %mul3A_1852 : vector<16xf32> to vector<1x16xf32>
        tpu.vector_store %arg10[%swap3A_1853, %swap3A_1854], %swap3A_1857 {strides = array<i32>} : memref<240x128xf32, #tpu.memory_space<vmem>>, vector<1x16xf32>,
        %get3A_1858 = arith.index_cast %add3A_1835 : i32 to index
        %get3A_1859 = arith.constant 32 : index
        %get3A_1860 = tpu.vector_load %arg10[%get3A_1858, %get3A_1859] {strides = array<i32>} : memref<240x128xf32, #tpu.memory_space<vmem>>, vector<1x16xf32>,
        %get3A_1861 = vector.shape_cast %get3A_1860 : vector<1x16xf32> to vector<16xf32>
        %mul3A_1862 = vector.broadcast %squeeze3A_1830 : f32 to vector<16xf32>
        %mul3A_1863 = arith.mulf %get3A_1861, %mul3A_1862 : vector<16xf32>
        %swap3A_1864 = arith.index_cast %add3A_1835 : i32 to index
        %swap3A_1865 = arith.constant 32 : index
        %swap3A_1866 = tpu.vector_load %arg10[%swap3A_1864, %swap3A_1865] {strides = array<i32>} : memref<240x128xf32, #tpu.memory_space<vmem>>, vector<1x16xf32>,
        %swap3A_1867 = vector.shape_cast %swap3A_1866 : vector<1x16xf32> to vector<16xf32>
        %swap3A_1868 = vector.shape_cast %mul3A_1863 : vector<16xf32> to vector<1x16xf32>
        tpu.vector_store %arg10[%swap3A_1864, %swap3A_1865], %swap3A_1868 {strides = array<i32>} : memref<240x128xf32, #tpu.memory_space<vmem>>, vector<1x16xf32>,
        %get3A_1869 = arith.index_cast %add3A_1835 : i32 to index
        %get3A_1870 = arith.constant 48 : index
        %get3A_1871 = tpu.vector_load %arg10[%get3A_1869, %get3A_1870] {strides = array<i32>} : memref<240x128xf32, #tpu.memory_space<vmem>>, vector<1x16xf32>,
        %get3A_1872 = vector.shape_cast %get3A_1871 : vector<1x16xf32> to vector<16xf32>
        %mul3A_1873 = vector.broadcast %squeeze3A_1830 : f32 to vector<16xf32>
        %mul3A_1874 = arith.mulf %get3A_1872, %mul3A_1873 : vector<16xf32>
        %swap3A_1875 = arith.index_cast %add3A_1835 : i32 to index
        %swap3A_1876 = arith.constant 48 : index
        %swap3A_1877 = tpu.vector_load %arg10[%swap3A_1875, %swap3A_1876] {strides = array<i32>} : memref<240x128xf32, #tpu.memory_space<vmem>>, vector<1x16xf32>,
        %swap3A_1878 = vector.shape_cast %swap3A_1877 : vector<1x16xf32> to vector<16xf32>
        %swap3A_1879 = vector.shape_cast %mul3A_1874 : vector<16xf32> to vector<1x16xf32>
        tpu.vector_store %arg10[%swap3A_1875, %swap3A_1876], %swap3A_1879 {strides = array<i32>} : memref<240x128xf32, #tpu.memory_space<vmem>>, vector<1x16xf32>,
        %get3A_1880 = arith.index_cast %add3A_1835 : i32 to index
        %get3A_1881 = arith.constant 64 : index
        %get3A_1882 = tpu.vector_load %arg10[%get3A_1880, %get3A_1881] {strides = array<i32>} : memref<240x128xf32, #tpu.memory_space<vmem>>, vector<1x16xf32>,
        %get3A_1883 = vector.shape_cast %get3A_1882 : vector<1x16xf32> to vector<16xf32>
        %mul3A_1884 = vector.broadcast %squeeze3A_1830 : f32 to vector<16xf32>
        %mul3A_1885 = arith.mulf %get3A_1883, %mul3A_1884 : vector<16xf32>
        %swap3A_1886 = arith.index_cast %add3A_1835 : i32 to index
        %swap3A_1887 = arith.constant 64 : index
        %swap3A_1888 = tpu.vector_load %arg10[%swap3A_1886, %swap3A_1887] {strides = array<i32>} : memref<240x128xf32, #tpu.memory_space<vmem>>, vector<1x16xf32>,
        %swap3A_1889 = vector.shape_cast %swap3A_1888 : vector<1x16xf32> to vector<16xf32>
        %swap3A_1890 = vector.shape_cast %mul3A_1885 : vector<16xf32> to vector<1x16xf32>
        tpu.vector_store %arg10[%swap3A_1886, %swap3A_1887], %swap3A_1890 {strides = array<i32>} : memref<240x128xf32, #tpu.memory_space<vmem>>, vector<1x16xf32>,
        %get3A_1891 = arith.index_cast %add3A_1835 : i32 to index
        %get3A_1892 = arith.constant 80 : index
        %get3A_1893 = tpu.vector_load %arg10[%get3A_1891, %get3A_1892] {strides = array<i32>} : memref<240x128xf32, #tpu.memory_space<vmem>>, vector<1x16xf32>,
        %get3A_1894 = vector.shape_cast %get3A_1893 : vector<1x16xf32> to vector<16xf32>
        %mul3A_1895 = vector.broadcast %squeeze3A_1830 : f32 to vector<16xf32>
        %mul3A_1896 = arith.mulf %get3A_1894, %mul3A_1895 : vector<16xf32>
        %swap3A_1897 = arith.index_cast %add3A_1835 : i32 to index
        %swap3A_1898 = arith.constant 80 : index
        %swap3A_1899 = tpu.vector_load %arg10[%swap3A_1897, %swap3A_1898] {strides = array<i32>} : memref<240x128xf32, #tpu.memory_space<vmem>>, vector<1x16xf32>,
        %swap3A_1900 = vector.shape_cast %swap3A_1899 : vector<1x16xf32> to vector<16xf32>
        %swap3A_1901 = vector.shape_cast %mul3A_1896 : vector<16xf32> to vector<1x16xf32>
        tpu.vector_store %arg10[%swap3A_1897, %swap3A_1898], %swap3A_1901 {strides = array<i32>} : memref<240x128xf32, #tpu.memory_space<vmem>>, vector<1x16xf32>,
        %get3A_1902 = arith.index_cast %add3A_1835 : i32 to index
        %get3A_1903 = arith.constant 96 : index
        %get3A_1904 = tpu.vector_load %arg10[%get3A_1902, %get3A_1903] {strides = array<i32>} : memref<240x128xf32, #tpu.memory_space<vmem>>, vector<1x16xf32>,
        %get3A_1905 = vector.shape_cast %get3A_1904 : vector<1x16xf32> to vector<16xf32>
        %mul3A_1906 = vector.broadcast %squeeze3A_1830 : f32 to vector<16xf32>
        %mul3A_1907 = arith.mulf %get3A_1905, %mul3A_1906 : vector<16xf32>
        %swap3A_1908 = arith.index_cast %add3A_1835 : i32 to index
        %swap3A_1909 = arith.constant 96 : index
        %swap3A_1910 = tpu.vector_load %arg10[%swap3A_1908, %swap3A_1909] {strides = array<i32>} : memref<240x128xf32, #tpu.memory_space<vmem>>, vector<1x16xf32>,
        %swap3A_1911 = vector.shape_cast %swap3A_1910 : vector<1x16xf32> to vector<16xf32>
        %swap3A_1912 = vector.shape_cast %mul3A_1907 : vector<16xf32> to vector<1x16xf32>
        tpu.vector_store %arg10[%swap3A_1908, %swap3A_1909], %swap3A_1912 {strides = array<i32>} : memref<240x128xf32, #tpu.memory_space<vmem>>, vector<1x16xf32>,
        %get3A_1913 = arith.index_cast %add3A_1835 : i32 to index
        %get3A_1914 = arith.constant 112 : index
        %get3A_1915 = tpu.vector_load %arg10[%get3A_1913, %get3A_1914] {strides = array<i32>} : memref<240x128xf32, #tpu.memory_space<vmem>>, vector<1x16xf32>,
        %get3A_1916 = vector.shape_cast %get3A_1915 : vector<1x16xf32> to vector<16xf32>
        %mul3A_1917 = vector.broadcast %squeeze3A_1830 : f32 to vector<16xf32>
        %mul3A_1918 = arith.mulf %get3A_1916, %mul3A_1917 : vector<16xf32>
        %swap3A_1919 = arith.index_cast %add3A_1835 : i32 to index
        %swap3A_1920 = arith.constant 112 : index
        %swap3A_1921 = tpu.vector_load %arg10[%swap3A_1919, %swap3A_1920] {strides = array<i32>} : memref<240x128xf32, #tpu.memory_space<vmem>>, vector<1x16xf32>,
        %swap3A_1922 = vector.shape_cast %swap3A_1921 : vector<1x16xf32> to vector<16xf32>
        %swap3A_1923 = vector.shape_cast %mul3A_1918 : vector<16xf32> to vector<1x16xf32>
        tpu.vector_store %arg10[%swap3A_1919, %swap3A_1920], %swap3A_1923 {strides = array<i32>} : memref<240x128xf32, #tpu.memory_space<vmem>>, vector<1x16xf32>,
        %jit3A_1924 = arith.constant 0.000000e+00 : f32
        %broadcast_in_dim3A_1925 = vector.broadcast %squeeze3A_1830 : f32 to vector<16xf32>
        %broadcast_in_dim3A_1926 = vector.broadcast %jit3A_1924 : f32 to vector<16xf32>
        %select_n3A_1927 = arith.select %eq3A_124, %broadcast_in_dim3A_1925, %broadcast_in_dim3A_1926 : vector<16xi1>, vector<16xf32>
        %swap3A_1928 = arith.index_cast %add3A_1835 : i32 to index
        %swap3A_1929 = arith.constant 0 : index
        %swap3A_1930 = tpu.vector_load %arg11[%swap3A_1928, %swap3A_1929] {strides = array<i32>} : memref<240x16xf32, #tpu.memory_space<vmem>>, vector<1x16xf32>,
        %swap3A_1931 = vector.shape_cast %swap3A_1930 : vector<1x16xf32> to vector<16xf32>
        %swap3A_1932 = vector.shape_cast %select_n3A_1927 : vector<16xf32> to vector<1x16xf32>
        tpu.vector_store %arg11[%swap3A_1928, %swap3A_1929], %swap3A_1932 {strides = array<i32>} : memref<240x16xf32, #tpu.memory_space<vmem>>, vector<1x16xf32>,
        %slice3A_1933 = vector.extract_strided_slice %get3A_584 {offsets = [13], sizes = [1], strides = [1]} : vector<16xf32> to vector<1xf32>
        %squeeze3A_1934 = vector.extract %slice3A_1933[0] : f32 from vector<1xf32>
        %mul3A_1935 = arith.constant 16 : i32
        %mul3A_1936 = arith.muli %mul3A_1935, %add3A_579 : i32
        %add3A_1937 = arith.addi %mul3A_340, %mul3A_1936 : i32
        %add3A_1938 = arith.constant 13 : i32
        %add3A_1939 = arith.addi %add3A_1937, %add3A_1938 : i32
        %get3A_1940 = arith.index_cast %add3A_1939 : i32 to index
        %get3A_1941 = arith.constant 0 : index
        %get3A_1942 = tpu.vector_load %arg10[%get3A_1940, %get3A_1941] {strides = array<i32>} : memref<240x128xf32, #tpu.memory_space<vmem>>, vector<1x16xf32>,
        %get3A_1943 = vector.shape_cast %get3A_1942 : vector<1x16xf32> to vector<16xf32>
        %mul3A_1944 = vector.broadcast %squeeze3A_1934 : f32 to vector<16xf32>
        %mul3A_1945 = arith.mulf %get3A_1943, %mul3A_1944 : vector<16xf32>
        %swap3A_1946 = arith.index_cast %add3A_1939 : i32 to index
        %swap3A_1947 = arith.constant 0 : index
        %swap3A_1948 = tpu.vector_load %arg10[%swap3A_1946, %swap3A_1947] {strides = array<i32>} : memref<240x128xf32, #tpu.memory_space<vmem>>, vector<1x16xf32>,
        %swap3A_1949 = vector.shape_cast %swap3A_1948 : vector<1x16xf32> to vector<16xf32>
        %swap3A_1950 = vector.shape_cast %mul3A_1945 : vector<16xf32> to vector<1x16xf32>
        tpu.vector_store %arg10[%swap3A_1946, %swap3A_1947], %swap3A_1950 {strides = array<i32>} : memref<240x128xf32, #tpu.memory_space<vmem>>, vector<1x16xf32>,
        %get3A_1951 = arith.index_cast %add3A_1939 : i32 to index
        %get3A_1952 = arith.constant 16 : index
        %get3A_1953 = tpu.vector_load %arg10[%get3A_1951, %get3A_1952] {strides = array<i32>} : memref<240x128xf32, #tpu.memory_space<vmem>>, vector<1x16xf32>,
        %get3A_1954 = vector.shape_cast %get3A_1953 : vector<1x16xf32> to vector<16xf32>
        %mul3A_1955 = vector.broadcast %squeeze3A_1934 : f32 to vector<16xf32>
        %mul3A_1956 = arith.mulf %get3A_1954, %mul3A_1955 : vector<16xf32>
        %swap3A_1957 = arith.index_cast %add3A_1939 : i32 to index
        %swap3A_1958 = arith.constant 16 : index
        %swap3A_1959 = tpu.vector_load %arg10[%swap3A_1957, %swap3A_1958] {strides = array<i32>} : memref<240x128xf32, #tpu.memory_space<vmem>>, vector<1x16xf32>,
        %swap3A_1960 = vector.shape_cast %swap3A_1959 : vector<1x16xf32> to vector<16xf32>
        %swap3A_1961 = vector.shape_cast %mul3A_1956 : vector<16xf32> to vector<1x16xf32>
        tpu.vector_store %arg10[%swap3A_1957, %swap3A_1958], %swap3A_1961 {strides = array<i32>} : memref<240x128xf32, #tpu.memory_space<vmem>>, vector<1x16xf32>,
        %get3A_1962 = arith.index_cast %add3A_1939 : i32 to index
        %get3A_1963 = arith.constant 32 : index
        %get3A_1964 = tpu.vector_load %arg10[%get3A_1962, %get3A_1963] {strides = array<i32>} : memref<240x128xf32, #tpu.memory_space<vmem>>, vector<1x16xf32>,
        %get3A_1965 = vector.shape_cast %get3A_1964 : vector<1x16xf32> to vector<16xf32>
        %mul3A_1966 = vector.broadcast %squeeze3A_1934 : f32 to vector<16xf32>
        %mul3A_1967 = arith.mulf %get3A_1965, %mul3A_1966 : vector<16xf32>
        %swap3A_1968 = arith.index_cast %add3A_1939 : i32 to index
        %swap3A_1969 = arith.constant 32 : index
        %swap3A_1970 = tpu.vector_load %arg10[%swap3A_1968, %swap3A_1969] {strides = array<i32>} : memref<240x128xf32, #tpu.memory_space<vmem>>, vector<1x16xf32>,
        %swap3A_1971 = vector.shape_cast %swap3A_1970 : vector<1x16xf32> to vector<16xf32>
        %swap3A_1972 = vector.shape_cast %mul3A_1967 : vector<16xf32> to vector<1x16xf32>
        tpu.vector_store %arg10[%swap3A_1968, %swap3A_1969], %swap3A_1972 {strides = array<i32>} : memref<240x128xf32, #tpu.memory_space<vmem>>, vector<1x16xf32>,
        %get3A_1973 = arith.index_cast %add3A_1939 : i32 to index
        %get3A_1974 = arith.constant 48 : index
        %get3A_1975 = tpu.vector_load %arg10[%get3A_1973, %get3A_1974] {strides = array<i32>} : memref<240x128xf32, #tpu.memory_space<vmem>>, vector<1x16xf32>,
        %get3A_1976 = vector.shape_cast %get3A_1975 : vector<1x16xf32> to vector<16xf32>
        %mul3A_1977 = vector.broadcast %squeeze3A_1934 : f32 to vector<16xf32>
        %mul3A_1978 = arith.mulf %get3A_1976, %mul3A_1977 : vector<16xf32>
        %swap3A_1979 = arith.index_cast %add3A_1939 : i32 to index
        %swap3A_1980 = arith.constant 48 : index
        %swap3A_1981 = tpu.vector_load %arg10[%swap3A_1979, %swap3A_1980] {strides = array<i32>} : memref<240x128xf32, #tpu.memory_space<vmem>>, vector<1x16xf32>,
        %swap3A_1982 = vector.shape_cast %swap3A_1981 : vector<1x16xf32> to vector<16xf32>
        %swap3A_1983 = vector.shape_cast %mul3A_1978 : vector<16xf32> to vector<1x16xf32>
        tpu.vector_store %arg10[%swap3A_1979, %swap3A_1980], %swap3A_1983 {strides = array<i32>} : memref<240x128xf32, #tpu.memory_space<vmem>>, vector<1x16xf32>,
        %get3A_1984 = arith.index_cast %add3A_1939 : i32 to index
        %get3A_1985 = arith.constant 64 : index
        %get3A_1986 = tpu.vector_load %arg10[%get3A_1984, %get3A_1985] {strides = array<i32>} : memref<240x128xf32, #tpu.memory_space<vmem>>, vector<1x16xf32>,
        %get3A_1987 = vector.shape_cast %get3A_1986 : vector<1x16xf32> to vector<16xf32>
        %mul3A_1988 = vector.broadcast %squeeze3A_1934 : f32 to vector<16xf32>
        %mul3A_1989 = arith.mulf %get3A_1987, %mul3A_1988 : vector<16xf32>
        %swap3A_1990 = arith.index_cast %add3A_1939 : i32 to index
        %swap3A_1991 = arith.constant 64 : index
        %swap3A_1992 = tpu.vector_load %arg10[%swap3A_1990, %swap3A_1991] {strides = array<i32>} : memref<240x128xf32, #tpu.memory_space<vmem>>, vector<1x16xf32>,
        %swap3A_1993 = vector.shape_cast %swap3A_1992 : vector<1x16xf32> to vector<16xf32>
        %swap3A_1994 = vector.shape_cast %mul3A_1989 : vector<16xf32> to vector<1x16xf32>
        tpu.vector_store %arg10[%swap3A_1990, %swap3A_1991], %swap3A_1994 {strides = array<i32>} : memref<240x128xf32, #tpu.memory_space<vmem>>, vector<1x16xf32>,
        %get3A_1995 = arith.index_cast %add3A_1939 : i32 to index
        %get3A_1996 = arith.constant 80 : index
        %get3A_1997 = tpu.vector_load %arg10[%get3A_1995, %get3A_1996] {strides = array<i32>} : memref<240x128xf32, #tpu.memory_space<vmem>>, vector<1x16xf32>,
        %get3A_1998 = vector.shape_cast %get3A_1997 : vector<1x16xf32> to vector<16xf32>
        %mul3A_1999 = vector.broadcast %squeeze3A_1934 : f32 to vector<16xf32>
        %mul3A_2000 = arith.mulf %get3A_1998, %mul3A_1999 : vector<16xf32>
        %swap3A_2001 = arith.index_cast %add3A_1939 : i32 to index
        %swap3A_2002 = arith.constant 80 : index
        %swap3A_2003 = tpu.vector_load %arg10[%swap3A_2001, %swap3A_2002] {strides = array<i32>} : memref<240x128xf32, #tpu.memory_space<vmem>>, vector<1x16xf32>,
        %swap3A_2004 = vector.shape_cast %swap3A_2003 : vector<1x16xf32> to vector<16xf32>
        %swap3A_2005 = vector.shape_cast %mul3A_2000 : vector<16xf32> to vector<1x16xf32>
        tpu.vector_store %arg10[%swap3A_2001, %swap3A_2002], %swap3A_2005 {strides = array<i32>} : memref<240x128xf32, #tpu.memory_space<vmem>>, vector<1x16xf32>,
        %get3A_2006 = arith.index_cast %add3A_1939 : i32 to index
        %get3A_2007 = arith.constant 96 : index
        %get3A_2008 = tpu.vector_load %arg10[%get3A_2006, %get3A_2007] {strides = array<i32>} : memref<240x128xf32, #tpu.memory_space<vmem>>, vector<1x16xf32>,
        %get3A_2009 = vector.shape_cast %get3A_2008 : vector<1x16xf32> to vector<16xf32>
        %mul3A_2010 = vector.broadcast %squeeze3A_1934 : f32 to vector<16xf32>
        %mul3A_2011 = arith.mulf %get3A_2009, %mul3A_2010 : vector<16xf32>
        %swap3A_2012 = arith.index_cast %add3A_1939 : i32 to index
        %swap3A_2013 = arith.constant 96 : index
        %swap3A_2014 = tpu.vector_load %arg10[%swap3A_2012, %swap3A_2013] {strides = array<i32>} : memref<240x128xf32, #tpu.memory_space<vmem>>, vector<1x16xf32>,
        %swap3A_2015 = vector.shape_cast %swap3A_2014 : vector<1x16xf32> to vector<16xf32>
        %swap3A_2016 = vector.shape_cast %mul3A_2011 : vector<16xf32> to vector<1x16xf32>
        tpu.vector_store %arg10[%swap3A_2012, %swap3A_2013], %swap3A_2016 {strides = array<i32>} : memref<240x128xf32, #tpu.memory_space<vmem>>, vector<1x16xf32>,
        %get3A_2017 = arith.index_cast %add3A_1939 : i32 to index
        %get3A_2018 = arith.constant 112 : index
        %get3A_2019 = tpu.vector_load %arg10[%get3A_2017, %get3A_2018] {strides = array<i32>} : memref<240x128xf32, #tpu.memory_space<vmem>>, vector<1x16xf32>,
        %get3A_2020 = vector.shape_cast %get3A_2019 : vector<1x16xf32> to vector<16xf32>
        %mul3A_2021 = vector.broadcast %squeeze3A_1934 : f32 to vector<16xf32>
        %mul3A_2022 = arith.mulf %get3A_2020, %mul3A_2021 : vector<16xf32>
        %swap3A_2023 = arith.index_cast %add3A_1939 : i32 to index
        %swap3A_2024 = arith.constant 112 : index
        %swap3A_2025 = tpu.vector_load %arg10[%swap3A_2023, %swap3A_2024] {strides = array<i32>} : memref<240x128xf32, #tpu.memory_space<vmem>>, vector<1x16xf32>,
        %swap3A_2026 = vector.shape_cast %swap3A_2025 : vector<1x16xf32> to vector<16xf32>
        %swap3A_2027 = vector.shape_cast %mul3A_2022 : vector<16xf32> to vector<1x16xf32>
        tpu.vector_store %arg10[%swap3A_2023, %swap3A_2024], %swap3A_2027 {strides = array<i32>} : memref<240x128xf32, #tpu.memory_space<vmem>>, vector<1x16xf32>,
        %jit3A_2028 = arith.constant 0.000000e+00 : f32
        %broadcast_in_dim3A_2029 = vector.broadcast %squeeze3A_1934 : f32 to vector<16xf32>
        %broadcast_in_dim3A_2030 = vector.broadcast %jit3A_2028 : f32 to vector<16xf32>
        %select_n3A_2031 = arith.select %eq3A_124, %broadcast_in_dim3A_2029, %broadcast_in_dim3A_2030 : vector<16xi1>, vector<16xf32>
        %swap3A_2032 = arith.index_cast %add3A_1939 : i32 to index
        %swap3A_2033 = arith.constant 0 : index
        %swap3A_2034 = tpu.vector_load %arg11[%swap3A_2032, %swap3A_2033] {strides = array<i32>} : memref<240x16xf32, #tpu.memory_space<vmem>>, vector<1x16xf32>,
        %swap3A_2035 = vector.shape_cast %swap3A_2034 : vector<1x16xf32> to vector<16xf32>
        %swap3A_2036 = vector.shape_cast %select_n3A_2031 : vector<16xf32> to vector<1x16xf32>
        tpu.vector_store %arg11[%swap3A_2032, %swap3A_2033], %swap3A_2036 {strides = array<i32>} : memref<240x16xf32, #tpu.memory_space<vmem>>, vector<1x16xf32>,
        %slice3A_2037 = vector.extract_strided_slice %get3A_584 {offsets = [14], sizes = [1], strides = [1]} : vector<16xf32> to vector<1xf32>
        %squeeze3A_2038 = vector.extract %slice3A_2037[0] : f32 from vector<1xf32>
        %mul3A_2039 = arith.constant 16 : i32
        %mul3A_2040 = arith.muli %mul3A_2039, %add3A_579 : i32
        %add3A_2041 = arith.addi %mul3A_340, %mul3A_2040 : i32
        %add3A_2042 = arith.constant 14 : i32
        %add3A_2043 = arith.addi %add3A_2041, %add3A_2042 : i32
        %get3A_2044 = arith.index_cast %add3A_2043 : i32 to index
        %get3A_2045 = arith.constant 0 : index
        %get3A_2046 = tpu.vector_load %arg10[%get3A_2044, %get3A_2045] {strides = array<i32>} : memref<240x128xf32, #tpu.memory_space<vmem>>, vector<1x16xf32>,
        %get3A_2047 = vector.shape_cast %get3A_2046 : vector<1x16xf32> to vector<16xf32>
        %mul3A_2048 = vector.broadcast %squeeze3A_2038 : f32 to vector<16xf32>
        %mul3A_2049 = arith.mulf %get3A_2047, %mul3A_2048 : vector<16xf32>
        %swap3A_2050 = arith.index_cast %add3A_2043 : i32 to index
        %swap3A_2051 = arith.constant 0 : index
        %swap3A_2052 = tpu.vector_load %arg10[%swap3A_2050, %swap3A_2051] {strides = array<i32>} : memref<240x128xf32, #tpu.memory_space<vmem>>, vector<1x16xf32>,
        %swap3A_2053 = vector.shape_cast %swap3A_2052 : vector<1x16xf32> to vector<16xf32>
        %swap3A_2054 = vector.shape_cast %mul3A_2049 : vector<16xf32> to vector<1x16xf32>
        tpu.vector_store %arg10[%swap3A_2050, %swap3A_2051], %swap3A_2054 {strides = array<i32>} : memref<240x128xf32, #tpu.memory_space<vmem>>, vector<1x16xf32>,
        %get3A_2055 = arith.index_cast %add3A_2043 : i32 to index
        %get3A_2056 = arith.constant 16 : index
        %get3A_2057 = tpu.vector_load %arg10[%get3A_2055, %get3A_2056] {strides = array<i32>} : memref<240x128xf32, #tpu.memory_space<vmem>>, vector<1x16xf32>,
        %get3A_2058 = vector.shape_cast %get3A_2057 : vector<1x16xf32> to vector<16xf32>
        %mul3A_2059 = vector.broadcast %squeeze3A_2038 : f32 to vector<16xf32>
        %mul3A_2060 = arith.mulf %get3A_2058, %mul3A_2059 : vector<16xf32>
        %swap3A_2061 = arith.index_cast %add3A_2043 : i32 to index
        %swap3A_2062 = arith.constant 16 : index
        %swap3A_2063 = tpu.vector_load %arg10[%swap3A_2061, %swap3A_2062] {strides = array<i32>} : memref<240x128xf32, #tpu.memory_space<vmem>>, vector<1x16xf32>,
        %swap3A_2064 = vector.shape_cast %swap3A_2063 : vector<1x16xf32> to vector<16xf32>
        %swap3A_2065 = vector.shape_cast %mul3A_2060 : vector<16xf32> to vector<1x16xf32>
        tpu.vector_store %arg10[%swap3A_2061, %swap3A_2062], %swap3A_2065 {strides = array<i32>} : memref<240x128xf32, #tpu.memory_space<vmem>>, vector<1x16xf32>,
        %get3A_2066 = arith.index_cast %add3A_2043 : i32 to index
        %get3A_2067 = arith.constant 32 : index
        %get3A_2068 = tpu.vector_load %arg10[%get3A_2066, %get3A_2067] {strides = array<i32>} : memref<240x128xf32, #tpu.memory_space<vmem>>, vector<1x16xf32>,
        %get3A_2069 = vector.shape_cast %get3A_2068 : vector<1x16xf32> to vector<16xf32>
        %mul3A_2070 = vector.broadcast %squeeze3A_2038 : f32 to vector<16xf32>
        %mul3A_2071 = arith.mulf %get3A_2069, %mul3A_2070 : vector<16xf32>
        %swap3A_2072 = arith.index_cast %add3A_2043 : i32 to index
        %swap3A_2073 = arith.constant 32 : index
        %swap3A_2074 = tpu.vector_load %arg10[%swap3A_2072, %swap3A_2073] {strides = array<i32>} : memref<240x128xf32, #tpu.memory_space<vmem>>, vector<1x16xf32>,
        %swap3A_2075 = vector.shape_cast %swap3A_2074 : vector<1x16xf32> to vector<16xf32>
        %swap3A_2076 = vector.shape_cast %mul3A_2071 : vector<16xf32> to vector<1x16xf32>
        tpu.vector_store %arg10[%swap3A_2072, %swap3A_2073], %swap3A_2076 {strides = array<i32>} : memref<240x128xf32, #tpu.memory_space<vmem>>, vector<1x16xf32>,
        %get3A_2077 = arith.index_cast %add3A_2043 : i32 to index
        %get3A_2078 = arith.constant 48 : index
        %get3A_2079 = tpu.vector_load %arg10[%get3A_2077, %get3A_2078] {strides = array<i32>} : memref<240x128xf32, #tpu.memory_space<vmem>>, vector<1x16xf32>,
        %get3A_2080 = vector.shape_cast %get3A_2079 : vector<1x16xf32> to vector<16xf32>
        %mul3A_2081 = vector.broadcast %squeeze3A_2038 : f32 to vector<16xf32>
        %mul3A_2082 = arith.mulf %get3A_2080, %mul3A_2081 : vector<16xf32>
        %swap3A_2083 = arith.index_cast %add3A_2043 : i32 to index
        %swap3A_2084 = arith.constant 48 : index
        %swap3A_2085 = tpu.vector_load %arg10[%swap3A_2083, %swap3A_2084] {strides = array<i32>} : memref<240x128xf32, #tpu.memory_space<vmem>>, vector<1x16xf32>,
        %swap3A_2086 = vector.shape_cast %swap3A_2085 : vector<1x16xf32> to vector<16xf32>
        %swap3A_2087 = vector.shape_cast %mul3A_2082 : vector<16xf32> to vector<1x16xf32>
        tpu.vector_store %arg10[%swap3A_2083, %swap3A_2084], %swap3A_2087 {strides = array<i32>} : memref<240x128xf32, #tpu.memory_space<vmem>>, vector<1x16xf32>,
        %get3A_2088 = arith.index_cast %add3A_2043 : i32 to index
        %get3A_2089 = arith.constant 64 : index
        %get3A_2090 = tpu.vector_load %arg10[%get3A_2088, %get3A_2089] {strides = array<i32>} : memref<240x128xf32, #tpu.memory_space<vmem>>, vector<1x16xf32>,
        %get3A_2091 = vector.shape_cast %get3A_2090 : vector<1x16xf32> to vector<16xf32>
        %mul3A_2092 = vector.broadcast %squeeze3A_2038 : f32 to vector<16xf32>
        %mul3A_2093 = arith.mulf %get3A_2091, %mul3A_2092 : vector<16xf32>
        %swap3A_2094 = arith.index_cast %add3A_2043 : i32 to index
        %swap3A_2095 = arith.constant 64 : index
        %swap3A_2096 = tpu.vector_load %arg10[%swap3A_2094, %swap3A_2095] {strides = array<i32>} : memref<240x128xf32, #tpu.memory_space<vmem>>, vector<1x16xf32>,
        %swap3A_2097 = vector.shape_cast %swap3A_2096 : vector<1x16xf32> to vector<16xf32>
        %swap3A_2098 = vector.shape_cast %mul3A_2093 : vector<16xf32> to vector<1x16xf32>
        tpu.vector_store %arg10[%swap3A_2094, %swap3A_2095], %swap3A_2098 {strides = array<i32>} : memref<240x128xf32, #tpu.memory_space<vmem>>, vector<1x16xf32>,
        %get3A_2099 = arith.index_cast %add3A_2043 : i32 to index
        %get3A_2100 = arith.constant 80 : index
        %get3A_2101 = tpu.vector_load %arg10[%get3A_2099, %get3A_2100] {strides = array<i32>} : memref<240x128xf32, #tpu.memory_space<vmem>>, vector<1x16xf32>,
        %get3A_2102 = vector.shape_cast %get3A_2101 : vector<1x16xf32> to vector<16xf32>
        %mul3A_2103 = vector.broadcast %squeeze3A_2038 : f32 to vector<16xf32>
        %mul3A_2104 = arith.mulf %get3A_2102, %mul3A_2103 : vector<16xf32>
        %swap3A_2105 = arith.index_cast %add3A_2043 : i32 to index
        %swap3A_2106 = arith.constant 80 : index
        %swap3A_2107 = tpu.vector_load %arg10[%swap3A_2105, %swap3A_2106] {strides = array<i32>} : memref<240x128xf32, #tpu.memory_space<vmem>>, vector<1x16xf32>,
        %swap3A_2108 = vector.shape_cast %swap3A_2107 : vector<1x16xf32> to vector<16xf32>
        %swap3A_2109 = vector.shape_cast %mul3A_2104 : vector<16xf32> to vector<1x16xf32>
        tpu.vector_store %arg10[%swap3A_2105, %swap3A_2106], %swap3A_2109 {strides = array<i32>} : memref<240x128xf32, #tpu.memory_space<vmem>>, vector<1x16xf32>,
        %get3A_2110 = arith.index_cast %add3A_2043 : i32 to index
        %get3A_2111 = arith.constant 96 : index
        %get3A_2112 = tpu.vector_load %arg10[%get3A_2110, %get3A_2111] {strides = array<i32>} : memref<240x128xf32, #tpu.memory_space<vmem>>, vector<1x16xf32>,
        %get3A_2113 = vector.shape_cast %get3A_2112 : vector<1x16xf32> to vector<16xf32>
        %mul3A_2114 = vector.broadcast %squeeze3A_2038 : f32 to vector<16xf32>
        %mul3A_2115 = arith.mulf %get3A_2113, %mul3A_2114 : vector<16xf32>
        %swap3A_2116 = arith.index_cast %add3A_2043 : i32 to index
        %swap3A_2117 = arith.constant 96 : index
        %swap3A_2118 = tpu.vector_load %arg10[%swap3A_2116, %swap3A_2117] {strides = array<i32>} : memref<240x128xf32, #tpu.memory_space<vmem>>, vector<1x16xf32>,
        %swap3A_2119 = vector.shape_cast %swap3A_2118 : vector<1x16xf32> to vector<16xf32>
        %swap3A_2120 = vector.shape_cast %mul3A_2115 : vector<16xf32> to vector<1x16xf32>
        tpu.vector_store %arg10[%swap3A_2116, %swap3A_2117], %swap3A_2120 {strides = array<i32>} : memref<240x128xf32, #tpu.memory_space<vmem>>, vector<1x16xf32>,
        %get3A_2121 = arith.index_cast %add3A_2043 : i32 to index
        %get3A_2122 = arith.constant 112 : index
        %get3A_2123 = tpu.vector_load %arg10[%get3A_2121, %get3A_2122] {strides = array<i32>} : memref<240x128xf32, #tpu.memory_space<vmem>>, vector<1x16xf32>,
        %get3A_2124 = vector.shape_cast %get3A_2123 : vector<1x16xf32> to vector<16xf32>
        %mul3A_2125 = vector.broadcast %squeeze3A_2038 : f32 to vector<16xf32>
        %mul3A_2126 = arith.mulf %get3A_2124, %mul3A_2125 : vector<16xf32>
        %swap3A_2127 = arith.index_cast %add3A_2043 : i32 to index
        %swap3A_2128 = arith.constant 112 : index
        %swap3A_2129 = tpu.vector_load %arg10[%swap3A_2127, %swap3A_2128] {strides = array<i32>} : memref<240x128xf32, #tpu.memory_space<vmem>>, vector<1x16xf32>,
        %swap3A_2130 = vector.shape_cast %swap3A_2129 : vector<1x16xf32> to vector<16xf32>
        %swap3A_2131 = vector.shape_cast %mul3A_2126 : vector<16xf32> to vector<1x16xf32>
        tpu.vector_store %arg10[%swap3A_2127, %swap3A_2128], %swap3A_2131 {strides = array<i32>} : memref<240x128xf32, #tpu.memory_space<vmem>>, vector<1x16xf32>,
        %jit3A_2132 = arith.constant 0.000000e+00 : f32
        %broadcast_in_dim3A_2133 = vector.broadcast %squeeze3A_2038 : f32 to vector<16xf32>
        %broadcast_in_dim3A_2134 = vector.broadcast %jit3A_2132 : f32 to vector<16xf32>
        %select_n3A_2135 = arith.select %eq3A_124, %broadcast_in_dim3A_2133, %broadcast_in_dim3A_2134 : vector<16xi1>, vector<16xf32>
        %swap3A_2136 = arith.index_cast %add3A_2043 : i32 to index
        %swap3A_2137 = arith.constant 0 : index
        %swap3A_2138 = tpu.vector_load %arg11[%swap3A_2136, %swap3A_2137] {strides = array<i32>} : memref<240x16xf32, #tpu.memory_space<vmem>>, vector<1x16xf32>,
        %swap3A_2139 = vector.shape_cast %swap3A_2138 : vector<1x16xf32> to vector<16xf32>
        %swap3A_2140 = vector.shape_cast %select_n3A_2135 : vector<16xf32> to vector<1x16xf32>
        tpu.vector_store %arg11[%swap3A_2136, %swap3A_2137], %swap3A_2140 {strides = array<i32>} : memref<240x16xf32, #tpu.memory_space<vmem>>, vector<1x16xf32>,
        %slice3A_2141 = vector.extract_strided_slice %get3A_584 {offsets = [15], sizes = [1], strides = [1]} : vector<16xf32> to vector<1xf32>
        %squeeze3A_2142 = vector.extract %slice3A_2141[0] : f32 from vector<1xf32>
        %mul3A_2143 = arith.constant 16 : i32
        %mul3A_2144 = arith.muli %mul3A_2143, %add3A_579 : i32
        %add3A_2145 = arith.addi %mul3A_340, %mul3A_2144 : i32
        %add3A_2146 = arith.constant 15 : i32
        %add3A_2147 = arith.addi %add3A_2145, %add3A_2146 : i32
        %get3A_2148 = arith.index_cast %add3A_2147 : i32 to index
        %get3A_2149 = arith.constant 0 : index
        %get3A_2150 = tpu.vector_load %arg10[%get3A_2148, %get3A_2149] {strides = array<i32>} : memref<240x128xf32, #tpu.memory_space<vmem>>, vector<1x16xf32>,
        %get3A_2151 = vector.shape_cast %get3A_2150 : vector<1x16xf32> to vector<16xf32>
        %mul3A_2152 = vector.broadcast %squeeze3A_2142 : f32 to vector<16xf32>
        %mul3A_2153 = arith.mulf %get3A_2151, %mul3A_2152 : vector<16xf32>
        %swap3A_2154 = arith.index_cast %add3A_2147 : i32 to index
        %swap3A_2155 = arith.constant 0 : index
        %swap3A_2156 = tpu.vector_load %arg10[%swap3A_2154, %swap3A_2155] {strides = array<i32>} : memref<240x128xf32, #tpu.memory_space<vmem>>, vector<1x16xf32>,
        %swap3A_2157 = vector.shape_cast %swap3A_2156 : vector<1x16xf32> to vector<16xf32>
        %swap3A_2158 = vector.shape_cast %mul3A_2153 : vector<16xf32> to vector<1x16xf32>
        tpu.vector_store %arg10[%swap3A_2154, %swap3A_2155], %swap3A_2158 {strides = array<i32>} : memref<240x128xf32, #tpu.memory_space<vmem>>, vector<1x16xf32>,
        %get3A_2159 = arith.index_cast %add3A_2147 : i32 to index
        %get3A_2160 = arith.constant 16 : index
        %get3A_2161 = tpu.vector_load %arg10[%get3A_2159, %get3A_2160] {strides = array<i32>} : memref<240x128xf32, #tpu.memory_space<vmem>>, vector<1x16xf32>,
        %get3A_2162 = vector.shape_cast %get3A_2161 : vector<1x16xf32> to vector<16xf32>
        %mul3A_2163 = vector.broadcast %squeeze3A_2142 : f32 to vector<16xf32>
        %mul3A_2164 = arith.mulf %get3A_2162, %mul3A_2163 : vector<16xf32>
        %swap3A_2165 = arith.index_cast %add3A_2147 : i32 to index
        %swap3A_2166 = arith.constant 16 : index
        %swap3A_2167 = tpu.vector_load %arg10[%swap3A_2165, %swap3A_2166] {strides = array<i32>} : memref<240x128xf32, #tpu.memory_space<vmem>>, vector<1x16xf32>,
        %swap3A_2168 = vector.shape_cast %swap3A_2167 : vector<1x16xf32> to vector<16xf32>
        %swap3A_2169 = vector.shape_cast %mul3A_2164 : vector<16xf32> to vector<1x16xf32>
        tpu.vector_store %arg10[%swap3A_2165, %swap3A_2166], %swap3A_2169 {strides = array<i32>} : memref<240x128xf32, #tpu.memory_space<vmem>>, vector<1x16xf32>,
        %get3A_2170 = arith.index_cast %add3A_2147 : i32 to index
        %get3A_2171 = arith.constant 32 : index
        %get3A_2172 = tpu.vector_load %arg10[%get3A_2170, %get3A_2171] {strides = array<i32>} : memref<240x128xf32, #tpu.memory_space<vmem>>, vector<1x16xf32>,
        %get3A_2173 = vector.shape_cast %get3A_2172 : vector<1x16xf32> to vector<16xf32>
        %mul3A_2174 = vector.broadcast %squeeze3A_2142 : f32 to vector<16xf32>
        %mul3A_2175 = arith.mulf %get3A_2173, %mul3A_2174 : vector<16xf32>
        %swap3A_2176 = arith.index_cast %add3A_2147 : i32 to index
        %swap3A_2177 = arith.constant 32 : index
        %swap3A_2178 = tpu.vector_load %arg10[%swap3A_2176, %swap3A_2177] {strides = array<i32>} : memref<240x128xf32, #tpu.memory_space<vmem>>, vector<1x16xf32>,
        %swap3A_2179 = vector.shape_cast %swap3A_2178 : vector<1x16xf32> to vector<16xf32>
        %swap3A_2180 = vector.shape_cast %mul3A_2175 : vector<16xf32> to vector<1x16xf32>
        tpu.vector_store %arg10[%swap3A_2176, %swap3A_2177], %swap3A_2180 {strides = array<i32>} : memref<240x128xf32, #tpu.memory_space<vmem>>, vector<1x16xf32>,
        %get3A_2181 = arith.index_cast %add3A_2147 : i32 to index
        %get3A_2182 = arith.constant 48 : index
        %get3A_2183 = tpu.vector_load %arg10[%get3A_2181, %get3A_2182] {strides = array<i32>} : memref<240x128xf32, #tpu.memory_space<vmem>>, vector<1x16xf32>,
        %get3A_2184 = vector.shape_cast %get3A_2183 : vector<1x16xf32> to vector<16xf32>
        %mul3A_2185 = vector.broadcast %squeeze3A_2142 : f32 to vector<16xf32>
        %mul3A_2186 = arith.mulf %get3A_2184, %mul3A_2185 : vector<16xf32>
        %swap3A_2187 = arith.index_cast %add3A_2147 : i32 to index
        %swap3A_2188 = arith.constant 48 : index
        %swap3A_2189 = tpu.vector_load %arg10[%swap3A_2187, %swap3A_2188] {strides = array<i32>} : memref<240x128xf32, #tpu.memory_space<vmem>>, vector<1x16xf32>,
        %swap3A_2190 = vector.shape_cast %swap3A_2189 : vector<1x16xf32> to vector<16xf32>
        %swap3A_2191 = vector.shape_cast %mul3A_2186 : vector<16xf32> to vector<1x16xf32>
        tpu.vector_store %arg10[%swap3A_2187, %swap3A_2188], %swap3A_2191 {strides = array<i32>} : memref<240x128xf32, #tpu.memory_space<vmem>>, vector<1x16xf32>,
        %get3A_2192 = arith.index_cast %add3A_2147 : i32 to index
        %get3A_2193 = arith.constant 64 : index
        %get3A_2194 = tpu.vector_load %arg10[%get3A_2192, %get3A_2193] {strides = array<i32>} : memref<240x128xf32, #tpu.memory_space<vmem>>, vector<1x16xf32>,
        %get3A_2195 = vector.shape_cast %get3A_2194 : vector<1x16xf32> to vector<16xf32>
        %mul3A_2196 = vector.broadcast %squeeze3A_2142 : f32 to vector<16xf32>
        %mul3A_2197 = arith.mulf %get3A_2195, %mul3A_2196 : vector<16xf32>
        %swap3A_2198 = arith.index_cast %add3A_2147 : i32 to index
        %swap3A_2199 = arith.constant 64 : index
        %swap3A_2200 = tpu.vector_load %arg10[%swap3A_2198, %swap3A_2199] {strides = array<i32>} : memref<240x128xf32, #tpu.memory_space<vmem>>, vector<1x16xf32>,
        %swap3A_2201 = vector.shape_cast %swap3A_2200 : vector<1x16xf32> to vector<16xf32>
        %swap3A_2202 = vector.shape_cast %mul3A_2197 : vector<16xf32> to vector<1x16xf32>
        tpu.vector_store %arg10[%swap3A_2198, %swap3A_2199], %swap3A_2202 {strides = array<i32>} : memref<240x128xf32, #tpu.memory_space<vmem>>, vector<1x16xf32>,
        %get3A_2203 = arith.index_cast %add3A_2147 : i32 to index
        %get3A_2204 = arith.constant 80 : index
        %get3A_2205 = tpu.vector_load %arg10[%get3A_2203, %get3A_2204] {strides = array<i32>} : memref<240x128xf32, #tpu.memory_space<vmem>>, vector<1x16xf32>,
        %get3A_2206 = vector.shape_cast %get3A_2205 : vector<1x16xf32> to vector<16xf32>
        %mul3A_2207 = vector.broadcast %squeeze3A_2142 : f32 to vector<16xf32>
        %mul3A_2208 = arith.mulf %get3A_2206, %mul3A_2207 : vector<16xf32>
        %swap3A_2209 = arith.index_cast %add3A_2147 : i32 to index
        %swap3A_2210 = arith.constant 80 : index
        %swap3A_2211 = tpu.vector_load %arg10[%swap3A_2209, %swap3A_2210] {strides = array<i32>} : memref<240x128xf32, #tpu.memory_space<vmem>>, vector<1x16xf32>,
        %swap3A_2212 = vector.shape_cast %swap3A_2211 : vector<1x16xf32> to vector<16xf32>
        %swap3A_2213 = vector.shape_cast %mul3A_2208 : vector<16xf32> to vector<1x16xf32>
        tpu.vector_store %arg10[%swap3A_2209, %swap3A_2210], %swap3A_2213 {strides = array<i32>} : memref<240x128xf32, #tpu.memory_space<vmem>>, vector<1x16xf32>,
        %get3A_2214 = arith.index_cast %add3A_2147 : i32 to index
        %get3A_2215 = arith.constant 96 : index
        %get3A_2216 = tpu.vector_load %arg10[%get3A_2214, %get3A_2215] {strides = array<i32>} : memref<240x128xf32, #tpu.memory_space<vmem>>, vector<1x16xf32>,
        %get3A_2217 = vector.shape_cast %get3A_2216 : vector<1x16xf32> to vector<16xf32>
        %mul3A_2218 = vector.broadcast %squeeze3A_2142 : f32 to vector<16xf32>
        %mul3A_2219 = arith.mulf %get3A_2217, %mul3A_2218 : vector<16xf32>
        %swap3A_2220 = arith.index_cast %add3A_2147 : i32 to index
        %swap3A_2221 = arith.constant 96 : index
        %swap3A_2222 = tpu.vector_load %arg10[%swap3A_2220, %swap3A_2221] {strides = array<i32>} : memref<240x128xf32, #tpu.memory_space<vmem>>, vector<1x16xf32>,
        %swap3A_2223 = vector.shape_cast %swap3A_2222 : vector<1x16xf32> to vector<16xf32>
        %swap3A_2224 = vector.shape_cast %mul3A_2219 : vector<16xf32> to vector<1x16xf32>
        tpu.vector_store %arg10[%swap3A_2220, %swap3A_2221], %swap3A_2224 {strides = array<i32>} : memref<240x128xf32, #tpu.memory_space<vmem>>, vector<1x16xf32>,
        %get3A_2225 = arith.index_cast %add3A_2147 : i32 to index
        %get3A_2226 = arith.constant 112 : index
        %get3A_2227 = tpu.vector_load %arg10[%get3A_2225, %get3A_2226] {strides = array<i32>} : memref<240x128xf32, #tpu.memory_space<vmem>>, vector<1x16xf32>,
        %get3A_2228 = vector.shape_cast %get3A_2227 : vector<1x16xf32> to vector<16xf32>
        %mul3A_2229 = vector.broadcast %squeeze3A_2142 : f32 to vector<16xf32>
        %mul3A_2230 = arith.mulf %get3A_2228, %mul3A_2229 : vector<16xf32>
        %swap3A_2231 = arith.index_cast %add3A_2147 : i32 to index
        %swap3A_2232 = arith.constant 112 : index
        %swap3A_2233 = tpu.vector_load %arg10[%swap3A_2231, %swap3A_2232] {strides = array<i32>} : memref<240x128xf32, #tpu.memory_space<vmem>>, vector<1x16xf32>,
        %swap3A_2234 = vector.shape_cast %swap3A_2233 : vector<1x16xf32> to vector<16xf32>
        %swap3A_2235 = vector.shape_cast %mul3A_2230 : vector<16xf32> to vector<1x16xf32>
        tpu.vector_store %arg10[%swap3A_2231, %swap3A_2232], %swap3A_2235 {strides = array<i32>} : memref<240x128xf32, #tpu.memory_space<vmem>>, vector<1x16xf32>,
        %jit3A_2236 = arith.constant 0.000000e+00 : f32
        %broadcast_in_dim3A_2237 = vector.broadcast %squeeze3A_2142 : f32 to vector<16xf32>
        %broadcast_in_dim3A_2238 = vector.broadcast %jit3A_2236 : f32 to vector<16xf32>
        %select_n3A_2239 = arith.select %eq3A_124, %broadcast_in_dim3A_2237, %broadcast_in_dim3A_2238 : vector<16xi1>, vector<16xf32>
        %swap3A_2240 = arith.index_cast %add3A_2147 : i32 to index
        %swap3A_2241 = arith.constant 0 : index
        %swap3A_2242 = tpu.vector_load %arg11[%swap3A_2240, %swap3A_2241] {strides = array<i32>} : memref<240x16xf32, #tpu.memory_space<vmem>>, vector<1x16xf32>,
        %swap3A_2243 = vector.shape_cast %swap3A_2242 : vector<1x16xf32> to vector<16xf32>
        %swap3A_2244 = vector.shape_cast %select_n3A_2239 : vector<16xf32> to vector<1x16xf32>
        tpu.vector_store %arg11[%swap3A_2240, %swap3A_2241], %swap3A_2244 {strides = array<i32>} : memref<240x16xf32, #tpu.memory_space<vmem>>, vector<1x16xf32>,
      }
      %scan3A_404 = arith.constant 5 : i32
      %jit3A_405 = arith.constant 5 : i32
      %eq3A_406 = arith.constant 0 : i32
      %eq3A_407 = arith.cmpi eq, %jit3A_405, %eq3A_406 : i32
      %jit3A_408 = arith.constant 1 : i32
      %select_n3A_409 = arith.select %eq3A_407, %jit3A_408, %jit3A_405 : i32
      %rem3A_410 = arith.remsi %add3A_177, %select_n3A_409 : i32
      %ne3A_411 = arith.constant 0 : i32
      %ne3A_412 = arith.cmpi ne, %rem3A_410, %ne3A_411 : i32
      %lt3A_413 = arith.constant 0 : i32
      %lt3A_414 = arith.cmpi slt, %rem3A_410, %lt3A_413 : i32
      %lt3A_415 = arith.constant 0 : i32
      %lt3A_416 = arith.cmpi slt, %select_n3A_409, %lt3A_415 : i32
      %ne3A_417 = arith.xori %lt3A_414, %lt3A_416 : i1
      %and3A_418 = arith.andi %ne3A_417, %ne3A_412 : i1
      %add3A_419 = arith.addi %rem3A_410, %select_n3A_409 : i32
      %select_n3A_420 = arith.select %and3A_418, %add3A_419, %rem3A_410 : i32
      %jit3A_421 = arith.constant 5 : i32
      %div3A_422 = arith.divsi %add3A_177, %jit3A_421 : i32
      %sign3A_423 = arith.constant 0 : i32
      %sign3A_424 = arith.cmpi sgt, %add3A_177, %sign3A_423 : i32
      %sign3A_425 = arith.extui %sign3A_424 : i1 to i32
      %sign3A_426 = arith.constant 0 : i32
      %sign3A_427 = arith.cmpi slt, %add3A_177, %sign3A_426 : i32
      %sign3A_428 = arith.extui %sign3A_427 : i1 to i32
      %sign3A_429 = arith.subi %sign3A_425, %sign3A_428 : i32
      %sign3A_430 = arith.constant 0 : i32
      %sign3A_431 = arith.cmpi sgt, %jit3A_421, %sign3A_430 : i32
      %sign3A_432 = arith.extui %sign3A_431 : i1 to i32
      %sign3A_433 = arith.constant 0 : i32
      %sign3A_434 = arith.cmpi slt, %jit3A_421, %sign3A_433 : i32
      %sign3A_435 = arith.extui %sign3A_434 : i1 to i32
      %sign3A_436 = arith.subi %sign3A_432, %sign3A_435 : i32
      %ne3A_437 = arith.cmpi ne, %sign3A_429, %sign3A_436 : i32
      %rem3A_438 = arith.remsi %add3A_177, %jit3A_421 : i32
      %ne3A_439 = arith.constant 0 : i32
      %ne3A_440 = arith.cmpi ne, %rem3A_438, %ne3A_439 : i32
      %and3A_441 = arith.andi %ne3A_437, %ne3A_440 : i1
      %sub3A_442 = arith.constant 1 : i32
      %sub3A_443 = arith.subi %div3A_422, %sub3A_442 : i32
      %select_n3A_444 = arith.select %and3A_441, %sub3A_443, %div3A_422 : i32
      %jit3A_445 = arith.constant 2 : i32
      %eq3A_446 = arith.constant 0 : i32
      %eq3A_447 = arith.cmpi eq, %jit3A_445, %eq3A_446 : i32
      %jit3A_448 = arith.constant 1 : i32
      %select_n3A_449 = arith.select %eq3A_447, %jit3A_448, %jit3A_445 : i32
      %rem3A_450 = arith.remsi %select_n3A_444, %select_n3A_449 : i32
      %ne3A_451 = arith.constant 0 : i32
      %ne3A_452 = arith.cmpi ne, %rem3A_450, %ne3A_451 : i32
      %lt3A_453 = arith.constant 0 : i32
      %lt3A_454 = arith.cmpi slt, %rem3A_450, %lt3A_453 : i32
      %lt3A_455 = arith.constant 0 : i32
      %lt3A_456 = arith.cmpi slt, %select_n3A_449, %lt3A_455 : i32
      %ne3A_457 = arith.xori %lt3A_454, %lt3A_456 : i1
      %and3A_458 = arith.andi %ne3A_457, %ne3A_452 : i1
      %add3A_459 = arith.addi %rem3A_450, %select_n3A_449 : i32
      %select_n3A_460 = arith.select %and3A_458, %add3A_459, %rem3A_450 : i32
      %mul3A_461 = arith.constant 5 : i32
      %mul3A_462 = arith.muli %mul3A_461, %select_n3A_460 : i32
      %add3A_463 = arith.addi %select_n3A_420, %mul3A_462 : i32
      %jit3A_464 = arith.constant 3 : i32
      %eq3A_465 = arith.constant 0 : i32
      %eq3A_466 = arith.cmpi eq, %jit3A_464, %eq3A_465 : i32
      %jit3A_467 = arith.constant 1 : i32
      %select_n3A_468 = arith.select %eq3A_466, %jit3A_467, %jit3A_464 : i32
      %rem3A_469 = arith.remsi %add3A_177, %select_n3A_468 : i32
      %ne3A_470 = arith.constant 0 : i32
      %ne3A_471 = arith.cmpi ne, %rem3A_469, %ne3A_470 : i32
      %lt3A_472 = arith.constant 0 : i32
      %lt3A_473 = arith.cmpi slt, %rem3A_469, %lt3A_472 : i32
      %lt3A_474 = arith.constant 0 : i32
      %lt3A_475 = arith.cmpi slt, %select_n3A_468, %lt3A_474 : i32
      %ne3A_476 = arith.xori %lt3A_473, %lt3A_475 : i1
      %and3A_477 = arith.andi %ne3A_476, %ne3A_471 : i1
      %add3A_478 = arith.addi %rem3A_469, %select_n3A_468 : i32
      %select_n3A_479 = arith.select %and3A_477, %add3A_478, %rem3A_469 : i32
      %mul3A_480 = arith.constant 80 : i32
      %mul3A_481 = arith.muli %select_n3A_479, %mul3A_480 : i32
      %dma_start3A_482 = arith.constant 0 : i32
      %dma_start3A_483 = tpu.memref_slice %arg10[%mul3A_481, %dma_start3A_482] : memref<240x128xf32, #tpu.memory_space<vmem>> -> memref<80x128xf32, #tpu.memory_space<vmem>>
      %dma_start3A_484 = arith.constant 0 : i32
      %dma_start3A_485 = tpu.memref_slice %arg8[%add3A_463, %dma_start3A_484] : memref<10x80xi32, #tpu.memory_space<vmem>> -> memref<1x80xi32, #tpu.memory_space<vmem>>
      %dma_start3A_486 = tpu.memref_squeeze %dma_start3A_485 : memref<1x80xi32, #tpu.memory_space<vmem>> -> memref<80xi32, #tpu.memory_space<vmem>>
      %dma_start3A_487 = arith.constant 0 : i32
      %dma_start3A_488 = arith.constant 0 : i32
      %dma_start3A_489 = tpu.memref_slice %arg12[%dma_start3A_487, %dma_start3A_488] : memref<10240x128xf32, #tpu.memory_space<vmem_shared>> -> memref<10240x128xf32, #tpu.memory_space<vmem_shared>>
      tpu.enqueue_indirect_dma source(%dma_start3A_483 : memref<80x128xf32, #tpu.memory_space<vmem>>) target(%dma_start3A_489 : memref<10240x128xf32, #tpu.memory_space<vmem_shared>>) offsets(%dma_start3A_486 : memref<80xi32, #tpu.memory_space<vmem>>) semaphore(%arg16 : memref<!tpu.dma_semaphore, #tpu.memory_space<semaphore_mem>>) {add = true}
      %jit3A_490 = arith.constant 5 : i32
      %eq3A_491 = arith.constant 0 : i32
      %eq3A_492 = arith.cmpi eq, %jit3A_490, %eq3A_491 : i32
      %jit3A_493 = arith.constant 1 : i32
      %select_n3A_494 = arith.select %eq3A_492, %jit3A_493, %jit3A_490 : i32
      %rem3A_495 = arith.remsi %add3A_177, %select_n3A_494 : i32
      %ne3A_496 = arith.constant 0 : i32
      %ne3A_497 = arith.cmpi ne, %rem3A_495, %ne3A_496 : i32
      %lt3A_498 = arith.constant 0 : i32
      %lt3A_499 = arith.cmpi slt, %rem3A_495, %lt3A_498 : i32
      %lt3A_500 = arith.constant 0 : i32
      %lt3A_501 = arith.cmpi slt, %select_n3A_494, %lt3A_500 : i32
      %ne3A_502 = arith.xori %lt3A_499, %lt3A_501 : i1
      %and3A_503 = arith.andi %ne3A_502, %ne3A_497 : i1
      %add3A_504 = arith.addi %rem3A_495, %select_n3A_494 : i32
      %select_n3A_505 = arith.select %and3A_503, %add3A_504, %rem3A_495 : i32
      %jit3A_506 = arith.constant 5 : i32
      %div3A_507 = arith.divsi %add3A_177, %jit3A_506 : i32
      %sign3A_508 = arith.constant 0 : i32
      %sign3A_509 = arith.cmpi sgt, %add3A_177, %sign3A_508 : i32
      %sign3A_510 = arith.extui %sign3A_509 : i1 to i32
      %sign3A_511 = arith.constant 0 : i32
      %sign3A_512 = arith.cmpi slt, %add3A_177, %sign3A_511 : i32
      %sign3A_513 = arith.extui %sign3A_512 : i1 to i32
      %sign3A_514 = arith.subi %sign3A_510, %sign3A_513 : i32
      %sign3A_515 = arith.constant 0 : i32
      %sign3A_516 = arith.cmpi sgt, %jit3A_506, %sign3A_515 : i32
      %sign3A_517 = arith.extui %sign3A_516 : i1 to i32
      %sign3A_518 = arith.constant 0 : i32
      %sign3A_519 = arith.cmpi slt, %jit3A_506, %sign3A_518 : i32
      %sign3A_520 = arith.extui %sign3A_519 : i1 to i32
      %sign3A_521 = arith.subi %sign3A_517, %sign3A_520 : i32
      %ne3A_522 = arith.cmpi ne, %sign3A_514, %sign3A_521 : i32
      %rem3A_523 = arith.remsi %add3A_177, %jit3A_506 : i32
      %ne3A_524 = arith.constant 0 : i32
      %ne3A_525 = arith.cmpi ne, %rem3A_523, %ne3A_524 : i32
      %and3A_526 = arith.andi %ne3A_522, %ne3A_525 : i1
      %sub3A_527 = arith.constant 1 : i32
      %sub3A_528 = arith.subi %div3A_507, %sub3A_527 : i32
      %select_n3A_529 = arith.select %and3A_526, %sub3A_528, %div3A_507 : i32
      %jit3A_530 = arith.constant 2 : i32
      %eq3A_531 = arith.constant 0 : i32
      %eq3A_532 = arith.cmpi eq, %jit3A_530, %eq3A_531 : i32
      %jit3A_533 = arith.constant 1 : i32
      %select_n3A_534 = arith.select %eq3A_532, %jit3A_533, %jit3A_530 : i32
      %rem3A_535 = arith.remsi %select_n3A_529, %select_n3A_534 : i32
      %ne3A_536 = arith.constant 0 : i32
      %ne3A_537 = arith.cmpi ne, %rem3A_535, %ne3A_536 : i32
      %lt3A_538 = arith.constant 0 : i32
      %lt3A_539 = arith.cmpi slt, %rem3A_535, %lt3A_538 : i32
      %lt3A_540 = arith.constant 0 : i32
      %lt3A_541 = arith.cmpi slt, %select_n3A_534, %lt3A_540 : i32
      %ne3A_542 = arith.xori %lt3A_539, %lt3A_541 : i1
      %and3A_543 = arith.andi %ne3A_542, %ne3A_537 : i1
      %add3A_544 = arith.addi %rem3A_535, %select_n3A_534 : i32
      %select_n3A_545 = arith.select %and3A_543, %add3A_544, %rem3A_535 : i32
      %mul3A_546 = arith.constant 5 : i32
      %mul3A_547 = arith.muli %mul3A_546, %select_n3A_545 : i32
      %add3A_548 = arith.addi %select_n3A_505, %mul3A_547 : i32
      %jit3A_549 = arith.constant 3 : i32
      %eq3A_550 = arith.constant 0 : i32
      %eq3A_551 = arith.cmpi eq, %jit3A_549, %eq3A_550 : i32
      %jit3A_552 = arith.constant 1 : i32
      %select_n3A_553 = arith.select %eq3A_551, %jit3A_552, %jit3A_549 : i32
      %rem3A_554 = arith.remsi %add3A_177, %select_n3A_553 : i32
      %ne3A_555 = arith.constant 0 : i32
      %ne3A_556 = arith.cmpi ne, %rem3A_554, %ne3A_555 : i32
      %lt3A_557 = arith.constant 0 : i32
      %lt3A_558 = arith.cmpi slt, %rem3A_554, %lt3A_557 : i32
      %lt3A_559 = arith.constant 0 : i32
      %lt3A_560 = arith.cmpi slt, %select_n3A_553, %lt3A_559 : i32
      %ne3A_561 = arith.xori %lt3A_558, %lt3A_560 : i1
      %and3A_562 = arith.andi %ne3A_561, %ne3A_556 : i1
      %add3A_563 = arith.addi %rem3A_554, %select_n3A_553 : i32
      %select_n3A_564 = arith.select %and3A_562, %add3A_563, %rem3A_554 : i32
      %mul3A_565 = arith.constant 80 : i32
      %mul3A_566 = arith.muli %select_n3A_564, %mul3A_565 : i32
      %dma_start3A_567 = arith.constant 0 : i32
      %dma_start3A_568 = tpu.memref_slice %arg11[%mul3A_566, %dma_start3A_567] : memref<240x16xf32, #tpu.memory_space<vmem>> -> memref<80x16xf32, #tpu.memory_space<vmem>>
      %dma_start3A_569 = arith.constant 0 : i32
      %dma_start3A_570 = tpu.memref_slice %arg8[%add3A_548, %dma_start3A_569] : memref<10x80xi32, #tpu.memory_space<vmem>> -> memref<1x80xi32, #tpu.memory_space<vmem>>
      %dma_start3A_571 = tpu.memref_squeeze %dma_start3A_570 : memref<1x80xi32, #tpu.memory_space<vmem>> -> memref<80xi32, #tpu.memory_space<vmem>>
      %dma_start3A_572 = arith.constant 0 : i32
      %dma_start3A_573 = arith.constant 0 : i32
      %dma_start3A_574 = tpu.memref_slice %arg13[%dma_start3A_572, %dma_start3A_573] : memref<10240x16xf32, #tpu.memory_space<vmem_shared>> -> memref<10240x16xf32, #tpu.memory_space<vmem_shared>>
      tpu.enqueue_indirect_dma source(%dma_start3A_568 : memref<80x16xf32, #tpu.memory_space<vmem>>) target(%dma_start3A_574 : memref<10240x16xf32, #tpu.memory_space<vmem_shared>>) offsets(%dma_start3A_571 : memref<80xi32, #tpu.memory_space<vmem>>) semaphore(%arg16 : memref<!tpu.dma_semaphore, #tpu.memory_space<semaphore_mem>>) {add = true}
    }
    %scan3A_129 = arith.constant 125 : i32
    %dma_wait3A_130 = arith.constant 3 : i32
    %dma_wait3A_131 = arith.constant 0 : i32
    %dma_wait3A_132 = arith.constant 0 : i32
    %dma_wait3A_133 = tpu.memref_slice %arg10[%dma_wait3A_131, %dma_wait3A_132] : memref<240x128xf32, #tpu.memory_space<vmem>> -> memref<80x128xf32, #tpu.memory_space<vmem>>
    %dma_wait3A_134 = arith.constant 0 : i32
    %dma_wait3A_135 = tpu.memref_slice %arg8[%dma_wait3A_130, %dma_wait3A_134] : memref<10x80xi32, #tpu.memory_space<vmem>> -> memref<1x80xi32, #tpu.memory_space<vmem>>
    %dma_wait3A_136 = tpu.memref_squeeze %dma_wait3A_135 : memref<1x80xi32, #tpu.memory_space<vmem>> -> memref<80xi32, #tpu.memory_space<vmem>>
    %dma_wait3A_137 = arith.constant 0 : i32
    %dma_wait3A_138 = arith.constant 0 : i32
    %dma_wait3A_139 = tpu.memref_slice %arg12[%dma_wait3A_137, %dma_wait3A_138] : memref<10240x128xf32, #tpu.memory_space<vmem_shared>> -> memref<10240x128xf32, #tpu.memory_space<vmem_shared>>
    tpu.wait_indirect_dma semaphore(%arg16 : memref<!tpu.dma_semaphore, #tpu.memory_space<semaphore_mem>>) src(%dma_wait3A_133 : memref<80x128xf32, #tpu.memory_space<vmem>>) dst(%dma_wait3A_139 : memref<10240x128xf32, #tpu.memory_space<vmem_shared>>)
    %dma_wait3A_140 = arith.constant 3 : i32
    %dma_wait3A_141 = arith.constant 0 : i32
    %dma_wait3A_142 = arith.constant 0 : i32
    %dma_wait3A_143 = tpu.memref_slice %arg11[%dma_wait3A_141, %dma_wait3A_142] : memref<240x16xf32, #tpu.memory_space<vmem>> -> memref<80x16xf32, #tpu.memory_space<vmem>>
    %dma_wait3A_144 = arith.constant 0 : i32
    %dma_wait3A_145 = tpu.memref_slice %arg8[%dma_wait3A_140, %dma_wait3A_144] : memref<10x80xi32, #tpu.memory_space<vmem>> -> memref<1x80xi32, #tpu.memory_space<vmem>>
    %dma_wait3A_146 = tpu.memref_squeeze %dma_wait3A_145 : memref<1x80xi32, #tpu.memory_space<vmem>> -> memref<80xi32, #tpu.memory_space<vmem>>
    %dma_wait3A_147 = arith.constant 0 : i32
    %dma_wait3A_148 = arith.constant 0 : i32
    %dma_wait3A_149 = tpu.memref_slice %arg13[%dma_wait3A_147, %dma_wait3A_148] : memref<10240x16xf32, #tpu.memory_space<vmem_shared>> -> memref<10240x16xf32, #tpu.memory_space<vmem_shared>>
    tpu.wait_indirect_dma semaphore(%arg16 : memref<!tpu.dma_semaphore, #tpu.memory_space<semaphore_mem>>) src(%dma_wait3A_143 : memref<80x16xf32, #tpu.memory_space<vmem>>) dst(%dma_wait3A_149 : memref<10240x16xf32, #tpu.memory_space<vmem_shared>>)
    %dma_wait3A_150 = arith.constant 4 : i32
    %dma_wait3A_151 = arith.constant 80 : i32
    %dma_wait3A_152 = arith.constant 0 : i32
    %dma_wait3A_153 = tpu.memref_slice %arg10[%dma_wait3A_151, %dma_wait3A_152] : memref<240x128xf32, #tpu.memory_space<vmem>> -> memref<80x128xf32, #tpu.memory_space<vmem>>
    %dma_wait3A_154 = arith.constant 0 : i32
    %dma_wait3A_155 = tpu.memref_slice %arg8[%dma_wait3A_150, %dma_wait3A_154] : memref<10x80xi32, #tpu.memory_space<vmem>> -> memref<1x80xi32, #tpu.memory_space<vmem>>
    %dma_wait3A_156 = tpu.memref_squeeze %dma_wait3A_155 : memref<1x80xi32, #tpu.memory_space<vmem>> -> memref<80xi32, #tpu.memory_space<vmem>>
    %dma_wait3A_157 = arith.constant 0 : i32
    %dma_wait3A_158 = arith.constant 0 : i32
    %dma_wait3A_159 = tpu.memref_slice %arg12[%dma_wait3A_157, %dma_wait3A_158] : memref<10240x128xf32, #tpu.memory_space<vmem_shared>> -> memref<10240x128xf32, #tpu.memory_space<vmem_shared>>
    tpu.wait_indirect_dma semaphore(%arg16 : memref<!tpu.dma_semaphore, #tpu.memory_space<semaphore_mem>>) src(%dma_wait3A_153 : memref<80x128xf32, #tpu.memory_space<vmem>>) dst(%dma_wait3A_159 : memref<10240x128xf32, #tpu.memory_space<vmem_shared>>)
    %dma_wait3A_160 = arith.constant 4 : i32
    %dma_wait3A_161 = arith.constant 80 : i32
    %dma_wait3A_162 = arith.constant 0 : i32
    %dma_wait3A_163 = tpu.memref_slice %arg11[%dma_wait3A_161, %dma_wait3A_162] : memref<240x16xf32, #tpu.memory_space<vmem>> -> memref<80x16xf32, #tpu.memory_space<vmem>>
    %dma_wait3A_164 = arith.constant 0 : i32
    %dma_wait3A_165 = tpu.memref_slice %arg8[%dma_wait3A_160, %dma_wait3A_164] : memref<10x80xi32, #tpu.memory_space<vmem>> -> memref<1x80xi32, #tpu.memory_space<vmem>>
    %dma_wait3A_166 = tpu.memref_squeeze %dma_wait3A_165 : memref<1x80xi32, #tpu.memory_space<vmem>> -> memref<80xi32, #tpu.memory_space<vmem>>
    %dma_wait3A_167 = arith.constant 0 : i32
    %dma_wait3A_168 = arith.constant 0 : i32
    %dma_wait3A_169 = tpu.memref_slice %arg13[%dma_wait3A_167, %dma_wait3A_168] : memref<10240x16xf32, #tpu.memory_space<vmem_shared>> -> memref<10240x16xf32, #tpu.memory_space<vmem_shared>>
    tpu.wait_indirect_dma semaphore(%arg16 : memref<!tpu.dma_semaphore, #tpu.memory_space<semaphore_mem>>) src(%dma_wait3A_163 : memref<80x16xf32, #tpu.memory_space<vmem>>) dst(%dma_wait3A_169 : memref<10240x16xf32, #tpu.memory_space<vmem_shared>>)
    %barrier3A_170 = arith.constant 0 : index
    tpu.barrier barrier_id(%barrier3A_170)
    %mul3A_171 = arith.constant 640 : i32
    %mul3A_172 = arith.muli %arg1, %mul3A_171 : i32
    "tpu.region"() ({
      %run_scoped3A = tpu.sem_alloc : memref<!tpu.dma_semaphore, #tpu.memory_space<semaphore_mem>>
      %dma_start3A_173 = arith.constant 0 : i32
      %dma_start3A_174 = tpu.memref_slice %arg5[%arg0, %mul3A_172, %dma_start3A_173] : memref<2x10240x128xf32, #tpu.memory_space<hbm>> -> memref<1x640x128xf32, #tpu.memory_space<hbm>>
      %dma_start3A_175 = tpu.memref_squeeze %dma_start3A_174 : memref<1x640x128xf32, #tpu.memory_space<hbm>> -> memref<640x128xf32, #tpu.memory_space<hbm>>
      %dma_start3A_176 = arith.constant 0 : i32
      %dma_start3A_177 = tpu.memref_slice %arg12[%mul3A_172, %dma_start3A_176] : memref<10240x128xf32, #tpu.memory_space<vmem_shared>> -> memref<640x128xf32, #tpu.memory_space<vmem_shared>>
      tpu.enqueue_dma source(%dma_start3A_177 : memref<640x128xf32, #tpu.memory_space<vmem_shared>>) target(%dma_start3A_175 : memref<640x128xf32, #tpu.memory_space<hbm>>) target_semaphore(%run_scoped3A : memref<!tpu.dma_semaphore, #tpu.memory_space<semaphore_mem>>)
      %dma_wait3A_178 = arith.constant 0 : i32
      %dma_wait3A_179 = tpu.memref_slice %arg5[%arg0, %mul3A_172, %dma_wait3A_178] : memref<2x10240x128xf32, #tpu.memory_space<hbm>> -> memref<1x640x128xf32, #tpu.memory_space<hbm>>
      %dma_wait3A_180 = tpu.memref_squeeze %dma_wait3A_179 : memref<1x640x128xf32, #tpu.memory_space<hbm>> -> memref<640x128xf32, #tpu.memory_space<hbm>>
      %dma_wait3A_181 = arith.constant 0 : i32
      %dma_wait3A_182 = tpu.memref_slice %arg12[%mul3A_172, %dma_wait3A_181] : memref<10240x128xf32, #tpu.memory_space<vmem_shared>> -> memref<640x128xf32, #tpu.memory_space<vmem_shared>>
      tpu.wait_dma2 semaphore(%run_scoped3A : memref<!tpu.dma_semaphore, #tpu.memory_space<semaphore_mem>>) src(%dma_wait3A_182 : memref<640x128xf32, #tpu.memory_space<vmem_shared>>) dst(%dma_wait3A_180 : memref<640x128xf32, #tpu.memory_space<hbm>>)
      tpu.yield
    }) : () -> ()
    "tpu.region"() ({
      %run_scoped3A = tpu.sem_alloc : memref<!tpu.dma_semaphore, #tpu.memory_space<semaphore_mem>>
      %dma_start3A_173 = arith.constant 0 : i32
      %dma_start3A_174 = tpu.memref_slice %arg6[%arg0, %mul3A_172, %dma_start3A_173] : memref<2x10240x16xf32, #tpu.memory_space<hbm>> -> memref<1x640x16xf32, #tpu.memory_space<hbm>>
      %dma_start3A_175 = tpu.memref_squeeze %dma_start3A_174 : memref<1x640x16xf32, #tpu.memory_space<hbm>> -> memref<640x16xf32, #tpu.memory_space<hbm>>
      %dma_start3A_176 = arith.constant 0 : i32
      %dma_start3A_177 = tpu.memref_slice %arg13[%mul3A_172, %dma_start3A_176] : memref<10240x16xf32, #tpu.memory_space<vmem_shared>> -> memref<640x16xf32, #tpu.memory_space<vmem_shared>>
      tpu.enqueue_dma source(%dma_start3A_177 : memref<640x16xf32, #tpu.memory_space<vmem_shared>>) target(%dma_start3A_175 : memref<640x16xf32, #tpu.memory_space<hbm>>) target_semaphore(%run_scoped3A : memref<!tpu.dma_semaphore, #tpu.memory_space<semaphore_mem>>)
      %dma_wait3A_178 = arith.constant 0 : i32
      %dma_wait3A_179 = tpu.memref_slice %arg6[%arg0, %mul3A_172, %dma_wait3A_178] : memref<2x10240x16xf32, #tpu.memory_space<hbm>> -> memref<1x640x16xf32, #tpu.memory_space<hbm>>
      %dma_wait3A_180 = tpu.memref_squeeze %dma_wait3A_179 : memref<1x640x16xf32, #tpu.memory_space<hbm>> -> memref<640x16xf32, #tpu.memory_space<hbm>>
      %dma_wait3A_181 = arith.constant 0 : i32
      %dma_wait3A_182 = tpu.memref_slice %arg13[%mul3A_172, %dma_wait3A_181] : memref<10240x16xf32, #tpu.memory_space<vmem_shared>> -> memref<640x16xf32, #tpu.memory_space<vmem_shared>>
      tpu.wait_dma2 semaphore(%run_scoped3A : memref<!tpu.dma_semaphore, #tpu.memory_space<semaphore_mem>>) src(%dma_wait3A_182 : memref<640x16xf32, #tpu.memory_space<vmem_shared>>) dst(%dma_wait3A_180 : memref<640x16xf32, #tpu.memory_space<hbm>>)
      tpu.yield
    }) : () -> ()
    return
  }
}

module attributes {stable_mosaic.version = 14 : i64} {
  func.func @_proj_body(%arg0: i32, %arg1: memref<2000x128xf32, #tpu.memory_space<vmem>>, %arg2: memref<128x128xf32, #tpu.memory_space<vmem>>, %arg3: memref<1x128xf32, #tpu.memory_space<vmem>>, %arg4: memref<2000x128xf32, #tpu.memory_space<vmem>>) attributes {dimension_semantics = [#tpu.dimension_semantics<arbitrary>], iteration_bounds = array<i64: 5>, scalar_prefetch = 0 : i64, scratch_operands = 0 : i64, tpu.core_type = #tpu.core_type<tc>, window_params = [{transform_indices = @transform_0, window_bounds = array<i64: 2000, 128>}, {pipeline_mode = #tpu.pipeline_mode<synchronous>, transform_indices = @transform_1, window_bounds = array<i64: 128, 128>}, {pipeline_mode = #tpu.pipeline_mode<synchronous>, transform_indices = @transform_2, window_bounds = array<i64: 1, 128>}, {transform_indices = @transform_3, window_bounds = array<i64: 2000, 128>}]} {
    %get3A = arith.constant 0 : index
    %get3A_0 = arith.constant 0 : index
    %get3A_1 = vector.load %arg1[%get3A, %get3A_0] : memref<2000x128xf32, #tpu.memory_space<vmem>>, vector<2000x128xf32>
    %get3A_2 = arith.constant 0 : index
    %get3A_3 = arith.constant 0 : index
    %get3A_4 = vector.load %arg2[%get3A_2, %get3A_3] : memref<128x128xf32, #tpu.memory_space<vmem>>, vector<128x128xf32>
    %dot_general3A = arith.constant dense<0.000000e+00> : vector<2000x128xf32>
    %dot_general3A_5 = tpu.matmul %get3A_1, %get3A_4, %dot_general3A {dimension_numbers = #tpu.dot_dimension_numbers<[1], [0], [0], [1], [0, 0, 1, 1], [], []>, transpose_lhs_hint = false} : vector<2000x128xf32>, vector<128x128xf32>, vector<2000x128xf32> -> vector<2000x128xf32>
    %get3A_6 = arith.constant 0 : index
    %get3A_7 = arith.constant 0 : index
    %get3A_8 = vector.load %arg3[%get3A_6, %get3A_7] : memref<1x128xf32, #tpu.memory_space<vmem>>, vector<1x128xf32>
    %add3A = vector.broadcast %get3A_8 : vector<1x128xf32> to vector<2000x128xf32>
    %add3A_9 = arith.addf %dot_general3A_5, %add3A : vector<2000x128xf32>
    %max3A = arith.constant 0.000000e+00 : f32
    %max3A_10 = vector.broadcast %max3A : f32 to vector<2000x128xf32>
    %max3A_11 = arith.maximumf %add3A_9, %max3A_10 : vector<2000x128xf32>
    %swap3A = arith.constant 0 : index
    %swap3A_12 = arith.constant 0 : index
    %swap3A_13 = vector.load %arg4[%swap3A, %swap3A_12] : memref<2000x128xf32, #tpu.memory_space<vmem>>, vector<2000x128xf32>
    tpu.vector_store %arg4[%swap3A, %swap3A_12], %max3A_11 {strides = array<i32>} : memref<2000x128xf32, #tpu.memory_space<vmem>>, vector<2000x128xf32>,
    return
  }
  func.func @transform_0(%arg0: i32) -> (i32, i32) {
    %c0_i32 = arith.constant 0 : i32
    %c0_i32_0 = arith.constant 0 : i32
    return %arg0, %c0_i32 : i32, i32
  }
  func.func @transform_1(%arg0: i32) -> (i32, i32) {
    %c0_i32 = arith.constant 0 : i32
    %c0_i32_0 = arith.constant 0 : i32
    %c0_i32_1 = arith.constant 0 : i32
    return %c0_i32, %c0_i32_0 : i32, i32
  }
  func.func @transform_2(%arg0: i32) -> (i32, i32) {
    %c0_i32 = arith.constant 0 : i32
    %c0_i32_0 = arith.constant 0 : i32
    %c0_i32_1 = arith.constant 0 : i32
    return %c0_i32, %c0_i32_0 : i32, i32
  }
  func.func @transform_3(%arg0: i32) -> (i32, i32) {
    %c0_i32 = arith.constant 0 : i32
    %c0_i32_0 = arith.constant 0 : i32
    return %arg0, %c0_i32 : i32, i32
  }
}

module attributes {stable_mosaic.version = 14 : i64} {
  func.func @_out_body(%arg0: i32, %arg1: memref<2x1000x128xf32, #tpu.memory_space<vmem>>, %arg2: memref<2x1000x16xf32, #tpu.memory_space<vmem>>, %arg3: memref<1000x128xf32, #tpu.memory_space<vmem>>, %arg4: memref<256x128xf32, #tpu.memory_space<vmem>>, %arg5: memref<1x128xf32, #tpu.memory_space<vmem>>, %arg6: memref<1000x128xf32, #tpu.memory_space<vmem>>) attributes {dimension_semantics = [#tpu.dimension_semantics<arbitrary>], iteration_bounds = array<i64: 10>, scalar_prefetch = 0 : i64, scratch_operands = 0 : i64, tpu.core_type = #tpu.core_type<tc>, window_params = [{transform_indices = @transform_0, window_bounds = array<i64: 2, 1000, 128>}, {transform_indices = @transform_1, window_bounds = array<i64: 2, 1000, 16>}, {transform_indices = @transform_2, window_bounds = array<i64: 1000, 128>}, {pipeline_mode = #tpu.pipeline_mode<synchronous>, transform_indices = @transform_3, window_bounds = array<i64: 256, 128>}, {pipeline_mode = #tpu.pipeline_mode<synchronous>, transform_indices = @transform_4, window_bounds = array<i64: 1, 128>}, {transform_indices = @transform_5, window_bounds = array<i64: 1000, 128>}]} {
    %get3A = arith.constant 0 : index
    %get3A_0 = arith.constant 0 : index
    %get3A_1 = arith.constant 0 : index
    %get3A_2 = vector.load %arg1[%get3A, %get3A_0, %get3A_1] : memref<2x1000x128xf32, #tpu.memory_space<vmem>>, vector<1x1000x128xf32>
    %get3A_3 = vector.shape_cast %get3A_2 : vector<1x1000x128xf32> to vector<1000x128xf32>
    %get3A_4 = arith.constant 1 : index
    %get3A_5 = arith.constant 0 : index
    %get3A_6 = arith.constant 0 : index
    %get3A_7 = vector.load %arg1[%get3A_4, %get3A_5, %get3A_6] : memref<2x1000x128xf32, #tpu.memory_space<vmem>>, vector<1x1000x128xf32>
    %get3A_8 = vector.shape_cast %get3A_7 : vector<1x1000x128xf32> to vector<1000x128xf32>
    %add3A = arith.addf %get3A_3, %get3A_8 : vector<1000x128xf32>
    %get3A_9 = arith.constant 0 : index
    %get3A_10 = arith.constant 0 : index
    %get3A_11 = arith.constant 0 : index
    %get3A_12 = vector.load %arg2[%get3A_9, %get3A_10, %get3A_11] : memref<2x1000x16xf32, #tpu.memory_space<vmem>>, vector<1x1000x16xf32>
    %get3A_13 = vector.shape_cast %get3A_12 : vector<1x1000x16xf32> to vector<1000x16xf32>
    %get3A_14 = arith.constant 1 : index
    %get3A_15 = arith.constant 0 : index
    %get3A_16 = arith.constant 0 : index
    %get3A_17 = vector.load %arg2[%get3A_14, %get3A_15, %get3A_16] : memref<2x1000x16xf32, #tpu.memory_space<vmem>>, vector<1x1000x16xf32>
    %get3A_18 = vector.shape_cast %get3A_17 : vector<1x1000x16xf32> to vector<1000x16xf32>
    %add3A_19 = arith.addf %get3A_13, %get3A_18 : vector<1000x16xf32>
    %slice3A = vector.extract_strided_slice %add3A_19 {offsets = [0, 0], sizes = [1000, 1], strides = [1, 1]} : vector<1000x16xf32> to vector<1000x1xf32>
    %max3A = arith.constant 1.000000e+00 : f32
    %max3A_20 = vector.broadcast %max3A : f32 to vector<1000x1xf32>
    %max3A_21 = arith.maximumf %slice3A, %max3A_20 : vector<1000x1xf32>
    %div3A = vector.broadcast %max3A_21 : vector<1000x1xf32> to vector<1000x128xf32>
    %div3A_22 = arith.divf %add3A, %div3A : vector<1000x128xf32>
    %get3A_23 = arith.constant 0 : index
    %get3A_24 = arith.constant 0 : index
    %get3A_25 = vector.load %arg3[%get3A_23, %get3A_24] : memref<1000x128xf32, #tpu.memory_space<vmem>>, vector<1000x128xf32>
    %concatenate3A = tpu.concatenate %div3A_22, %get3A_25 in 1 : vector<1000x128xf32>, vector<1000x128xf32> -> vector<1000x256xf32>
    %get3A_26 = arith.constant 0 : index
    %get3A_27 = arith.constant 0 : index
    %get3A_28 = vector.load %arg4[%get3A_26, %get3A_27] : memref<256x128xf32, #tpu.memory_space<vmem>>, vector<256x128xf32>
    %dot_general3A = arith.constant dense<0.000000e+00> : vector<1000x128xf32>
    %dot_general3A_29 = tpu.matmul %concatenate3A, %get3A_28, %dot_general3A {dimension_numbers = #tpu.dot_dimension_numbers<[1], [0], [0], [1], [0, 0, 1, 1], [], []>, transpose_lhs_hint = false} : vector<1000x256xf32>, vector<256x128xf32>, vector<1000x128xf32> -> vector<1000x128xf32>
    %get3A_30 = arith.constant 0 : index
    %get3A_31 = arith.constant 0 : index
    %get3A_32 = vector.load %arg5[%get3A_30, %get3A_31] : memref<1x128xf32, #tpu.memory_space<vmem>>, vector<1x128xf32>
    %add3A_33 = vector.broadcast %get3A_32 : vector<1x128xf32> to vector<1000x128xf32>
    %add3A_34 = arith.addf %dot_general3A_29, %add3A_33 : vector<1000x128xf32>
    %max3A_35 = arith.constant 0.000000e+00 : f32
    %max3A_36 = vector.broadcast %max3A_35 : f32 to vector<1000x128xf32>
    %max3A_37 = arith.maximumf %add3A_34, %max3A_36 : vector<1000x128xf32>
    %mul3A = arith.mulf %max3A_37, %max3A_37 : vector<1000x128xf32>
    %reduce_sum3A = arith.constant dense<0.000000e+00> : vector<1000xf32>
    %reduce_sum3A_38 = vector.multi_reduction <add>, %mul3A, %reduce_sum3A [1] : vector<1000x128xf32> to vector<1000xf32>
    %broadcast_in_dim3A = vector.shape_cast %reduce_sum3A_38 : vector<1000xf32> to vector<1000x1xf32>
    %sqrt3A = math.sqrt %broadcast_in_dim3A : vector<1000x1xf32>
    %eq3A = arith.constant 0.000000e+00 : f32
    %eq3A_39 = vector.broadcast %eq3A : f32 to vector<1000x1xf32>
    %eq3A_40 = arith.cmpf oeq, %sqrt3A, %eq3A_39 : vector<1000x1xf32>
    %jit3A = arith.constant 1.000000e+00 : f32
    %broadcast_in_dim3A_41 = vector.broadcast %jit3A : f32 to vector<1000x1xf32>
    %select_n3A = arith.select %eq3A_40, %broadcast_in_dim3A_41, %sqrt3A : vector<1000x1xi1>, vector<1000x1xf32>
    %div3A_42 = vector.broadcast %select_n3A : vector<1000x1xf32> to vector<1000x128xf32>
    %div3A_43 = arith.divf %max3A_37, %div3A_42 : vector<1000x128xf32>
    %swap3A = arith.constant 0 : index
    %swap3A_44 = arith.constant 0 : index
    %swap3A_45 = vector.load %arg6[%swap3A, %swap3A_44] : memref<1000x128xf32, #tpu.memory_space<vmem>>, vector<1000x128xf32>
    tpu.vector_store %arg6[%swap3A, %swap3A_44], %div3A_43 {strides = array<i32>} : memref<1000x128xf32, #tpu.memory_space<vmem>>, vector<1000x128xf32>,
    return
  }
  func.func @transform_0(%arg0: i32) -> (i32, i32, i32) {
    %c0_i32 = arith.constant 0 : i32
    %c0_i32_0 = arith.constant 0 : i32
    %c0_i32_1 = arith.constant 0 : i32
    return %c0_i32, %arg0, %c0_i32_0 : i32, i32, i32
  }
  func.func @transform_1(%arg0: i32) -> (i32, i32, i32) {
    %c0_i32 = arith.constant 0 : i32
    %c0_i32_0 = arith.constant 0 : i32
    %c0_i32_1 = arith.constant 0 : i32
    return %c0_i32, %arg0, %c0_i32_0 : i32, i32, i32
  }
  func.func @transform_2(%arg0: i32) -> (i32, i32) {
    %c0_i32 = arith.constant 0 : i32
    %c0_i32_0 = arith.constant 0 : i32
    return %arg0, %c0_i32 : i32, i32
  }
  func.func @transform_3(%arg0: i32) -> (i32, i32) {
    %c0_i32 = arith.constant 0 : i32
    %c0_i32_0 = arith.constant 0 : i32
    %c0_i32_1 = arith.constant 0 : i32
    return %c0_i32, %c0_i32_0 : i32, i32
  }
  func.func @transform_4(%arg0: i32) -> (i32, i32) {
    %c0_i32 = arith.constant 0 : i32
    %c0_i32_0 = arith.constant 0 : i32
    %c0_i32_1 = arith.constant 0 : i32
    return %c0_i32, %c0_i32_0 : i32, i32
  }
  func.func @transform_5(%arg0: i32) -> (i32, i32) {
    %c0_i32 = arith.constant 0 : i32
    %c0_i32_0 = arith.constant 0 : i32
    return %arg0, %c0_i32 : i32, i32
  }
}

</mosaic_0001>

<sc_bundles>
// kernel: kernel.5.cloned.1.call-start
scs
__scs_entry_jumppad:
0x0: {  	(pc) =	sbr.rel $0x88, $3  }
0x1: {  	(tag) =	ssettag $0x0;
	lr =	simm.s32 $0x1  }
0x2: {  	[smem:$0x3F99] =	sst lr;
	_ =	strace $0xD0000000  }
0x3: {  	_ = 	snop  }
0x4: {  	_ = 	snop  }
0x5: {  	_ = 	snop  }
0x6: {  	_ = 	snop  }
0x7: {  	_ = 	snop  }
__scs_overlays_trampoline_lowered:
0x8: {  	[smem:$0x3FA8] =	sst s0  }
0x9: {  	[smem:$0x3FA9] =	sst s1  }
0xa: {  	[smem:$0x3FAA] =	sst s2  }
0xb: {  	[smem:$0x3FAB] =	sst s3  }
0xc: {  	[smem:$0x3FAC] =	sst s4  }
0xd: {  	[smem:$0x3FAD] =	sst s5  }
0xe: {  	[smem:$0x3FAE] =	sst s6  }
0xf: {  	[smem:$0x3FAF] =	sst s7  }
0x10: {  	[smem:$0x3FB0] =	sst s8  }
0x11: {  	[smem:$0x3FB1] =	sst s9;
	s0 =	simm.s32 @!p0 $0x0  }
0x12: {  	s1 =	sld [smem:$0x3F97];
	s0 =	simm.s32 @p0 $0x1  }
0x13: {  	[smem:$0x3FB2] =	sst s0;
	s0 =	simm.s32 @!p1 $0x0  }
0x14: {  	s2 =	sld [smem:$0x3F96];
	s0 =	simm.s32 @p1 $0x1  }
0x15: {  	[smem:$0x3FB3] =	sst s0;
	s0 =	simm.s32 @!p2 $0x0  }
0x16: {  	s3 =	sld [smem:$0x3FDB];
	s0 =	simm.s32 @p2 $0x1  }
0x17: {  	s4 =	simm.s32 $0x1BF5;
	[smem:$0x3FB5] =	sst s0  }
0x18: {  	s0 =	sld [smem:$0x3F98];
	_ =	swait.ge [sflag:s4], $0x0  }
0x19: {  	s7 =	sld [smem:$0x3F99]  }
0x1a: {  	s8 =	sadd.s32 $0xFFFFE003, lr  }
0x1b: {  	s9 =	sadd.s32 $0xFFFFFEF7, lr;
	s5 =	simm.s32 $0xFFFFFFFF;
	p2 =	slt.u32 s8, $0xFFFFF086  }
0x1c: {  	p1 =	slt.u32 s9, $0xF7A;
	s5 =	simm.s32 @!p2 $0x0  }
0x1d: {  	s5 =	simm.s32 @p1 $0x1;
	p0 =	seq.s32 s7, s2  }
0x1e: {  	s7 =	smul.u32 @!p0 $0xF7A, s2;
	p2 =	seq.s32 @!p0 s5, $0x0  }
0x1f: {  	s9 =	smul.u32 $0xF7A, s1;
	s8 =	simm.s32 @!p0 $0x1BF5;
	p2 =	por !p2, p0  }
0x20: {  	[sflag:s8] =	ssyncset.s32 @!p0 $0xFFFFF086;
	s6 =	sadd.s32 @!p0 s3, s7;
	s7 =	simm.s32 @!p0 $0x108  }
0x21: {  	s3 =	sadd.s32 s3, s9;
	s6 =	sadd.s32 @!p0 $0x88, s6;
	s7 =	simm.s32 @p2 $0x1082  }
0x22: {  	[simem:s7], [sflag:s8] =	dma.local @!p0 [hbm:s6], $0xF7A  }
0x23: {  	s9 =	sor.u32 $0xD0000000, s2;
	s6 =	simm.s32 $0x108;
	_ =	swait.ge @!p0 [sflag:s8], $0x0  }
0x24: {  	s3 =	sadd.s32 $0x88, s3;
	s6 =	simm.s32 @!p1 $0x1082;
	[sflag:s4] =	ssyncset.s32 $0xFFFFF086  }
0x25: {  	[simem:s6], [sflag:s4] =	dma.local [hbm:s3], $0xF7A  }
0x26: {  	[smem:$0x3F99] =	sst s1;
	(tag) =	ssettag s2;
	_ =	strace s9  }
0x27: {  	s1 =	sld [smem:$0x3FA9]  }
0x28: {  	s2 =	sld [smem:$0x3FAA]  }
0x29: {  	s4 =	sld [smem:$0x3FAC]  }
0x2a: {  	p0 =	seq.s32 s5, $0x0;
	s5 =	sld [smem:$0x3FAD]  }
0x2b: {  	s6 =	sld [smem:$0x3FAE]  }
0x2c: {  	s7 =	sld [smem:$0x3FAF]  }
0x2d: {  	s3 =	simm.s32 $0x108;
	s8 =	sld [smem:$0x3FB0]  }
0x2e: {  	s3 =	simm.s32 @!p0 $0x1082;
	s9 =	sld [smem:$0x3FB1]  }
0x2f: {  	lr =	sadd.s32 s0, s3;
	s0 =	sld [smem:$0x3FA8]  }
0x30: {  	s3 =	sld [smem:$0x3FAB]  }
0x31: {  	[smem:$0x3FB4] =	sst s10  }
0x32: {  	s10 =	sld [smem:$0x3FB2];
	_ =	sdelay $0x3  }
0x33: {  	p0 =	seq.s32 s10, $0x1;
	s10 =	sld [smem:$0x3FB4];
	_ =	sdelay $0x3  }
0x34: {  	[smem:$0x3FB4] =	sst s10  }
0x35: {  	s10 =	sld [smem:$0x3FB3];
	_ =	sdelay $0x3  }
0x36: {  	p1 =	seq.s32 s10, $0x1;
	s10 =	sld [smem:$0x3FB4];
	_ =	sdelay $0x3  }
0x37: {  	[smem:$0x3FB4] =	sst s10  }
0x38: {  	s10 =	sld [smem:$0x3FB5]  }
0x39: {  	_ = 	snop;
	(pc) =	sbr.ind lr, $3  }
0x3a: {  	_ = 	snop  }
0x3b: {  	_ = 	snop  }
0x3c: {  	p2 =	seq.s32 s10, $0x1;
	s10 =	sld [smem:$0x3FB4]  }
0x3d: {  	_ =	shalt  }
0x3e: {  	_ =	shalt  }
0x3f: {  	_ =	shalt  }
0x40: {  	_ =	shalt  }
0x41: {  	_ =	shalt  }
0x42: {  	_ =	shalt  }
0x43: {  	_ =	shalt  }
0x44: {  	_ =	shalt  }
0x45: {  	_ =	shalt  }
0x46: {  	_ =	shalt  }
0x47: {  	_ =	shalt  }
0x48: {  	_ =	shalt  }
0x49: {  	_ =	shalt  }
0x4a: {  	_ =	shalt  }
0x4b: {  	_ =	shalt  }
0x4c: {  	_ =	shalt  }
0x4d: {  	_ =	shalt  }
0x4e: {  	_ =	shalt  }
0x4f: {  	_ =	shalt  }
0x50: {  	_ =	shalt  }
0x51: {  	_ =	shalt  }
0x52: {  	_ =	shalt  }
0x53: {  	_ =	shalt  }
0x54: {  	_ =	shalt  }
0x55: {  	_ =	shalt  }
0x56: {  	_ =	shalt  }
0x57: {  	_ =	shalt  }
0x58: {  	_ =	shalt  }
0x59: {  	_ =	shalt  }
0x5a: {  	_ =	shalt  }
0x5b: {  	_ =	shalt  }
0x5c: {  	_ =	shalt  }
0x5d: {  	_ =	shalt  }
0x5e: {  	_ =	shalt  }
0x5f: {  	_ =	shalt  }
0x60: {  	_ =	shalt  }
0x61: {  	_ =	shalt  }
0x62: {  	_ =	shalt  }
0x63: {  	_ =	shalt  }
0x64: {  	_ =	shalt  }
0x65: {  	_ =	shalt  }
0x66: {  	_ =	shalt  }
0x67: {  	_ =	shalt  }
0x68: {  	_ =	shalt  }
0x69: {  	_ =	shalt  }
0x6a: {  	_ =	shalt  }
0x6b: {  	_ =	shalt  }
0x6c: {  	_ =	shalt  }
0x6d: {  	_ =	shalt  }
0x6e: {  	_ =	shalt  }
0x6f: {  	_ =	shalt  }
0x70: {  	_ =	shalt  }
0x71: {  	_ =	shalt  }
0x72: {  	_ =	shalt  }
0x73: {  	_ =	shalt  }
0x74: {  	_ =	shalt  }
0x75: {  	_ =	shalt  }
0x76: {  	_ =	shalt  }
0x77: {  	_ =	shalt  }
0x78: {  	_ =	shalt  }
0x79: {  	_ =	shalt  }
0x7a: {  	_ =	shalt  }
0x7b: {  	_ =	shalt  }
0x7c: {  	_ =	shalt  }
0x7d: {  	_ =	shalt  }
0x7e: {  	_ =	shalt  }
0x7f: {  	_ =	shalt  }
0x80: {  	_ =	shalt  }
0x81: {  	_ =	shalt  }
0x82: {  	_ =	shalt  }
0x83: {  	_ =	shalt  }
0x84: {  	_ =	shalt  }
0x85: {  	_ =	shalt  }
0x86: {  	_ =	shalt  }
0x87: {  	_ =	shalt  }
.Lfunc_end0:
.L_simem_size_0:
called_computation_lowered:
.L_overlay_start_0:
0x88: {  	s2 =	sld [smem:$0x3FD9]  }
0x89: {  	s3 =	sld [smem:$0x3FFE];
	_ =	sdelay $0x1  }
0x8a: {  	s1 =	srdreg.scid  }
0x8b: {  	s0 =	sand.u32 $0x1, s1  }
0x8c: {  	s17 =	sshll.u32 s0, $0xA;
	s2 =	sadd.s32 s3, s2  }
0x8d: {  	s2 =	sadd.s32 s2, s17  }
0x8e: {  	[smem:$0x3FC0] =	sst s2  }
0x8f: {  	_ = 	snop  }
0x90: {  	s2 =	sld [smem:$0x3FC6]  }
0x91: {  	s18 =	sld [smem:$0x3FD0];
	(tm) =	ssettm $0x1  }
0x92: {  	s4 =	sld [smem:$0x3FFB];
	_ =	sdelay $0x3  }
0x93: {  	_ =	strace s4  }
0x94: {  	s4 =	sld [smem:$0x3FFC];
	_ =	sdelay $0x3  }
0x95: {  	_ =	strace s4  }
0x96: {  	s4 =	sld [smem:$0x3FFD];
	_ =	sdelay $0x3  }
0x97: {  	_ =	strace s4  }
0x98: {  	_ =	strace $0x8FFFFFFF  }
0x99: {  	s19 =	sld [smem:$0x3FDB];
	_ =	sdelay $0x1  }
0x9a: {  	s5 =	simm.s32 $_scs_section_size  }
0x9b: {  	s6 =	simm.s32 $_size__tile_overlayer_lowered;
	s7 =	simm.s32 $_tile_overlayer_lowered  }
0x9c: {  	s22 =	simm.s32 $0x1BFF;
	s21 =	sshll.u32 s7, $0x1;
	s4 =	sadd.s32 s5, s19  }
0x9d: {  	s8 =	simm.s32 $0x0;
	s20 =	sshll.u32 s6, $0x1;
	s6 =	sadd.s32 s21, s4  }
0x9e: {  	[timem:s8], [sflag:s22] =	dma.local [hbm:s6], s20  }
0x9f: {  	_ =	swait.ge [sflag:s22], s20  }
0xa0: {  	s5 =	ssub.s32 $0x0, s20;
	[sflag:s22] =	ssyncset.done $0x0  }
0xa1: {  	[sflag:s22] =	ssyncadd.s32 s5;
	_ =	sdelay $0x1  }
0xa2: {  	s23 =	simm.s32 $0x1B8B  }
0xa3: {  	_ =	swait.ge [sflag:s23], $0x1  }
0xa4: {  	[sflag:s23] =	ssyncset.done $0x0  }
0xa5: {  	s25 =	simm.s32 $0x1B8E;
	s24 =	sld [smem:$0x3FFE];
	[sflag:s23] =	ssyncadd.s32 $0xFFFFFFFF  }
0xa6: {  	s26 =	simm.s32 $execute0_lowered;
	[smem:$0x3FD2] =	sst s25  }
0xa7: {  	s6 =	sshll.u32 s26, $0x1;
	_ =	strace $0x80000046;
	[dreg:$0x1] =	wrdreg $0xFFFFFFFF  }
0xa8: {  	s28 =	simm.s32 $_size_execute0_lowered;
	s4 =	sadd.s32 s4, s6;
	[dreg:$0x0] =	wrdreg $0x0  }
0xa9: {  	s6 =	sshll.u32 s28, $0x1;
	[dreg:$0x2] =	wrdreg s4  }
0xaa: {  	[dreg:$0x3] =	wrdreg s6  }
0xab: {  	[dreg:$0x4] =	wrdreg $0xC0  }
0xac: {  	_ =	task [dreg:s8], $0x5FFFF  }
0xad: {  	[dreg:$0x1] =	wrdreg $0xFFFFFFFF  }
0xae: {  	[dreg:$0x0] =	wrdreg $0x60  }
0xaf: {  	[dreg:$0x2] =	wrdreg s18  }
0xb0: {  	[dreg:$0x3] =	wrdreg s24  }
0xb1: {  	[dreg:$0x4] =	wrdreg s2  }
0xb2: {  	[dreg:$0x5] =	wrdreg $0x90600  }
0xb3: {  	[dreg:$0x6] =	wrdreg $0x1D0600  }
0xb4: {  	[dreg:$0x7] =	wrdreg $0x9  }
0xb5: {  	_ =	task.clear_ibuf [dreg:s8], $0x8FFFF;
	_ =	strace $0x90000046  }
0xb6: {  	s29 =	simm.s32 $0x9;
	_ =	strace $0x80000048  }
0xb7: {  	_ =	swait.ge [sflag:s29], $0x1  }
0xb8: {  	[sflag:s29] =	ssyncadd.s32 $0xFFFFFFFF  }
0xb9: {  	_ =	strace $0x90000048  }
0xba: {  	_ =	sfence  }
0xbb: {  	s30 =	sld [smem:$0x0];
	_ =	sdelay $0x2  }
0xbc: {  	s31 =	sshll.u32 s1, $0xD;
	s1 =	sshrl.u32 s1, $0x2  }
0xbd: {  	s3 =	sand.u32 $0x4000, s31;
	s1 =	sadd.s32 s1, s30  }
0xbe: {  	s0 =	sor.u32 s3, s0;
	s1 =	sshll.u32 s1, $0x11  }
0xbf: {  	s0 =	sor.u32 s1, s0  }
0xc0: {  	s0 =	sadd.s32 $0x8F2B, s0  }
0xc1: {  	[sflag:s0] =	ssyncadd.remote.s32 $0x1  }
0xc2: {  	_ =	sfence.sel $0xFFFF  }
0xc3: {  	[dreg:$0x0] =	wrdreg $0xFFFFFFFF;
	(pc) =	sbr.abs _section_cstart, $3  }
0xc4: {  	[dreg:$0x1] =	wrdreg $0xFFFFFFFF  }
0xc5: {  	_ =	task.clear_ibuf [dreg:s8], $0x2FFFF;
	_ =	strace $0x9FFFFFFF  }
0xc6: {  	(tm) =	ssettm $0x7FFFFFFF  }
0xc7: {  	_ =	shalt  }
tec
execute0_lowered:
.L_overlay_start_1:
0x0: {  	(tag) =	ssettag $0x1  }
0x1: {  	s0 =	rddreg [dreg:$0x0]  }
0x2: {  	s1 =	rddreg [dreg:$0x1]  }
0x3: {  	s2 =	rddreg [dreg:$0x2]  }
0x4: {  	s4 =	rddreg [dreg:$0x3];
	s14 =	stileid.u32  }
0x5: {  	s3 =	srdreg.scid;
	s6 =	simm.s32 $0x0;
	s9 =	smul.u32 $0x14000, s14  }
0x6: {  	s3 =	sand.u32 $0x1, s3;
	[smem:$0x7FF] =	sst s6;
	s10 =	smul.u32 $0x2800, s14  }
0x7: {  	s5 =	rddreg [dreg:$0x4];
	s7 =	smul.u32 $0x140000, s3;
	_ =	strace $0x80000047  }
0x8: {  	s11 =	smul.u32 $0x28000, s3;
	s12 =	sshll.u32 s3, $0x4;
	s3 =	ssub.s32 $0x2, s3  }
0x9: {  	s16 =	sor.u32 s14, s12;
	s17 =	sshrl.u32 s3, $0x1;
	s14 =	smul.u32 $0x280, s14  }
0xa: {  	s8 =	sadd.s32 s9, s7;
	s7 =	sadd.s32 $0x1C00, s1;
	s15 =	sadd.s32 s10, s11  }
0xb: {  	s12 =	smul.u32 $0x2710, s16;
	s3 =	ssub.s32 s3, s17;
	s8 =	sshrl.u32 s8, $0x3  }
0xc: {  	s21 =	sadd.s32 $0xA0, s14;
	s24 =	sadd.s32 $0xF0, s14;
	s26 =	sadd.s32 $0x140, s14  }
0xd: {  	s30 =	smax.u32 s3, $0x1;
	s3 =	simm.s32 $0x1;
	s13 =	sadd.s32 s8, s1  }
0xe: {  	s8 =	sshrl.u32 s15, $0x3;
	s18 =	sshrl.u32 s12, $0x3;
	s15 =	sor.u32 $0x50, s14  }
0xf: {  	s12 =	sadd.s32 s10, s5;
	s22 =	sshll.u32 s21, $0x7;
	s10 =	sshll.u32 s21, $0x4  }
0x10: {  	s25 =	sshll.u32 s24, $0x7;
	s17 =	sshll.u32 s26, $0x4;
	s1 =	sadd.s32 s8, s1  }
0x11: {  	s8 =	smul.u32 $0x7D, s16;
	s16 =	sadd.s32 s7, s18;
	s11 =	sadd.s32 s2, s18  }
0x12: {  	s19 =	sshll.u32 s15, $0x7;
	s20 =	sshll.u32 s15, $0x4;
	s23 =	sadd.s32 s10, s5  }
0x13: {  	s10 =	sadd.s32 s25, s4;
	s18 =	sadd.s32 $0x190, s14;
	s28 =	sadd.s32 $0x1F600, s13  }
0x14: {  	s13 =	simm.s32 $0x4;
	s15 =	simm.s32 $0x3;
	[dreg:$0x7] =	wrdreg s11  }
0x15: {  	s11 =	sadd.s32 s9, s4;
	s9 =	sadd.s32 s19, s4;
	[dreg:$0xb] =	wrdreg s23  }
0x16: {  	[dreg:$0xc] =	wrdreg s10;
	s10 =	sshll.u32 s26, $0x7;
	s19 =	sshll.u32 s18, $0x7  }
0x17: {  	s21 =	sshll.u32 s18, $0x4;
	s29 =	sadd.s32 $0x15600, s1;
	s31 =	sadd.s32 $0x9C40, s16  }
0x18: {  	[dreg:$0x8] =	wrdreg s9;
	s9 =	sadd.s32 s20, s5;
	s20 =	sadd.s32 $0x1E0, s14  }
0x19: {  	[dreg:$0x9] =	wrdreg s9;
	s9 =	sadd.s32 s22, s4;
	s22 =	sshll.u32 s20, $0x7  }
0x1a: {  	[dreg:$0xa] =	wrdreg s9;
	s9 =	sshll.u32 s24, $0x4;
	s23 =	sadd.s32 s22, s4  }
0x1b: {  	s25 =	sshll.u32 s20, $0x4;
	s9 =	sadd.s32 s9, s5;
	[dreg:$0x12] =	wrdreg s23  }
0x1c: {  	s24 =	sadd.s32 $0x230, s14;
	[dreg:$0xd] =	wrdreg s9;
	s9 =	sadd.s32 s10, s4  }
0x1d: {  	s14 =	sshll.u32 s24, $0x7;
	s10 =	sadd.s32 s25, s5;
	[dreg:$0xe] =	wrdreg s9  }
0x1e: {  	s1 =	simm.s32 $0x50;
	s26 =	sadd.s32 s14, s4;
	[dreg:$0x13] =	wrdreg s10  }
.Ltmp0:
0x1f: {  	s9 =	sadd.s32 s17, s5;
	[dreg:$0x14] =	wrdreg s26;
	(pc) =	sbr.rel .LBB2_1-.Ltmp0, $4  }
0x20: {  	s25 =	smov.u32 s16;
	[dreg:$0xf] =	wrdreg s9;
	s9 =	sadd.s32 s19, s4  }
0x21: {  	s14 =	simm.s32 $0x8B60;
	[dreg:$0x10] =	wrdreg s9;
	s9 =	sadd.s32 s21, s5  }
0x22: {  	s16 =	simm.s32 $0x2;
	[dreg:$0x11] =	wrdreg s9;
	s9 =	sshll.u32 s24, $0x4  }
0x23: {  	v0 =	vimm.f32 $0.0e+00;
	vm0 =	vmmov $0x1;
	s10 =	simm.s32 $0x5960;
	s17 =	simm.s32 $0x0;
	s26 =	sadd.s32 s9, s5  }
.LBB2_15:
0x24: {  	_ =	swait.ge [sflag:s15], $0x2800  }
0x25: {  	[sflag:s15] =	ssyncset.done $0x0  }
0x26: {  	[sflag:s15] =	ssyncadd.s32 $0xFFFFD800  }
0x27: {  	_ =	swait.ge [sflag:s15], $0x500  }
0x28: {  	[sflag:s15] =	ssyncset.done $0x0  }
0x29: {  	[sflag:s15] =	ssyncadd.s32 $0xFFFFFB00  }
0x2a: {  	_ =	swait.ge [sflag:s15], $0x2800  }
0x2b: {  	[sflag:s15] =	ssyncset.done $0x0  }
0x2c: {  	[sflag:s15] =	ssyncadd.s32 $0xFFFFD800  }
0x2d: {  	_ =	swait.ge [sflag:s15], $0x500  }
0x2e: {  	s9 =	stileid.u32;
	[sflag:s15] =	ssyncset.done $0x0  }
0x2f: {  	s9 =	sshll.u32 s9, $0x6;
	[sflag:s15] =	ssyncadd.s32 $0xFFFFFB00  }
0x30: {  	s18 =	sshrl.u32 s11, $0x3;
	s9 =	sor.u32 $0x1C04, s9;
	[bflag:$0x0] =	sbarrier.arrive $0xFFFF  }
0x31: {  	[hbm:s28], [sflag:s9] =	dma.local [spmem:s18], $0x2800  }
0x32: {  	s17 =	sadd.s32 $0x1, s17;
	_ =	swait.ge [sflag:s13], $0x2800  }
0x33: {  	p0 =	sne.s32 s17, s30;
	[sflag:s13] =	ssyncset.done $0x0  }
.Ltmp1:
0x34: {  	s24 =	sshrl.u32 s12, $0x3;
	[sflag:s13] =	ssyncadd.s32 $0xFFFFD800;
	(pc) =	sbr.rel @!p0 .LBB2_16-.Ltmp1, $4  }
0x35: {  	[hbm:s29], [sflag:s9] =	dma.local [spmem:s24], $0x500  }
0x36: {  	_ =	swait.ge [sflag:s13], $0x500  }
0x37: {  	[sflag:s13] =	ssyncset.done $0x0  }
0x38: {  	[sflag:s13] =	ssyncadd.s32 $0xFFFFFB00  }
.LBB2_1:
0x39: {  	[tilespmem:s6], [sflag:$0x1] =	stream.linear.gather [hbm4b:s25+s6], $0x190, $0x38;
	[tilespmem:$0x1F860] =	vst v63  }
0x3a: {  	s9 =	simm.s32 $0x320  }
0x3b: {  	[tilespmem:s9], [sflag:$0x1] =	stream.linear.gather [hbm4b:s31+s6], $0x190, $0x38;
	[tilespmem:$0x1F860] =	vst v63  }
0x3c: {  	s23 =	rddreg [dreg:$0x7];
	s18 =	simm.s32 $0x640;
	s24 =	simm.s32 $0x0  }
0x3d: {  	[tilespmem:s18], [sflag:$0x1] =	stream.linear.gather [hbm4b:s23+s6], $0x190, $0x38;
	[tilespmem:$0x1F860] =	vst v63  }
0x3e: {  	[tilespmem:s24+$0x5970] =	vst v0  }
0x3f: {  	[tilespmem:s24+$0x5980] =	vst v0  }
0x40: {  	[tilespmem:s24+$0x5990] =	vst v0  }
0x41: {  	[tilespmem:s24+$0x59A0] =	vst v0  }
0x42: {  	[tilespmem:s24+$0x59B0] =	vst v0  }
0x43: {  	[tilespmem:s24+$0x59C0] =	vst v0  }
0x44: {  	[tilespmem:s24+$0x59D0] =	vst v0  }
0x45: {  	s9 =	simm.s32 $0x8B60;
	s18 =	simm.s32 $0x200;
	[tilespmem:s24+$0x5960] =	vst v0  }
.LBB2_2:
0x46: {  	s19 =	sshra.s32 s18, $0x2;
	p0 =	sne.s32 s18, $0x9E00;
	[tilespmem:s9+$0x0] =	vst v0  }
0x47: {  	[tilespmem:s19+$0x5970] =	vst v0  }
0x48: {  	[tilespmem:s19+$0x5980] =	vst v0  }
0x49: {  	[tilespmem:s19+$0x5990] =	vst v0  }
.Ltmp2:
0x4a: {  	[tilespmem:s19+$0x59A0] =	vst v0;
	(pc) =	sbr.rel @p0 .LBB2_2-.Ltmp2, $4  }
0x4b: {  	[tilespmem:s19+$0x59B0] =	vst v0  }
0x4c: {  	[tilespmem:s19+$0x59C0] =	vst v0  }
0x4d: {  	[tilespmem:s19+$0x59D0] =	vst v0  }
0x4e: {  	s18 =	sadd.s32 $0x200, s18;
	s9 =	sadd.s32 $0x10, s9;
	[tilespmem:s19+$0x5960] =	vst v0  }
0x4f: {  	[tilespmem:s9+$0x0] =	vst v0  }
0x50: {  	_ =	swait.ge [sflag:s3], $0x190  }
0x51: {  	[sflag:s3] =	ssyncset.done $0x0  }
0x52: {  	[sflag:s3] =	ssyncadd.s32 $0xFFFFFE70  }
0x53: {  	_ =	swait.ge [sflag:s3], $0x190  }
0x54: {  	[sflag:s3] =	ssyncset.done $0x0  }
0x55: {  	[sflag:s3] =	ssyncadd.s32 $0xFFFFFE70  }
0x56: {  	_ =	swait.ge [sflag:s3], $0x190  }
0x57: {  	[sflag:s3] =	ssyncset.done $0x0  }
0x58: {  	s9 =	simm.s32 $0x0;
	s18 =	simm.s32 $0x960;
	[sflag:s3] =	ssyncadd.s32 $0xFFFFFE70  }
0x59: {  	[tilespmem:s18], [sflag:$0x2] =	stream.indirect.gather [hbm4b:s0+s1], $0x80, s9, s1, $0xb8;
	[tilespmem:$0x1F860] =	vst v63  }
0x5a: {  	_ = 	snop  }
0x5b: {  	[spmem:s11] =	stream.linear.scatter [tilespmem:s10], [sflag:$0x4], $0x2800, $0x38;
	[tilespmem:$0x1F860] =	vst v63  }
0x5c: {  	_ =	swait.ge [sflag:s13], $0x2800  }
0x5d: {  	[sflag:s13] =	ssyncset.done $0x0  }
0x5e: {  	[sflag:s13] =	ssyncadd.s32 $0xFFFFD800  }
0x5f: {  	[spmem:s12] =	stream.linear.scatter [tilespmem:s14], [sflag:$0x4], $0x500, $0x38;
	[tilespmem:$0x1F860] =	vst v63  }
0x60: {  	_ =	swait.ge [sflag:s13], $0x500  }
0x61: {  	[sflag:s13] =	ssyncset.done $0x0  }
0x62: {  	s24 =	rddreg [dreg:$0x8];
	[sflag:s13] =	ssyncadd.s32 $0xFFFFFB00  }
0x63: {  	[spmem:s24] =	stream.linear.scatter [tilespmem:s10], [sflag:$0x4], $0x2800, $0x38;
	[tilespmem:$0x1F860] =	vst v63  }
0x64: {  	_ =	swait.ge [sflag:s13], $0x2800  }
0x65: {  	[sflag:s13] =	ssyncset.done $0x0  }
0x66: {  	s19 =	rddreg [dreg:$0x9];
	[sflag:s13] =	ssyncadd.s32 $0xFFFFD800  }
0x67: {  	[spmem:s19] =	stream.linear.scatter [tilespmem:s14], [sflag:$0x4], $0x500, $0x38;
	[tilespmem:$0x1F860] =	vst v63  }
0x68: {  	_ =	swait.ge [sflag:s13], $0x500  }
0x69: {  	[sflag:s13] =	ssyncset.done $0x0  }
0x6a: {  	s20 =	rddreg [dreg:$0xa];
	[sflag:s13] =	ssyncadd.s32 $0xFFFFFB00  }
0x6b: {  	[spmem:s20] =	stream.linear.scatter [tilespmem:s10], [sflag:$0x4], $0x2800, $0x38;
	[tilespmem:$0x1F860] =	vst v63  }
0x6c: {  	_ =	swait.ge [sflag:s13], $0x2800  }
0x6d: {  	[sflag:s13] =	ssyncset.done $0x0  }
0x6e: {  	s21 =	rddreg [dreg:$0xb];
	[sflag:s13] =	ssyncadd.s32 $0xFFFFD800  }
0x6f: {  	[spmem:s21] =	stream.linear.scatter [tilespmem:s14], [sflag:$0x4], $0x500, $0x38;
	[tilespmem:$0x1F860] =	vst v63  }
0x70: {  	_ =	swait.ge [sflag:s13], $0x500  }
0x71: {  	[sflag:s13] =	ssyncset.done $0x0  }
0x72: {  	s22 =	rddreg [dreg:$0xc];
	[sflag:s13] =	ssyncadd.s32 $0xFFFFFB00  }
0x73: {  	[spmem:s22] =	stream.linear.scatter [tilespmem:s10], [sflag:$0x4], $0x2800, $0x38;
	[tilespmem:$0x1F860] =	vst v63  }
0x74: {  	_ =	swait.ge [sflag:s13], $0x2800  }
0x75: {  	[sflag:s13] =	ssyncset.done $0x0  }
0x76: {  	s23 =	rddreg [dreg:$0xd];
	[sflag:s13] =	ssyncadd.s32 $0xFFFFD800  }
0x77: {  	[spmem:s23] =	stream.linear.scatter [tilespmem:s14], [sflag:$0x4], $0x500, $0x38;
	[tilespmem:$0x1F860] =	vst v63  }
0x78: {  	_ =	swait.ge [sflag:s13], $0x500  }
0x79: {  	[sflag:s13] =	ssyncset.done $0x0  }
0x7a: {  	s24 =	rddreg [dreg:$0xe];
	[sflag:s13] =	ssyncadd.s32 $0xFFFFFB00  }
0x7b: {  	[spmem:s24] =	stream.linear.scatter [tilespmem:s10], [sflag:$0x4], $0x2800, $0x38;
	[tilespmem:$0x1F860] =	vst v63  }
0x7c: {  	_ =	swait.ge [sflag:s13], $0x2800  }
0x7d: {  	[sflag:s13] =	ssyncset.done $0x0  }
0x7e: {  	s19 =	rddreg [dreg:$0xf];
	[sflag:s13] =	ssyncadd.s32 $0xFFFFD800  }
0x7f: {  	[spmem:s19] =	stream.linear.scatter [tilespmem:s14], [sflag:$0x4], $0x500, $0x38;
	[tilespmem:$0x1F860] =	vst v63  }
0x80: {  	_ =	swait.ge [sflag:s13], $0x500  }
0x81: {  	[sflag:s13] =	ssyncset.done $0x0  }
0x82: {  	s20 =	rddreg [dreg:$0x10];
	[sflag:s13] =	ssyncadd.s32 $0xFFFFFB00  }
0x83: {  	[spmem:s20] =	stream.linear.scatter [tilespmem:s10], [sflag:$0x4], $0x2800, $0x38;
	[tilespmem:$0x1F860] =	vst v63  }
0x84: {  	_ =	swait.ge [sflag:s13], $0x2800  }
0x85: {  	[sflag:s13] =	ssyncset.done $0x0  }
0x86: {  	s21 =	rddreg [dreg:$0x11];
	[sflag:s13] =	ssyncadd.s32 $0xFFFFD800  }
0x87: {  	[spmem:s21] =	stream.linear.scatter [tilespmem:s14], [sflag:$0x4], $0x500, $0x38;
	[tilespmem:$0x1F860] =	vst v63  }
0x88: {  	_ =	swait.ge [sflag:s13], $0x500  }
0x89: {  	[sflag:s13] =	ssyncset.done $0x0  }
0x8a: {  	s22 =	rddreg [dreg:$0x12];
	[sflag:s13] =	ssyncadd.s32 $0xFFFFFB00  }
0x8b: {  	[spmem:s22] =	stream.linear.scatter [tilespmem:s10], [sflag:$0x4], $0x2800, $0x38;
	[tilespmem:$0x1F860] =	vst v63  }
0x8c: {  	_ =	swait.ge [sflag:s13], $0x2800  }
0x8d: {  	[sflag:s13] =	ssyncset.done $0x0  }
0x8e: {  	s23 =	rddreg [dreg:$0x13];
	[sflag:s13] =	ssyncadd.s32 $0xFFFFD800  }
0x8f: {  	[spmem:s23] =	stream.linear.scatter [tilespmem:s14], [sflag:$0x4], $0x500, $0x38;
	[tilespmem:$0x1F860] =	vst v63  }
0x90: {  	_ =	swait.ge [sflag:s13], $0x500  }
0x91: {  	[sflag:s13] =	ssyncset.done $0x0  }
0x92: {  	s24 =	rddreg [dreg:$0x14];
	[sflag:s13] =	ssyncadd.s32 $0xFFFFFB00  }
0x93: {  	[spmem:s24] =	stream.linear.scatter [tilespmem:s10], [sflag:$0x4], $0x2800, $0x38;
	[tilespmem:$0x1F860] =	vst v63  }
0x94: {  	_ =	swait.ge [sflag:s13], $0x2800  }
0x95: {  	[sflag:s13] =	ssyncset.done $0x0  }
0x96: {  	[sflag:s13] =	ssyncadd.s32 $0xFFFFD800  }
0x97: {  	[spmem:s26] =	stream.linear.scatter [tilespmem:s14], [sflag:$0x4], $0x500, $0x38;
	[tilespmem:$0x1F860] =	vst v63  }
0x98: {  	_ =	swait.ge [sflag:s13], $0x500  }
0x99: {  	[sflag:s13] =	ssyncset.done $0x0  }
0x9a: {  	[sflag:s13] =	ssyncadd.s32 $0xFFFFFB00  }
0x9b: {  	[bflag:$0x0] =	sbarrier.arrive $0xFFFF  }
.LBB2_4:
0x9c: {  	s18 =	smul.u32 $0xCD, s9;
	_ =	sdelay $0x1  }
0x9d: {  	s18 =	sshrl.u32 s18, $0xA  }
0x9e: {  	s20 =	sand.u32 $0x3F, s18  }
0x9f: {  	s18 =	smul.u32 $0x5, s20;
	_ =	sdelay $0x1  }
0xa0: {  	p0 =	sgt.u32 s9, $0x79;
	s19 =	ssub.s32 s9, s18  }
0xa1: {  	s18 =	sand.u32 @!p0 $0xFF, s19  }
0xa2: {  	p1 =	sne.s32 @!p0 s18, $0x2  }
0xa3: {  	p0 =	por p0, p1  }
.Ltmp3:
0xa4: {  	_ = 	snop;
	(pc) =	sbr.rel @p0 .LBB2_6-.Ltmp3, $1  }
0xa5: {  	_ =	sdelay $0x3  }
0xa6: {  	s18 =	sadd.s32 $0x1, s20  }
0xa7: {  	s21 =	smul.u32 $0x5, s18;
	_ =	sdelay $0x1  }
0xa8: {  	s21 =	sadd.s32 s8, s21  }
0xa9: {  	s21 =	smul.u32 $0x50, s21  }
0xaa: {  	s18 =	sand.u32 $0x1, s18  }
0xab: {  	p0 =	seq.s32 s18, $0x1;
	s18 =	simm.s32 $0x190;
	s21 =	sshrl.u32 s21, $0x3  }
0xac: {  	s18 =	simm.s32 @!p0 $0x0;
	s22 =	sadd.s32 s7, s21  }
0xad: {  	[tilespmem:s18], [sflag:$0x1] =	stream.linear.gather [hbm4b:s22+s6], $0x190, $0x38;
	[tilespmem:$0x1F860] =	vst v63  }
.Ltmp4:
0xae: {  	s23 =	sadd.s32 $0x320, s18;
	s22 =	sadd.s32 $0x9C40, s22;
	(pc) =	sbr.rel .LBB2_10-.Ltmp4, $4  }
0xaf: {  	[tilespmem:s23], [sflag:$0x1] =	stream.linear.gather [hbm4b:s22+s6], $0x190, $0x38;
	[tilespmem:$0x1F860] =	vst v63  }
0xb0: {  	s21 =	sadd.s32 s2, s21;
	s18 =	sor.u32 $0x640, s18  }
0xb1: {  	[tilespmem:s18], [sflag:$0x1] =	stream.linear.gather [hbm4b:s21+s6], $0x190, $0x38;
	[tilespmem:$0x1F860] =	vst v63  }
0xb2: {  	p0 =	por $0x1, $0x1;
	s18 =	sadd.s32 $0x1, s9  }
.LBB2_6:
0xb3: {  	p0 =	seq.s32 s9, $0x7C  }
0xb4: {  	s18 =	sand.u32 @!p0 $0xFF, s19  }
0xb5: {  	p1 =	sne.s32 @!p0 s18, $0x4  }
0xb6: {  	p0 =	por p0, p1  }
.Ltmp5:
0xb7: {  	_ = 	snop;
	(pc) =	sbr.rel @p0 .LBB2_8-.Ltmp5, $2  }
0xb8: {  	_ =	sdelay $0x2  }
0xb9: {  	s18 =	sadd.s32 $0x1, s9  }
0xba: {  	_ =	swait.ge [sflag:s3], $0x190  }
0xbb: {  	[sflag:s3] =	ssyncset.done $0x0  }
0xbc: {  	[sflag:s3] =	ssyncadd.s32 $0xFFFFFE70  }
0xbd: {  	_ =	swait.ge [sflag:s3], $0x190  }
0xbe: {  	[sflag:s3] =	ssyncset.done $0x0  }
0xbf: {  	[sflag:s3] =	ssyncadd.s32 $0xFFFFFE70  }
0xc0: {  	_ =	swait.ge [sflag:s3], $0x190  }
0xc1: {  	[sflag:s3] =	ssyncset.done $0x0  }
0xc2: {  	p0 =	por $0x1, $0x1;
	[sflag:s3] =	ssyncadd.s32 $0xFFFFFE70  }
.LBB2_10:
0xc3: {  	_ =	swait.ge [sflag:s15], $0x2800  }
.Ltmp6:
0xc4: {  	[sflag:s15] =	ssyncset.done $0x0;
	(pc) =	sbr.rel @!p0 .LBB2_12-.Ltmp6, $4  }
0xc5: {  	[sflag:s15] =	ssyncadd.s32 $0xFFFFD800  }
0xc6: {  	_ =	swait.ge [sflag:s15], $0x500  }
0xc7: {  	[sflag:s15] =	ssyncset.done $0x0  }
0xc8: {  	[sflag:s15] =	ssyncadd.s32 $0xFFFFFB00  }
.LBB2_11:
0xc9: {  	s21 =	sand.u32 $0xFF, s18  }
0xca: {  	s22 =	smul.u32 $0xCD, s21  }
0xcb: {  	s21 =	smul.u32 $0xAB, s21  }
0xcc: {  	s22 =	sshrl.u32 s22, $0xA  }
0xcd: {  	s21 =	sshrl.u32 s21, $0x9;
	s23 =	smul.u32 $0x5, s22  }
0xce: {  	s21 =	smul.u32 $0x3, s21;
	s22 =	sand.u32 $0x1, s22  }
0xcf: {  	p0 =	seq.s32 s22, $0x1  }
0xd0: {  	s22 =	simm.s32 $0x5;
	s23 =	ssub.s32 s18, s23;
	s21 =	ssub.s32 s18, s21  }
0xd1: {  	s22 =	simm.s32 @!p0 $0x0;
	s23 =	sand.u32 $0xFF, s23;
	s21 =	sand.u32 $0xFF, s21  }
0xd2: {  	s22 =	sadd.s32 s23, s22;
	s21 =	smul.u32 $0xA000, s21  }
0xd3: {  	s22 =	smul.u32 $0x140, s22  }
0xd4: {  	s21 =	sshrl.u32 s21, $0x2  }
0xd5: {  	s21 =	sadd.s32 $0x960, s21;
	s22 =	sshrl.u32 s22, $0x2  }
0xd6: {  	[tilespmem:s21], [sflag:$0x2] =	stream.indirect.gather [hbm4b:s0+s1], $0x80, s22, s1, $0xb8;
	[tilespmem:$0x1F860] =	vst v63  }
.LBB2_12:
0xd7: {  	s21 =	smul.u32 $0xAB, s9;
	_ =	sdelay $0x1  }
0xd8: {  	s21 =	sshrl.u32 s21, $0x9  }
0xd9: {  	s20 =	sand.u32 $0x1, s20;
	s21 =	sand.u32 $0x7F, s21  }
0xda: {  	p0 =	seq.s32 s20, $0x1;
	s20 =	simm.s32 $0x5;
	s21 =	smul.u32 $0x3, s21  }
0xdb: {  	s23 =	sand.u32 $0xFF, s19;
	s20 =	simm.s32 @!p0 $0x0  }
0xdc: {  	s20 =	sadd.s32 s23, s20;
	s22 =	ssub.s32 s9, s21  }
0xdd: {  	s20 =	smul.u32 $0x140, s20;
	s19 =	sand.u32 $0xFF, s22  }
0xde: {  	s9 =	smul.u32 $0x50, s19  }
0xdf: {  	s20 =	sshrl.u32 s20, $0x2  }
0xe0: {  	s24 =	sadd.s32 $0x640, s20;
	[dreg:$0x6] =	wrdreg s9  }
0xe1: {  	v1 =	vmov s24;
	_ =	swait.ge [sflag:s16], $0x2800  }
0xe2: {  	[sflag:s16] =	ssyncset.done $0x0  }
0xe3: {  	s9 =	simm.s32 $0x0;
	[sflag:s16] =	ssyncadd.s32 $0xFFFFD800  }
.LBB2_13:
0xe4: {  	s21 =	rddreg [dreg:$0x6];
	s22 =	sshll.u32 s9, $0x4  }
0xe5: {  	s21 =	sadd.s32 s21, s22  }
0xe6: {  	v2 =	vld.idx.msk [tilespmem:v1+s22+$0x0 ss:$0x1], $0xffff;
	s24 =	sshll.u32 s21, $0x7  }
0xe7: {  	s22 =	sand.u32 $0x3FFFFF80, s24  }
0xe8: {  	v3 =	vld [tilespmem:s22+$0x960]  }
0xe9: {  	v4 =	vld [tilespmem:s22+$0x970]  }
0xea: {  	v7 =	vld [tilespmem:s22+$0x990]  }
0xeb: {  	v5 =	vld [tilespmem:s22+$0x980];
	v6 =	vbroadcast v2, $0x0  }
0xec: {  	v9 =	vld [tilespmem:s22+$0x9B0]  }
0xed: {  	v8 =	vld [tilespmem:s22+$0x9A0];
	v3 =	vmul.f32 v6, v3  }
0xee: {  	v16 =	vld [tilespmem:s22+$0x9D0];
	v4 =	vmul.f32 v4, v6  }
0xef: {  	v10 =	vld [tilespmem:s22+$0x9C0];
	v17 =	vmul.f32 v7, v6;
	[tilespmem:s22+$0x960] =	vst v3  }
0xf0: {  	v3 =	vmul.f32 v5, v6;
	[tilespmem:s22+$0x970] =	vst v4  }
0xf1: {  	v18 =	vmul.f32 v9, v6;
	[tilespmem:s22+$0x990] =	vst v17  }
0xf2: {  	[tilespmem:s22+$0x980] =	vst v3;
	v3 =	vmul.f32 v8, v6  }
0xf3: {  	v19 =	vmul.f32 v16, v6;
	[tilespmem:s22+$0x9B0] =	vst v18  }
0xf4: {  	[tilespmem:s22+$0x9A0] =	vst v3;
	v3 =	vmul.f32 v10, v6  }
0xf5: {  	s23 =	sshll.u32 s21, $0x4;
	s24 =	sor.u32 $0x1, s21;
	[tilespmem:s22+$0x9D0] =	vst v19  }
0xf6: {  	[tilespmem:s22+$0x9C0] =	vst v3;
	v3 =	vnsel vm0, $0x0, v2;
	s22 =	sand.u32 $0x3FFFFFF0, s23;
	s23 =	sshll.u32 s24, $0x7  }
0xf7: {  	[tilespmem:s22+$0x8160] =	vst v3;
	s22 =	sand.u32 $0x3FFFFF80, s23  }
0xf8: {  	v3 =	vld [tilespmem:s22+$0x960]  }
0xf9: {  	v4 =	vld [tilespmem:s22+$0x970]  }
0xfa: {  	v22 =	vld [tilespmem:s22+$0x990]  }
0xfb: {  	v21 =	vbroadcast v2, $0x1;
	v20 =	vld [tilespmem:s22+$0x980]  }
0xfc: {  	v24 =	vld [tilespmem:s22+$0x9B0]  }
0xfd: {  	v23 =	vld [tilespmem:s22+$0x9A0];
	v3 =	vmul.f32 v3, v21  }
0xfe: {  	v26 =	vld [tilespmem:s22+$0x9D0];
	v4 =	vmul.f32 v4, v21  }
0xff: {  	v25 =	vld [tilespmem:s22+$0x9C0];
	v27 =	vmul.f32 v22, v21;
	[tilespmem:s22+$0x960] =	vst v3  }
0x100: {  	v3 =	vmul.f32 v20, v21;
	[tilespmem:s22+$0x970] =	vst v4  }
0x101: {  	v28 =	vmul.f32 v24, v21;
	[tilespmem:s22+$0x990] =	vst v27  }
0x102: {  	[tilespmem:s22+$0x980] =	vst v3;
	v3 =	vmul.f32 v23, v21  }
0x103: {  	v29 =	vmul.f32 v26, v21;
	[tilespmem:s22+$0x9B0] =	vst v28  }
0x104: {  	[tilespmem:s22+$0x9A0] =	vst v3;
	v3 =	vmul.f32 v25, v21  }
0x105: {  	s23 =	sshll.u32 s24, $0x4;
	s24 =	sor.u32 $0x2, s21;
	[tilespmem:s22+$0x9D0] =	vst v29  }
0x106: {  	[tilespmem:s22+$0x9C0] =	vst v3;
	v3 =	vnsel vm0, $0x0, v21;
	s22 =	sand.u32 $0x3FFFFFF0, s23;
	s23 =	sshll.u32 s24, $0x7  }
0x107: {  	[tilespmem:s22+$0x8160] =	vst v3;
	s22 =	sand.u32 $0x3FFFFF80, s23  }
0x108: {  	v3 =	vld [tilespmem:s22+$0x960]  }
0x109: {  	v4 =	vld [tilespmem:s22+$0x970]  }
0x10a: {  	v32 =	vld [tilespmem:s22+$0x990]  }
0x10b: {  	v31 =	vbroadcast v2, $0x2;
	v30 =	vld [tilespmem:s22+$0x980]  }
0x10c: {  	v34 =	vld [tilespmem:s22+$0x9B0]  }
0x10d: {  	v33 =	vld [tilespmem:s22+$0x9A0];
	v3 =	vmul.f32 v3, v31  }
0x10e: {  	v36 =	vld [tilespmem:s22+$0x9D0];
	v4 =	vmul.f32 v4, v31  }
0x10f: {  	v35 =	vld [tilespmem:s22+$0x9C0];
	v37 =	vmul.f32 v32, v31;
	[tilespmem:s22+$0x960] =	vst v3  }
0x110: {  	v3 =	vmul.f32 v30, v31;
	[tilespmem:s22+$0x970] =	vst v4  }
0x111: {  	v38 =	vmul.f32 v34, v31;
	[tilespmem:s22+$0x990] =	vst v37  }
0x112: {  	[tilespmem:s22+$0x980] =	vst v3;
	v3 =	vmul.f32 v33, v31  }
0x113: {  	v39 =	vmul.f32 v36, v31;
	[tilespmem:s22+$0x9B0] =	vst v38  }
0x114: {  	[tilespmem:s22+$0x9A0] =	vst v3;
	v3 =	vmul.f32 v35, v31  }
0x115: {  	s23 =	sshll.u32 s24, $0x4;
	s24 =	sor.u32 $0x3, s21;
	[tilespmem:s22+$0x9D0] =	vst v39  }
0x116: {  	[tilespmem:s22+$0x9C0] =	vst v3;
	v3 =	vnsel vm0, $0x0, v31;
	s22 =	sand.u32 $0x3FFFFFF0, s23;
	s23 =	sshll.u32 s24, $0x7  }
0x117: {  	[tilespmem:s22+$0x8160] =	vst v3;
	s22 =	sand.u32 $0x3FFFFF80, s23  }
0x118: {  	v3 =	vld [tilespmem:s22+$0x960]  }
0x119: {  	v4 =	vld [tilespmem:s22+$0x970]  }
0x11a: {  	v42 =	vld [tilespmem:s22+$0x990]  }
0x11b: {  	v41 =	vbroadcast v2, $0x3;
	v40 =	vld [tilespmem:s22+$0x980]  }
0x11c: {  	v44 =	vld [tilespmem:s22+$0x9B0]  }
0x11d: {  	v43 =	vld [tilespmem:s22+$0x9A0];
	v3 =	vmul.f32 v3, v41  }
0x11e: {  	v46 =	vld [tilespmem:s22+$0x9D0];
	v4 =	vmul.f32 v4, v41  }
0x11f: {  	v45 =	vld [tilespmem:s22+$0x9C0];
	v47 =	vmul.f32 v42, v41;
	[tilespmem:s22+$0x960] =	vst v3  }
0x120: {  	v3 =	vmul.f32 v40, v41;
	[tilespmem:s22+$0x970] =	vst v4  }
0x121: {  	v48 =	vmul.f32 v44, v41;
	[tilespmem:s22+$0x990] =	vst v47  }
0x122: {  	[tilespmem:s22+$0x980] =	vst v3;
	v3 =	vmul.f32 v43, v41  }
0x123: {  	v49 =	vmul.f32 v46, v41;
	[tilespmem:s22+$0x9B0] =	vst v48  }
0x124: {  	[tilespmem:s22+$0x9A0] =	vst v3;
	v3 =	vmul.f32 v45, v41  }
0x125: {  	s23 =	sshll.u32 s24, $0x4;
	s24 =	sor.u32 $0x4, s21;
	[tilespmem:s22+$0x9D0] =	vst v49  }
0x126: {  	[tilespmem:s22+$0x9C0] =	vst v3;
	v3 =	vnsel vm0, $0x0, v41;
	s22 =	sand.u32 $0x3FFFFFF0, s23;
	s23 =	sshll.u32 s24, $0x7  }
0x127: {  	[tilespmem:s22+$0x8160] =	vst v3;
	s22 =	sand.u32 $0x3FFFFF80, s23  }
0x128: {  	v3 =	vld [tilespmem:s22+$0x960]  }
0x129: {  	v4 =	vld [tilespmem:s22+$0x970]  }
0x12a: {  	v52 =	vld [tilespmem:s22+$0x990]  }
0x12b: {  	v51 =	vbroadcast v2, $0x4;
	v50 =	vld [tilespmem:s22+$0x980]  }
0x12c: {  	v54 =	vld [tilespmem:s22+$0x9B0]  }
0x12d: {  	v53 =	vld [tilespmem:s22+$0x9A0];
	v3 =	vmul.f32 v3, v51  }
0x12e: {  	v56 =	vld [tilespmem:s22+$0x9D0];
	v4 =	vmul.f32 v4, v51  }
0x12f: {  	v55 =	vld [tilespmem:s22+$0x9C0];
	v57 =	vmul.f32 v52, v51;
	[tilespmem:s22+$0x960] =	vst v3  }
0x130: {  	v3 =	vmul.f32 v50, v51;
	[tilespmem:s22+$0x970] =	vst v4  }
0x131: {  	v58 =	vmul.f32 v54, v51;
	[tilespmem:s22+$0x990] =	vst v57  }
0x132: {  	[tilespmem:s22+$0x980] =	vst v3;
	v3 =	vmul.f32 v53, v51  }
0x133: {  	v59 =	vmul.f32 v56, v51;
	[tilespmem:s22+$0x9B0] =	vst v58  }
0x134: {  	[tilespmem:s22+$0x9A0] =	vst v3;
	v3 =	vmul.f32 v55, v51  }
0x135: {  	s23 =	sshll.u32 s24, $0x4;
	s24 =	sor.u32 $0x5, s21;
	[tilespmem:s22+$0x9D0] =	vst v59  }
0x136: {  	[tilespmem:s22+$0x9C0] =	vst v3;
	v3 =	vnsel vm0, $0x0, v51;
	s22 =	sand.u32 $0x3FFFFFF0, s23;
	s23 =	sshll.u32 s24, $0x7  }
0x137: {  	[tilespmem:s22+$0x8160] =	vst v3;
	s22 =	sand.u32 $0x3FFFFF80, s23  }
0x138: {  	v3 =	vld [tilespmem:s22+$0x960]  }
0x139: {  	v4 =	vld [tilespmem:s22+$0x970]  }
0x13a: {  	v62 =	vld [tilespmem:s22+$0x990]  }
0x13b: {  	v61 =	vbroadcast v2, $0x5;
	v60 =	vld [tilespmem:s22+$0x980]  }
0x13c: {  	v12 =	vld [tilespmem:s22+$0x9B0]  }
0x13d: {  	v63 =	vld [tilespmem:s22+$0x9A0];
	v3 =	vmul.f32 v3, v61  }
0x13e: {  	v14 =	vld [tilespmem:s22+$0x9D0];
	v4 =	vmul.f32 v4, v61  }
0x13f: {  	v13 =	vld [tilespmem:s22+$0x9C0];
	v15 =	vmul.f32 v62, v61;
	[tilespmem:s22+$0x960] =	vst v3  }
0x140: {  	v3 =	vmul.f32 v60, v61;
	[tilespmem:s22+$0x970] =	vst v4  }
0x141: {  	v16 =	vmul.f32 v12, v61;
	[tilespmem:s22+$0x990] =	vst v15  }
0x142: {  	[tilespmem:s22+$0x980] =	vst v3;
	v3 =	vmul.f32 v63, v61  }
0x143: {  	v17 =	vmul.f32 v14, v61;
	[tilespmem:s22+$0x9B0] =	vst v16  }
0x144: {  	[tilespmem:s22+$0x9A0] =	vst v3;
	v3 =	vmul.f32 v13, v61  }
0x145: {  	s23 =	sshll.u32 s24, $0x4;
	s24 =	sor.u32 $0x6, s21;
	[tilespmem:s22+$0x9D0] =	vst v17  }
0x146: {  	[tilespmem:s22+$0x9C0] =	vst v3;
	v3 =	vnsel vm0, $0x0, v61;
	s22 =	sand.u32 $0x3FFFFFF0, s23;
	s23 =	sshll.u32 s24, $0x7  }
0x147: {  	[tilespmem:s22+$0x8160] =	vst v3;
	s22 =	sand.u32 $0x3FFFFF80, s23  }
0x148: {  	v3 =	vld [tilespmem:s22+$0x960]  }
0x149: {  	v4 =	vld [tilespmem:s22+$0x970]  }
0x14a: {  	v20 =	vld [tilespmem:s22+$0x990]  }
0x14b: {  	v19 =	vbroadcast v2, $0x6;
	v18 =	vld [tilespmem:s22+$0x980]  }
0x14c: {  	v22 =	vld [tilespmem:s22+$0x9B0]  }
0x14d: {  	v21 =	vld [tilespmem:s22+$0x9A0];
	v3 =	vmul.f32 v3, v19  }
0x14e: {  	v24 =	vld [tilespmem:s22+$0x9D0];
	v4 =	vmul.f32 v4, v19  }
0x14f: {  	v23 =	vld [tilespmem:s22+$0x9C0];
	v25 =	vmul.f32 v20, v19;
	[tilespmem:s22+$0x960] =	vst v3  }
0x150: {  	v3 =	vmul.f32 v18, v19;
	[tilespmem:s22+$0x970] =	vst v4  }
0x151: {  	v26 =	vmul.f32 v22, v19;
	[tilespmem:s22+$0x990] =	vst v25  }
0x152: {  	[tilespmem:s22+$0x980] =	vst v3;
	v3 =	vmul.f32 v21, v19  }
0x153: {  	v27 =	vmul.f32 v24, v19;
	[tilespmem:s22+$0x9B0] =	vst v26  }
0x154: {  	[tilespmem:s22+$0x9A0] =	vst v3;
	v3 =	vmul.f32 v23, v19  }
0x155: {  	s23 =	sshll.u32 s24, $0x4;
	s24 =	sor.u32 $0x7, s21;
	[tilespmem:s22+$0x9D0] =	vst v27  }
0x156: {  	[tilespmem:s22+$0x9C0] =	vst v3;
	v3 =	vnsel vm0, $0x0, v19;
	s22 =	sand.u32 $0x3FFFFFF0, s23;
	s23 =	sshll.u32 s24, $0x7  }
0x157: {  	[tilespmem:s22+$0x8160] =	vst v3;
	s22 =	sand.u32 $0x3FFFFF80, s23  }
0x158: {  	v3 =	vld [tilespmem:s22+$0x960]  }
0x159: {  	v4 =	vld [tilespmem:s22+$0x970]  }
0x15a: {  	v30 =	vld [tilespmem:s22+$0x990]  }
0x15b: {  	v29 =	vbroadcast v2, $0x7;
	v28 =	vld [tilespmem:s22+$0x980]  }
0x15c: {  	v32 =	vld [tilespmem:s22+$0x9B0]  }
0x15d: {  	v31 =	vld [tilespmem:s22+$0x9A0];
	v3 =	vmul.f32 v3, v29  }
0x15e: {  	v34 =	vld [tilespmem:s22+$0x9D0];
	v4 =	vmul.f32 v4, v29  }
0x15f: {  	v33 =	vld [tilespmem:s22+$0x9C0];
	v35 =	vmul.f32 v30, v29;
	[tilespmem:s22+$0x960] =	vst v3  }
0x160: {  	v3 =	vmul.f32 v28, v29;
	[tilespmem:s22+$0x970] =	vst v4  }
0x161: {  	v36 =	vmul.f32 v32, v29;
	[tilespmem:s22+$0x990] =	vst v35  }
0x162: {  	[tilespmem:s22+$0x980] =	vst v3;
	v3 =	vmul.f32 v31, v29  }
0x163: {  	v37 =	vmul.f32 v34, v29;
	[tilespmem:s22+$0x9B0] =	vst v36  }
0x164: {  	[tilespmem:s22+$0x9A0] =	vst v3;
	v3 =	vmul.f32 v33, v29  }
0x165: {  	s23 =	sshll.u32 s24, $0x4;
	s24 =	sor.u32 $0x8, s21;
	[tilespmem:s22+$0x9D0] =	vst v37  }
0x166: {  	[tilespmem:s22+$0x9C0] =	vst v3;
	v3 =	vnsel vm0, $0x0, v29;
	s22 =	sand.u32 $0x3FFFFFF0, s23;
	s23 =	sshll.u32 s24, $0x7  }
0x167: {  	[tilespmem:s22+$0x8160] =	vst v3;
	s22 =	sand.u32 $0x3FFFFF80, s23  }
0x168: {  	v3 =	vld [tilespmem:s22+$0x960]  }
0x169: {  	v4 =	vld [tilespmem:s22+$0x970]  }
0x16a: {  	v40 =	vld [tilespmem:s22+$0x990]  }
0x16b: {  	v39 =	vbroadcast v2, $0x8;
	v38 =	vld [tilespmem:s22+$0x980]  }
0x16c: {  	v42 =	vld [tilespmem:s22+$0x9B0]  }
0x16d: {  	v41 =	vld [tilespmem:s22+$0x9A0];
	v3 =	vmul.f32 v3, v39  }
0x16e: {  	v44 =	vld [tilespmem:s22+$0x9D0];
	v4 =	vmul.f32 v4, v39  }
0x16f: {  	v43 =	vld [tilespmem:s22+$0x9C0];
	v45 =	vmul.f32 v40, v39;
	[tilespmem:s22+$0x960] =	vst v3  }
0x170: {  	v3 =	vmul.f32 v38, v39;
	[tilespmem:s22+$0x970] =	vst v4  }
0x171: {  	v46 =	vmul.f32 v42, v39;
	[tilespmem:s22+$0x990] =	vst v45  }
0x172: {  	[tilespmem:s22+$0x980] =	vst v3;
	v3 =	vmul.f32 v41, v39  }
0x173: {  	v47 =	vmul.f32 v44, v39;
	[tilespmem:s22+$0x9B0] =	vst v46  }
0x174: {  	[tilespmem:s22+$0x9A0] =	vst v3;
	v3 =	vmul.f32 v43, v39  }
0x175: {  	s23 =	sshll.u32 s24, $0x4;
	s24 =	sor.u32 $0x9, s21;
	[tilespmem:s22+$0x9D0] =	vst v47  }
0x176: {  	[tilespmem:s22+$0x9C0] =	vst v3;
	v3 =	vnsel vm0, $0x0, v39;
	s22 =	sand.u32 $0x3FFFFFF0, s23;
	s23 =	sshll.u32 s24, $0x7  }
0x177: {  	[tilespmem:s22+$0x8160] =	vst v3;
	s22 =	sand.u32 $0x3FFFFF80, s23  }
0x178: {  	v3 =	vld [tilespmem:s22+$0x960]  }
0x179: {  	v4 =	vld [tilespmem:s22+$0x970]  }
0x17a: {  	v50 =	vld [tilespmem:s22+$0x990]  }
0x17b: {  	v49 =	vbroadcast v2, $0x9;
	v48 =	vld [tilespmem:s22+$0x980]  }
0x17c: {  	v52 =	vld [tilespmem:s22+$0x9B0]  }
0x17d: {  	v51 =	vld [tilespmem:s22+$0x9A0];
	v3 =	vmul.f32 v3, v49  }
0x17e: {  	v54 =	vld [tilespmem:s22+$0x9D0];
	v4 =	vmul.f32 v4, v49  }
0x17f: {  	v53 =	vld [tilespmem:s22+$0x9C0];
	v55 =	vmul.f32 v50, v49;
	[tilespmem:s22+$0x960] =	vst v3  }
0x180: {  	v3 =	vmul.f32 v48, v49;
	[tilespmem:s22+$0x970] =	vst v4  }
0x181: {  	v56 =	vmul.f32 v52, v49;
	[tilespmem:s22+$0x990] =	vst v55  }
0x182: {  	[tilespmem:s22+$0x980] =	vst v3;
	v3 =	vmul.f32 v51, v49  }
0x183: {  	v57 =	vmul.f32 v54, v49;
	[tilespmem:s22+$0x9B0] =	vst v56  }
0x184: {  	[tilespmem:s22+$0x9A0] =	vst v3;
	v3 =	vmul.f32 v53, v49  }
0x185: {  	s23 =	sshll.u32 s24, $0x4;
	s24 =	sor.u32 $0xA, s21;
	[tilespmem:s22+$0x9D0] =	vst v57  }
0x186: {  	[tilespmem:s22+$0x9C0] =	vst v3;
	v3 =	vnsel vm0, $0x0, v49;
	s22 =	sand.u32 $0x3FFFFFF0, s23;
	s23 =	sshll.u32 s24, $0x7  }
0x187: {  	[tilespmem:s22+$0x8160] =	vst v3;
	s22 =	sand.u32 $0x3FFFFF80, s23  }
0x188: {  	v3 =	vld [tilespmem:s22+$0x960]  }
0x189: {  	v4 =	vld [tilespmem:s22+$0x970]  }
0x18a: {  	v60 =	vld [tilespmem:s22+$0x990]  }
0x18b: {  	v59 =	vbroadcast v2, $0xA;
	v58 =	vld [tilespmem:s22+$0x980]  }
0x18c: {  	v62 =	vld [tilespmem:s22+$0x9B0]  }
0x18d: {  	v61 =	vld [tilespmem:s22+$0x9A0];
	v3 =	vmul.f32 v3, v59  }
0x18e: {  	v11 =	vld [tilespmem:s22+$0x9D0];
	v4 =	vmul.f32 v4, v59  }
0x18f: {  	v63 =	vld [tilespmem:s22+$0x9C0];
	v12 =	vmul.f32 v60, v59;
	[tilespmem:s22+$0x960] =	vst v3  }
0x190: {  	v3 =	vmul.f32 v58, v59;
	[tilespmem:s22+$0x970] =	vst v4  }
0x191: {  	v13 =	vmul.f32 v62, v59;
	[tilespmem:s22+$0x990] =	vst v12  }
0x192: {  	[tilespmem:s22+$0x980] =	vst v3;
	v3 =	vmul.f32 v61, v59  }
0x193: {  	v14 =	vmul.f32 v11, v59;
	[tilespmem:s22+$0x9B0] =	vst v13  }
0x194: {  	[tilespmem:s22+$0x9A0] =	vst v3;
	v3 =	vmul.f32 v63, v59  }
0x195: {  	s23 =	sshll.u32 s24, $0x4;
	s24 =	sor.u32 $0xB, s21;
	[tilespmem:s22+$0x9D0] =	vst v14  }
0x196: {  	[tilespmem:s22+$0x9C0] =	vst v3;
	v3 =	vnsel vm0, $0x0, v59;
	s22 =	sand.u32 $0x3FFFFFF0, s23;
	s23 =	sshll.u32 s24, $0x7  }
0x197: {  	[tilespmem:s22+$0x8160] =	vst v3;
	s22 =	sand.u32 $0x3FFFFF80, s23  }
0x198: {  	v3 =	vld [tilespmem:s22+$0x960]  }
0x199: {  	v4 =	vld [tilespmem:s22+$0x970]  }
0x19a: {  	v17 =	vld [tilespmem:s22+$0x990]  }
0x19b: {  	v16 =	vbroadcast v2, $0xB;
	v15 =	vld [tilespmem:s22+$0x980]  }
0x19c: {  	v19 =	vld [tilespmem:s22+$0x9B0]  }
0x19d: {  	v18 =	vld [tilespmem:s22+$0x9A0];
	v3 =	vmul.f32 v3, v16  }
0x19e: {  	v21 =	vld [tilespmem:s22+$0x9D0];
	v4 =	vmul.f32 v4, v16  }
0x19f: {  	v20 =	vld [tilespmem:s22+$0x9C0];
	v22 =	vmul.f32 v17, v16;
	[tilespmem:s22+$0x960] =	vst v3  }
0x1a0: {  	v3 =	vmul.f32 v15, v16;
	[tilespmem:s22+$0x970] =	vst v4  }
0x1a1: {  	v23 =	vmul.f32 v19, v16;
	[tilespmem:s22+$0x990] =	vst v22  }
0x1a2: {  	[tilespmem:s22+$0x980] =	vst v3;
	v3 =	vmul.f32 v18, v16  }
0x1a3: {  	v24 =	vmul.f32 v21, v16;
	[tilespmem:s22+$0x9B0] =	vst v23  }
0x1a4: {  	[tilespmem:s22+$0x9A0] =	vst v3;
	v3 =	vmul.f32 v20, v16  }
0x1a5: {  	s23 =	sshll.u32 s24, $0x4;
	s24 =	sor.u32 $0xC, s21;
	[tilespmem:s22+$0x9D0] =	vst v24  }
0x1a6: {  	[tilespmem:s22+$0x9C0] =	vst v3;
	v3 =	vnsel vm0, $0x0, v16;
	s22 =	sand.u32 $0x3FFFFFF0, s23;
	s23 =	sshll.u32 s24, $0x7  }
0x1a7: {  	[tilespmem:s22+$0x8160] =	vst v3;
	s22 =	sand.u32 $0x3FFFFF80, s23  }
0x1a8: {  	v3 =	vld [tilespmem:s22+$0x960]  }
0x1a9: {  	v4 =	vld [tilespmem:s22+$0x970]  }
0x1aa: {  	v27 =	vld [tilespmem:s22+$0x990]  }
0x1ab: {  	v26 =	vbroadcast v2, $0xC;
	v25 =	vld [tilespmem:s22+$0x980]  }
0x1ac: {  	v29 =	vld [tilespmem:s22+$0x9B0]  }
0x1ad: {  	v28 =	vld [tilespmem:s22+$0x9A0];
	v3 =	vmul.f32 v3, v26  }
0x1ae: {  	v31 =	vld [tilespmem:s22+$0x9D0];
	v4 =	vmul.f32 v4, v26  }
0x1af: {  	v30 =	vld [tilespmem:s22+$0x9C0];
	v32 =	vmul.f32 v27, v26;
	[tilespmem:s22+$0x960] =	vst v3  }
0x1b0: {  	v3 =	vmul.f32 v25, v26;
	[tilespmem:s22+$0x970] =	vst v4  }
0x1b1: {  	v33 =	vmul.f32 v29, v26;
	[tilespmem:s22+$0x990] =	vst v32  }
0x1b2: {  	[tilespmem:s22+$0x980] =	vst v3;
	v3 =	vmul.f32 v28, v26  }
0x1b3: {  	v34 =	vmul.f32 v31, v26;
	[tilespmem:s22+$0x9B0] =	vst v33  }
0x1b4: {  	[tilespmem:s22+$0x9A0] =	vst v3;
	v3 =	vmul.f32 v30, v26  }
0x1b5: {  	s23 =	sshll.u32 s24, $0x4;
	s24 =	sor.u32 $0xD, s21;
	[tilespmem:s22+$0x9D0] =	vst v34  }
0x1b6: {  	[tilespmem:s22+$0x9C0] =	vst v3;
	v3 =	vnsel vm0, $0x0, v26;
	s22 =	sand.u32 $0x3FFFFFF0, s23;
	s23 =	sshll.u32 s24, $0x7  }
0x1b7: {  	[tilespmem:s22+$0x8160] =	vst v3;
	s22 =	sand.u32 $0x3FFFFF80, s23  }
0x1b8: {  	v3 =	vld [tilespmem:s22+$0x960]  }
0x1b9: {  	v4 =	vld [tilespmem:s22+$0x970]  }
0x1ba: {  	v37 =	vld [tilespmem:s22+$0x990]  }
0x1bb: {  	v36 =	vbroadcast v2, $0xD;
	v35 =	vld [tilespmem:s22+$0x980]  }
0x1bc: {  	v39 =	vld [tilespmem:s22+$0x9B0]  }
0x1bd: {  	v38 =	vld [tilespmem:s22+$0x9A0];
	v3 =	vmul.f32 v3, v36  }
0x1be: {  	v41 =	vld [tilespmem:s22+$0x9D0];
	v4 =	vmul.f32 v4, v36  }
0x1bf: {  	v40 =	vld [tilespmem:s22+$0x9C0];
	v42 =	vmul.f32 v37, v36;
	[tilespmem:s22+$0x960] =	vst v3  }
0x1c0: {  	v3 =	vmul.f32 v35, v36;
	[tilespmem:s22+$0x970] =	vst v4  }
0x1c1: {  	v43 =	vmul.f32 v39, v36;
	[tilespmem:s22+$0x990] =	vst v42  }
0x1c2: {  	[tilespmem:s22+$0x980] =	vst v3;
	v3 =	vmul.f32 v38, v36  }
0x1c3: {  	v44 =	vmul.f32 v41, v36;
	[tilespmem:s22+$0x9B0] =	vst v43  }
0x1c4: {  	[tilespmem:s22+$0x9A0] =	vst v3;
	v3 =	vmul.f32 v40, v36  }
0x1c5: {  	s23 =	sshll.u32 s24, $0x4;
	s24 =	sor.u32 $0xE, s21;
	[tilespmem:s22+$0x9D0] =	vst v44  }
0x1c6: {  	[tilespmem:s22+$0x9C0] =	vst v3;
	v3 =	vnsel vm0, $0x0, v36;
	s22 =	sand.u32 $0x3FFFFFF0, s23;
	s23 =	sshll.u32 s24, $0x7  }
0x1c7: {  	[tilespmem:s22+$0x8160] =	vst v3;
	s23 =	sand.u32 $0x3FFFFF80, s23  }
0x1c8: {  	v3 =	vld [tilespmem:s23+$0x960]  }
0x1c9: {  	v4 =	vld [tilespmem:s23+$0x970]  }
0x1ca: {  	v47 =	vld [tilespmem:s23+$0x990]  }
0x1cb: {  	v46 =	vbroadcast v2, $0xE;
	v45 =	vld [tilespmem:s23+$0x980]  }
0x1cc: {  	v49 =	vld [tilespmem:s23+$0x9B0]  }
0x1cd: {  	v48 =	vld [tilespmem:s23+$0x9A0];
	v3 =	vmul.f32 v3, v46  }
0x1ce: {  	v51 =	vld [tilespmem:s23+$0x9D0];
	v4 =	vmul.f32 v4, v46  }
0x1cf: {  	v50 =	vld [tilespmem:s23+$0x9C0];
	v52 =	vmul.f32 v47, v46;
	[tilespmem:s23+$0x960] =	vst v3  }
0x1d0: {  	v3 =	vmul.f32 v45, v46;
	[tilespmem:s23+$0x970] =	vst v4  }
0x1d1: {  	v53 =	vmul.f32 v49, v46;
	[tilespmem:s23+$0x990] =	vst v52  }
0x1d2: {  	[tilespmem:s23+$0x980] =	vst v3;
	v3 =	vmul.f32 v48, v46  }
0x1d3: {  	v54 =	vmul.f32 v51, v46;
	[tilespmem:s23+$0x9B0] =	vst v53  }
0x1d4: {  	[tilespmem:s23+$0x9A0] =	vst v3;
	v3 =	vmul.f32 v50, v46  }
0x1d5: {  	s21 =	sor.u32 $0xF, s21;
	s24 =	sshll.u32 s24, $0x4;
	[tilespmem:s23+$0x9D0] =	vst v54  }
0x1d6: {  	[tilespmem:s23+$0x9C0] =	vst v3;
	v3 =	vnsel vm0, $0x0, v46;
	s23 =	sand.u32 $0x3FFFFFF0, s24;
	s24 =	sshll.u32 s21, $0x7  }
0x1d7: {  	[tilespmem:s23+$0x8160] =	vst v3;
	s24 =	sand.u32 $0x3FFFFF80, s24  }
0x1d8: {  	v3 =	vld [tilespmem:s24+$0x960]  }
0x1d9: {  	v4 =	vld [tilespmem:s24+$0x970]  }
0x1da: {  	v56 =	vld [tilespmem:s24+$0x990]  }
0x1db: {  	v2 =	vbroadcast v2, $0xF;
	v55 =	vld [tilespmem:s24+$0x980]  }
0x1dc: {  	v58 =	vld [tilespmem:s24+$0x9B0]  }
0x1dd: {  	v57 =	vld [tilespmem:s24+$0x9A0];
	v3 =	vmul.f32 v3, v2  }
0x1de: {  	v60 =	vld [tilespmem:s24+$0x9D0];
	v4 =	vmul.f32 v4, v2  }
0x1df: {  	v59 =	vld [tilespmem:s24+$0x9C0];
	v61 =	vmul.f32 v56, v2;
	[tilespmem:s24+$0x960] =	vst v3  }
0x1e0: {  	v3 =	vmul.f32 v55, v2;
	[tilespmem:s24+$0x970] =	vst v4  }
0x1e1: {  	v62 =	vmul.f32 v58, v2;
	[tilespmem:s24+$0x990] =	vst v61  }
0x1e2: {  	p0 =	sne.s32 s9, $0x4;
	[tilespmem:s24+$0x980] =	vst v3;
	v3 =	vmul.f32 v57, v2  }
.Ltmp7:
0x1e3: {  	v63 =	vmul.f32 v60, v2;
	[tilespmem:s24+$0x9B0] =	vst v62;
	(pc) =	sbr.rel @p0 .LBB2_13-.Ltmp7, $4  }
0x1e4: {  	[tilespmem:s24+$0x9A0] =	vst v3;
	v3 =	vmul.f32 v59, v2  }
0x1e5: {  	s21 =	sshll.u32 s21, $0x4;
	[tilespmem:s24+$0x9D0] =	vst v63  }
0x1e6: {  	s21 =	sand.u32 $0x3FFFFFF0, s21;
	v2 =	vnsel vm0, $0x0, v2;
	[tilespmem:s24+$0x9C0] =	vst v3  }
0x1e7: {  	s9 =	sadd.s32 $0x1, s9;
	[tilespmem:s21+$0x8160] =	vst v2  }
0x1e8: {  	s9 =	smul.u32 $0xA000, s19;
	_ =	sdelay $0x1  }
0x1e9: {  	s20 =	sadd.s32 $0x320, s20;
	s9 =	sshrl.u32 s9, $0x2  }
0x1ea: {  	s23 =	smul.u32 $0x1400, s19;
	p0 =	slt.u32 s18, $0x7D;
	s9 =	sadd.s32 $0x960, s9  }
0x1eb: {  	[spmem:s4] =	stream.indirect.scatter.add.f32 [tilespmem:s9], [sflag:$0x3], $0x80, s20, s1, $0xb8;
	[tilespmem:$0x1F860] =	vst v63  }
.Ltmp8:
0x1ec: {  	_ = 	snop;
	(pc) =	sbr.rel @p0 .LBB2_4-.Ltmp8, $4  }
.Ltmp9:
0x1ed: {  	s24 =	sshrl.u32 s23, $0x2;
	(pc) =	sbr.rel @!p0 .LBB2_15-.Ltmp9, $4  }
0x1ee: {  	s9 =	sadd.s32 $0x8160, s24  }
0x1ef: {  	[spmem:s5] =	stream.indirect.scatter.add.f32 [tilespmem:s9], [sflag:$0x3], $0x10, s20, s1, $0xb8;
	[tilespmem:$0x1F860] =	vst v63  }
0x1f0: {  	s9 =	smov.u32 s18  }
0x1f1: {  	_ = 	snop  }
.LBB2_8:
0x1f2: {  	p0 =	slt.u32 s9, $0x2  }
.Ltmp10:
0x1f3: {  	_ = 	snop;
	(pc) =	sbr.rel @p0 .LBB2_11-.Ltmp10, $1  }
0x1f4: {  	_ =	sdelay $0x3  }
.Ltmp11:
0x1f5: {  	(pc) =	sbr.rel .LBB2_10-.Ltmp11, $2  }
0x1f6: {  	_ =	sdelay $0x2  }
0x1f7: {  	p0 =	sne.s32 s9, $0x7C  }
.LBB2_16:
0x1f8: {  	_ =	sfence.sel $0x180000  }
0x1f9: {  	[bflag:$0x0] =	sbarrier.arrive $0xFFFF  }
0x1fa: {  	_ =	strace $0x90000047  }
0x1fb: {  	s0 =	stileid.u32;
	[bflag:$0x2] =	sbarrier.arrive $0xFFFF  }
0x1fc: {  	p0 =	sne.s32 s0, $0x0;
	s0 =	rddreg [dreg:$0x5]  }
0x1fd: {  	s0 =	sadd.s32 @!p0 $0x100000, s0  }
0x1fe: {  	[sflag:s0] =	ssyncadd.tile.s32 @!p0 $0x1;
	_ =	shalt  }
.Lfunc_end2:
_tile_overlayer_lowered:
.L_overlay_start_2:
0x1ff: {  	(tag) =	ssettag $0x2  }
0x200: {  	s0 =	rddreg [dreg:$0x0];
	s2 =	stileid.u32  }
0x201: {  	s1 =	rddreg [dreg:$0x1];
	p0 =	sne.s32 s2, $0x0  }
0x202: {  	s3 =	rddreg [dreg:$0x2];
	[bflag:$0x3] =	sbarrier.arrive $0xFFFF;
	s2 =	simm.s32 @!p0 $0x1C04  }
0x203: {  	[timem:s3], [sflag:s2] =	dma.local @!p0 [hbm:s0], s1  }
0x204: {  	s0 =	simm.s32 @!p0 $0x4  }
0x205: {  	_ =	swait.ge @!p0 [sflag:s0], s1  }
0x206: {  	s1 =	ssub.s32 @!p0 $0x0, s1;
	[sflag:s0] =	ssyncset.done @!p0 $0x0  }
0x207: {  	[sflag:s0] =	ssyncadd.s32 @!p0 s1  }
0x208: {  	[bflag:$0x3] =	sbarrier.arrive $0xFFFF  }
0x209: {  	_ =	shalt  }

</sc_bundles>
